<compile_context>
chip_gen: v7x
topology: tpu7x:2x2x1
jax: 0.10.2.dev20260603
libtpu: 0.0.44.dev20260713+nightly
codegen_flags: <defaults>
</compile_context>

<pallas_src>
import functools

import jax
import jax.numpy as jnp
from jax import lax
from jax.experimental import pallas as pl
from jax.experimental.pallas import tpu as pltpu
from jax.experimental.pallas import tpu_sc as plsc

BLK = 256
MAXB = 24
PADROWS = MAXB * BLK
NW = 32
ACHUNK = 4
CW = 32
LANES = 16
WPAD = 128


def _route_body(x_ref, wr_ref, dest_ref, w_ref, blk_ref):
    T = x_ref.shape[0]
    E = wr_ref.shape[0]
    x = x_ref[...]
    rio = lax.broadcasted_iota(jnp.int32, (T, T), 0)
    cio = lax.broadcasted_iota(jnp.int32, (T, T), 1)
    tril = jnp.where(cio < rio, 1.0, 0.0).astype(jnp.bfloat16)
    logits = lax.dot_general(
        x, wr_ref[...], (((1,), (1,)), ((), ())),
        preferred_element_type=jnp.float32)
    eio = lax.broadcasted_iota(jnp.int32, (T, E), 1)
    m1 = jnp.max(logits, axis=-1, keepdims=True)
    idx1 = jnp.min(jnp.where(logits == m1, eio, E), axis=-1, keepdims=True)
    masked = jnp.where(eio == idx1, -1e30, logits)
    m2 = jnp.max(masked, axis=-1, keepdims=True)
    idx2 = jnp.min(jnp.where(masked == m2, eio, E), axis=-1, keepdims=True)
    e2 = jnp.exp(m2 - m1)
    w1 = 1.0 / (1.0 + e2)
    w2 = e2 / (1.0 + e2)
    sel = ((eio == idx1) | (eio == idx2)).astype(jnp.float32)

    pos = lax.dot_general(
        tril, sel.astype(jnp.bfloat16), (((1,), (0,)), ((), ())),
        preferred_element_type=jnp.float32)
    ones_row = jnp.ones((1, T), jnp.float32)
    counts = lax.dot_general(
        ones_row, sel, (((1,), (0,)), ((), ())),
        preferred_element_type=jnp.float32)
    padded = jnp.ceil(counts / BLK) * BLK
    r8 = lax.broadcasted_iota(jnp.int32, (E, E), 0)
    c8 = lax.broadcasted_iota(jnp.int32, (E, E), 1)
    upper = (r8 < c8).astype(jnp.float32)
    offs = lax.dot_general(
        padded, upper, (((1,), (0,)), ((), ())),
        preferred_element_type=jnp.float32)
    basep = offs + pos
    d1 = jnp.sum(jnp.where(eio == idx1, basep, 0.0), axis=-1, keepdims=True)
    d2 = jnp.sum(jnp.where(eio == idx2, basep, 0.0), axis=-1, keepdims=True)
    dest_ref[...] = jnp.concatenate([d1, d2], axis=1).astype(jnp.int32)
    w_ref[...] = jnp.concatenate(
        [jnp.broadcast_to(w1, (T, WPAD)), jnp.broadcast_to(w2, (T, WPAD))],
        axis=1)

    blk_ref[0:1, :] = (offs / BLK).astype(jnp.int32)
    blk_ref[1:2, :] = ((offs + padded) / BLK).astype(jnp.int32)


def _route(x, W_router):
    T = x.shape[0]
    E = W_router.shape[0]
    return pl.pallas_call(
        _route_body,
        out_shape=[
            jax.ShapeDtypeStruct((T, 2), jnp.int32),
            jax.ShapeDtypeStruct((T, 2 * WPAD), jnp.float32),
            jax.ShapeDtypeStruct((2, E), jnp.int32),
        ],
        compiler_params=pltpu.CompilerParams(
            vmem_limit_bytes=62 * 1024 * 1024),
    )(x, W_router)


NF = 4


def _ffn_body(st_ref, en_ref, xs_hbm, wg_ref, wu_ref, wd_ref,
              out_hbm, xs_v, out_v, sem, *, E):
    e = pl.program_id(0)
    f = pl.program_id(1)

    @pl.when((e == 0) & (f == 0))
    def _():
        pltpu.make_async_copy(xs_hbm, xs_v, sem).start()
        pltpu.make_async_copy(xs_hbm, xs_v, sem).wait()

    def body(b, carry):
        r0 = pl.multiple_of(b * BLK, BLK)
        sl = pl.ds(r0, BLK)
        xb = xs_v[sl, :]
        xg = lax.dot_general(
            xb, wg_ref[0], (((1,), (1,)), ((), ())),
            preferred_element_type=jnp.float32)
        xu = lax.dot_general(
            xb, wu_ref[0], (((1,), (1,)), ((), ())),
            preferred_element_type=jnp.float32)
        h = (xg / (1.0 + jnp.exp(-xg))) * xu
        part = lax.dot_general(
            h, wd_ref[0], (((1,), (1,)), ((), ())),
            preferred_element_type=jnp.float32)
        out_v[sl, :] = jnp.where(f == 0, part, out_v[sl, :] + part)
        return carry

    lax.fori_loop(st_ref[e], en_ref[e], body, 0)

    @pl.when((e == E - 1) & (f == NF - 1))
    def _():
        pltpu.make_async_copy(out_v, out_hbm, sem).start()
        pltpu.make_async_copy(out_v, out_hbm, sem).wait()


def _ffn(starts, ends, xs, Wg, Wu, Wd):
    E, F, D = Wg.shape
    FT = F // NF
    return pl.pallas_call(
        functools.partial(_ffn_body, E=E),
        grid=(E, NF),
        in_specs=[
            pl.BlockSpec(memory_space=pltpu.SMEM),
            pl.BlockSpec(memory_space=pltpu.SMEM),
            pl.BlockSpec(memory_space=pl.ANY),
            pl.BlockSpec((1, FT, D), lambda e, f: (e, f, 0)),
            pl.BlockSpec((1, FT, D), lambda e, f: (e, f, 0)),
            pl.BlockSpec((1, D, FT), lambda e, f: (e, 0, f)),
        ],
        out_specs=pl.BlockSpec(memory_space=pl.ANY),
        scratch_shapes=[
            pltpu.VMEM((PADROWS, D), jnp.float32),
            pltpu.VMEM((PADROWS, D), jnp.float32),
            pltpu.SemaphoreType.DMA,
        ],
        out_shape=jax.ShapeDtypeStruct((PADROWS, D), jnp.float32),
        compiler_params=pltpu.CompilerParams(
            vmem_limit_bytes=62 * 1024 * 1024),
    )(starts, ends, xs, Wg, Wu, Wd)


def _dispatch_sc(x, tok3, dest3, w16):
    T, D = x.shape
    APW = ACHUNK * CW
    info = plsc.get_sparse_core_info()
    NC = info.num_cores
    mesh = plsc.VectorSubcoreMesh(core_axis_name="c", subcore_axis_name="s")

    @functools.partial(
        pl.kernel, mesh=mesh,
        out_type=[
            jax.ShapeDtypeStruct((PADROWS, D), jnp.float32),
            jax.ShapeDtypeStruct((PADROWS, WPAD), jnp.float32),
        ],
        scratch_types=[
            pltpu.VMEM((ACHUNK, CW), jnp.int32),
            pltpu.VMEM((ACHUNK, CW), jnp.int32),
            pltpu.VMEM((CW, D), jnp.float32),
            pltpu.VMEM((CW, WPAD), jnp.float32),
            pltpu.SemaphoreType.DMA,
        ],
    )
    def k(x_hbm, tok_hbm, dest_hbm, w16_hbm, xs_hbm, ws_hbm,
          tok_v, dest_v, buf, wbuf, sem):
        wid = lax.axis_index("s") * NC + lax.axis_index("c")
        pltpu.sync_copy(tok_hbm.at[wid], tok_v)
        pltpu.sync_copy(dest_hbm.at[wid], dest_v)
        for ci in range(ACHUNK):
            pltpu.sync_copy(w16_hbm.at[pl.ds(wid * APW + ci * CW, CW)], wbuf)
            pltpu.async_copy(x_hbm.at[tok_v.at[ci]], buf, sem).wait()
            pltpu.async_copy(buf, xs_hbm.at[dest_v.at[ci]], sem).wait()
            pltpu.async_copy(wbuf, ws_hbm.at[dest_v.at[ci]], sem).wait()

    return k(x, tok3, dest3, w16)


def _combine_sc(ye, ws, dest3, T):
    D = ye.shape[1]
    TOKC = CW // 2
    info = plsc.get_sparse_core_info()
    NC = info.num_cores
    mesh = plsc.VectorSubcoreMesh(core_axis_name="c", subcore_axis_name="s")

    @functools.partial(
        pl.kernel, mesh=mesh,
        out_type=jax.ShapeDtypeStruct((T, D), jnp.float32),
        scratch_types=[
            pltpu.VMEM((ACHUNK, CW), jnp.int32),
            pltpu.VMEM((CW, D), jnp.float32),
            pltpu.VMEM((CW, WPAD), jnp.float32),
            pltpu.VMEM((TOKC, D), jnp.float32),
            pltpu.SemaphoreType.DMA,
            pltpu.SemaphoreType.DMA,
        ],
    )
    def k(ye_hbm, ws_hbm, dest_hbm, out_hbm, dest_v, buf, wbuf, obuf,
          sem, sem2):
        wid = lax.axis_index("s") * NC + lax.axis_index("c")
        pltpu.sync_copy(dest_hbm.at[wid], dest_v)
        for ci in range(ACHUNK):
            cw = pltpu.async_copy(ws_hbm.at[dest_v.at[ci]], wbuf, sem2)
            pltpu.async_copy(ye_hbm.at[dest_v.at[ci]], buf, sem).wait()
            cw.wait()
            for j in range(TOKC):
                w0 = wbuf[2 * j, pl.ds(0, LANES)]
                w1 = wbuf[2 * j + 1, pl.ds(0, LANES)]

                def sbody(si, _, j=j, w0=w0, w1=w1):
                    sl = pl.ds(si * LANES, LANES)
                    obuf[j, sl] = w0 * buf[2 * j, sl] + w1 * buf[2 * j + 1, sl]
                    return 0

                lax.fori_loop(0, D // LANES, sbody, 0)
            pltpu.sync_copy(
                obuf, out_hbm.at[pl.ds(wid * (ACHUNK * TOKC) + ci * TOKC, TOKC)])

    return k(ye, ws, dest3)


def kernel(x, W_router, W_gate, W_up, W_down):
    T, D = x.shape
    E = W_gate.shape[0]
    dest, w, blkrange = _route(x, W_router)
    tok3 = (jnp.arange(T * 2, dtype=jnp.int32) // 2).reshape(NW, ACHUNK, CW)
    dest3 = dest.reshape(NW, ACHUNK, CW)
    w16 = w.reshape(T * 2, WPAD)
    xs, ws = _dispatch_sc(x, tok3, dest3, w16)
    ye = _ffn(blkrange[0], blkrange[1], xs, W_gate, W_up, W_down)
    return _combine_sc(ye, ws, dest3, T)

# --- scband reference (transcript-rebuilt; emitter-appended) ---
"""Pipeline reference for scband-trellis-mo-elayer-678604833228 (READ-ONLY COPY).

The authoritative reference and input builder live on the scoring server;
editing this copy changes nothing except your own understanding.
"""

import jax, jax.numpy as jnp
import numpy as np

D_MODEL = 1024
D_FF = 2048
NUM_EXPERTS = 8
TOP_K = 2
TOKENS = 2048


def setup_inputs(seed: int = 0) -> dict:
    key = jax.random.key(seed)
    ks = jax.random.split(key, 5)
    x = jax.random.normal(ks[0], (TOKENS, D_MODEL), dtype=jnp.float32)
    W_router = jax.random.normal(ks[1], (NUM_EXPERTS, D_MODEL), dtype=jnp.float32) * 0.02
    W_gate = jax.random.normal(ks[2], (NUM_EXPERTS, D_FF, D_MODEL), dtype=jnp.float32) * 0.02
    W_up = jax.random.normal(ks[3], (NUM_EXPERTS, D_FF, D_MODEL), dtype=jnp.float32) * 0.02
    W_down = jax.random.normal(ks[4], (NUM_EXPERTS, D_MODEL, D_FF), dtype=jnp.float32) * 0.02
    return {"x": x, "W_router": W_router, "W_gate": W_gate, "W_up": W_up, "W_down": W_down}


def reference(x, W_router, W_gate, W_up, W_down):
    # Fused router + top-k (partial top-k, as in _fused_router_topk CPU path)
    router_logits = x @ W_router.T                      # [T, E]
    top_logits, expert_ids = jax.lax.top_k(router_logits, TOP_K)  # [T, k]
    expert_weights = jax.nn.softmax(top_logits, axis=-1)          # [T, k]

    # Dispatch tokens to experts, run SwiGLU expert FFN, combine weighted outputs
    out = jnp.zeros_like(x)
    for e in range(NUM_EXPERTS):
        coef = jnp.sum(expert_weights * (expert_ids == e), axis=-1)  # [T]
        h = jax.nn.silu(x @ W_gate[e].T) * (x @ W_up[e].T)           # [T, d_ff]
        ye = h @ W_down[e].T                                         # [T, d_model]
        out = out + ye * coef[:, None]
    return out

if __name__ == "__main__":
    import jax
    _d = setup_inputs()
    print(jax.jit(kernel)(*tuple(_d.values())))

</pallas_src>

<mosaic_0001>
#map = affine_map<(d0, d1) -> (0, 0)>
#map1 = affine_map<(d0, d1) -> (0, 0, 0)>
module attributes {stable_mosaic.version = 14 : i64} {
  func.func @k(%arg0: i32, %arg1: i32, %arg2: memref<2048x1024xf32, #tpu.memory_space<hbm>>, %arg3: memref<32x4x32xi32, #tpu.memory_space<hbm>>, %arg4: memref<32x4x32xi32, #tpu.memory_space<hbm>>, %arg5: memref<4096x128xf32, #tpu.memory_space<hbm>>, %arg6: memref<6144x1024xf32, #tpu.memory_space<hbm>>, %arg7: memref<6144x128xf32, #tpu.memory_space<hbm>>, %arg8: memref<4x32xi32, #tpu.memory_space<vmem>>, %arg9: memref<4x32xi32, #tpu.memory_space<vmem>>, %arg10: memref<32x1024xf32, #tpu.memory_space<vmem>>, %arg11: memref<32x128xf32, #tpu.memory_space<vmem>>, %arg12: memref<!tpu.dma_semaphore, #tpu.memory_space<semaphore_mem>>) attributes {dimension_semantics = [#tpu.dimension_semantics<core_parallel>, #tpu.dimension_semantics<subcore_parallel>], iteration_bounds = array<i64: 2, 16>, scalar_prefetch = 0 : i64, scratch_operands = 5 : i64, tpu.core_type = #tpu.core_type<sc_vector_subcore>, window_params = [{transform_indices = #map}, {transform_indices = #map1}, {transform_indices = #map1}, {transform_indices = #map}, {transform_indices = #map}, {transform_indices = #map}]} {
    %mul3A = arith.constant 2 : i32
    %mul3A_0 = arith.muli %arg1, %mul3A : i32
    %add3A = arith.addi %mul3A_0, %arg0 : i32
    "tpu.region"() ({
      %run_scoped3A = tpu.sem_alloc : memref<!tpu.dma_semaphore, #tpu.memory_space<semaphore_mem>>
      %dma_start3A_183 = arith.constant 0 : i32
      %dma_start3A_184 = arith.constant 0 : i32
      %dma_start3A_185 = tpu.memref_slice %arg3[%add3A, %dma_start3A_183, %dma_start3A_184] : memref<32x4x32xi32, #tpu.memory_space<hbm>> -> memref<1x4x32xi32, #tpu.memory_space<hbm>>
      %dma_start3A_186 = tpu.memref_squeeze %dma_start3A_185 : memref<1x4x32xi32, #tpu.memory_space<hbm>> -> memref<4x32xi32, #tpu.memory_space<hbm>>
      %dma_start3A_187 = arith.constant 0 : i32
      %dma_start3A_188 = arith.constant 0 : i32
      %dma_start3A_189 = tpu.memref_slice %arg3[%add3A, %dma_start3A_187, %dma_start3A_188] : memref<32x4x32xi32, #tpu.memory_space<hbm>> -> memref<1x4x32xi32, #tpu.memory_space<hbm>>
      %dma_start3A_190 = tpu.memref_squeeze %dma_start3A_189 : memref<1x4x32xi32, #tpu.memory_space<hbm>> -> memref<4x32xi32, #tpu.memory_space<hbm>>
      tpu.enqueue_dma source(%dma_start3A_190 : memref<4x32xi32, #tpu.memory_space<hbm>>) target(%arg8 : memref<4x32xi32, #tpu.memory_space<vmem>>) target_semaphore(%run_scoped3A : memref<!tpu.dma_semaphore, #tpu.memory_space<semaphore_mem>>)
      %dma_wait3A_191 = arith.constant 0 : i32
      %dma_wait3A_192 = arith.constant 0 : i32
      %dma_wait3A_193 = tpu.memref_slice %arg3[%add3A, %dma_wait3A_191, %dma_wait3A_192] : memref<32x4x32xi32, #tpu.memory_space<hbm>> -> memref<1x4x32xi32, #tpu.memory_space<hbm>>
      %dma_wait3A_194 = tpu.memref_squeeze %dma_wait3A_193 : memref<1x4x32xi32, #tpu.memory_space<hbm>> -> memref<4x32xi32, #tpu.memory_space<hbm>>
      %dma_wait3A_195 = arith.constant 0 : i32
      %dma_wait3A_196 = arith.constant 0 : i32
      %dma_wait3A_197 = tpu.memref_slice %arg3[%add3A, %dma_wait3A_195, %dma_wait3A_196] : memref<32x4x32xi32, #tpu.memory_space<hbm>> -> memref<1x4x32xi32, #tpu.memory_space<hbm>>
      %dma_wait3A_198 = tpu.memref_squeeze %dma_wait3A_197 : memref<1x4x32xi32, #tpu.memory_space<hbm>> -> memref<4x32xi32, #tpu.memory_space<hbm>>
      tpu.wait_dma2 semaphore(%run_scoped3A : memref<!tpu.dma_semaphore, #tpu.memory_space<semaphore_mem>>) src(%dma_wait3A_198 : memref<4x32xi32, #tpu.memory_space<hbm>>) dst(%arg8 : memref<4x32xi32, #tpu.memory_space<vmem>>)
      tpu.yield
    }) : () -> ()
    "tpu.region"() ({
      %run_scoped3A = tpu.sem_alloc : memref<!tpu.dma_semaphore, #tpu.memory_space<semaphore_mem>>
      %dma_start3A_183 = arith.constant 0 : i32
      %dma_start3A_184 = arith.constant 0 : i32
      %dma_start3A_185 = tpu.memref_slice %arg4[%add3A, %dma_start3A_183, %dma_start3A_184] : memref<32x4x32xi32, #tpu.memory_space<hbm>> -> memref<1x4x32xi32, #tpu.memory_space<hbm>>
      %dma_start3A_186 = tpu.memref_squeeze %dma_start3A_185 : memref<1x4x32xi32, #tpu.memory_space<hbm>> -> memref<4x32xi32, #tpu.memory_space<hbm>>
      %dma_start3A_187 = arith.constant 0 : i32
      %dma_start3A_188 = arith.constant 0 : i32
      %dma_start3A_189 = tpu.memref_slice %arg4[%add3A, %dma_start3A_187, %dma_start3A_188] : memref<32x4x32xi32, #tpu.memory_space<hbm>> -> memref<1x4x32xi32, #tpu.memory_space<hbm>>
      %dma_start3A_190 = tpu.memref_squeeze %dma_start3A_189 : memref<1x4x32xi32, #tpu.memory_space<hbm>> -> memref<4x32xi32, #tpu.memory_space<hbm>>
      tpu.enqueue_dma source(%dma_start3A_190 : memref<4x32xi32, #tpu.memory_space<hbm>>) target(%arg9 : memref<4x32xi32, #tpu.memory_space<vmem>>) target_semaphore(%run_scoped3A : memref<!tpu.dma_semaphore, #tpu.memory_space<semaphore_mem>>)
      %dma_wait3A_191 = arith.constant 0 : i32
      %dma_wait3A_192 = arith.constant 0 : i32
      %dma_wait3A_193 = tpu.memref_slice %arg4[%add3A, %dma_wait3A_191, %dma_wait3A_192] : memref<32x4x32xi32, #tpu.memory_space<hbm>> -> memref<1x4x32xi32, #tpu.memory_space<hbm>>
      %dma_wait3A_194 = tpu.memref_squeeze %dma_wait3A_193 : memref<1x4x32xi32, #tpu.memory_space<hbm>> -> memref<4x32xi32, #tpu.memory_space<hbm>>
      %dma_wait3A_195 = arith.constant 0 : i32
      %dma_wait3A_196 = arith.constant 0 : i32
      %dma_wait3A_197 = tpu.memref_slice %arg4[%add3A, %dma_wait3A_195, %dma_wait3A_196] : memref<32x4x32xi32, #tpu.memory_space<hbm>> -> memref<1x4x32xi32, #tpu.memory_space<hbm>>
      %dma_wait3A_198 = tpu.memref_squeeze %dma_wait3A_197 : memref<1x4x32xi32, #tpu.memory_space<hbm>> -> memref<4x32xi32, #tpu.memory_space<hbm>>
      tpu.wait_dma2 semaphore(%run_scoped3A : memref<!tpu.dma_semaphore, #tpu.memory_space<semaphore_mem>>) src(%dma_wait3A_198 : memref<4x32xi32, #tpu.memory_space<hbm>>) dst(%arg9 : memref<4x32xi32, #tpu.memory_space<vmem>>)
      tpu.yield
    }) : () -> ()
    %mul3A_1 = arith.constant 128 : i32
    %mul3A_2 = arith.muli %add3A, %mul3A_1 : i32
    %add3A_3 = arith.constant 0 : i32
    %add3A_4 = arith.addi %mul3A_2, %add3A_3 : i32
    "tpu.region"() ({
      %run_scoped3A = tpu.sem_alloc : memref<!tpu.dma_semaphore, #tpu.memory_space<semaphore_mem>>
      %dma_start3A_183 = arith.constant 0 : i32
      %dma_start3A_184 = tpu.memref_slice %arg5[%add3A_4, %dma_start3A_183] : memref<4096x128xf32, #tpu.memory_space<hbm>> -> memref<32x128xf32, #tpu.memory_space<hbm>>
      %dma_start3A_185 = arith.constant 0 : i32
      %dma_start3A_186 = tpu.memref_slice %arg5[%add3A_4, %dma_start3A_185] : memref<4096x128xf32, #tpu.memory_space<hbm>> -> memref<32x128xf32, #tpu.memory_space<hbm>>
      tpu.enqueue_dma source(%dma_start3A_186 : memref<32x128xf32, #tpu.memory_space<hbm>>) target(%arg11 : memref<32x128xf32, #tpu.memory_space<vmem>>) target_semaphore(%run_scoped3A : memref<!tpu.dma_semaphore, #tpu.memory_space<semaphore_mem>>)
      %dma_wait3A_187 = arith.constant 0 : i32
      %dma_wait3A_188 = tpu.memref_slice %arg5[%add3A_4, %dma_wait3A_187] : memref<4096x128xf32, #tpu.memory_space<hbm>> -> memref<32x128xf32, #tpu.memory_space<hbm>>
      %dma_wait3A_189 = arith.constant 0 : i32
      %dma_wait3A_190 = tpu.memref_slice %arg5[%add3A_4, %dma_wait3A_189] : memref<4096x128xf32, #tpu.memory_space<hbm>> -> memref<32x128xf32, #tpu.memory_space<hbm>>
      tpu.wait_dma2 semaphore(%run_scoped3A : memref<!tpu.dma_semaphore, #tpu.memory_space<semaphore_mem>>) src(%dma_wait3A_190 : memref<32x128xf32, #tpu.memory_space<hbm>>) dst(%arg11 : memref<32x128xf32, #tpu.memory_space<vmem>>)
      tpu.yield
    }) : () -> ()
    %dma_start3A = arith.constant 0 : i32
    %dma_start3A_5 = arith.constant 0 : i32
    %dma_start3A_6 = tpu.memref_slice %arg8[%dma_start3A, %dma_start3A_5] : memref<4x32xi32, #tpu.memory_space<vmem>> -> memref<1x32xi32, #tpu.memory_space<vmem>>
    %dma_start3A_7 = tpu.memref_squeeze %dma_start3A_6 : memref<1x32xi32, #tpu.memory_space<vmem>> -> memref<32xi32, #tpu.memory_space<vmem>>
    %dma_start3A_8 = arith.constant 0 : i32
    %dma_start3A_9 = arith.constant 0 : i32
    %dma_start3A_10 = tpu.memref_slice %arg2[%dma_start3A_8, %dma_start3A_9] : memref<2048x1024xf32, #tpu.memory_space<hbm>> -> memref<2048x1024xf32, #tpu.memory_space<hbm>>
    tpu.enqueue_indirect_dma source(%dma_start3A_10 : memref<2048x1024xf32, #tpu.memory_space<hbm>>) target(%arg10 : memref<32x1024xf32, #tpu.memory_space<vmem>>) offsets(%dma_start3A_7 : memref<32xi32, #tpu.memory_space<vmem>>) semaphore(%arg12 : memref<!tpu.dma_semaphore, #tpu.memory_space<semaphore_mem>>)
    %dma_wait3A = arith.constant 0 : i32
    %dma_wait3A_11 = arith.constant 0 : i32
    %dma_wait3A_12 = tpu.memref_slice %arg8[%dma_wait3A, %dma_wait3A_11] : memref<4x32xi32, #tpu.memory_space<vmem>> -> memref<1x32xi32, #tpu.memory_space<vmem>>
    %dma_wait3A_13 = tpu.memref_squeeze %dma_wait3A_12 : memref<1x32xi32, #tpu.memory_space<vmem>> -> memref<32xi32, #tpu.memory_space<vmem>>
    %dma_wait3A_14 = arith.constant 0 : i32
    %dma_wait3A_15 = arith.constant 0 : i32
    %dma_wait3A_16 = tpu.memref_slice %arg2[%dma_wait3A_14, %dma_wait3A_15] : memref<2048x1024xf32, #tpu.memory_space<hbm>> -> memref<2048x1024xf32, #tpu.memory_space<hbm>>
    tpu.wait_indirect_dma semaphore(%arg12 : memref<!tpu.dma_semaphore, #tpu.memory_space<semaphore_mem>>) src(%dma_wait3A_16 : memref<2048x1024xf32, #tpu.memory_space<hbm>>) dst(%arg10 : memref<32x1024xf32, #tpu.memory_space<vmem>>)
    %dma_start3A_17 = arith.constant 0 : i32
    %dma_start3A_18 = arith.constant 0 : i32
    %dma_start3A_19 = tpu.memref_slice %arg9[%dma_start3A_17, %dma_start3A_18] : memref<4x32xi32, #tpu.memory_space<vmem>> -> memref<1x32xi32, #tpu.memory_space<vmem>>
    %dma_start3A_20 = tpu.memref_squeeze %dma_start3A_19 : memref<1x32xi32, #tpu.memory_space<vmem>> -> memref<32xi32, #tpu.memory_space<vmem>>
    %dma_start3A_21 = arith.constant 0 : i32
    %dma_start3A_22 = arith.constant 0 : i32
    %dma_start3A_23 = tpu.memref_slice %arg6[%dma_start3A_21, %dma_start3A_22] : memref<6144x1024xf32, #tpu.memory_space<hbm>> -> memref<6144x1024xf32, #tpu.memory_space<hbm>>
    tpu.enqueue_indirect_dma source(%arg10 : memref<32x1024xf32, #tpu.memory_space<vmem>>) target(%dma_start3A_23 : memref<6144x1024xf32, #tpu.memory_space<hbm>>) offsets(%dma_start3A_20 : memref<32xi32, #tpu.memory_space<vmem>>) semaphore(%arg12 : memref<!tpu.dma_semaphore, #tpu.memory_space<semaphore_mem>>)
    %dma_wait3A_24 = arith.constant 0 : i32
    %dma_wait3A_25 = arith.constant 0 : i32
    %dma_wait3A_26 = tpu.memref_slice %arg9[%dma_wait3A_24, %dma_wait3A_25] : memref<4x32xi32, #tpu.memory_space<vmem>> -> memref<1x32xi32, #tpu.memory_space<vmem>>
    %dma_wait3A_27 = tpu.memref_squeeze %dma_wait3A_26 : memref<1x32xi32, #tpu.memory_space<vmem>> -> memref<32xi32, #tpu.memory_space<vmem>>
    %dma_wait3A_28 = arith.constant 0 : i32
    %dma_wait3A_29 = arith.constant 0 : i32
    %dma_wait3A_30 = tpu.memref_slice %arg6[%dma_wait3A_28, %dma_wait3A_29] : memref<6144x1024xf32, #tpu.memory_space<hbm>> -> memref<6144x1024xf32, #tpu.memory_space<hbm>>
    tpu.wait_indirect_dma semaphore(%arg12 : memref<!tpu.dma_semaphore, #tpu.memory_space<semaphore_mem>>) src(%arg10 : memref<32x1024xf32, #tpu.memory_space<vmem>>) dst(%dma_wait3A_30 : memref<6144x1024xf32, #tpu.memory_space<hbm>>)
    %dma_start3A_31 = arith.constant 0 : i32
    %dma_start3A_32 = arith.constant 0 : i32
    %dma_start3A_33 = tpu.memref_slice %arg9[%dma_start3A_31, %dma_start3A_32] : memref<4x32xi32, #tpu.memory_space<vmem>> -> memref<1x32xi32, #tpu.memory_space<vmem>>
    %dma_start3A_34 = tpu.memref_squeeze %dma_start3A_33 : memref<1x32xi32, #tpu.memory_space<vmem>> -> memref<32xi32, #tpu.memory_space<vmem>>
    %dma_start3A_35 = arith.constant 0 : i32
    %dma_start3A_36 = arith.constant 0 : i32
    %dma_start3A_37 = tpu.memref_slice %arg7[%dma_start3A_35, %dma_start3A_36] : memref<6144x128xf32, #tpu.memory_space<hbm>> -> memref<6144x128xf32, #tpu.memory_space<hbm>>
    tpu.enqueue_indirect_dma source(%arg11 : memref<32x128xf32, #tpu.memory_space<vmem>>) target(%dma_start3A_37 : memref<6144x128xf32, #tpu.memory_space<hbm>>) offsets(%dma_start3A_34 : memref<32xi32, #tpu.memory_space<vmem>>) semaphore(%arg12 : memref<!tpu.dma_semaphore, #tpu.memory_space<semaphore_mem>>)
    %dma_wait3A_38 = arith.constant 0 : i32
    %dma_wait3A_39 = arith.constant 0 : i32
    %dma_wait3A_40 = tpu.memref_slice %arg9[%dma_wait3A_38, %dma_wait3A_39] : memref<4x32xi32, #tpu.memory_space<vmem>> -> memref<1x32xi32, #tpu.memory_space<vmem>>
    %dma_wait3A_41 = tpu.memref_squeeze %dma_wait3A_40 : memref<1x32xi32, #tpu.memory_space<vmem>> -> memref<32xi32, #tpu.memory_space<vmem>>
    %dma_wait3A_42 = arith.constant 0 : i32
    %dma_wait3A_43 = arith.constant 0 : i32
    %dma_wait3A_44 = tpu.memref_slice %arg7[%dma_wait3A_42, %dma_wait3A_43] : memref<6144x128xf32, #tpu.memory_space<hbm>> -> memref<6144x128xf32, #tpu.memory_space<hbm>>
    tpu.wait_indirect_dma semaphore(%arg12 : memref<!tpu.dma_semaphore, #tpu.memory_space<semaphore_mem>>) src(%arg11 : memref<32x128xf32, #tpu.memory_space<vmem>>) dst(%dma_wait3A_44 : memref<6144x128xf32, #tpu.memory_space<hbm>>)
    %mul3A_45 = arith.constant 128 : i32
    %mul3A_46 = arith.muli %add3A, %mul3A_45 : i32
    %add3A_47 = arith.constant 32 : i32
    %add3A_48 = arith.addi %mul3A_46, %add3A_47 : i32
    "tpu.region"() ({
      %run_scoped3A = tpu.sem_alloc : memref<!tpu.dma_semaphore, #tpu.memory_space<semaphore_mem>>
      %dma_start3A_183 = arith.constant 0 : i32
      %dma_start3A_184 = tpu.memref_slice %arg5[%add3A_48, %dma_start3A_183] : memref<4096x128xf32, #tpu.memory_space<hbm>> -> memref<32x128xf32, #tpu.memory_space<hbm>>
      %dma_start3A_185 = arith.constant 0 : i32
      %dma_start3A_186 = tpu.memref_slice %arg5[%add3A_48, %dma_start3A_185] : memref<4096x128xf32, #tpu.memory_space<hbm>> -> memref<32x128xf32, #tpu.memory_space<hbm>>
      tpu.enqueue_dma source(%dma_start3A_186 : memref<32x128xf32, #tpu.memory_space<hbm>>) target(%arg11 : memref<32x128xf32, #tpu.memory_space<vmem>>) target_semaphore(%run_scoped3A : memref<!tpu.dma_semaphore, #tpu.memory_space<semaphore_mem>>)
      %dma_wait3A_187 = arith.constant 0 : i32
      %dma_wait3A_188 = tpu.memref_slice %arg5[%add3A_48, %dma_wait3A_187] : memref<4096x128xf32, #tpu.memory_space<hbm>> -> memref<32x128xf32, #tpu.memory_space<hbm>>
      %dma_wait3A_189 = arith.constant 0 : i32
      %dma_wait3A_190 = tpu.memref_slice %arg5[%add3A_48, %dma_wait3A_189] : memref<4096x128xf32, #tpu.memory_space<hbm>> -> memref<32x128xf32, #tpu.memory_space<hbm>>
      tpu.wait_dma2 semaphore(%run_scoped3A : memref<!tpu.dma_semaphore, #tpu.memory_space<semaphore_mem>>) src(%dma_wait3A_190 : memref<32x128xf32, #tpu.memory_space<hbm>>) dst(%arg11 : memref<32x128xf32, #tpu.memory_space<vmem>>)
      tpu.yield
    }) : () -> ()
    %dma_start3A_49 = arith.constant 1 : i32
    %dma_start3A_50 = arith.constant 0 : i32
    %dma_start3A_51 = tpu.memref_slice %arg8[%dma_start3A_49, %dma_start3A_50] : memref<4x32xi32, #tpu.memory_space<vmem>> -> memref<1x32xi32, #tpu.memory_space<vmem>>
    %dma_start3A_52 = tpu.memref_squeeze %dma_start3A_51 : memref<1x32xi32, #tpu.memory_space<vmem>> -> memref<32xi32, #tpu.memory_space<vmem>>
    %dma_start3A_53 = arith.constant 0 : i32
    %dma_start3A_54 = arith.constant 0 : i32
    %dma_start3A_55 = tpu.memref_slice %arg2[%dma_start3A_53, %dma_start3A_54] : memref<2048x1024xf32, #tpu.memory_space<hbm>> -> memref<2048x1024xf32, #tpu.memory_space<hbm>>
    tpu.enqueue_indirect_dma source(%dma_start3A_55 : memref<2048x1024xf32, #tpu.memory_space<hbm>>) target(%arg10 : memref<32x1024xf32, #tpu.memory_space<vmem>>) offsets(%dma_start3A_52 : memref<32xi32, #tpu.memory_space<vmem>>) semaphore(%arg12 : memref<!tpu.dma_semaphore, #tpu.memory_space<semaphore_mem>>)
    %dma_wait3A_56 = arith.constant 1 : i32
    %dma_wait3A_57 = arith.constant 0 : i32
    %dma_wait3A_58 = tpu.memref_slice %arg8[%dma_wait3A_56, %dma_wait3A_57] : memref<4x32xi32, #tpu.memory_space<vmem>> -> memref<1x32xi32, #tpu.memory_space<vmem>>
    %dma_wait3A_59 = tpu.memref_squeeze %dma_wait3A_58 : memref<1x32xi32, #tpu.memory_space<vmem>> -> memref<32xi32, #tpu.memory_space<vmem>>
    %dma_wait3A_60 = arith.constant 0 : i32
    %dma_wait3A_61 = arith.constant 0 : i32
    %dma_wait3A_62 = tpu.memref_slice %arg2[%dma_wait3A_60, %dma_wait3A_61] : memref<2048x1024xf32, #tpu.memory_space<hbm>> -> memref<2048x1024xf32, #tpu.memory_space<hbm>>
    tpu.wait_indirect_dma semaphore(%arg12 : memref<!tpu.dma_semaphore, #tpu.memory_space<semaphore_mem>>) src(%dma_wait3A_62 : memref<2048x1024xf32, #tpu.memory_space<hbm>>) dst(%arg10 : memref<32x1024xf32, #tpu.memory_space<vmem>>)
    %dma_start3A_63 = arith.constant 1 : i32
    %dma_start3A_64 = arith.constant 0 : i32
    %dma_start3A_65 = tpu.memref_slice %arg9[%dma_start3A_63, %dma_start3A_64] : memref<4x32xi32, #tpu.memory_space<vmem>> -> memref<1x32xi32, #tpu.memory_space<vmem>>
    %dma_start3A_66 = tpu.memref_squeeze %dma_start3A_65 : memref<1x32xi32, #tpu.memory_space<vmem>> -> memref<32xi32, #tpu.memory_space<vmem>>
    %dma_start3A_67 = arith.constant 0 : i32
    %dma_start3A_68 = arith.constant 0 : i32
    %dma_start3A_69 = tpu.memref_slice %arg6[%dma_start3A_67, %dma_start3A_68] : memref<6144x1024xf32, #tpu.memory_space<hbm>> -> memref<6144x1024xf32, #tpu.memory_space<hbm>>
    tpu.enqueue_indirect_dma source(%arg10 : memref<32x1024xf32, #tpu.memory_space<vmem>>) target(%dma_start3A_69 : memref<6144x1024xf32, #tpu.memory_space<hbm>>) offsets(%dma_start3A_66 : memref<32xi32, #tpu.memory_space<vmem>>) semaphore(%arg12 : memref<!tpu.dma_semaphore, #tpu.memory_space<semaphore_mem>>)
    %dma_wait3A_70 = arith.constant 1 : i32
    %dma_wait3A_71 = arith.constant 0 : i32
    %dma_wait3A_72 = tpu.memref_slice %arg9[%dma_wait3A_70, %dma_wait3A_71] : memref<4x32xi32, #tpu.memory_space<vmem>> -> memref<1x32xi32, #tpu.memory_space<vmem>>
    %dma_wait3A_73 = tpu.memref_squeeze %dma_wait3A_72 : memref<1x32xi32, #tpu.memory_space<vmem>> -> memref<32xi32, #tpu.memory_space<vmem>>
    %dma_wait3A_74 = arith.constant 0 : i32
    %dma_wait3A_75 = arith.constant 0 : i32
    %dma_wait3A_76 = tpu.memref_slice %arg6[%dma_wait3A_74, %dma_wait3A_75] : memref<6144x1024xf32, #tpu.memory_space<hbm>> -> memref<6144x1024xf32, #tpu.memory_space<hbm>>
    tpu.wait_indirect_dma semaphore(%arg12 : memref<!tpu.dma_semaphore, #tpu.memory_space<semaphore_mem>>) src(%arg10 : memref<32x1024xf32, #tpu.memory_space<vmem>>) dst(%dma_wait3A_76 : memref<6144x1024xf32, #tpu.memory_space<hbm>>)
    %dma_start3A_77 = arith.constant 1 : i32
    %dma_start3A_78 = arith.constant 0 : i32
    %dma_start3A_79 = tpu.memref_slice %arg9[%dma_start3A_77, %dma_start3A_78] : memref<4x32xi32, #tpu.memory_space<vmem>> -> memref<1x32xi32, #tpu.memory_space<vmem>>
    %dma_start3A_80 = tpu.memref_squeeze %dma_start3A_79 : memref<1x32xi32, #tpu.memory_space<vmem>> -> memref<32xi32, #tpu.memory_space<vmem>>
    %dma_start3A_81 = arith.constant 0 : i32
    %dma_start3A_82 = arith.constant 0 : i32
    %dma_start3A_83 = tpu.memref_slice %arg7[%dma_start3A_81, %dma_start3A_82] : memref<6144x128xf32, #tpu.memory_space<hbm>> -> memref<6144x128xf32, #tpu.memory_space<hbm>>
    tpu.enqueue_indirect_dma source(%arg11 : memref<32x128xf32, #tpu.memory_space<vmem>>) target(%dma_start3A_83 : memref<6144x128xf32, #tpu.memory_space<hbm>>) offsets(%dma_start3A_80 : memref<32xi32, #tpu.memory_space<vmem>>) semaphore(%arg12 : memref<!tpu.dma_semaphore, #tpu.memory_space<semaphore_mem>>)
    %dma_wait3A_84 = arith.constant 1 : i32
    %dma_wait3A_85 = arith.constant 0 : i32
    %dma_wait3A_86 = tpu.memref_slice %arg9[%dma_wait3A_84, %dma_wait3A_85] : memref<4x32xi32, #tpu.memory_space<vmem>> -> memref<1x32xi32, #tpu.memory_space<vmem>>
    %dma_wait3A_87 = tpu.memref_squeeze %dma_wait3A_86 : memref<1x32xi32, #tpu.memory_space<vmem>> -> memref<32xi32, #tpu.memory_space<vmem>>
    %dma_wait3A_88 = arith.constant 0 : i32
    %dma_wait3A_89 = arith.constant 0 : i32
    %dma_wait3A_90 = tpu.memref_slice %arg7[%dma_wait3A_88, %dma_wait3A_89] : memref<6144x128xf32, #tpu.memory_space<hbm>> -> memref<6144x128xf32, #tpu.memory_space<hbm>>
    tpu.wait_indirect_dma semaphore(%arg12 : memref<!tpu.dma_semaphore, #tpu.memory_space<semaphore_mem>>) src(%arg11 : memref<32x128xf32, #tpu.memory_space<vmem>>) dst(%dma_wait3A_90 : memref<6144x128xf32, #tpu.memory_space<hbm>>)
    %mul3A_91 = arith.constant 128 : i32
    %mul3A_92 = arith.muli %add3A, %mul3A_91 : i32
    %add3A_93 = arith.constant 64 : i32
    %add3A_94 = arith.addi %mul3A_92, %add3A_93 : i32
    "tpu.region"() ({
      %run_scoped3A = tpu.sem_alloc : memref<!tpu.dma_semaphore, #tpu.memory_space<semaphore_mem>>
      %dma_start3A_183 = arith.constant 0 : i32
      %dma_start3A_184 = tpu.memref_slice %arg5[%add3A_94, %dma_start3A_183] : memref<4096x128xf32, #tpu.memory_space<hbm>> -> memref<32x128xf32, #tpu.memory_space<hbm>>
      %dma_start3A_185 = arith.constant 0 : i32
      %dma_start3A_186 = tpu.memref_slice %arg5[%add3A_94, %dma_start3A_185] : memref<4096x128xf32, #tpu.memory_space<hbm>> -> memref<32x128xf32, #tpu.memory_space<hbm>>
      tpu.enqueue_dma source(%dma_start3A_186 : memref<32x128xf32, #tpu.memory_space<hbm>>) target(%arg11 : memref<32x128xf32, #tpu.memory_space<vmem>>) target_semaphore(%run_scoped3A : memref<!tpu.dma_semaphore, #tpu.memory_space<semaphore_mem>>)
      %dma_wait3A_187 = arith.constant 0 : i32
      %dma_wait3A_188 = tpu.memref_slice %arg5[%add3A_94, %dma_wait3A_187] : memref<4096x128xf32, #tpu.memory_space<hbm>> -> memref<32x128xf32, #tpu.memory_space<hbm>>
      %dma_wait3A_189 = arith.constant 0 : i32
      %dma_wait3A_190 = tpu.memref_slice %arg5[%add3A_94, %dma_wait3A_189] : memref<4096x128xf32, #tpu.memory_space<hbm>> -> memref<32x128xf32, #tpu.memory_space<hbm>>
      tpu.wait_dma2 semaphore(%run_scoped3A : memref<!tpu.dma_semaphore, #tpu.memory_space<semaphore_mem>>) src(%dma_wait3A_190 : memref<32x128xf32, #tpu.memory_space<hbm>>) dst(%arg11 : memref<32x128xf32, #tpu.memory_space<vmem>>)
      tpu.yield
    }) : () -> ()
    %dma_start3A_95 = arith.constant 2 : i32
    %dma_start3A_96 = arith.constant 0 : i32
    %dma_start3A_97 = tpu.memref_slice %arg8[%dma_start3A_95, %dma_start3A_96] : memref<4x32xi32, #tpu.memory_space<vmem>> -> memref<1x32xi32, #tpu.memory_space<vmem>>
    %dma_start3A_98 = tpu.memref_squeeze %dma_start3A_97 : memref<1x32xi32, #tpu.memory_space<vmem>> -> memref<32xi32, #tpu.memory_space<vmem>>
    %dma_start3A_99 = arith.constant 0 : i32
    %dma_start3A_100 = arith.constant 0 : i32
    %dma_start3A_101 = tpu.memref_slice %arg2[%dma_start3A_99, %dma_start3A_100] : memref<2048x1024xf32, #tpu.memory_space<hbm>> -> memref<2048x1024xf32, #tpu.memory_space<hbm>>
    tpu.enqueue_indirect_dma source(%dma_start3A_101 : memref<2048x1024xf32, #tpu.memory_space<hbm>>) target(%arg10 : memref<32x1024xf32, #tpu.memory_space<vmem>>) offsets(%dma_start3A_98 : memref<32xi32, #tpu.memory_space<vmem>>) semaphore(%arg12 : memref<!tpu.dma_semaphore, #tpu.memory_space<semaphore_mem>>)
    %dma_wait3A_102 = arith.constant 2 : i32
    %dma_wait3A_103 = arith.constant 0 : i32
    %dma_wait3A_104 = tpu.memref_slice %arg8[%dma_wait3A_102, %dma_wait3A_103] : memref<4x32xi32, #tpu.memory_space<vmem>> -> memref<1x32xi32, #tpu.memory_space<vmem>>
    %dma_wait3A_105 = tpu.memref_squeeze %dma_wait3A_104 : memref<1x32xi32, #tpu.memory_space<vmem>> -> memref<32xi32, #tpu.memory_space<vmem>>
    %dma_wait3A_106 = arith.constant 0 : i32
    %dma_wait3A_107 = arith.constant 0 : i32
    %dma_wait3A_108 = tpu.memref_slice %arg2[%dma_wait3A_106, %dma_wait3A_107] : memref<2048x1024xf32, #tpu.memory_space<hbm>> -> memref<2048x1024xf32, #tpu.memory_space<hbm>>
    tpu.wait_indirect_dma semaphore(%arg12 : memref<!tpu.dma_semaphore, #tpu.memory_space<semaphore_mem>>) src(%dma_wait3A_108 : memref<2048x1024xf32, #tpu.memory_space<hbm>>) dst(%arg10 : memref<32x1024xf32, #tpu.memory_space<vmem>>)
    %dma_start3A_109 = arith.constant 2 : i32
    %dma_start3A_110 = arith.constant 0 : i32
    %dma_start3A_111 = tpu.memref_slice %arg9[%dma_start3A_109, %dma_start3A_110] : memref<4x32xi32, #tpu.memory_space<vmem>> -> memref<1x32xi32, #tpu.memory_space<vmem>>
    %dma_start3A_112 = tpu.memref_squeeze %dma_start3A_111 : memref<1x32xi32, #tpu.memory_space<vmem>> -> memref<32xi32, #tpu.memory_space<vmem>>
    %dma_start3A_113 = arith.constant 0 : i32
    %dma_start3A_114 = arith.constant 0 : i32
    %dma_start3A_115 = tpu.memref_slice %arg6[%dma_start3A_113, %dma_start3A_114] : memref<6144x1024xf32, #tpu.memory_space<hbm>> -> memref<6144x1024xf32, #tpu.memory_space<hbm>>
    tpu.enqueue_indirect_dma source(%arg10 : memref<32x1024xf32, #tpu.memory_space<vmem>>) target(%dma_start3A_115 : memref<6144x1024xf32, #tpu.memory_space<hbm>>) offsets(%dma_start3A_112 : memref<32xi32, #tpu.memory_space<vmem>>) semaphore(%arg12 : memref<!tpu.dma_semaphore, #tpu.memory_space<semaphore_mem>>)
    %dma_wait3A_116 = arith.constant 2 : i32
    %dma_wait3A_117 = arith.constant 0 : i32
    %dma_wait3A_118 = tpu.memref_slice %arg9[%dma_wait3A_116, %dma_wait3A_117] : memref<4x32xi32, #tpu.memory_space<vmem>> -> memref<1x32xi32, #tpu.memory_space<vmem>>
    %dma_wait3A_119 = tpu.memref_squeeze %dma_wait3A_118 : memref<1x32xi32, #tpu.memory_space<vmem>> -> memref<32xi32, #tpu.memory_space<vmem>>
    %dma_wait3A_120 = arith.constant 0 : i32
    %dma_wait3A_121 = arith.constant 0 : i32
    %dma_wait3A_122 = tpu.memref_slice %arg6[%dma_wait3A_120, %dma_wait3A_121] : memref<6144x1024xf32, #tpu.memory_space<hbm>> -> memref<6144x1024xf32, #tpu.memory_space<hbm>>
    tpu.wait_indirect_dma semaphore(%arg12 : memref<!tpu.dma_semaphore, #tpu.memory_space<semaphore_mem>>) src(%arg10 : memref<32x1024xf32, #tpu.memory_space<vmem>>) dst(%dma_wait3A_122 : memref<6144x1024xf32, #tpu.memory_space<hbm>>)
    %dma_start3A_123 = arith.constant 2 : i32
    %dma_start3A_124 = arith.constant 0 : i32
    %dma_start3A_125 = tpu.memref_slice %arg9[%dma_start3A_123, %dma_start3A_124] : memref<4x32xi32, #tpu.memory_space<vmem>> -> memref<1x32xi32, #tpu.memory_space<vmem>>
    %dma_start3A_126 = tpu.memref_squeeze %dma_start3A_125 : memref<1x32xi32, #tpu.memory_space<vmem>> -> memref<32xi32, #tpu.memory_space<vmem>>
    %dma_start3A_127 = arith.constant 0 : i32
    %dma_start3A_128 = arith.constant 0 : i32
    %dma_start3A_129 = tpu.memref_slice %arg7[%dma_start3A_127, %dma_start3A_128] : memref<6144x128xf32, #tpu.memory_space<hbm>> -> memref<6144x128xf32, #tpu.memory_space<hbm>>
    tpu.enqueue_indirect_dma source(%arg11 : memref<32x128xf32, #tpu.memory_space<vmem>>) target(%dma_start3A_129 : memref<6144x128xf32, #tpu.memory_space<hbm>>) offsets(%dma_start3A_126 : memref<32xi32, #tpu.memory_space<vmem>>) semaphore(%arg12 : memref<!tpu.dma_semaphore, #tpu.memory_space<semaphore_mem>>)
    %dma_wait3A_130 = arith.constant 2 : i32
    %dma_wait3A_131 = arith.constant 0 : i32
    %dma_wait3A_132 = tpu.memref_slice %arg9[%dma_wait3A_130, %dma_wait3A_131] : memref<4x32xi32, #tpu.memory_space<vmem>> -> memref<1x32xi32, #tpu.memory_space<vmem>>
    %dma_wait3A_133 = tpu.memref_squeeze %dma_wait3A_132 : memref<1x32xi32, #tpu.memory_space<vmem>> -> memref<32xi32, #tpu.memory_space<vmem>>
    %dma_wait3A_134 = arith.constant 0 : i32
    %dma_wait3A_135 = arith.constant 0 : i32
    %dma_wait3A_136 = tpu.memref_slice %arg7[%dma_wait3A_134, %dma_wait3A_135] : memref<6144x128xf32, #tpu.memory_space<hbm>> -> memref<6144x128xf32, #tpu.memory_space<hbm>>
    tpu.wait_indirect_dma semaphore(%arg12 : memref<!tpu.dma_semaphore, #tpu.memory_space<semaphore_mem>>) src(%arg11 : memref<32x128xf32, #tpu.memory_space<vmem>>) dst(%dma_wait3A_136 : memref<6144x128xf32, #tpu.memory_space<hbm>>)
    %mul3A_137 = arith.constant 128 : i32
    %mul3A_138 = arith.muli %add3A, %mul3A_137 : i32
    %add3A_139 = arith.constant 96 : i32
    %add3A_140 = arith.addi %mul3A_138, %add3A_139 : i32
    "tpu.region"() ({
      %run_scoped3A = tpu.sem_alloc : memref<!tpu.dma_semaphore, #tpu.memory_space<semaphore_mem>>
      %dma_start3A_183 = arith.constant 0 : i32
      %dma_start3A_184 = tpu.memref_slice %arg5[%add3A_140, %dma_start3A_183] : memref<4096x128xf32, #tpu.memory_space<hbm>> -> memref<32x128xf32, #tpu.memory_space<hbm>>
      %dma_start3A_185 = arith.constant 0 : i32
      %dma_start3A_186 = tpu.memref_slice %arg5[%add3A_140, %dma_start3A_185] : memref<4096x128xf32, #tpu.memory_space<hbm>> -> memref<32x128xf32, #tpu.memory_space<hbm>>
      tpu.enqueue_dma source(%dma_start3A_186 : memref<32x128xf32, #tpu.memory_space<hbm>>) target(%arg11 : memref<32x128xf32, #tpu.memory_space<vmem>>) target_semaphore(%run_scoped3A : memref<!tpu.dma_semaphore, #tpu.memory_space<semaphore_mem>>)
      %dma_wait3A_187 = arith.constant 0 : i32
      %dma_wait3A_188 = tpu.memref_slice %arg5[%add3A_140, %dma_wait3A_187] : memref<4096x128xf32, #tpu.memory_space<hbm>> -> memref<32x128xf32, #tpu.memory_space<hbm>>
      %dma_wait3A_189 = arith.constant 0 : i32
      %dma_wait3A_190 = tpu.memref_slice %arg5[%add3A_140, %dma_wait3A_189] : memref<4096x128xf32, #tpu.memory_space<hbm>> -> memref<32x128xf32, #tpu.memory_space<hbm>>
      tpu.wait_dma2 semaphore(%run_scoped3A : memref<!tpu.dma_semaphore, #tpu.memory_space<semaphore_mem>>) src(%dma_wait3A_190 : memref<32x128xf32, #tpu.memory_space<hbm>>) dst(%arg11 : memref<32x128xf32, #tpu.memory_space<vmem>>)
      tpu.yield
    }) : () -> ()
    %dma_start3A_141 = arith.constant 3 : i32
    %dma_start3A_142 = arith.constant 0 : i32
    %dma_start3A_143 = tpu.memref_slice %arg8[%dma_start3A_141, %dma_start3A_142] : memref<4x32xi32, #tpu.memory_space<vmem>> -> memref<1x32xi32, #tpu.memory_space<vmem>>
    %dma_start3A_144 = tpu.memref_squeeze %dma_start3A_143 : memref<1x32xi32, #tpu.memory_space<vmem>> -> memref<32xi32, #tpu.memory_space<vmem>>
    %dma_start3A_145 = arith.constant 0 : i32
    %dma_start3A_146 = arith.constant 0 : i32
    %dma_start3A_147 = tpu.memref_slice %arg2[%dma_start3A_145, %dma_start3A_146] : memref<2048x1024xf32, #tpu.memory_space<hbm>> -> memref<2048x1024xf32, #tpu.memory_space<hbm>>
    tpu.enqueue_indirect_dma source(%dma_start3A_147 : memref<2048x1024xf32, #tpu.memory_space<hbm>>) target(%arg10 : memref<32x1024xf32, #tpu.memory_space<vmem>>) offsets(%dma_start3A_144 : memref<32xi32, #tpu.memory_space<vmem>>) semaphore(%arg12 : memref<!tpu.dma_semaphore, #tpu.memory_space<semaphore_mem>>)
    %dma_wait3A_148 = arith.constant 3 : i32
    %dma_wait3A_149 = arith.constant 0 : i32
    %dma_wait3A_150 = tpu.memref_slice %arg8[%dma_wait3A_148, %dma_wait3A_149] : memref<4x32xi32, #tpu.memory_space<vmem>> -> memref<1x32xi32, #tpu.memory_space<vmem>>
    %dma_wait3A_151 = tpu.memref_squeeze %dma_wait3A_150 : memref<1x32xi32, #tpu.memory_space<vmem>> -> memref<32xi32, #tpu.memory_space<vmem>>
    %dma_wait3A_152 = arith.constant 0 : i32
    %dma_wait3A_153 = arith.constant 0 : i32
    %dma_wait3A_154 = tpu.memref_slice %arg2[%dma_wait3A_152, %dma_wait3A_153] : memref<2048x1024xf32, #tpu.memory_space<hbm>> -> memref<2048x1024xf32, #tpu.memory_space<hbm>>
    tpu.wait_indirect_dma semaphore(%arg12 : memref<!tpu.dma_semaphore, #tpu.memory_space<semaphore_mem>>) src(%dma_wait3A_154 : memref<2048x1024xf32, #tpu.memory_space<hbm>>) dst(%arg10 : memref<32x1024xf32, #tpu.memory_space<vmem>>)
    %dma_start3A_155 = arith.constant 3 : i32
    %dma_start3A_156 = arith.constant 0 : i32
    %dma_start3A_157 = tpu.memref_slice %arg9[%dma_start3A_155, %dma_start3A_156] : memref<4x32xi32, #tpu.memory_space<vmem>> -> memref<1x32xi32, #tpu.memory_space<vmem>>
    %dma_start3A_158 = tpu.memref_squeeze %dma_start3A_157 : memref<1x32xi32, #tpu.memory_space<vmem>> -> memref<32xi32, #tpu.memory_space<vmem>>
    %dma_start3A_159 = arith.constant 0 : i32
    %dma_start3A_160 = arith.constant 0 : i32
    %dma_start3A_161 = tpu.memref_slice %arg6[%dma_start3A_159, %dma_start3A_160] : memref<6144x1024xf32, #tpu.memory_space<hbm>> -> memref<6144x1024xf32, #tpu.memory_space<hbm>>
    tpu.enqueue_indirect_dma source(%arg10 : memref<32x1024xf32, #tpu.memory_space<vmem>>) target(%dma_start3A_161 : memref<6144x1024xf32, #tpu.memory_space<hbm>>) offsets(%dma_start3A_158 : memref<32xi32, #tpu.memory_space<vmem>>) semaphore(%arg12 : memref<!tpu.dma_semaphore, #tpu.memory_space<semaphore_mem>>)
    %dma_wait3A_162 = arith.constant 3 : i32
    %dma_wait3A_163 = arith.constant 0 : i32
    %dma_wait3A_164 = tpu.memref_slice %arg9[%dma_wait3A_162, %dma_wait3A_163] : memref<4x32xi32, #tpu.memory_space<vmem>> -> memref<1x32xi32, #tpu.memory_space<vmem>>
    %dma_wait3A_165 = tpu.memref_squeeze %dma_wait3A_164 : memref<1x32xi32, #tpu.memory_space<vmem>> -> memref<32xi32, #tpu.memory_space<vmem>>
    %dma_wait3A_166 = arith.constant 0 : i32
    %dma_wait3A_167 = arith.constant 0 : i32
    %dma_wait3A_168 = tpu.memref_slice %arg6[%dma_wait3A_166, %dma_wait3A_167] : memref<6144x1024xf32, #tpu.memory_space<hbm>> -> memref<6144x1024xf32, #tpu.memory_space<hbm>>
    tpu.wait_indirect_dma semaphore(%arg12 : memref<!tpu.dma_semaphore, #tpu.memory_space<semaphore_mem>>) src(%arg10 : memref<32x1024xf32, #tpu.memory_space<vmem>>) dst(%dma_wait3A_168 : memref<6144x1024xf32, #tpu.memory_space<hbm>>)
    %dma_start3A_169 = arith.constant 3 : i32
    %dma_start3A_170 = arith.constant 0 : i32
    %dma_start3A_171 = tpu.memref_slice %arg9[%dma_start3A_169, %dma_start3A_170] : memref<4x32xi32, #tpu.memory_space<vmem>> -> memref<1x32xi32, #tpu.memory_space<vmem>>
    %dma_start3A_172 = tpu.memref_squeeze %dma_start3A_171 : memref<1x32xi32, #tpu.memory_space<vmem>> -> memref<32xi32, #tpu.memory_space<vmem>>
    %dma_start3A_173 = arith.constant 0 : i32
    %dma_start3A_174 = arith.constant 0 : i32
    %dma_start3A_175 = tpu.memref_slice %arg7[%dma_start3A_173, %dma_start3A_174] : memref<6144x128xf32, #tpu.memory_space<hbm>> -> memref<6144x128xf32, #tpu.memory_space<hbm>>
    tpu.enqueue_indirect_dma source(%arg11 : memref<32x128xf32, #tpu.memory_space<vmem>>) target(%dma_start3A_175 : memref<6144x128xf32, #tpu.memory_space<hbm>>) offsets(%dma_start3A_172 : memref<32xi32, #tpu.memory_space<vmem>>) semaphore(%arg12 : memref<!tpu.dma_semaphore, #tpu.memory_space<semaphore_mem>>)
    %dma_wait3A_176 = arith.constant 3 : i32
    %dma_wait3A_177 = arith.constant 0 : i32
    %dma_wait3A_178 = tpu.memref_slice %arg9[%dma_wait3A_176, %dma_wait3A_177] : memref<4x32xi32, #tpu.memory_space<vmem>> -> memref<1x32xi32, #tpu.memory_space<vmem>>
    %dma_wait3A_179 = tpu.memref_squeeze %dma_wait3A_178 : memref<1x32xi32, #tpu.memory_space<vmem>> -> memref<32xi32, #tpu.memory_space<vmem>>
    %dma_wait3A_180 = arith.constant 0 : i32
    %dma_wait3A_181 = arith.constant 0 : i32
    %dma_wait3A_182 = tpu.memref_slice %arg7[%dma_wait3A_180, %dma_wait3A_181] : memref<6144x128xf32, #tpu.memory_space<hbm>> -> memref<6144x128xf32, #tpu.memory_space<hbm>>
    tpu.wait_indirect_dma semaphore(%arg12 : memref<!tpu.dma_semaphore, #tpu.memory_space<semaphore_mem>>) src(%arg11 : memref<32x128xf32, #tpu.memory_space<vmem>>) dst(%dma_wait3A_182 : memref<6144x128xf32, #tpu.memory_space<hbm>>)
    return
  }
}

#map = affine_map<(d0, d1) -> (0, 0)>
#map1 = affine_map<(d0, d1) -> (0, 0, 0)>
module attributes {stable_mosaic.version = 14 : i64} {
  func.func @k(%arg0: i32, %arg1: i32, %arg2: memref<6144x1024xf32, #tpu.memory_space<hbm>>, %arg3: memref<6144x128xf32, #tpu.memory_space<hbm>>, %arg4: memref<32x4x32xi32, #tpu.memory_space<hbm>>, %arg5: memref<2048x1024xf32, #tpu.memory_space<hbm>>, %arg6: memref<4x32xi32, #tpu.memory_space<vmem>>, %arg7: memref<32x1024xf32, #tpu.memory_space<vmem>>, %arg8: memref<32x128xf32, #tpu.memory_space<vmem>>, %arg9: memref<16x1024xf32, #tpu.memory_space<vmem>>, %arg10: memref<!tpu.dma_semaphore, #tpu.memory_space<semaphore_mem>>, %arg11: memref<!tpu.dma_semaphore, #tpu.memory_space<semaphore_mem>>) attributes {dimension_semantics = [#tpu.dimension_semantics<core_parallel>, #tpu.dimension_semantics<subcore_parallel>], iteration_bounds = array<i64: 2, 16>, scalar_prefetch = 0 : i64, scratch_operands = 6 : i64, tpu.core_type = #tpu.core_type<sc_vector_subcore>, window_params = [{transform_indices = #map}, {transform_indices = #map}, {transform_indices = #map1}, {transform_indices = #map}]} {
    %mul3A = arith.constant 2 : i32
    %mul3A_0 = arith.muli %arg1, %mul3A : i32
    %add3A = arith.addi %mul3A_0, %arg0 : i32
    "tpu.region"() ({
      %run_scoped3A = tpu.sem_alloc : memref<!tpu.dma_semaphore, #tpu.memory_space<semaphore_mem>>
      %dma_start3A_1213 = arith.constant 0 : i32
      %dma_start3A_1214 = arith.constant 0 : i32
      %dma_start3A_1215 = tpu.memref_slice %arg4[%add3A, %dma_start3A_1213, %dma_start3A_1214] : memref<32x4x32xi32, #tpu.memory_space<hbm>> -> memref<1x4x32xi32, #tpu.memory_space<hbm>>
      %dma_start3A_1216 = tpu.memref_squeeze %dma_start3A_1215 : memref<1x4x32xi32, #tpu.memory_space<hbm>> -> memref<4x32xi32, #tpu.memory_space<hbm>>
      %dma_start3A_1217 = arith.constant 0 : i32
      %dma_start3A_1218 = arith.constant 0 : i32
      %dma_start3A_1219 = tpu.memref_slice %arg4[%add3A, %dma_start3A_1217, %dma_start3A_1218] : memref<32x4x32xi32, #tpu.memory_space<hbm>> -> memref<1x4x32xi32, #tpu.memory_space<hbm>>
      %dma_start3A_1220 = tpu.memref_squeeze %dma_start3A_1219 : memref<1x4x32xi32, #tpu.memory_space<hbm>> -> memref<4x32xi32, #tpu.memory_space<hbm>>
      tpu.enqueue_dma source(%dma_start3A_1220 : memref<4x32xi32, #tpu.memory_space<hbm>>) target(%arg6 : memref<4x32xi32, #tpu.memory_space<vmem>>) target_semaphore(%run_scoped3A : memref<!tpu.dma_semaphore, #tpu.memory_space<semaphore_mem>>)
      %dma_wait3A_1221 = arith.constant 0 : i32
      %dma_wait3A_1222 = arith.constant 0 : i32
      %dma_wait3A_1223 = tpu.memref_slice %arg4[%add3A, %dma_wait3A_1221, %dma_wait3A_1222] : memref<32x4x32xi32, #tpu.memory_space<hbm>> -> memref<1x4x32xi32, #tpu.memory_space<hbm>>
      %dma_wait3A_1224 = tpu.memref_squeeze %dma_wait3A_1223 : memref<1x4x32xi32, #tpu.memory_space<hbm>> -> memref<4x32xi32, #tpu.memory_space<hbm>>
      %dma_wait3A_1225 = arith.constant 0 : i32
      %dma_wait3A_1226 = arith.constant 0 : i32
      %dma_wait3A_1227 = tpu.memref_slice %arg4[%add3A, %dma_wait3A_1225, %dma_wait3A_1226] : memref<32x4x32xi32, #tpu.memory_space<hbm>> -> memref<1x4x32xi32, #tpu.memory_space<hbm>>
      %dma_wait3A_1228 = tpu.memref_squeeze %dma_wait3A_1227 : memref<1x4x32xi32, #tpu.memory_space<hbm>> -> memref<4x32xi32, #tpu.memory_space<hbm>>
      tpu.wait_dma2 semaphore(%run_scoped3A : memref<!tpu.dma_semaphore, #tpu.memory_space<semaphore_mem>>) src(%dma_wait3A_1228 : memref<4x32xi32, #tpu.memory_space<hbm>>) dst(%arg6 : memref<4x32xi32, #tpu.memory_space<vmem>>)
      tpu.yield
    }) : () -> ()
    %dma_start3A = arith.constant 0 : i32
    %dma_start3A_1 = arith.constant 0 : i32
    %dma_start3A_2 = tpu.memref_slice %arg6[%dma_start3A, %dma_start3A_1] : memref<4x32xi32, #tpu.memory_space<vmem>> -> memref<1x32xi32, #tpu.memory_space<vmem>>
    %dma_start3A_3 = tpu.memref_squeeze %dma_start3A_2 : memref<1x32xi32, #tpu.memory_space<vmem>> -> memref<32xi32, #tpu.memory_space<vmem>>
    %dma_start3A_4 = arith.constant 0 : i32
    %dma_start3A_5 = arith.constant 0 : i32
    %dma_start3A_6 = tpu.memref_slice %arg3[%dma_start3A_4, %dma_start3A_5] : memref<6144x128xf32, #tpu.memory_space<hbm>> -> memref<6144x128xf32, #tpu.memory_space<hbm>>
    tpu.enqueue_indirect_dma source(%dma_start3A_6 : memref<6144x128xf32, #tpu.memory_space<hbm>>) target(%arg8 : memref<32x128xf32, #tpu.memory_space<vmem>>) offsets(%dma_start3A_3 : memref<32xi32, #tpu.memory_space<vmem>>) semaphore(%arg11 : memref<!tpu.dma_semaphore, #tpu.memory_space<semaphore_mem>>)
    %dma_start3A_7 = arith.constant 0 : i32
    %dma_start3A_8 = arith.constant 0 : i32
    %dma_start3A_9 = tpu.memref_slice %arg6[%dma_start3A_7, %dma_start3A_8] : memref<4x32xi32, #tpu.memory_space<vmem>> -> memref<1x32xi32, #tpu.memory_space<vmem>>
    %dma_start3A_10 = tpu.memref_squeeze %dma_start3A_9 : memref<1x32xi32, #tpu.memory_space<vmem>> -> memref<32xi32, #tpu.memory_space<vmem>>
    %dma_start3A_11 = arith.constant 0 : i32
    %dma_start3A_12 = arith.constant 0 : i32
    %dma_start3A_13 = tpu.memref_slice %arg2[%dma_start3A_11, %dma_start3A_12] : memref<6144x1024xf32, #tpu.memory_space<hbm>> -> memref<6144x1024xf32, #tpu.memory_space<hbm>>
    tpu.enqueue_indirect_dma source(%dma_start3A_13 : memref<6144x1024xf32, #tpu.memory_space<hbm>>) target(%arg7 : memref<32x1024xf32, #tpu.memory_space<vmem>>) offsets(%dma_start3A_10 : memref<32xi32, #tpu.memory_space<vmem>>) semaphore(%arg10 : memref<!tpu.dma_semaphore, #tpu.memory_space<semaphore_mem>>)
    %dma_wait3A = arith.constant 0 : i32
    %dma_wait3A_14 = arith.constant 0 : i32
    %dma_wait3A_15 = tpu.memref_slice %arg6[%dma_wait3A, %dma_wait3A_14] : memref<4x32xi32, #tpu.memory_space<vmem>> -> memref<1x32xi32, #tpu.memory_space<vmem>>
    %dma_wait3A_16 = tpu.memref_squeeze %dma_wait3A_15 : memref<1x32xi32, #tpu.memory_space<vmem>> -> memref<32xi32, #tpu.memory_space<vmem>>
    %dma_wait3A_17 = arith.constant 0 : i32
    %dma_wait3A_18 = arith.constant 0 : i32
    %dma_wait3A_19 = tpu.memref_slice %arg2[%dma_wait3A_17, %dma_wait3A_18] : memref<6144x1024xf32, #tpu.memory_space<hbm>> -> memref<6144x1024xf32, #tpu.memory_space<hbm>>
    tpu.wait_indirect_dma semaphore(%arg10 : memref<!tpu.dma_semaphore, #tpu.memory_space<semaphore_mem>>) src(%dma_wait3A_19 : memref<6144x1024xf32, #tpu.memory_space<hbm>>) dst(%arg7 : memref<32x1024xf32, #tpu.memory_space<vmem>>)
    %dma_wait3A_20 = arith.constant 0 : i32
    %dma_wait3A_21 = arith.constant 0 : i32
    %dma_wait3A_22 = tpu.memref_slice %arg6[%dma_wait3A_20, %dma_wait3A_21] : memref<4x32xi32, #tpu.memory_space<vmem>> -> memref<1x32xi32, #tpu.memory_space<vmem>>
    %dma_wait3A_23 = tpu.memref_squeeze %dma_wait3A_22 : memref<1x32xi32, #tpu.memory_space<vmem>> -> memref<32xi32, #tpu.memory_space<vmem>>
    %dma_wait3A_24 = arith.constant 0 : i32
    %dma_wait3A_25 = arith.constant 0 : i32
    %dma_wait3A_26 = tpu.memref_slice %arg3[%dma_wait3A_24, %dma_wait3A_25] : memref<6144x128xf32, #tpu.memory_space<hbm>> -> memref<6144x128xf32, #tpu.memory_space<hbm>>
    tpu.wait_indirect_dma semaphore(%arg11 : memref<!tpu.dma_semaphore, #tpu.memory_space<semaphore_mem>>) src(%dma_wait3A_26 : memref<6144x128xf32, #tpu.memory_space<hbm>>) dst(%arg8 : memref<32x128xf32, #tpu.memory_space<vmem>>)
    %get3A = arith.constant 0 : i32
    %get3A_27 = arith.index_cast %get3A : i32 to index
    %get3A_28 = arith.constant 0 : index
    %get3A_29 = tpu.vector_load %arg8[%get3A_27, %get3A_28] {strides = array<i32>} : memref<32x128xf32, #tpu.memory_space<vmem>>, vector<1x16xf32>,
    %get3A_30 = vector.shape_cast %get3A_29 : vector<1x16xf32> to vector<16xf32>
    %get3A_31 = arith.constant 1 : i32
    %get3A_32 = arith.index_cast %get3A_31 : i32 to index
    %get3A_33 = arith.constant 0 : index
    %get3A_34 = tpu.vector_load %arg8[%get3A_32, %get3A_33] {strides = array<i32>} : memref<32x128xf32, #tpu.memory_space<vmem>>, vector<1x16xf32>,
    %get3A_35 = vector.shape_cast %get3A_34 : vector<1x16xf32> to vector<16xf32>
    %scan3A = arith.constant 0 : i32
    %scan3A_36 = arith.constant 0 : i32
    %scan3A_37 = arith.constant 64 : i32
    %scan3A_38 = arith.addi %scan3A_36, %scan3A_37 : i32
    %scan3A_39 = arith.constant 1 : i32
    %scan3A_40 = scf.for %scan3A_1213 = %scan3A_36 to %scan3A_38 step %scan3A_39 iter_args(%scan3A_1214 = %scan3A) -> (i32)  : i32 {
      %mul3A_1215 = arith.constant 16 : i32
      %mul3A_1216 = arith.muli %scan3A_1213, %mul3A_1215 : i32
      %get3A_1217 = arith.constant 0 : i32
      %get3A_1218 = arith.index_cast %get3A_1217 : i32 to index
      %get3A_1219 = arith.index_cast %mul3A_1216 : i32 to index
      %get3A_1220 = tpu.vector_load %arg7[%get3A_1218, %get3A_1219] {strides = array<i32>} : memref<32x1024xf32, #tpu.memory_space<vmem>>, vector<1x16xf32>,
      %get3A_1221 = vector.shape_cast %get3A_1220 : vector<1x16xf32> to vector<16xf32>
      %mul3A_1222 = arith.mulf %get3A_30, %get3A_1221 : vector<16xf32>
      %get3A_1223 = arith.constant 1 : i32
      %get3A_1224 = arith.index_cast %get3A_1223 : i32 to index
      %get3A_1225 = arith.index_cast %mul3A_1216 : i32 to index
      %get3A_1226 = tpu.vector_load %arg7[%get3A_1224, %get3A_1225] {strides = array<i32>} : memref<32x1024xf32, #tpu.memory_space<vmem>>, vector<1x16xf32>,
      %get3A_1227 = vector.shape_cast %get3A_1226 : vector<1x16xf32> to vector<16xf32>
      %mul3A_1228 = arith.mulf %get3A_35, %get3A_1227 : vector<16xf32>
      %add3A_1229 = arith.addf %mul3A_1222, %mul3A_1228 : vector<16xf32>
      %swap3A = arith.constant 0 : i32
      %swap3A_1230 = arith.index_cast %swap3A : i32 to index
      %swap3A_1231 = arith.index_cast %mul3A_1216 : i32 to index
      %swap3A_1232 = tpu.vector_load %arg9[%swap3A_1230, %swap3A_1231] {strides = array<i32>} : memref<16x1024xf32, #tpu.memory_space<vmem>>, vector<1x16xf32>,
      %swap3A_1233 = vector.shape_cast %swap3A_1232 : vector<1x16xf32> to vector<16xf32>
      %swap3A_1234 = vector.shape_cast %add3A_1229 : vector<16xf32> to vector<1x16xf32>
      tpu.vector_store %arg9[%swap3A_1230, %swap3A_1231], %swap3A_1234 {strides = array<i32>} : memref<16x1024xf32, #tpu.memory_space<vmem>>, vector<1x16xf32>,
      %scan3A_1235 = arith.constant 0 : i32
      scf.yield %scan3A_1235 : i32
    }
    %scan3A_41 = arith.constant 64 : i32
    %get3A_42 = arith.constant 2 : i32
    %get3A_43 = arith.index_cast %get3A_42 : i32 to index
    %get3A_44 = arith.constant 0 : index
    %get3A_45 = tpu.vector_load %arg8[%get3A_43, %get3A_44] {strides = array<i32>} : memref<32x128xf32, #tpu.memory_space<vmem>>, vector<1x16xf32>,
    %get3A_46 = vector.shape_cast %get3A_45 : vector<1x16xf32> to vector<16xf32>
    %get3A_47 = arith.constant 3 : i32
    %get3A_48 = arith.index_cast %get3A_47 : i32 to index
    %get3A_49 = arith.constant 0 : index
    %get3A_50 = tpu.vector_load %arg8[%get3A_48, %get3A_49] {strides = array<i32>} : memref<32x128xf32, #tpu.memory_space<vmem>>, vector<1x16xf32>,
    %get3A_51 = vector.shape_cast %get3A_50 : vector<1x16xf32> to vector<16xf32>
    %scan3A_52 = arith.constant 0 : i32
    %scan3A_53 = arith.constant 0 : i32
    %scan3A_54 = arith.constant 64 : i32
    %scan3A_55 = arith.addi %scan3A_53, %scan3A_54 : i32
    %scan3A_56 = arith.constant 1 : i32
    %scan3A_57 = scf.for %scan3A_1213 = %scan3A_53 to %scan3A_55 step %scan3A_56 iter_args(%scan3A_1214 = %scan3A_52) -> (i32)  : i32 {
      %mul3A_1215 = arith.constant 16 : i32
      %mul3A_1216 = arith.muli %scan3A_1213, %mul3A_1215 : i32
      %get3A_1217 = arith.constant 2 : i32
      %get3A_1218 = arith.index_cast %get3A_1217 : i32 to index
      %get3A_1219 = arith.index_cast %mul3A_1216 : i32 to index
      %get3A_1220 = tpu.vector_load %arg7[%get3A_1218, %get3A_1219] {strides = array<i32>} : memref<32x1024xf32, #tpu.memory_space<vmem>>, vector<1x16xf32>,
      %get3A_1221 = vector.shape_cast %get3A_1220 : vector<1x16xf32> to vector<16xf32>
      %mul3A_1222 = arith.mulf %get3A_46, %get3A_1221 : vector<16xf32>
      %get3A_1223 = arith.constant 3 : i32
      %get3A_1224 = arith.index_cast %get3A_1223 : i32 to index
      %get3A_1225 = arith.index_cast %mul3A_1216 : i32 to index
      %get3A_1226 = tpu.vector_load %arg7[%get3A_1224, %get3A_1225] {strides = array<i32>} : memref<32x1024xf32, #tpu.memory_space<vmem>>, vector<1x16xf32>,
      %get3A_1227 = vector.shape_cast %get3A_1226 : vector<1x16xf32> to vector<16xf32>
      %mul3A_1228 = arith.mulf %get3A_51, %get3A_1227 : vector<16xf32>
      %add3A_1229 = arith.addf %mul3A_1222, %mul3A_1228 : vector<16xf32>
      %swap3A = arith.constant 1 : i32
      %swap3A_1230 = arith.index_cast %swap3A : i32 to index
      %swap3A_1231 = arith.index_cast %mul3A_1216 : i32 to index
      %swap3A_1232 = tpu.vector_load %arg9[%swap3A_1230, %swap3A_1231] {strides = array<i32>} : memref<16x1024xf32, #tpu.memory_space<vmem>>, vector<1x16xf32>,
      %swap3A_1233 = vector.shape_cast %swap3A_1232 : vector<1x16xf32> to vector<16xf32>
      %swap3A_1234 = vector.shape_cast %add3A_1229 : vector<16xf32> to vector<1x16xf32>
      tpu.vector_store %arg9[%swap3A_1230, %swap3A_1231], %swap3A_1234 {strides = array<i32>} : memref<16x1024xf32, #tpu.memory_space<vmem>>, vector<1x16xf32>,
      %scan3A_1235 = arith.constant 0 : i32
      scf.yield %scan3A_1235 : i32
    }
    %scan3A_58 = arith.constant 64 : i32
    %get3A_59 = arith.constant 4 : i32
    %get3A_60 = arith.index_cast %get3A_59 : i32 to index
    %get3A_61 = arith.constant 0 : index
    %get3A_62 = tpu.vector_load %arg8[%get3A_60, %get3A_61] {strides = array<i32>} : memref<32x128xf32, #tpu.memory_space<vmem>>, vector<1x16xf32>,
    %get3A_63 = vector.shape_cast %get3A_62 : vector<1x16xf32> to vector<16xf32>
    %get3A_64 = arith.constant 5 : i32
    %get3A_65 = arith.index_cast %get3A_64 : i32 to index
    %get3A_66 = arith.constant 0 : index
    %get3A_67 = tpu.vector_load %arg8[%get3A_65, %get3A_66] {strides = array<i32>} : memref<32x128xf32, #tpu.memory_space<vmem>>, vector<1x16xf32>,
    %get3A_68 = vector.shape_cast %get3A_67 : vector<1x16xf32> to vector<16xf32>
    %scan3A_69 = arith.constant 0 : i32
    %scan3A_70 = arith.constant 0 : i32
    %scan3A_71 = arith.constant 64 : i32
    %scan3A_72 = arith.addi %scan3A_70, %scan3A_71 : i32
    %scan3A_73 = arith.constant 1 : i32
    %scan3A_74 = scf.for %scan3A_1213 = %scan3A_70 to %scan3A_72 step %scan3A_73 iter_args(%scan3A_1214 = %scan3A_69) -> (i32)  : i32 {
      %mul3A_1215 = arith.constant 16 : i32
      %mul3A_1216 = arith.muli %scan3A_1213, %mul3A_1215 : i32
      %get3A_1217 = arith.constant 4 : i32
      %get3A_1218 = arith.index_cast %get3A_1217 : i32 to index
      %get3A_1219 = arith.index_cast %mul3A_1216 : i32 to index
      %get3A_1220 = tpu.vector_load %arg7[%get3A_1218, %get3A_1219] {strides = array<i32>} : memref<32x1024xf32, #tpu.memory_space<vmem>>, vector<1x16xf32>,
      %get3A_1221 = vector.shape_cast %get3A_1220 : vector<1x16xf32> to vector<16xf32>
      %mul3A_1222 = arith.mulf %get3A_63, %get3A_1221 : vector<16xf32>
      %get3A_1223 = arith.constant 5 : i32
      %get3A_1224 = arith.index_cast %get3A_1223 : i32 to index
      %get3A_1225 = arith.index_cast %mul3A_1216 : i32 to index
      %get3A_1226 = tpu.vector_load %arg7[%get3A_1224, %get3A_1225] {strides = array<i32>} : memref<32x1024xf32, #tpu.memory_space<vmem>>, vector<1x16xf32>,
      %get3A_1227 = vector.shape_cast %get3A_1226 : vector<1x16xf32> to vector<16xf32>
      %mul3A_1228 = arith.mulf %get3A_68, %get3A_1227 : vector<16xf32>
      %add3A_1229 = arith.addf %mul3A_1222, %mul3A_1228 : vector<16xf32>
      %swap3A = arith.constant 2 : i32
      %swap3A_1230 = arith.index_cast %swap3A : i32 to index
      %swap3A_1231 = arith.index_cast %mul3A_1216 : i32 to index
      %swap3A_1232 = tpu.vector_load %arg9[%swap3A_1230, %swap3A_1231] {strides = array<i32>} : memref<16x1024xf32, #tpu.memory_space<vmem>>, vector<1x16xf32>,
      %swap3A_1233 = vector.shape_cast %swap3A_1232 : vector<1x16xf32> to vector<16xf32>
      %swap3A_1234 = vector.shape_cast %add3A_1229 : vector<16xf32> to vector<1x16xf32>
      tpu.vector_store %arg9[%swap3A_1230, %swap3A_1231], %swap3A_1234 {strides = array<i32>} : memref<16x1024xf32, #tpu.memory_space<vmem>>, vector<1x16xf32>,
      %scan3A_1235 = arith.constant 0 : i32
      scf.yield %scan3A_1235 : i32
    }
    %scan3A_75 = arith.constant 64 : i32
    %get3A_76 = arith.constant 6 : i32
    %get3A_77 = arith.index_cast %get3A_76 : i32 to index
    %get3A_78 = arith.constant 0 : index
    %get3A_79 = tpu.vector_load %arg8[%get3A_77, %get3A_78] {strides = array<i32>} : memref<32x128xf32, #tpu.memory_space<vmem>>, vector<1x16xf32>,
    %get3A_80 = vector.shape_cast %get3A_79 : vector<1x16xf32> to vector<16xf32>
    %get3A_81 = arith.constant 7 : i32
    %get3A_82 = arith.index_cast %get3A_81 : i32 to index
    %get3A_83 = arith.constant 0 : index
    %get3A_84 = tpu.vector_load %arg8[%get3A_82, %get3A_83] {strides = array<i32>} : memref<32x128xf32, #tpu.memory_space<vmem>>, vector<1x16xf32>,
    %get3A_85 = vector.shape_cast %get3A_84 : vector<1x16xf32> to vector<16xf32>
    %scan3A_86 = arith.constant 0 : i32
    %scan3A_87 = arith.constant 0 : i32
    %scan3A_88 = arith.constant 64 : i32
    %scan3A_89 = arith.addi %scan3A_87, %scan3A_88 : i32
    %scan3A_90 = arith.constant 1 : i32
    %scan3A_91 = scf.for %scan3A_1213 = %scan3A_87 to %scan3A_89 step %scan3A_90 iter_args(%scan3A_1214 = %scan3A_86) -> (i32)  : i32 {
      %mul3A_1215 = arith.constant 16 : i32
      %mul3A_1216 = arith.muli %scan3A_1213, %mul3A_1215 : i32
      %get3A_1217 = arith.constant 6 : i32
      %get3A_1218 = arith.index_cast %get3A_1217 : i32 to index
      %get3A_1219 = arith.index_cast %mul3A_1216 : i32 to index
      %get3A_1220 = tpu.vector_load %arg7[%get3A_1218, %get3A_1219] {strides = array<i32>} : memref<32x1024xf32, #tpu.memory_space<vmem>>, vector<1x16xf32>,
      %get3A_1221 = vector.shape_cast %get3A_1220 : vector<1x16xf32> to vector<16xf32>
      %mul3A_1222 = arith.mulf %get3A_80, %get3A_1221 : vector<16xf32>
      %get3A_1223 = arith.constant 7 : i32
      %get3A_1224 = arith.index_cast %get3A_1223 : i32 to index
      %get3A_1225 = arith.index_cast %mul3A_1216 : i32 to index
      %get3A_1226 = tpu.vector_load %arg7[%get3A_1224, %get3A_1225] {strides = array<i32>} : memref<32x1024xf32, #tpu.memory_space<vmem>>, vector<1x16xf32>,
      %get3A_1227 = vector.shape_cast %get3A_1226 : vector<1x16xf32> to vector<16xf32>
      %mul3A_1228 = arith.mulf %get3A_85, %get3A_1227 : vector<16xf32>
      %add3A_1229 = arith.addf %mul3A_1222, %mul3A_1228 : vector<16xf32>
      %swap3A = arith.constant 3 : i32
      %swap3A_1230 = arith.index_cast %swap3A : i32 to index
      %swap3A_1231 = arith.index_cast %mul3A_1216 : i32 to index
      %swap3A_1232 = tpu.vector_load %arg9[%swap3A_1230, %swap3A_1231] {strides = array<i32>} : memref<16x1024xf32, #tpu.memory_space<vmem>>, vector<1x16xf32>,
      %swap3A_1233 = vector.shape_cast %swap3A_1232 : vector<1x16xf32> to vector<16xf32>
      %swap3A_1234 = vector.shape_cast %add3A_1229 : vector<16xf32> to vector<1x16xf32>
      tpu.vector_store %arg9[%swap3A_1230, %swap3A_1231], %swap3A_1234 {strides = array<i32>} : memref<16x1024xf32, #tpu.memory_space<vmem>>, vector<1x16xf32>,
      %scan3A_1235 = arith.constant 0 : i32
      scf.yield %scan3A_1235 : i32
    }
    %scan3A_92 = arith.constant 64 : i32
    %get3A_93 = arith.constant 8 : i32
    %get3A_94 = arith.index_cast %get3A_93 : i32 to index
    %get3A_95 = arith.constant 0 : index
    %get3A_96 = tpu.vector_load %arg8[%get3A_94, %get3A_95] {strides = array<i32>} : memref<32x128xf32, #tpu.memory_space<vmem>>, vector<1x16xf32>,
    %get3A_97 = vector.shape_cast %get3A_96 : vector<1x16xf32> to vector<16xf32>
    %get3A_98 = arith.constant 9 : i32
    %get3A_99 = arith.index_cast %get3A_98 : i32 to index
    %get3A_100 = arith.constant 0 : index
    %get3A_101 = tpu.vector_load %arg8[%get3A_99, %get3A_100] {strides = array<i32>} : memref<32x128xf32, #tpu.memory_space<vmem>>, vector<1x16xf32>,
    %get3A_102 = vector.shape_cast %get3A_101 : vector<1x16xf32> to vector<16xf32>
    %scan3A_103 = arith.constant 0 : i32
    %scan3A_104 = arith.constant 0 : i32
    %scan3A_105 = arith.constant 64 : i32
    %scan3A_106 = arith.addi %scan3A_104, %scan3A_105 : i32
    %scan3A_107 = arith.constant 1 : i32
    %scan3A_108 = scf.for %scan3A_1213 = %scan3A_104 to %scan3A_106 step %scan3A_107 iter_args(%scan3A_1214 = %scan3A_103) -> (i32)  : i32 {
      %mul3A_1215 = arith.constant 16 : i32
      %mul3A_1216 = arith.muli %scan3A_1213, %mul3A_1215 : i32
      %get3A_1217 = arith.constant 8 : i32
      %get3A_1218 = arith.index_cast %get3A_1217 : i32 to index
      %get3A_1219 = arith.index_cast %mul3A_1216 : i32 to index
      %get3A_1220 = tpu.vector_load %arg7[%get3A_1218, %get3A_1219] {strides = array<i32>} : memref<32x1024xf32, #tpu.memory_space<vmem>>, vector<1x16xf32>,
      %get3A_1221 = vector.shape_cast %get3A_1220 : vector<1x16xf32> to vector<16xf32>
      %mul3A_1222 = arith.mulf %get3A_97, %get3A_1221 : vector<16xf32>
      %get3A_1223 = arith.constant 9 : i32
      %get3A_1224 = arith.index_cast %get3A_1223 : i32 to index
      %get3A_1225 = arith.index_cast %mul3A_1216 : i32 to index
      %get3A_1226 = tpu.vector_load %arg7[%get3A_1224, %get3A_1225] {strides = array<i32>} : memref<32x1024xf32, #tpu.memory_space<vmem>>, vector<1x16xf32>,
      %get3A_1227 = vector.shape_cast %get3A_1226 : vector<1x16xf32> to vector<16xf32>
      %mul3A_1228 = arith.mulf %get3A_102, %get3A_1227 : vector<16xf32>
      %add3A_1229 = arith.addf %mul3A_1222, %mul3A_1228 : vector<16xf32>
      %swap3A = arith.constant 4 : i32
      %swap3A_1230 = arith.index_cast %swap3A : i32 to index
      %swap3A_1231 = arith.index_cast %mul3A_1216 : i32 to index
      %swap3A_1232 = tpu.vector_load %arg9[%swap3A_1230, %swap3A_1231] {strides = array<i32>} : memref<16x1024xf32, #tpu.memory_space<vmem>>, vector<1x16xf32>,
      %swap3A_1233 = vector.shape_cast %swap3A_1232 : vector<1x16xf32> to vector<16xf32>
      %swap3A_1234 = vector.shape_cast %add3A_1229 : vector<16xf32> to vector<1x16xf32>
      tpu.vector_store %arg9[%swap3A_1230, %swap3A_1231], %swap3A_1234 {strides = array<i32>} : memref<16x1024xf32, #tpu.memory_space<vmem>>, vector<1x16xf32>,
      %scan3A_1235 = arith.constant 0 : i32
      scf.yield %scan3A_1235 : i32
    }
    %scan3A_109 = arith.constant 64 : i32
    %get3A_110 = arith.constant 10 : i32
    %get3A_111 = arith.index_cast %get3A_110 : i32 to index
    %get3A_112 = arith.constant 0 : index
    %get3A_113 = tpu.vector_load %arg8[%get3A_111, %get3A_112] {strides = array<i32>} : memref<32x128xf32, #tpu.memory_space<vmem>>, vector<1x16xf32>,
    %get3A_114 = vector.shape_cast %get3A_113 : vector<1x16xf32> to vector<16xf32>
    %get3A_115 = arith.constant 11 : i32
    %get3A_116 = arith.index_cast %get3A_115 : i32 to index
    %get3A_117 = arith.constant 0 : index
    %get3A_118 = tpu.vector_load %arg8[%get3A_116, %get3A_117] {strides = array<i32>} : memref<32x128xf32, #tpu.memory_space<vmem>>, vector<1x16xf32>,
    %get3A_119 = vector.shape_cast %get3A_118 : vector<1x16xf32> to vector<16xf32>
    %scan3A_120 = arith.constant 0 : i32
    %scan3A_121 = arith.constant 0 : i32
    %scan3A_122 = arith.constant 64 : i32
    %scan3A_123 = arith.addi %scan3A_121, %scan3A_122 : i32
    %scan3A_124 = arith.constant 1 : i32
    %scan3A_125 = scf.for %scan3A_1213 = %scan3A_121 to %scan3A_123 step %scan3A_124 iter_args(%scan3A_1214 = %scan3A_120) -> (i32)  : i32 {
      %mul3A_1215 = arith.constant 16 : i32
      %mul3A_1216 = arith.muli %scan3A_1213, %mul3A_1215 : i32
      %get3A_1217 = arith.constant 10 : i32
      %get3A_1218 = arith.index_cast %get3A_1217 : i32 to index
      %get3A_1219 = arith.index_cast %mul3A_1216 : i32 to index
      %get3A_1220 = tpu.vector_load %arg7[%get3A_1218, %get3A_1219] {strides = array<i32>} : memref<32x1024xf32, #tpu.memory_space<vmem>>, vector<1x16xf32>,
      %get3A_1221 = vector.shape_cast %get3A_1220 : vector<1x16xf32> to vector<16xf32>
      %mul3A_1222 = arith.mulf %get3A_114, %get3A_1221 : vector<16xf32>
      %get3A_1223 = arith.constant 11 : i32
      %get3A_1224 = arith.index_cast %get3A_1223 : i32 to index
      %get3A_1225 = arith.index_cast %mul3A_1216 : i32 to index
      %get3A_1226 = tpu.vector_load %arg7[%get3A_1224, %get3A_1225] {strides = array<i32>} : memref<32x1024xf32, #tpu.memory_space<vmem>>, vector<1x16xf32>,
      %get3A_1227 = vector.shape_cast %get3A_1226 : vector<1x16xf32> to vector<16xf32>
      %mul3A_1228 = arith.mulf %get3A_119, %get3A_1227 : vector<16xf32>
      %add3A_1229 = arith.addf %mul3A_1222, %mul3A_1228 : vector<16xf32>
      %swap3A = arith.constant 5 : i32
      %swap3A_1230 = arith.index_cast %swap3A : i32 to index
      %swap3A_1231 = arith.index_cast %mul3A_1216 : i32 to index
      %swap3A_1232 = tpu.vector_load %arg9[%swap3A_1230, %swap3A_1231] {strides = array<i32>} : memref<16x1024xf32, #tpu.memory_space<vmem>>, vector<1x16xf32>,
      %swap3A_1233 = vector.shape_cast %swap3A_1232 : vector<1x16xf32> to vector<16xf32>
      %swap3A_1234 = vector.shape_cast %add3A_1229 : vector<16xf32> to vector<1x16xf32>
      tpu.vector_store %arg9[%swap3A_1230, %swap3A_1231], %swap3A_1234 {strides = array<i32>} : memref<16x1024xf32, #tpu.memory_space<vmem>>, vector<1x16xf32>,
      %scan3A_1235 = arith.constant 0 : i32
      scf.yield %scan3A_1235 : i32
    }
    %scan3A_126 = arith.constant 64 : i32
    %get3A_127 = arith.constant 12 : i32
    %get3A_128 = arith.index_cast %get3A_127 : i32 to index
    %get3A_129 = arith.constant 0 : index
    %get3A_130 = tpu.vector_load %arg8[%get3A_128, %get3A_129] {strides = array<i32>} : memref<32x128xf32, #tpu.memory_space<vmem>>, vector<1x16xf32>,
    %get3A_131 = vector.shape_cast %get3A_130 : vector<1x16xf32> to vector<16xf32>
    %get3A_132 = arith.constant 13 : i32
    %get3A_133 = arith.index_cast %get3A_132 : i32 to index
    %get3A_134 = arith.constant 0 : index
    %get3A_135 = tpu.vector_load %arg8[%get3A_133, %get3A_134] {strides = array<i32>} : memref<32x128xf32, #tpu.memory_space<vmem>>, vector<1x16xf32>,
    %get3A_136 = vector.shape_cast %get3A_135 : vector<1x16xf32> to vector<16xf32>
    %scan3A_137 = arith.constant 0 : i32
    %scan3A_138 = arith.constant 0 : i32
    %scan3A_139 = arith.constant 64 : i32
    %scan3A_140 = arith.addi %scan3A_138, %scan3A_139 : i32
    %scan3A_141 = arith.constant 1 : i32
    %scan3A_142 = scf.for %scan3A_1213 = %scan3A_138 to %scan3A_140 step %scan3A_141 iter_args(%scan3A_1214 = %scan3A_137) -> (i32)  : i32 {
      %mul3A_1215 = arith.constant 16 : i32
      %mul3A_1216 = arith.muli %scan3A_1213, %mul3A_1215 : i32
      %get3A_1217 = arith.constant 12 : i32
      %get3A_1218 = arith.index_cast %get3A_1217 : i32 to index
      %get3A_1219 = arith.index_cast %mul3A_1216 : i32 to index
      %get3A_1220 = tpu.vector_load %arg7[%get3A_1218, %get3A_1219] {strides = array<i32>} : memref<32x1024xf32, #tpu.memory_space<vmem>>, vector<1x16xf32>,
      %get3A_1221 = vector.shape_cast %get3A_1220 : vector<1x16xf32> to vector<16xf32>
      %mul3A_1222 = arith.mulf %get3A_131, %get3A_1221 : vector<16xf32>
      %get3A_1223 = arith.constant 13 : i32
      %get3A_1224 = arith.index_cast %get3A_1223 : i32 to index
      %get3A_1225 = arith.index_cast %mul3A_1216 : i32 to index
      %get3A_1226 = tpu.vector_load %arg7[%get3A_1224, %get3A_1225] {strides = array<i32>} : memref<32x1024xf32, #tpu.memory_space<vmem>>, vector<1x16xf32>,
      %get3A_1227 = vector.shape_cast %get3A_1226 : vector<1x16xf32> to vector<16xf32>
      %mul3A_1228 = arith.mulf %get3A_136, %get3A_1227 : vector<16xf32>
      %add3A_1229 = arith.addf %mul3A_1222, %mul3A_1228 : vector<16xf32>
      %swap3A = arith.constant 6 : i32
      %swap3A_1230 = arith.index_cast %swap3A : i32 to index
      %swap3A_1231 = arith.index_cast %mul3A_1216 : i32 to index
      %swap3A_1232 = tpu.vector_load %arg9[%swap3A_1230, %swap3A_1231] {strides = array<i32>} : memref<16x1024xf32, #tpu.memory_space<vmem>>, vector<1x16xf32>,
      %swap3A_1233 = vector.shape_cast %swap3A_1232 : vector<1x16xf32> to vector<16xf32>
      %swap3A_1234 = vector.shape_cast %add3A_1229 : vector<16xf32> to vector<1x16xf32>
      tpu.vector_store %arg9[%swap3A_1230, %swap3A_1231], %swap3A_1234 {strides = array<i32>} : memref<16x1024xf32, #tpu.memory_space<vmem>>, vector<1x16xf32>,
      %scan3A_1235 = arith.constant 0 : i32
      scf.yield %scan3A_1235 : i32
    }
    %scan3A_143 = arith.constant 64 : i32
    %get3A_144 = arith.constant 14 : i32
    %get3A_145 = arith.index_cast %get3A_144 : i32 to index
    %get3A_146 = arith.constant 0 : index
    %get3A_147 = tpu.vector_load %arg8[%get3A_145, %get3A_146] {strides = array<i32>} : memref<32x128xf32, #tpu.memory_space<vmem>>, vector<1x16xf32>,
    %get3A_148 = vector.shape_cast %get3A_147 : vector<1x16xf32> to vector<16xf32>
    %get3A_149 = arith.constant 15 : i32
    %get3A_150 = arith.index_cast %get3A_149 : i32 to index
    %get3A_151 = arith.constant 0 : index
    %get3A_152 = tpu.vector_load %arg8[%get3A_150, %get3A_151] {strides = array<i32>} : memref<32x128xf32, #tpu.memory_space<vmem>>, vector<1x16xf32>,
    %get3A_153 = vector.shape_cast %get3A_152 : vector<1x16xf32> to vector<16xf32>
    %scan3A_154 = arith.constant 0 : i32
    %scan3A_155 = arith.constant 0 : i32
    %scan3A_156 = arith.constant 64 : i32
    %scan3A_157 = arith.addi %scan3A_155, %scan3A_156 : i32
    %scan3A_158 = arith.constant 1 : i32
    %scan3A_159 = scf.for %scan3A_1213 = %scan3A_155 to %scan3A_157 step %scan3A_158 iter_args(%scan3A_1214 = %scan3A_154) -> (i32)  : i32 {
      %mul3A_1215 = arith.constant 16 : i32
      %mul3A_1216 = arith.muli %scan3A_1213, %mul3A_1215 : i32
      %get3A_1217 = arith.constant 14 : i32
      %get3A_1218 = arith.index_cast %get3A_1217 : i32 to index
      %get3A_1219 = arith.index_cast %mul3A_1216 : i32 to index
      %get3A_1220 = tpu.vector_load %arg7[%get3A_1218, %get3A_1219] {strides = array<i32>} : memref<32x1024xf32, #tpu.memory_space<vmem>>, vector<1x16xf32>,
      %get3A_1221 = vector.shape_cast %get3A_1220 : vector<1x16xf32> to vector<16xf32>
      %mul3A_1222 = arith.mulf %get3A_148, %get3A_1221 : vector<16xf32>
      %get3A_1223 = arith.constant 15 : i32
      %get3A_1224 = arith.index_cast %get3A_1223 : i32 to index
      %get3A_1225 = arith.index_cast %mul3A_1216 : i32 to index
      %get3A_1226 = tpu.vector_load %arg7[%get3A_1224, %get3A_1225] {strides = array<i32>} : memref<32x1024xf32, #tpu.memory_space<vmem>>, vector<1x16xf32>,
      %get3A_1227 = vector.shape_cast %get3A_1226 : vector<1x16xf32> to vector<16xf32>
      %mul3A_1228 = arith.mulf %get3A_153, %get3A_1227 : vector<16xf32>
      %add3A_1229 = arith.addf %mul3A_1222, %mul3A_1228 : vector<16xf32>
      %swap3A = arith.constant 7 : i32
      %swap3A_1230 = arith.index_cast %swap3A : i32 to index
      %swap3A_1231 = arith.index_cast %mul3A_1216 : i32 to index
      %swap3A_1232 = tpu.vector_load %arg9[%swap3A_1230, %swap3A_1231] {strides = array<i32>} : memref<16x1024xf32, #tpu.memory_space<vmem>>, vector<1x16xf32>,
      %swap3A_1233 = vector.shape_cast %swap3A_1232 : vector<1x16xf32> to vector<16xf32>
      %swap3A_1234 = vector.shape_cast %add3A_1229 : vector<16xf32> to vector<1x16xf32>
      tpu.vector_store %arg9[%swap3A_1230, %swap3A_1231], %swap3A_1234 {strides = array<i32>} : memref<16x1024xf32, #tpu.memory_space<vmem>>, vector<1x16xf32>,
      %scan3A_1235 = arith.constant 0 : i32
      scf.yield %scan3A_1235 : i32
    }
    %scan3A_160 = arith.constant 64 : i32
    %get3A_161 = arith.constant 16 : i32
    %get3A_162 = arith.index_cast %get3A_161 : i32 to index
    %get3A_163 = arith.constant 0 : index
    %get3A_164 = tpu.vector_load %arg8[%get3A_162, %get3A_163] {strides = array<i32>} : memref<32x128xf32, #tpu.memory_space<vmem>>, vector<1x16xf32>,
    %get3A_165 = vector.shape_cast %get3A_164 : vector<1x16xf32> to vector<16xf32>
    %get3A_166 = arith.constant 17 : i32
    %get3A_167 = arith.index_cast %get3A_166 : i32 to index
    %get3A_168 = arith.constant 0 : index
    %get3A_169 = tpu.vector_load %arg8[%get3A_167, %get3A_168] {strides = array<i32>} : memref<32x128xf32, #tpu.memory_space<vmem>>, vector<1x16xf32>,
    %get3A_170 = vector.shape_cast %get3A_169 : vector<1x16xf32> to vector<16xf32>
    %scan3A_171 = arith.constant 0 : i32
    %scan3A_172 = arith.constant 0 : i32
    %scan3A_173 = arith.constant 64 : i32
    %scan3A_174 = arith.addi %scan3A_172, %scan3A_173 : i32
    %scan3A_175 = arith.constant 1 : i32
    %scan3A_176 = scf.for %scan3A_1213 = %scan3A_172 to %scan3A_174 step %scan3A_175 iter_args(%scan3A_1214 = %scan3A_171) -> (i32)  : i32 {
      %mul3A_1215 = arith.constant 16 : i32
      %mul3A_1216 = arith.muli %scan3A_1213, %mul3A_1215 : i32
      %get3A_1217 = arith.constant 16 : i32
      %get3A_1218 = arith.index_cast %get3A_1217 : i32 to index
      %get3A_1219 = arith.index_cast %mul3A_1216 : i32 to index
      %get3A_1220 = tpu.vector_load %arg7[%get3A_1218, %get3A_1219] {strides = array<i32>} : memref<32x1024xf32, #tpu.memory_space<vmem>>, vector<1x16xf32>,
      %get3A_1221 = vector.shape_cast %get3A_1220 : vector<1x16xf32> to vector<16xf32>
      %mul3A_1222 = arith.mulf %get3A_165, %get3A_1221 : vector<16xf32>
      %get3A_1223 = arith.constant 17 : i32
      %get3A_1224 = arith.index_cast %get3A_1223 : i32 to index
      %get3A_1225 = arith.index_cast %mul3A_1216 : i32 to index
      %get3A_1226 = tpu.vector_load %arg7[%get3A_1224, %get3A_1225] {strides = array<i32>} : memref<32x1024xf32, #tpu.memory_space<vmem>>, vector<1x16xf32>,
      %get3A_1227 = vector.shape_cast %get3A_1226 : vector<1x16xf32> to vector<16xf32>
      %mul3A_1228 = arith.mulf %get3A_170, %get3A_1227 : vector<16xf32>
      %add3A_1229 = arith.addf %mul3A_1222, %mul3A_1228 : vector<16xf32>
      %swap3A = arith.constant 8 : i32
      %swap3A_1230 = arith.index_cast %swap3A : i32 to index
      %swap3A_1231 = arith.index_cast %mul3A_1216 : i32 to index
      %swap3A_1232 = tpu.vector_load %arg9[%swap3A_1230, %swap3A_1231] {strides = array<i32>} : memref<16x1024xf32, #tpu.memory_space<vmem>>, vector<1x16xf32>,
      %swap3A_1233 = vector.shape_cast %swap3A_1232 : vector<1x16xf32> to vector<16xf32>
      %swap3A_1234 = vector.shape_cast %add3A_1229 : vector<16xf32> to vector<1x16xf32>
      tpu.vector_store %arg9[%swap3A_1230, %swap3A_1231], %swap3A_1234 {strides = array<i32>} : memref<16x1024xf32, #tpu.memory_space<vmem>>, vector<1x16xf32>,
      %scan3A_1235 = arith.constant 0 : i32
      scf.yield %scan3A_1235 : i32
    }
    %scan3A_177 = arith.constant 64 : i32
    %get3A_178 = arith.constant 18 : i32
    %get3A_179 = arith.index_cast %get3A_178 : i32 to index
    %get3A_180 = arith.constant 0 : index
    %get3A_181 = tpu.vector_load %arg8[%get3A_179, %get3A_180] {strides = array<i32>} : memref<32x128xf32, #tpu.memory_space<vmem>>, vector<1x16xf32>,
    %get3A_182 = vector.shape_cast %get3A_181 : vector<1x16xf32> to vector<16xf32>
    %get3A_183 = arith.constant 19 : i32
    %get3A_184 = arith.index_cast %get3A_183 : i32 to index
    %get3A_185 = arith.constant 0 : index
    %get3A_186 = tpu.vector_load %arg8[%get3A_184, %get3A_185] {strides = array<i32>} : memref<32x128xf32, #tpu.memory_space<vmem>>, vector<1x16xf32>,
    %get3A_187 = vector.shape_cast %get3A_186 : vector<1x16xf32> to vector<16xf32>
    %scan3A_188 = arith.constant 0 : i32
    %scan3A_189 = arith.constant 0 : i32
    %scan3A_190 = arith.constant 64 : i32
    %scan3A_191 = arith.addi %scan3A_189, %scan3A_190 : i32
    %scan3A_192 = arith.constant 1 : i32
    %scan3A_193 = scf.for %scan3A_1213 = %scan3A_189 to %scan3A_191 step %scan3A_192 iter_args(%scan3A_1214 = %scan3A_188) -> (i32)  : i32 {
      %mul3A_1215 = arith.constant 16 : i32
      %mul3A_1216 = arith.muli %scan3A_1213, %mul3A_1215 : i32
      %get3A_1217 = arith.constant 18 : i32
      %get3A_1218 = arith.index_cast %get3A_1217 : i32 to index
      %get3A_1219 = arith.index_cast %mul3A_1216 : i32 to index
      %get3A_1220 = tpu.vector_load %arg7[%get3A_1218, %get3A_1219] {strides = array<i32>} : memref<32x1024xf32, #tpu.memory_space<vmem>>, vector<1x16xf32>,
      %get3A_1221 = vector.shape_cast %get3A_1220 : vector<1x16xf32> to vector<16xf32>
      %mul3A_1222 = arith.mulf %get3A_182, %get3A_1221 : vector<16xf32>
      %get3A_1223 = arith.constant 19 : i32
      %get3A_1224 = arith.index_cast %get3A_1223 : i32 to index
      %get3A_1225 = arith.index_cast %mul3A_1216 : i32 to index
      %get3A_1226 = tpu.vector_load %arg7[%get3A_1224, %get3A_1225] {strides = array<i32>} : memref<32x1024xf32, #tpu.memory_space<vmem>>, vector<1x16xf32>,
      %get3A_1227 = vector.shape_cast %get3A_1226 : vector<1x16xf32> to vector<16xf32>
      %mul3A_1228 = arith.mulf %get3A_187, %get3A_1227 : vector<16xf32>
      %add3A_1229 = arith.addf %mul3A_1222, %mul3A_1228 : vector<16xf32>
      %swap3A = arith.constant 9 : i32
      %swap3A_1230 = arith.index_cast %swap3A : i32 to index
      %swap3A_1231 = arith.index_cast %mul3A_1216 : i32 to index
      %swap3A_1232 = tpu.vector_load %arg9[%swap3A_1230, %swap3A_1231] {strides = array<i32>} : memref<16x1024xf32, #tpu.memory_space<vmem>>, vector<1x16xf32>,
      %swap3A_1233 = vector.shape_cast %swap3A_1232 : vector<1x16xf32> to vector<16xf32>
      %swap3A_1234 = vector.shape_cast %add3A_1229 : vector<16xf32> to vector<1x16xf32>
      tpu.vector_store %arg9[%swap3A_1230, %swap3A_1231], %swap3A_1234 {strides = array<i32>} : memref<16x1024xf32, #tpu.memory_space<vmem>>, vector<1x16xf32>,
      %scan3A_1235 = arith.constant 0 : i32
      scf.yield %scan3A_1235 : i32
    }
    %scan3A_194 = arith.constant 64 : i32
    %get3A_195 = arith.constant 20 : i32
    %get3A_196 = arith.index_cast %get3A_195 : i32 to index
    %get3A_197 = arith.constant 0 : index
    %get3A_198 = tpu.vector_load %arg8[%get3A_196, %get3A_197] {strides = array<i32>} : memref<32x128xf32, #tpu.memory_space<vmem>>, vector<1x16xf32>,
    %get3A_199 = vector.shape_cast %get3A_198 : vector<1x16xf32> to vector<16xf32>
    %get3A_200 = arith.constant 21 : i32
    %get3A_201 = arith.index_cast %get3A_200 : i32 to index
    %get3A_202 = arith.constant 0 : index
    %get3A_203 = tpu.vector_load %arg8[%get3A_201, %get3A_202] {strides = array<i32>} : memref<32x128xf32, #tpu.memory_space<vmem>>, vector<1x16xf32>,
    %get3A_204 = vector.shape_cast %get3A_203 : vector<1x16xf32> to vector<16xf32>
    %scan3A_205 = arith.constant 0 : i32
    %scan3A_206 = arith.constant 0 : i32
    %scan3A_207 = arith.constant 64 : i32
    %scan3A_208 = arith.addi %scan3A_206, %scan3A_207 : i32
    %scan3A_209 = arith.constant 1 : i32
    %scan3A_210 = scf.for %scan3A_1213 = %scan3A_206 to %scan3A_208 step %scan3A_209 iter_args(%scan3A_1214 = %scan3A_205) -> (i32)  : i32 {
      %mul3A_1215 = arith.constant 16 : i32
      %mul3A_1216 = arith.muli %scan3A_1213, %mul3A_1215 : i32
      %get3A_1217 = arith.constant 20 : i32
      %get3A_1218 = arith.index_cast %get3A_1217 : i32 to index
      %get3A_1219 = arith.index_cast %mul3A_1216 : i32 to index
      %get3A_1220 = tpu.vector_load %arg7[%get3A_1218, %get3A_1219] {strides = array<i32>} : memref<32x1024xf32, #tpu.memory_space<vmem>>, vector<1x16xf32>,
      %get3A_1221 = vector.shape_cast %get3A_1220 : vector<1x16xf32> to vector<16xf32>
      %mul3A_1222 = arith.mulf %get3A_199, %get3A_1221 : vector<16xf32>
      %get3A_1223 = arith.constant 21 : i32
      %get3A_1224 = arith.index_cast %get3A_1223 : i32 to index
      %get3A_1225 = arith.index_cast %mul3A_1216 : i32 to index
      %get3A_1226 = tpu.vector_load %arg7[%get3A_1224, %get3A_1225] {strides = array<i32>} : memref<32x1024xf32, #tpu.memory_space<vmem>>, vector<1x16xf32>,
      %get3A_1227 = vector.shape_cast %get3A_1226 : vector<1x16xf32> to vector<16xf32>
      %mul3A_1228 = arith.mulf %get3A_204, %get3A_1227 : vector<16xf32>
      %add3A_1229 = arith.addf %mul3A_1222, %mul3A_1228 : vector<16xf32>
      %swap3A = arith.constant 10 : i32
      %swap3A_1230 = arith.index_cast %swap3A : i32 to index
      %swap3A_1231 = arith.index_cast %mul3A_1216 : i32 to index
      %swap3A_1232 = tpu.vector_load %arg9[%swap3A_1230, %swap3A_1231] {strides = array<i32>} : memref<16x1024xf32, #tpu.memory_space<vmem>>, vector<1x16xf32>,
      %swap3A_1233 = vector.shape_cast %swap3A_1232 : vector<1x16xf32> to vector<16xf32>
      %swap3A_1234 = vector.shape_cast %add3A_1229 : vector<16xf32> to vector<1x16xf32>
      tpu.vector_store %arg9[%swap3A_1230, %swap3A_1231], %swap3A_1234 {strides = array<i32>} : memref<16x1024xf32, #tpu.memory_space<vmem>>, vector<1x16xf32>,
      %scan3A_1235 = arith.constant 0 : i32
      scf.yield %scan3A_1235 : i32
    }
    %scan3A_211 = arith.constant 64 : i32
    %get3A_212 = arith.constant 22 : i32
    %get3A_213 = arith.index_cast %get3A_212 : i32 to index
    %get3A_214 = arith.constant 0 : index
    %get3A_215 = tpu.vector_load %arg8[%get3A_213, %get3A_214] {strides = array<i32>} : memref<32x128xf32, #tpu.memory_space<vmem>>, vector<1x16xf32>,
    %get3A_216 = vector.shape_cast %get3A_215 : vector<1x16xf32> to vector<16xf32>
    %get3A_217 = arith.constant 23 : i32
    %get3A_218 = arith.index_cast %get3A_217 : i32 to index
    %get3A_219 = arith.constant 0 : index
    %get3A_220 = tpu.vector_load %arg8[%get3A_218, %get3A_219] {strides = array<i32>} : memref<32x128xf32, #tpu.memory_space<vmem>>, vector<1x16xf32>,
    %get3A_221 = vector.shape_cast %get3A_220 : vector<1x16xf32> to vector<16xf32>
    %scan3A_222 = arith.constant 0 : i32
    %scan3A_223 = arith.constant 0 : i32
    %scan3A_224 = arith.constant 64 : i32
    %scan3A_225 = arith.addi %scan3A_223, %scan3A_224 : i32
    %scan3A_226 = arith.constant 1 : i32
    %scan3A_227 = scf.for %scan3A_1213 = %scan3A_223 to %scan3A_225 step %scan3A_226 iter_args(%scan3A_1214 = %scan3A_222) -> (i32)  : i32 {
      %mul3A_1215 = arith.constant 16 : i32
      %mul3A_1216 = arith.muli %scan3A_1213, %mul3A_1215 : i32
      %get3A_1217 = arith.constant 22 : i32
      %get3A_1218 = arith.index_cast %get3A_1217 : i32 to index
      %get3A_1219 = arith.index_cast %mul3A_1216 : i32 to index
      %get3A_1220 = tpu.vector_load %arg7[%get3A_1218, %get3A_1219] {strides = array<i32>} : memref<32x1024xf32, #tpu.memory_space<vmem>>, vector<1x16xf32>,
      %get3A_1221 = vector.shape_cast %get3A_1220 : vector<1x16xf32> to vector<16xf32>
      %mul3A_1222 = arith.mulf %get3A_216, %get3A_1221 : vector<16xf32>
      %get3A_1223 = arith.constant 23 : i32
      %get3A_1224 = arith.index_cast %get3A_1223 : i32 to index
      %get3A_1225 = arith.index_cast %mul3A_1216 : i32 to index
      %get3A_1226 = tpu.vector_load %arg7[%get3A_1224, %get3A_1225] {strides = array<i32>} : memref<32x1024xf32, #tpu.memory_space<vmem>>, vector<1x16xf32>,
      %get3A_1227 = vector.shape_cast %get3A_1226 : vector<1x16xf32> to vector<16xf32>
      %mul3A_1228 = arith.mulf %get3A_221, %get3A_1227 : vector<16xf32>
      %add3A_1229 = arith.addf %mul3A_1222, %mul3A_1228 : vector<16xf32>
      %swap3A = arith.constant 11 : i32
      %swap3A_1230 = arith.index_cast %swap3A : i32 to index
      %swap3A_1231 = arith.index_cast %mul3A_1216 : i32 to index
      %swap3A_1232 = tpu.vector_load %arg9[%swap3A_1230, %swap3A_1231] {strides = array<i32>} : memref<16x1024xf32, #tpu.memory_space<vmem>>, vector<1x16xf32>,
      %swap3A_1233 = vector.shape_cast %swap3A_1232 : vector<1x16xf32> to vector<16xf32>
      %swap3A_1234 = vector.shape_cast %add3A_1229 : vector<16xf32> to vector<1x16xf32>
      tpu.vector_store %arg9[%swap3A_1230, %swap3A_1231], %swap3A_1234 {strides = array<i32>} : memref<16x1024xf32, #tpu.memory_space<vmem>>, vector<1x16xf32>,
      %scan3A_1235 = arith.constant 0 : i32
      scf.yield %scan3A_1235 : i32
    }
    %scan3A_228 = arith.constant 64 : i32
    %get3A_229 = arith.constant 24 : i32
    %get3A_230 = arith.index_cast %get3A_229 : i32 to index
    %get3A_231 = arith.constant 0 : index
    %get3A_232 = tpu.vector_load %arg8[%get3A_230, %get3A_231] {strides = array<i32>} : memref<32x128xf32, #tpu.memory_space<vmem>>, vector<1x16xf32>,
    %get3A_233 = vector.shape_cast %get3A_232 : vector<1x16xf32> to vector<16xf32>
    %get3A_234 = arith.constant 25 : i32
    %get3A_235 = arith.index_cast %get3A_234 : i32 to index
    %get3A_236 = arith.constant 0 : index
    %get3A_237 = tpu.vector_load %arg8[%get3A_235, %get3A_236] {strides = array<i32>} : memref<32x128xf32, #tpu.memory_space<vmem>>, vector<1x16xf32>,
    %get3A_238 = vector.shape_cast %get3A_237 : vector<1x16xf32> to vector<16xf32>
    %scan3A_239 = arith.constant 0 : i32
    %scan3A_240 = arith.constant 0 : i32
    %scan3A_241 = arith.constant 64 : i32
    %scan3A_242 = arith.addi %scan3A_240, %scan3A_241 : i32
    %scan3A_243 = arith.constant 1 : i32
    %scan3A_244 = scf.for %scan3A_1213 = %scan3A_240 to %scan3A_242 step %scan3A_243 iter_args(%scan3A_1214 = %scan3A_239) -> (i32)  : i32 {
      %mul3A_1215 = arith.constant 16 : i32
      %mul3A_1216 = arith.muli %scan3A_1213, %mul3A_1215 : i32
      %get3A_1217 = arith.constant 24 : i32
      %get3A_1218 = arith.index_cast %get3A_1217 : i32 to index
      %get3A_1219 = arith.index_cast %mul3A_1216 : i32 to index
      %get3A_1220 = tpu.vector_load %arg7[%get3A_1218, %get3A_1219] {strides = array<i32>} : memref<32x1024xf32, #tpu.memory_space<vmem>>, vector<1x16xf32>,
      %get3A_1221 = vector.shape_cast %get3A_1220 : vector<1x16xf32> to vector<16xf32>
      %mul3A_1222 = arith.mulf %get3A_233, %get3A_1221 : vector<16xf32>
      %get3A_1223 = arith.constant 25 : i32
      %get3A_1224 = arith.index_cast %get3A_1223 : i32 to index
      %get3A_1225 = arith.index_cast %mul3A_1216 : i32 to index
      %get3A_1226 = tpu.vector_load %arg7[%get3A_1224, %get3A_1225] {strides = array<i32>} : memref<32x1024xf32, #tpu.memory_space<vmem>>, vector<1x16xf32>,
      %get3A_1227 = vector.shape_cast %get3A_1226 : vector<1x16xf32> to vector<16xf32>
      %mul3A_1228 = arith.mulf %get3A_238, %get3A_1227 : vector<16xf32>
      %add3A_1229 = arith.addf %mul3A_1222, %mul3A_1228 : vector<16xf32>
      %swap3A = arith.constant 12 : i32
      %swap3A_1230 = arith.index_cast %swap3A : i32 to index
      %swap3A_1231 = arith.index_cast %mul3A_1216 : i32 to index
      %swap3A_1232 = tpu.vector_load %arg9[%swap3A_1230, %swap3A_1231] {strides = array<i32>} : memref<16x1024xf32, #tpu.memory_space<vmem>>, vector<1x16xf32>,
      %swap3A_1233 = vector.shape_cast %swap3A_1232 : vector<1x16xf32> to vector<16xf32>
      %swap3A_1234 = vector.shape_cast %add3A_1229 : vector<16xf32> to vector<1x16xf32>
      tpu.vector_store %arg9[%swap3A_1230, %swap3A_1231], %swap3A_1234 {strides = array<i32>} : memref<16x1024xf32, #tpu.memory_space<vmem>>, vector<1x16xf32>,
      %scan3A_1235 = arith.constant 0 : i32
      scf.yield %scan3A_1235 : i32
    }
    %scan3A_245 = arith.constant 64 : i32
    %get3A_246 = arith.constant 26 : i32
    %get3A_247 = arith.index_cast %get3A_246 : i32 to index
    %get3A_248 = arith.constant 0 : index
    %get3A_249 = tpu.vector_load %arg8[%get3A_247, %get3A_248] {strides = array<i32>} : memref<32x128xf32, #tpu.memory_space<vmem>>, vector<1x16xf32>,
    %get3A_250 = vector.shape_cast %get3A_249 : vector<1x16xf32> to vector<16xf32>
    %get3A_251 = arith.constant 27 : i32
    %get3A_252 = arith.index_cast %get3A_251 : i32 to index
    %get3A_253 = arith.constant 0 : index
    %get3A_254 = tpu.vector_load %arg8[%get3A_252, %get3A_253] {strides = array<i32>} : memref<32x128xf32, #tpu.memory_space<vmem>>, vector<1x16xf32>,
    %get3A_255 = vector.shape_cast %get3A_254 : vector<1x16xf32> to vector<16xf32>
    %scan3A_256 = arith.constant 0 : i32
    %scan3A_257 = arith.constant 0 : i32
    %scan3A_258 = arith.constant 64 : i32
    %scan3A_259 = arith.addi %scan3A_257, %scan3A_258 : i32
    %scan3A_260 = arith.constant 1 : i32
    %scan3A_261 = scf.for %scan3A_1213 = %scan3A_257 to %scan3A_259 step %scan3A_260 iter_args(%scan3A_1214 = %scan3A_256) -> (i32)  : i32 {
      %mul3A_1215 = arith.constant 16 : i32
      %mul3A_1216 = arith.muli %scan3A_1213, %mul3A_1215 : i32
      %get3A_1217 = arith.constant 26 : i32
      %get3A_1218 = arith.index_cast %get3A_1217 : i32 to index
      %get3A_1219 = arith.index_cast %mul3A_1216 : i32 to index
      %get3A_1220 = tpu.vector_load %arg7[%get3A_1218, %get3A_1219] {strides = array<i32>} : memref<32x1024xf32, #tpu.memory_space<vmem>>, vector<1x16xf32>,
      %get3A_1221 = vector.shape_cast %get3A_1220 : vector<1x16xf32> to vector<16xf32>
      %mul3A_1222 = arith.mulf %get3A_250, %get3A_1221 : vector<16xf32>
      %get3A_1223 = arith.constant 27 : i32
      %get3A_1224 = arith.index_cast %get3A_1223 : i32 to index
      %get3A_1225 = arith.index_cast %mul3A_1216 : i32 to index
      %get3A_1226 = tpu.vector_load %arg7[%get3A_1224, %get3A_1225] {strides = array<i32>} : memref<32x1024xf32, #tpu.memory_space<vmem>>, vector<1x16xf32>,
      %get3A_1227 = vector.shape_cast %get3A_1226 : vector<1x16xf32> to vector<16xf32>
      %mul3A_1228 = arith.mulf %get3A_255, %get3A_1227 : vector<16xf32>
      %add3A_1229 = arith.addf %mul3A_1222, %mul3A_1228 : vector<16xf32>
      %swap3A = arith.constant 13 : i32
      %swap3A_1230 = arith.index_cast %swap3A : i32 to index
      %swap3A_1231 = arith.index_cast %mul3A_1216 : i32 to index
      %swap3A_1232 = tpu.vector_load %arg9[%swap3A_1230, %swap3A_1231] {strides = array<i32>} : memref<16x1024xf32, #tpu.memory_space<vmem>>, vector<1x16xf32>,
      %swap3A_1233 = vector.shape_cast %swap3A_1232 : vector<1x16xf32> to vector<16xf32>
      %swap3A_1234 = vector.shape_cast %add3A_1229 : vector<16xf32> to vector<1x16xf32>
      tpu.vector_store %arg9[%swap3A_1230, %swap3A_1231], %swap3A_1234 {strides = array<i32>} : memref<16x1024xf32, #tpu.memory_space<vmem>>, vector<1x16xf32>,
      %scan3A_1235 = arith.constant 0 : i32
      scf.yield %scan3A_1235 : i32
    }
    %scan3A_262 = arith.constant 64 : i32
    %get3A_263 = arith.constant 28 : i32
    %get3A_264 = arith.index_cast %get3A_263 : i32 to index
    %get3A_265 = arith.constant 0 : index
    %get3A_266 = tpu.vector_load %arg8[%get3A_264, %get3A_265] {strides = array<i32>} : memref<32x128xf32, #tpu.memory_space<vmem>>, vector<1x16xf32>,
    %get3A_267 = vector.shape_cast %get3A_266 : vector<1x16xf32> to vector<16xf32>
    %get3A_268 = arith.constant 29 : i32
    %get3A_269 = arith.index_cast %get3A_268 : i32 to index
    %get3A_270 = arith.constant 0 : index
    %get3A_271 = tpu.vector_load %arg8[%get3A_269, %get3A_270] {strides = array<i32>} : memref<32x128xf32, #tpu.memory_space<vmem>>, vector<1x16xf32>,
    %get3A_272 = vector.shape_cast %get3A_271 : vector<1x16xf32> to vector<16xf32>
    %scan3A_273 = arith.constant 0 : i32
    %scan3A_274 = arith.constant 0 : i32
    %scan3A_275 = arith.constant 64 : i32
    %scan3A_276 = arith.addi %scan3A_274, %scan3A_275 : i32
    %scan3A_277 = arith.constant 1 : i32
    %scan3A_278 = scf.for %scan3A_1213 = %scan3A_274 to %scan3A_276 step %scan3A_277 iter_args(%scan3A_1214 = %scan3A_273) -> (i32)  : i32 {
      %mul3A_1215 = arith.constant 16 : i32
      %mul3A_1216 = arith.muli %scan3A_1213, %mul3A_1215 : i32
      %get3A_1217 = arith.constant 28 : i32
      %get3A_1218 = arith.index_cast %get3A_1217 : i32 to index
      %get3A_1219 = arith.index_cast %mul3A_1216 : i32 to index
      %get3A_1220 = tpu.vector_load %arg7[%get3A_1218, %get3A_1219] {strides = array<i32>} : memref<32x1024xf32, #tpu.memory_space<vmem>>, vector<1x16xf32>,
      %get3A_1221 = vector.shape_cast %get3A_1220 : vector<1x16xf32> to vector<16xf32>
      %mul3A_1222 = arith.mulf %get3A_267, %get3A_1221 : vector<16xf32>
      %get3A_1223 = arith.constant 29 : i32
      %get3A_1224 = arith.index_cast %get3A_1223 : i32 to index
      %get3A_1225 = arith.index_cast %mul3A_1216 : i32 to index
      %get3A_1226 = tpu.vector_load %arg7[%get3A_1224, %get3A_1225] {strides = array<i32>} : memref<32x1024xf32, #tpu.memory_space<vmem>>, vector<1x16xf32>,
      %get3A_1227 = vector.shape_cast %get3A_1226 : vector<1x16xf32> to vector<16xf32>
      %mul3A_1228 = arith.mulf %get3A_272, %get3A_1227 : vector<16xf32>
      %add3A_1229 = arith.addf %mul3A_1222, %mul3A_1228 : vector<16xf32>
      %swap3A = arith.constant 14 : i32
      %swap3A_1230 = arith.index_cast %swap3A : i32 to index
      %swap3A_1231 = arith.index_cast %mul3A_1216 : i32 to index
      %swap3A_1232 = tpu.vector_load %arg9[%swap3A_1230, %swap3A_1231] {strides = array<i32>} : memref<16x1024xf32, #tpu.memory_space<vmem>>, vector<1x16xf32>,
      %swap3A_1233 = vector.shape_cast %swap3A_1232 : vector<1x16xf32> to vector<16xf32>
      %swap3A_1234 = vector.shape_cast %add3A_1229 : vector<16xf32> to vector<1x16xf32>
      tpu.vector_store %arg9[%swap3A_1230, %swap3A_1231], %swap3A_1234 {strides = array<i32>} : memref<16x1024xf32, #tpu.memory_space<vmem>>, vector<1x16xf32>,
      %scan3A_1235 = arith.constant 0 : i32
      scf.yield %scan3A_1235 : i32
    }
    %scan3A_279 = arith.constant 64 : i32
    %get3A_280 = arith.constant 30 : i32
    %get3A_281 = arith.index_cast %get3A_280 : i32 to index
    %get3A_282 = arith.constant 0 : index
    %get3A_283 = tpu.vector_load %arg8[%get3A_281, %get3A_282] {strides = array<i32>} : memref<32x128xf32, #tpu.memory_space<vmem>>, vector<1x16xf32>,
    %get3A_284 = vector.shape_cast %get3A_283 : vector<1x16xf32> to vector<16xf32>
    %get3A_285 = arith.constant 31 : i32
    %get3A_286 = arith.index_cast %get3A_285 : i32 to index
    %get3A_287 = arith.constant 0 : index
    %get3A_288 = tpu.vector_load %arg8[%get3A_286, %get3A_287] {strides = array<i32>} : memref<32x128xf32, #tpu.memory_space<vmem>>, vector<1x16xf32>,
    %get3A_289 = vector.shape_cast %get3A_288 : vector<1x16xf32> to vector<16xf32>
    %scan3A_290 = arith.constant 0 : i32
    %scan3A_291 = arith.constant 0 : i32
    %scan3A_292 = arith.constant 64 : i32
    %scan3A_293 = arith.addi %scan3A_291, %scan3A_292 : i32
    %scan3A_294 = arith.constant 1 : i32
    %scan3A_295 = scf.for %scan3A_1213 = %scan3A_291 to %scan3A_293 step %scan3A_294 iter_args(%scan3A_1214 = %scan3A_290) -> (i32)  : i32 {
      %mul3A_1215 = arith.constant 16 : i32
      %mul3A_1216 = arith.muli %scan3A_1213, %mul3A_1215 : i32
      %get3A_1217 = arith.constant 30 : i32
      %get3A_1218 = arith.index_cast %get3A_1217 : i32 to index
      %get3A_1219 = arith.index_cast %mul3A_1216 : i32 to index
      %get3A_1220 = tpu.vector_load %arg7[%get3A_1218, %get3A_1219] {strides = array<i32>} : memref<32x1024xf32, #tpu.memory_space<vmem>>, vector<1x16xf32>,
      %get3A_1221 = vector.shape_cast %get3A_1220 : vector<1x16xf32> to vector<16xf32>
      %mul3A_1222 = arith.mulf %get3A_284, %get3A_1221 : vector<16xf32>
      %get3A_1223 = arith.constant 31 : i32
      %get3A_1224 = arith.index_cast %get3A_1223 : i32 to index
      %get3A_1225 = arith.index_cast %mul3A_1216 : i32 to index
      %get3A_1226 = tpu.vector_load %arg7[%get3A_1224, %get3A_1225] {strides = array<i32>} : memref<32x1024xf32, #tpu.memory_space<vmem>>, vector<1x16xf32>,
      %get3A_1227 = vector.shape_cast %get3A_1226 : vector<1x16xf32> to vector<16xf32>
      %mul3A_1228 = arith.mulf %get3A_289, %get3A_1227 : vector<16xf32>
      %add3A_1229 = arith.addf %mul3A_1222, %mul3A_1228 : vector<16xf32>
      %swap3A = arith.constant 15 : i32
      %swap3A_1230 = arith.index_cast %swap3A : i32 to index
      %swap3A_1231 = arith.index_cast %mul3A_1216 : i32 to index
      %swap3A_1232 = tpu.vector_load %arg9[%swap3A_1230, %swap3A_1231] {strides = array<i32>} : memref<16x1024xf32, #tpu.memory_space<vmem>>, vector<1x16xf32>,
      %swap3A_1233 = vector.shape_cast %swap3A_1232 : vector<1x16xf32> to vector<16xf32>
      %swap3A_1234 = vector.shape_cast %add3A_1229 : vector<16xf32> to vector<1x16xf32>
      tpu.vector_store %arg9[%swap3A_1230, %swap3A_1231], %swap3A_1234 {strides = array<i32>} : memref<16x1024xf32, #tpu.memory_space<vmem>>, vector<1x16xf32>,
      %scan3A_1235 = arith.constant 0 : i32
      scf.yield %scan3A_1235 : i32
    }
    %scan3A_296 = arith.constant 64 : i32
    %mul3A_297 = arith.constant 64 : i32
    %mul3A_298 = arith.muli %add3A, %mul3A_297 : i32
    %add3A_299 = arith.constant 0 : i32
    %add3A_300 = arith.addi %mul3A_298, %add3A_299 : i32
    "tpu.region"() ({
      %run_scoped3A = tpu.sem_alloc : memref<!tpu.dma_semaphore, #tpu.memory_space<semaphore_mem>>
      %dma_start3A_1213 = arith.constant 0 : i32
      %dma_start3A_1214 = tpu.memref_slice %arg5[%add3A_300, %dma_start3A_1213] : memref<2048x1024xf32, #tpu.memory_space<hbm>> -> memref<16x1024xf32, #tpu.memory_space<hbm>>
      %dma_start3A_1215 = arith.constant 0 : i32
      %dma_start3A_1216 = tpu.memref_slice %arg5[%add3A_300, %dma_start3A_1215] : memref<2048x1024xf32, #tpu.memory_space<hbm>> -> memref<16x1024xf32, #tpu.memory_space<hbm>>
      tpu.enqueue_dma source(%arg9 : memref<16x1024xf32, #tpu.memory_space<vmem>>) target(%dma_start3A_1216 : memref<16x1024xf32, #tpu.memory_space<hbm>>) target_semaphore(%run_scoped3A : memref<!tpu.dma_semaphore, #tpu.memory_space<semaphore_mem>>)
      %dma_wait3A_1217 = arith.constant 0 : i32
      %dma_wait3A_1218 = tpu.memref_slice %arg5[%add3A_300, %dma_wait3A_1217] : memref<2048x1024xf32, #tpu.memory_space<hbm>> -> memref<16x1024xf32, #tpu.memory_space<hbm>>
      %dma_wait3A_1219 = arith.constant 0 : i32
      %dma_wait3A_1220 = tpu.memref_slice %arg5[%add3A_300, %dma_wait3A_1219] : memref<2048x1024xf32, #tpu.memory_space<hbm>> -> memref<16x1024xf32, #tpu.memory_space<hbm>>
      tpu.wait_dma2 semaphore(%run_scoped3A : memref<!tpu.dma_semaphore, #tpu.memory_space<semaphore_mem>>) src(%arg9 : memref<16x1024xf32, #tpu.memory_space<vmem>>) dst(%dma_wait3A_1220 : memref<16x1024xf32, #tpu.memory_space<hbm>>)
      tpu.yield
    }) : () -> ()
    %dma_start3A_301 = arith.constant 1 : i32
    %dma_start3A_302 = arith.constant 0 : i32
    %dma_start3A_303 = tpu.memref_slice %arg6[%dma_start3A_301, %dma_start3A_302] : memref<4x32xi32, #tpu.memory_space<vmem>> -> memref<1x32xi32, #tpu.memory_space<vmem>>
    %dma_start3A_304 = tpu.memref_squeeze %dma_start3A_303 : memref<1x32xi32, #tpu.memory_space<vmem>> -> memref<32xi32, #tpu.memory_space<vmem>>
    %dma_start3A_305 = arith.constant 0 : i32
    %dma_start3A_306 = arith.constant 0 : i32
    %dma_start3A_307 = tpu.memref_slice %arg3[%dma_start3A_305, %dma_start3A_306] : memref<6144x128xf32, #tpu.memory_space<hbm>> -> memref<6144x128xf32, #tpu.memory_space<hbm>>
    tpu.enqueue_indirect_dma source(%dma_start3A_307 : memref<6144x128xf32, #tpu.memory_space<hbm>>) target(%arg8 : memref<32x128xf32, #tpu.memory_space<vmem>>) offsets(%dma_start3A_304 : memref<32xi32, #tpu.memory_space<vmem>>) semaphore(%arg11 : memref<!tpu.dma_semaphore, #tpu.memory_space<semaphore_mem>>)
    %dma_start3A_308 = arith.constant 1 : i32
    %dma_start3A_309 = arith.constant 0 : i32
    %dma_start3A_310 = tpu.memref_slice %arg6[%dma_start3A_308, %dma_start3A_309] : memref<4x32xi32, #tpu.memory_space<vmem>> -> memref<1x32xi32, #tpu.memory_space<vmem>>
    %dma_start3A_311 = tpu.memref_squeeze %dma_start3A_310 : memref<1x32xi32, #tpu.memory_space<vmem>> -> memref<32xi32, #tpu.memory_space<vmem>>
    %dma_start3A_312 = arith.constant 0 : i32
    %dma_start3A_313 = arith.constant 0 : i32
    %dma_start3A_314 = tpu.memref_slice %arg2[%dma_start3A_312, %dma_start3A_313] : memref<6144x1024xf32, #tpu.memory_space<hbm>> -> memref<6144x1024xf32, #tpu.memory_space<hbm>>
    tpu.enqueue_indirect_dma source(%dma_start3A_314 : memref<6144x1024xf32, #tpu.memory_space<hbm>>) target(%arg7 : memref<32x1024xf32, #tpu.memory_space<vmem>>) offsets(%dma_start3A_311 : memref<32xi32, #tpu.memory_space<vmem>>) semaphore(%arg10 : memref<!tpu.dma_semaphore, #tpu.memory_space<semaphore_mem>>)
    %dma_wait3A_315 = arith.constant 1 : i32
    %dma_wait3A_316 = arith.constant 0 : i32
    %dma_wait3A_317 = tpu.memref_slice %arg6[%dma_wait3A_315, %dma_wait3A_316] : memref<4x32xi32, #tpu.memory_space<vmem>> -> memref<1x32xi32, #tpu.memory_space<vmem>>
    %dma_wait3A_318 = tpu.memref_squeeze %dma_wait3A_317 : memref<1x32xi32, #tpu.memory_space<vmem>> -> memref<32xi32, #tpu.memory_space<vmem>>
    %dma_wait3A_319 = arith.constant 0 : i32
    %dma_wait3A_320 = arith.constant 0 : i32
    %dma_wait3A_321 = tpu.memref_slice %arg2[%dma_wait3A_319, %dma_wait3A_320] : memref<6144x1024xf32, #tpu.memory_space<hbm>> -> memref<6144x1024xf32, #tpu.memory_space<hbm>>
    tpu.wait_indirect_dma semaphore(%arg10 : memref<!tpu.dma_semaphore, #tpu.memory_space<semaphore_mem>>) src(%dma_wait3A_321 : memref<6144x1024xf32, #tpu.memory_space<hbm>>) dst(%arg7 : memref<32x1024xf32, #tpu.memory_space<vmem>>)
    %dma_wait3A_322 = arith.constant 1 : i32
    %dma_wait3A_323 = arith.constant 0 : i32
    %dma_wait3A_324 = tpu.memref_slice %arg6[%dma_wait3A_322, %dma_wait3A_323] : memref<4x32xi32, #tpu.memory_space<vmem>> -> memref<1x32xi32, #tpu.memory_space<vmem>>
    %dma_wait3A_325 = tpu.memref_squeeze %dma_wait3A_324 : memref<1x32xi32, #tpu.memory_space<vmem>> -> memref<32xi32, #tpu.memory_space<vmem>>
    %dma_wait3A_326 = arith.constant 0 : i32
    %dma_wait3A_327 = arith.constant 0 : i32
    %dma_wait3A_328 = tpu.memref_slice %arg3[%dma_wait3A_326, %dma_wait3A_327] : memref<6144x128xf32, #tpu.memory_space<hbm>> -> memref<6144x128xf32, #tpu.memory_space<hbm>>
    tpu.wait_indirect_dma semaphore(%arg11 : memref<!tpu.dma_semaphore, #tpu.memory_space<semaphore_mem>>) src(%dma_wait3A_328 : memref<6144x128xf32, #tpu.memory_space<hbm>>) dst(%arg8 : memref<32x128xf32, #tpu.memory_space<vmem>>)
    %get3A_329 = arith.constant 0 : i32
    %get3A_330 = arith.index_cast %get3A_329 : i32 to index
    %get3A_331 = arith.constant 0 : index
    %get3A_332 = tpu.vector_load %arg8[%get3A_330, %get3A_331] {strides = array<i32>} : memref<32x128xf32, #tpu.memory_space<vmem>>, vector<1x16xf32>,
    %get3A_333 = vector.shape_cast %get3A_332 : vector<1x16xf32> to vector<16xf32>
    %get3A_334 = arith.constant 1 : i32
    %get3A_335 = arith.index_cast %get3A_334 : i32 to index
    %get3A_336 = arith.constant 0 : index
    %get3A_337 = tpu.vector_load %arg8[%get3A_335, %get3A_336] {strides = array<i32>} : memref<32x128xf32, #tpu.memory_space<vmem>>, vector<1x16xf32>,
    %get3A_338 = vector.shape_cast %get3A_337 : vector<1x16xf32> to vector<16xf32>
    %scan3A_339 = arith.constant 0 : i32
    %scan3A_340 = arith.constant 0 : i32
    %scan3A_341 = arith.constant 64 : i32
    %scan3A_342 = arith.addi %scan3A_340, %scan3A_341 : i32
    %scan3A_343 = arith.constant 1 : i32
    %scan3A_344 = scf.for %scan3A_1213 = %scan3A_340 to %scan3A_342 step %scan3A_343 iter_args(%scan3A_1214 = %scan3A_339) -> (i32)  : i32 {
      %mul3A_1215 = arith.constant 16 : i32
      %mul3A_1216 = arith.muli %scan3A_1213, %mul3A_1215 : i32
      %get3A_1217 = arith.constant 0 : i32
      %get3A_1218 = arith.index_cast %get3A_1217 : i32 to index
      %get3A_1219 = arith.index_cast %mul3A_1216 : i32 to index
      %get3A_1220 = tpu.vector_load %arg7[%get3A_1218, %get3A_1219] {strides = array<i32>} : memref<32x1024xf32, #tpu.memory_space<vmem>>, vector<1x16xf32>,
      %get3A_1221 = vector.shape_cast %get3A_1220 : vector<1x16xf32> to vector<16xf32>
      %mul3A_1222 = arith.mulf %get3A_333, %get3A_1221 : vector<16xf32>
      %get3A_1223 = arith.constant 1 : i32
      %get3A_1224 = arith.index_cast %get3A_1223 : i32 to index
      %get3A_1225 = arith.index_cast %mul3A_1216 : i32 to index
      %get3A_1226 = tpu.vector_load %arg7[%get3A_1224, %get3A_1225] {strides = array<i32>} : memref<32x1024xf32, #tpu.memory_space<vmem>>, vector<1x16xf32>,
      %get3A_1227 = vector.shape_cast %get3A_1226 : vector<1x16xf32> to vector<16xf32>
      %mul3A_1228 = arith.mulf %get3A_338, %get3A_1227 : vector<16xf32>
      %add3A_1229 = arith.addf %mul3A_1222, %mul3A_1228 : vector<16xf32>
      %swap3A = arith.constant 0 : i32
      %swap3A_1230 = arith.index_cast %swap3A : i32 to index
      %swap3A_1231 = arith.index_cast %mul3A_1216 : i32 to index
      %swap3A_1232 = tpu.vector_load %arg9[%swap3A_1230, %swap3A_1231] {strides = array<i32>} : memref<16x1024xf32, #tpu.memory_space<vmem>>, vector<1x16xf32>,
      %swap3A_1233 = vector.shape_cast %swap3A_1232 : vector<1x16xf32> to vector<16xf32>
      %swap3A_1234 = vector.shape_cast %add3A_1229 : vector<16xf32> to vector<1x16xf32>
      tpu.vector_store %arg9[%swap3A_1230, %swap3A_1231], %swap3A_1234 {strides = array<i32>} : memref<16x1024xf32, #tpu.memory_space<vmem>>, vector<1x16xf32>,
      %scan3A_1235 = arith.constant 0 : i32
      scf.yield %scan3A_1235 : i32
    }
    %scan3A_345 = arith.constant 64 : i32
    %get3A_346 = arith.constant 2 : i32
    %get3A_347 = arith.index_cast %get3A_346 : i32 to index
    %get3A_348 = arith.constant 0 : index
    %get3A_349 = tpu.vector_load %arg8[%get3A_347, %get3A_348] {strides = array<i32>} : memref<32x128xf32, #tpu.memory_space<vmem>>, vector<1x16xf32>,
    %get3A_350 = vector.shape_cast %get3A_349 : vector<1x16xf32> to vector<16xf32>
    %get3A_351 = arith.constant 3 : i32
    %get3A_352 = arith.index_cast %get3A_351 : i32 to index
    %get3A_353 = arith.constant 0 : index
    %get3A_354 = tpu.vector_load %arg8[%get3A_352, %get3A_353] {strides = array<i32>} : memref<32x128xf32, #tpu.memory_space<vmem>>, vector<1x16xf32>,
    %get3A_355 = vector.shape_cast %get3A_354 : vector<1x16xf32> to vector<16xf32>
    %scan3A_356 = arith.constant 0 : i32
    %scan3A_357 = arith.constant 0 : i32
    %scan3A_358 = arith.constant 64 : i32
    %scan3A_359 = arith.addi %scan3A_357, %scan3A_358 : i32
    %scan3A_360 = arith.constant 1 : i32
    %scan3A_361 = scf.for %scan3A_1213 = %scan3A_357 to %scan3A_359 step %scan3A_360 iter_args(%scan3A_1214 = %scan3A_356) -> (i32)  : i32 {
      %mul3A_1215 = arith.constant 16 : i32
      %mul3A_1216 = arith.muli %scan3A_1213, %mul3A_1215 : i32
      %get3A_1217 = arith.constant 2 : i32
      %get3A_1218 = arith.index_cast %get3A_1217 : i32 to index
      %get3A_1219 = arith.index_cast %mul3A_1216 : i32 to index
      %get3A_1220 = tpu.vector_load %arg7[%get3A_1218, %get3A_1219] {strides = array<i32>} : memref<32x1024xf32, #tpu.memory_space<vmem>>, vector<1x16xf32>,
      %get3A_1221 = vector.shape_cast %get3A_1220 : vector<1x16xf32> to vector<16xf32>
      %mul3A_1222 = arith.mulf %get3A_350, %get3A_1221 : vector<16xf32>
      %get3A_1223 = arith.constant 3 : i32
      %get3A_1224 = arith.index_cast %get3A_1223 : i32 to index
      %get3A_1225 = arith.index_cast %mul3A_1216 : i32 to index
      %get3A_1226 = tpu.vector_load %arg7[%get3A_1224, %get3A_1225] {strides = array<i32>} : memref<32x1024xf32, #tpu.memory_space<vmem>>, vector<1x16xf32>,
      %get3A_1227 = vector.shape_cast %get3A_1226 : vector<1x16xf32> to vector<16xf32>
      %mul3A_1228 = arith.mulf %get3A_355, %get3A_1227 : vector<16xf32>
      %add3A_1229 = arith.addf %mul3A_1222, %mul3A_1228 : vector<16xf32>
      %swap3A = arith.constant 1 : i32
      %swap3A_1230 = arith.index_cast %swap3A : i32 to index
      %swap3A_1231 = arith.index_cast %mul3A_1216 : i32 to index
      %swap3A_1232 = tpu.vector_load %arg9[%swap3A_1230, %swap3A_1231] {strides = array<i32>} : memref<16x1024xf32, #tpu.memory_space<vmem>>, vector<1x16xf32>,
      %swap3A_1233 = vector.shape_cast %swap3A_1232 : vector<1x16xf32> to vector<16xf32>
      %swap3A_1234 = vector.shape_cast %add3A_1229 : vector<16xf32> to vector<1x16xf32>
      tpu.vector_store %arg9[%swap3A_1230, %swap3A_1231], %swap3A_1234 {strides = array<i32>} : memref<16x1024xf32, #tpu.memory_space<vmem>>, vector<1x16xf32>,
      %scan3A_1235 = arith.constant 0 : i32
      scf.yield %scan3A_1235 : i32
    }
    %scan3A_362 = arith.constant 64 : i32
    %get3A_363 = arith.constant 4 : i32
    %get3A_364 = arith.index_cast %get3A_363 : i32 to index
    %get3A_365 = arith.constant 0 : index
    %get3A_366 = tpu.vector_load %arg8[%get3A_364, %get3A_365] {strides = array<i32>} : memref<32x128xf32, #tpu.memory_space<vmem>>, vector<1x16xf32>,
    %get3A_367 = vector.shape_cast %get3A_366 : vector<1x16xf32> to vector<16xf32>
    %get3A_368 = arith.constant 5 : i32
    %get3A_369 = arith.index_cast %get3A_368 : i32 to index
    %get3A_370 = arith.constant 0 : index
    %get3A_371 = tpu.vector_load %arg8[%get3A_369, %get3A_370] {strides = array<i32>} : memref<32x128xf32, #tpu.memory_space<vmem>>, vector<1x16xf32>,
    %get3A_372 = vector.shape_cast %get3A_371 : vector<1x16xf32> to vector<16xf32>
    %scan3A_373 = arith.constant 0 : i32
    %scan3A_374 = arith.constant 0 : i32
    %scan3A_375 = arith.constant 64 : i32
    %scan3A_376 = arith.addi %scan3A_374, %scan3A_375 : i32
    %scan3A_377 = arith.constant 1 : i32
    %scan3A_378 = scf.for %scan3A_1213 = %scan3A_374 to %scan3A_376 step %scan3A_377 iter_args(%scan3A_1214 = %scan3A_373) -> (i32)  : i32 {
      %mul3A_1215 = arith.constant 16 : i32
      %mul3A_1216 = arith.muli %scan3A_1213, %mul3A_1215 : i32
      %get3A_1217 = arith.constant 4 : i32
      %get3A_1218 = arith.index_cast %get3A_1217 : i32 to index
      %get3A_1219 = arith.index_cast %mul3A_1216 : i32 to index
      %get3A_1220 = tpu.vector_load %arg7[%get3A_1218, %get3A_1219] {strides = array<i32>} : memref<32x1024xf32, #tpu.memory_space<vmem>>, vector<1x16xf32>,
      %get3A_1221 = vector.shape_cast %get3A_1220 : vector<1x16xf32> to vector<16xf32>
      %mul3A_1222 = arith.mulf %get3A_367, %get3A_1221 : vector<16xf32>
      %get3A_1223 = arith.constant 5 : i32
      %get3A_1224 = arith.index_cast %get3A_1223 : i32 to index
      %get3A_1225 = arith.index_cast %mul3A_1216 : i32 to index
      %get3A_1226 = tpu.vector_load %arg7[%get3A_1224, %get3A_1225] {strides = array<i32>} : memref<32x1024xf32, #tpu.memory_space<vmem>>, vector<1x16xf32>,
      %get3A_1227 = vector.shape_cast %get3A_1226 : vector<1x16xf32> to vector<16xf32>
      %mul3A_1228 = arith.mulf %get3A_372, %get3A_1227 : vector<16xf32>
      %add3A_1229 = arith.addf %mul3A_1222, %mul3A_1228 : vector<16xf32>
      %swap3A = arith.constant 2 : i32
      %swap3A_1230 = arith.index_cast %swap3A : i32 to index
      %swap3A_1231 = arith.index_cast %mul3A_1216 : i32 to index
      %swap3A_1232 = tpu.vector_load %arg9[%swap3A_1230, %swap3A_1231] {strides = array<i32>} : memref<16x1024xf32, #tpu.memory_space<vmem>>, vector<1x16xf32>,
      %swap3A_1233 = vector.shape_cast %swap3A_1232 : vector<1x16xf32> to vector<16xf32>
      %swap3A_1234 = vector.shape_cast %add3A_1229 : vector<16xf32> to vector<1x16xf32>
      tpu.vector_store %arg9[%swap3A_1230, %swap3A_1231], %swap3A_1234 {strides = array<i32>} : memref<16x1024xf32, #tpu.memory_space<vmem>>, vector<1x16xf32>,
      %scan3A_1235 = arith.constant 0 : i32
      scf.yield %scan3A_1235 : i32
    }
    %scan3A_379 = arith.constant 64 : i32
    %get3A_380 = arith.constant 6 : i32
    %get3A_381 = arith.index_cast %get3A_380 : i32 to index
    %get3A_382 = arith.constant 0 : index
    %get3A_383 = tpu.vector_load %arg8[%get3A_381, %get3A_382] {strides = array<i32>} : memref<32x128xf32, #tpu.memory_space<vmem>>, vector<1x16xf32>,
    %get3A_384 = vector.shape_cast %get3A_383 : vector<1x16xf32> to vector<16xf32>
    %get3A_385 = arith.constant 7 : i32
    %get3A_386 = arith.index_cast %get3A_385 : i32 to index
    %get3A_387 = arith.constant 0 : index
    %get3A_388 = tpu.vector_load %arg8[%get3A_386, %get3A_387] {strides = array<i32>} : memref<32x128xf32, #tpu.memory_space<vmem>>, vector<1x16xf32>,
    %get3A_389 = vector.shape_cast %get3A_388 : vector<1x16xf32> to vector<16xf32>
    %scan3A_390 = arith.constant 0 : i32
    %scan3A_391 = arith.constant 0 : i32
    %scan3A_392 = arith.constant 64 : i32
    %scan3A_393 = arith.addi %scan3A_391, %scan3A_392 : i32
    %scan3A_394 = arith.constant 1 : i32
    %scan3A_395 = scf.for %scan3A_1213 = %scan3A_391 to %scan3A_393 step %scan3A_394 iter_args(%scan3A_1214 = %scan3A_390) -> (i32)  : i32 {
      %mul3A_1215 = arith.constant 16 : i32
      %mul3A_1216 = arith.muli %scan3A_1213, %mul3A_1215 : i32
      %get3A_1217 = arith.constant 6 : i32
      %get3A_1218 = arith.index_cast %get3A_1217 : i32 to index
      %get3A_1219 = arith.index_cast %mul3A_1216 : i32 to index
      %get3A_1220 = tpu.vector_load %arg7[%get3A_1218, %get3A_1219] {strides = array<i32>} : memref<32x1024xf32, #tpu.memory_space<vmem>>, vector<1x16xf32>,
      %get3A_1221 = vector.shape_cast %get3A_1220 : vector<1x16xf32> to vector<16xf32>
      %mul3A_1222 = arith.mulf %get3A_384, %get3A_1221 : vector<16xf32>
      %get3A_1223 = arith.constant 7 : i32
      %get3A_1224 = arith.index_cast %get3A_1223 : i32 to index
      %get3A_1225 = arith.index_cast %mul3A_1216 : i32 to index
      %get3A_1226 = tpu.vector_load %arg7[%get3A_1224, %get3A_1225] {strides = array<i32>} : memref<32x1024xf32, #tpu.memory_space<vmem>>, vector<1x16xf32>,
      %get3A_1227 = vector.shape_cast %get3A_1226 : vector<1x16xf32> to vector<16xf32>
      %mul3A_1228 = arith.mulf %get3A_389, %get3A_1227 : vector<16xf32>
      %add3A_1229 = arith.addf %mul3A_1222, %mul3A_1228 : vector<16xf32>
      %swap3A = arith.constant 3 : i32
      %swap3A_1230 = arith.index_cast %swap3A : i32 to index
      %swap3A_1231 = arith.index_cast %mul3A_1216 : i32 to index
      %swap3A_1232 = tpu.vector_load %arg9[%swap3A_1230, %swap3A_1231] {strides = array<i32>} : memref<16x1024xf32, #tpu.memory_space<vmem>>, vector<1x16xf32>,
      %swap3A_1233 = vector.shape_cast %swap3A_1232 : vector<1x16xf32> to vector<16xf32>
      %swap3A_1234 = vector.shape_cast %add3A_1229 : vector<16xf32> to vector<1x16xf32>
      tpu.vector_store %arg9[%swap3A_1230, %swap3A_1231], %swap3A_1234 {strides = array<i32>} : memref<16x1024xf32, #tpu.memory_space<vmem>>, vector<1x16xf32>,
      %scan3A_1235 = arith.constant 0 : i32
      scf.yield %scan3A_1235 : i32
    }
    %scan3A_396 = arith.constant 64 : i32
    %get3A_397 = arith.constant 8 : i32
    %get3A_398 = arith.index_cast %get3A_397 : i32 to index
    %get3A_399 = arith.constant 0 : index
    %get3A_400 = tpu.vector_load %arg8[%get3A_398, %get3A_399] {strides = array<i32>} : memref<32x128xf32, #tpu.memory_space<vmem>>, vector<1x16xf32>,
    %get3A_401 = vector.shape_cast %get3A_400 : vector<1x16xf32> to vector<16xf32>
    %get3A_402 = arith.constant 9 : i32
    %get3A_403 = arith.index_cast %get3A_402 : i32 to index
    %get3A_404 = arith.constant 0 : index
    %get3A_405 = tpu.vector_load %arg8[%get3A_403, %get3A_404] {strides = array<i32>} : memref<32x128xf32, #tpu.memory_space<vmem>>, vector<1x16xf32>,
    %get3A_406 = vector.shape_cast %get3A_405 : vector<1x16xf32> to vector<16xf32>
    %scan3A_407 = arith.constant 0 : i32
    %scan3A_408 = arith.constant 0 : i32
    %scan3A_409 = arith.constant 64 : i32
    %scan3A_410 = arith.addi %scan3A_408, %scan3A_409 : i32
    %scan3A_411 = arith.constant 1 : i32
    %scan3A_412 = scf.for %scan3A_1213 = %scan3A_408 to %scan3A_410 step %scan3A_411 iter_args(%scan3A_1214 = %scan3A_407) -> (i32)  : i32 {
      %mul3A_1215 = arith.constant 16 : i32
      %mul3A_1216 = arith.muli %scan3A_1213, %mul3A_1215 : i32
      %get3A_1217 = arith.constant 8 : i32
      %get3A_1218 = arith.index_cast %get3A_1217 : i32 to index
      %get3A_1219 = arith.index_cast %mul3A_1216 : i32 to index
      %get3A_1220 = tpu.vector_load %arg7[%get3A_1218, %get3A_1219] {strides = array<i32>} : memref<32x1024xf32, #tpu.memory_space<vmem>>, vector<1x16xf32>,
      %get3A_1221 = vector.shape_cast %get3A_1220 : vector<1x16xf32> to vector<16xf32>
      %mul3A_1222 = arith.mulf %get3A_401, %get3A_1221 : vector<16xf32>
      %get3A_1223 = arith.constant 9 : i32
      %get3A_1224 = arith.index_cast %get3A_1223 : i32 to index
      %get3A_1225 = arith.index_cast %mul3A_1216 : i32 to index
      %get3A_1226 = tpu.vector_load %arg7[%get3A_1224, %get3A_1225] {strides = array<i32>} : memref<32x1024xf32, #tpu.memory_space<vmem>>, vector<1x16xf32>,
      %get3A_1227 = vector.shape_cast %get3A_1226 : vector<1x16xf32> to vector<16xf32>
      %mul3A_1228 = arith.mulf %get3A_406, %get3A_1227 : vector<16xf32>
      %add3A_1229 = arith.addf %mul3A_1222, %mul3A_1228 : vector<16xf32>
      %swap3A = arith.constant 4 : i32
      %swap3A_1230 = arith.index_cast %swap3A : i32 to index
      %swap3A_1231 = arith.index_cast %mul3A_1216 : i32 to index
      %swap3A_1232 = tpu.vector_load %arg9[%swap3A_1230, %swap3A_1231] {strides = array<i32>} : memref<16x1024xf32, #tpu.memory_space<vmem>>, vector<1x16xf32>,
      %swap3A_1233 = vector.shape_cast %swap3A_1232 : vector<1x16xf32> to vector<16xf32>
      %swap3A_1234 = vector.shape_cast %add3A_1229 : vector<16xf32> to vector<1x16xf32>
      tpu.vector_store %arg9[%swap3A_1230, %swap3A_1231], %swap3A_1234 {strides = array<i32>} : memref<16x1024xf32, #tpu.memory_space<vmem>>, vector<1x16xf32>,
      %scan3A_1235 = arith.constant 0 : i32
      scf.yield %scan3A_1235 : i32
    }
    %scan3A_413 = arith.constant 64 : i32
    %get3A_414 = arith.constant 10 : i32
    %get3A_415 = arith.index_cast %get3A_414 : i32 to index
    %get3A_416 = arith.constant 0 : index
    %get3A_417 = tpu.vector_load %arg8[%get3A_415, %get3A_416] {strides = array<i32>} : memref<32x128xf32, #tpu.memory_space<vmem>>, vector<1x16xf32>,
    %get3A_418 = vector.shape_cast %get3A_417 : vector<1x16xf32> to vector<16xf32>
    %get3A_419 = arith.constant 11 : i32
    %get3A_420 = arith.index_cast %get3A_419 : i32 to index
    %get3A_421 = arith.constant 0 : index
    %get3A_422 = tpu.vector_load %arg8[%get3A_420, %get3A_421] {strides = array<i32>} : memref<32x128xf32, #tpu.memory_space<vmem>>, vector<1x16xf32>,
    %get3A_423 = vector.shape_cast %get3A_422 : vector<1x16xf32> to vector<16xf32>
    %scan3A_424 = arith.constant 0 : i32
    %scan3A_425 = arith.constant 0 : i32
    %scan3A_426 = arith.constant 64 : i32
    %scan3A_427 = arith.addi %scan3A_425, %scan3A_426 : i32
    %scan3A_428 = arith.constant 1 : i32
    %scan3A_429 = scf.for %scan3A_1213 = %scan3A_425 to %scan3A_427 step %scan3A_428 iter_args(%scan3A_1214 = %scan3A_424) -> (i32)  : i32 {
      %mul3A_1215 = arith.constant 16 : i32
      %mul3A_1216 = arith.muli %scan3A_1213, %mul3A_1215 : i32
      %get3A_1217 = arith.constant 10 : i32
      %get3A_1218 = arith.index_cast %get3A_1217 : i32 to index
      %get3A_1219 = arith.index_cast %mul3A_1216 : i32 to index
      %get3A_1220 = tpu.vector_load %arg7[%get3A_1218, %get3A_1219] {strides = array<i32>} : memref<32x1024xf32, #tpu.memory_space<vmem>>, vector<1x16xf32>,
      %get3A_1221 = vector.shape_cast %get3A_1220 : vector<1x16xf32> to vector<16xf32>
      %mul3A_1222 = arith.mulf %get3A_418, %get3A_1221 : vector<16xf32>
      %get3A_1223 = arith.constant 11 : i32
      %get3A_1224 = arith.index_cast %get3A_1223 : i32 to index
      %get3A_1225 = arith.index_cast %mul3A_1216 : i32 to index
      %get3A_1226 = tpu.vector_load %arg7[%get3A_1224, %get3A_1225] {strides = array<i32>} : memref<32x1024xf32, #tpu.memory_space<vmem>>, vector<1x16xf32>,
      %get3A_1227 = vector.shape_cast %get3A_1226 : vector<1x16xf32> to vector<16xf32>
      %mul3A_1228 = arith.mulf %get3A_423, %get3A_1227 : vector<16xf32>
      %add3A_1229 = arith.addf %mul3A_1222, %mul3A_1228 : vector<16xf32>
      %swap3A = arith.constant 5 : i32
      %swap3A_1230 = arith.index_cast %swap3A : i32 to index
      %swap3A_1231 = arith.index_cast %mul3A_1216 : i32 to index
      %swap3A_1232 = tpu.vector_load %arg9[%swap3A_1230, %swap3A_1231] {strides = array<i32>} : memref<16x1024xf32, #tpu.memory_space<vmem>>, vector<1x16xf32>,
      %swap3A_1233 = vector.shape_cast %swap3A_1232 : vector<1x16xf32> to vector<16xf32>
      %swap3A_1234 = vector.shape_cast %add3A_1229 : vector<16xf32> to vector<1x16xf32>
      tpu.vector_store %arg9[%swap3A_1230, %swap3A_1231], %swap3A_1234 {strides = array<i32>} : memref<16x1024xf32, #tpu.memory_space<vmem>>, vector<1x16xf32>,
      %scan3A_1235 = arith.constant 0 : i32
      scf.yield %scan3A_1235 : i32
    }
    %scan3A_430 = arith.constant 64 : i32
    %get3A_431 = arith.constant 12 : i32
    %get3A_432 = arith.index_cast %get3A_431 : i32 to index
    %get3A_433 = arith.constant 0 : index
    %get3A_434 = tpu.vector_load %arg8[%get3A_432, %get3A_433] {strides = array<i32>} : memref<32x128xf32, #tpu.memory_space<vmem>>, vector<1x16xf32>,
    %get3A_435 = vector.shape_cast %get3A_434 : vector<1x16xf32> to vector<16xf32>
    %get3A_436 = arith.constant 13 : i32
    %get3A_437 = arith.index_cast %get3A_436 : i32 to index
    %get3A_438 = arith.constant 0 : index
    %get3A_439 = tpu.vector_load %arg8[%get3A_437, %get3A_438] {strides = array<i32>} : memref<32x128xf32, #tpu.memory_space<vmem>>, vector<1x16xf32>,
    %get3A_440 = vector.shape_cast %get3A_439 : vector<1x16xf32> to vector<16xf32>
    %scan3A_441 = arith.constant 0 : i32
    %scan3A_442 = arith.constant 0 : i32
    %scan3A_443 = arith.constant 64 : i32
    %scan3A_444 = arith.addi %scan3A_442, %scan3A_443 : i32
    %scan3A_445 = arith.constant 1 : i32
    %scan3A_446 = scf.for %scan3A_1213 = %scan3A_442 to %scan3A_444 step %scan3A_445 iter_args(%scan3A_1214 = %scan3A_441) -> (i32)  : i32 {
      %mul3A_1215 = arith.constant 16 : i32
      %mul3A_1216 = arith.muli %scan3A_1213, %mul3A_1215 : i32
      %get3A_1217 = arith.constant 12 : i32
      %get3A_1218 = arith.index_cast %get3A_1217 : i32 to index
      %get3A_1219 = arith.index_cast %mul3A_1216 : i32 to index
      %get3A_1220 = tpu.vector_load %arg7[%get3A_1218, %get3A_1219] {strides = array<i32>} : memref<32x1024xf32, #tpu.memory_space<vmem>>, vector<1x16xf32>,
      %get3A_1221 = vector.shape_cast %get3A_1220 : vector<1x16xf32> to vector<16xf32>
      %mul3A_1222 = arith.mulf %get3A_435, %get3A_1221 : vector<16xf32>
      %get3A_1223 = arith.constant 13 : i32
      %get3A_1224 = arith.index_cast %get3A_1223 : i32 to index
      %get3A_1225 = arith.index_cast %mul3A_1216 : i32 to index
      %get3A_1226 = tpu.vector_load %arg7[%get3A_1224, %get3A_1225] {strides = array<i32>} : memref<32x1024xf32, #tpu.memory_space<vmem>>, vector<1x16xf32>,
      %get3A_1227 = vector.shape_cast %get3A_1226 : vector<1x16xf32> to vector<16xf32>
      %mul3A_1228 = arith.mulf %get3A_440, %get3A_1227 : vector<16xf32>
      %add3A_1229 = arith.addf %mul3A_1222, %mul3A_1228 : vector<16xf32>
      %swap3A = arith.constant 6 : i32
      %swap3A_1230 = arith.index_cast %swap3A : i32 to index
      %swap3A_1231 = arith.index_cast %mul3A_1216 : i32 to index
      %swap3A_1232 = tpu.vector_load %arg9[%swap3A_1230, %swap3A_1231] {strides = array<i32>} : memref<16x1024xf32, #tpu.memory_space<vmem>>, vector<1x16xf32>,
      %swap3A_1233 = vector.shape_cast %swap3A_1232 : vector<1x16xf32> to vector<16xf32>
      %swap3A_1234 = vector.shape_cast %add3A_1229 : vector<16xf32> to vector<1x16xf32>
      tpu.vector_store %arg9[%swap3A_1230, %swap3A_1231], %swap3A_1234 {strides = array<i32>} : memref<16x1024xf32, #tpu.memory_space<vmem>>, vector<1x16xf32>,
      %scan3A_1235 = arith.constant 0 : i32
      scf.yield %scan3A_1235 : i32
    }
    %scan3A_447 = arith.constant 64 : i32
    %get3A_448 = arith.constant 14 : i32
    %get3A_449 = arith.index_cast %get3A_448 : i32 to index
    %get3A_450 = arith.constant 0 : index
    %get3A_451 = tpu.vector_load %arg8[%get3A_449, %get3A_450] {strides = array<i32>} : memref<32x128xf32, #tpu.memory_space<vmem>>, vector<1x16xf32>,
    %get3A_452 = vector.shape_cast %get3A_451 : vector<1x16xf32> to vector<16xf32>
    %get3A_453 = arith.constant 15 : i32
    %get3A_454 = arith.index_cast %get3A_453 : i32 to index
    %get3A_455 = arith.constant 0 : index
    %get3A_456 = tpu.vector_load %arg8[%get3A_454, %get3A_455] {strides = array<i32>} : memref<32x128xf32, #tpu.memory_space<vmem>>, vector<1x16xf32>,
    %get3A_457 = vector.shape_cast %get3A_456 : vector<1x16xf32> to vector<16xf32>
    %scan3A_458 = arith.constant 0 : i32
    %scan3A_459 = arith.constant 0 : i32
    %scan3A_460 = arith.constant 64 : i32
    %scan3A_461 = arith.addi %scan3A_459, %scan3A_460 : i32
    %scan3A_462 = arith.constant 1 : i32
    %scan3A_463 = scf.for %scan3A_1213 = %scan3A_459 to %scan3A_461 step %scan3A_462 iter_args(%scan3A_1214 = %scan3A_458) -> (i32)  : i32 {
      %mul3A_1215 = arith.constant 16 : i32
      %mul3A_1216 = arith.muli %scan3A_1213, %mul3A_1215 : i32
      %get3A_1217 = arith.constant 14 : i32
      %get3A_1218 = arith.index_cast %get3A_1217 : i32 to index
      %get3A_1219 = arith.index_cast %mul3A_1216 : i32 to index
      %get3A_1220 = tpu.vector_load %arg7[%get3A_1218, %get3A_1219] {strides = array<i32>} : memref<32x1024xf32, #tpu.memory_space<vmem>>, vector<1x16xf32>,
      %get3A_1221 = vector.shape_cast %get3A_1220 : vector<1x16xf32> to vector<16xf32>
      %mul3A_1222 = arith.mulf %get3A_452, %get3A_1221 : vector<16xf32>
      %get3A_1223 = arith.constant 15 : i32
      %get3A_1224 = arith.index_cast %get3A_1223 : i32 to index
      %get3A_1225 = arith.index_cast %mul3A_1216 : i32 to index
      %get3A_1226 = tpu.vector_load %arg7[%get3A_1224, %get3A_1225] {strides = array<i32>} : memref<32x1024xf32, #tpu.memory_space<vmem>>, vector<1x16xf32>,
      %get3A_1227 = vector.shape_cast %get3A_1226 : vector<1x16xf32> to vector<16xf32>
      %mul3A_1228 = arith.mulf %get3A_457, %get3A_1227 : vector<16xf32>
      %add3A_1229 = arith.addf %mul3A_1222, %mul3A_1228 : vector<16xf32>
      %swap3A = arith.constant 7 : i32
      %swap3A_1230 = arith.index_cast %swap3A : i32 to index
      %swap3A_1231 = arith.index_cast %mul3A_1216 : i32 to index
      %swap3A_1232 = tpu.vector_load %arg9[%swap3A_1230, %swap3A_1231] {strides = array<i32>} : memref<16x1024xf32, #tpu.memory_space<vmem>>, vector<1x16xf32>,
      %swap3A_1233 = vector.shape_cast %swap3A_1232 : vector<1x16xf32> to vector<16xf32>
      %swap3A_1234 = vector.shape_cast %add3A_1229 : vector<16xf32> to vector<1x16xf32>
      tpu.vector_store %arg9[%swap3A_1230, %swap3A_1231], %swap3A_1234 {strides = array<i32>} : memref<16x1024xf32, #tpu.memory_space<vmem>>, vector<1x16xf32>,
      %scan3A_1235 = arith.constant 0 : i32
      scf.yield %scan3A_1235 : i32
    }
    %scan3A_464 = arith.constant 64 : i32
    %get3A_465 = arith.constant 16 : i32
    %get3A_466 = arith.index_cast %get3A_465 : i32 to index
    %get3A_467 = arith.constant 0 : index
    %get3A_468 = tpu.vector_load %arg8[%get3A_466, %get3A_467] {strides = array<i32>} : memref<32x128xf32, #tpu.memory_space<vmem>>, vector<1x16xf32>,
    %get3A_469 = vector.shape_cast %get3A_468 : vector<1x16xf32> to vector<16xf32>
    %get3A_470 = arith.constant 17 : i32
    %get3A_471 = arith.index_cast %get3A_470 : i32 to index
    %get3A_472 = arith.constant 0 : index
    %get3A_473 = tpu.vector_load %arg8[%get3A_471, %get3A_472] {strides = array<i32>} : memref<32x128xf32, #tpu.memory_space<vmem>>, vector<1x16xf32>,
    %get3A_474 = vector.shape_cast %get3A_473 : vector<1x16xf32> to vector<16xf32>
    %scan3A_475 = arith.constant 0 : i32
    %scan3A_476 = arith.constant 0 : i32
    %scan3A_477 = arith.constant 64 : i32
    %scan3A_478 = arith.addi %scan3A_476, %scan3A_477 : i32
    %scan3A_479 = arith.constant 1 : i32
    %scan3A_480 = scf.for %scan3A_1213 = %scan3A_476 to %scan3A_478 step %scan3A_479 iter_args(%scan3A_1214 = %scan3A_475) -> (i32)  : i32 {
      %mul3A_1215 = arith.constant 16 : i32
      %mul3A_1216 = arith.muli %scan3A_1213, %mul3A_1215 : i32
      %get3A_1217 = arith.constant 16 : i32
      %get3A_1218 = arith.index_cast %get3A_1217 : i32 to index
      %get3A_1219 = arith.index_cast %mul3A_1216 : i32 to index
      %get3A_1220 = tpu.vector_load %arg7[%get3A_1218, %get3A_1219] {strides = array<i32>} : memref<32x1024xf32, #tpu.memory_space<vmem>>, vector<1x16xf32>,
      %get3A_1221 = vector.shape_cast %get3A_1220 : vector<1x16xf32> to vector<16xf32>
      %mul3A_1222 = arith.mulf %get3A_469, %get3A_1221 : vector<16xf32>
      %get3A_1223 = arith.constant 17 : i32
      %get3A_1224 = arith.index_cast %get3A_1223 : i32 to index
      %get3A_1225 = arith.index_cast %mul3A_1216 : i32 to index
      %get3A_1226 = tpu.vector_load %arg7[%get3A_1224, %get3A_1225] {strides = array<i32>} : memref<32x1024xf32, #tpu.memory_space<vmem>>, vector<1x16xf32>,
      %get3A_1227 = vector.shape_cast %get3A_1226 : vector<1x16xf32> to vector<16xf32>
      %mul3A_1228 = arith.mulf %get3A_474, %get3A_1227 : vector<16xf32>
      %add3A_1229 = arith.addf %mul3A_1222, %mul3A_1228 : vector<16xf32>
      %swap3A = arith.constant 8 : i32
      %swap3A_1230 = arith.index_cast %swap3A : i32 to index
      %swap3A_1231 = arith.index_cast %mul3A_1216 : i32 to index
      %swap3A_1232 = tpu.vector_load %arg9[%swap3A_1230, %swap3A_1231] {strides = array<i32>} : memref<16x1024xf32, #tpu.memory_space<vmem>>, vector<1x16xf32>,
      %swap3A_1233 = vector.shape_cast %swap3A_1232 : vector<1x16xf32> to vector<16xf32>
      %swap3A_1234 = vector.shape_cast %add3A_1229 : vector<16xf32> to vector<1x16xf32>
      tpu.vector_store %arg9[%swap3A_1230, %swap3A_1231], %swap3A_1234 {strides = array<i32>} : memref<16x1024xf32, #tpu.memory_space<vmem>>, vector<1x16xf32>,
      %scan3A_1235 = arith.constant 0 : i32
      scf.yield %scan3A_1235 : i32
    }
    %scan3A_481 = arith.constant 64 : i32
    %get3A_482 = arith.constant 18 : i32
    %get3A_483 = arith.index_cast %get3A_482 : i32 to index
    %get3A_484 = arith.constant 0 : index
    %get3A_485 = tpu.vector_load %arg8[%get3A_483, %get3A_484] {strides = array<i32>} : memref<32x128xf32, #tpu.memory_space<vmem>>, vector<1x16xf32>,
    %get3A_486 = vector.shape_cast %get3A_485 : vector<1x16xf32> to vector<16xf32>
    %get3A_487 = arith.constant 19 : i32
    %get3A_488 = arith.index_cast %get3A_487 : i32 to index
    %get3A_489 = arith.constant 0 : index
    %get3A_490 = tpu.vector_load %arg8[%get3A_488, %get3A_489] {strides = array<i32>} : memref<32x128xf32, #tpu.memory_space<vmem>>, vector<1x16xf32>,
    %get3A_491 = vector.shape_cast %get3A_490 : vector<1x16xf32> to vector<16xf32>
    %scan3A_492 = arith.constant 0 : i32
    %scan3A_493 = arith.constant 0 : i32
    %scan3A_494 = arith.constant 64 : i32
    %scan3A_495 = arith.addi %scan3A_493, %scan3A_494 : i32
    %scan3A_496 = arith.constant 1 : i32
    %scan3A_497 = scf.for %scan3A_1213 = %scan3A_493 to %scan3A_495 step %scan3A_496 iter_args(%scan3A_1214 = %scan3A_492) -> (i32)  : i32 {
      %mul3A_1215 = arith.constant 16 : i32
      %mul3A_1216 = arith.muli %scan3A_1213, %mul3A_1215 : i32
      %get3A_1217 = arith.constant 18 : i32
      %get3A_1218 = arith.index_cast %get3A_1217 : i32 to index
      %get3A_1219 = arith.index_cast %mul3A_1216 : i32 to index
      %get3A_1220 = tpu.vector_load %arg7[%get3A_1218, %get3A_1219] {strides = array<i32>} : memref<32x1024xf32, #tpu.memory_space<vmem>>, vector<1x16xf32>,
      %get3A_1221 = vector.shape_cast %get3A_1220 : vector<1x16xf32> to vector<16xf32>
      %mul3A_1222 = arith.mulf %get3A_486, %get3A_1221 : vector<16xf32>
      %get3A_1223 = arith.constant 19 : i32
      %get3A_1224 = arith.index_cast %get3A_1223 : i32 to index
      %get3A_1225 = arith.index_cast %mul3A_1216 : i32 to index
      %get3A_1226 = tpu.vector_load %arg7[%get3A_1224, %get3A_1225] {strides = array<i32>} : memref<32x1024xf32, #tpu.memory_space<vmem>>, vector<1x16xf32>,
      %get3A_1227 = vector.shape_cast %get3A_1226 : vector<1x16xf32> to vector<16xf32>
      %mul3A_1228 = arith.mulf %get3A_491, %get3A_1227 : vector<16xf32>
      %add3A_1229 = arith.addf %mul3A_1222, %mul3A_1228 : vector<16xf32>
      %swap3A = arith.constant 9 : i32
      %swap3A_1230 = arith.index_cast %swap3A : i32 to index
      %swap3A_1231 = arith.index_cast %mul3A_1216 : i32 to index
      %swap3A_1232 = tpu.vector_load %arg9[%swap3A_1230, %swap3A_1231] {strides = array<i32>} : memref<16x1024xf32, #tpu.memory_space<vmem>>, vector<1x16xf32>,
      %swap3A_1233 = vector.shape_cast %swap3A_1232 : vector<1x16xf32> to vector<16xf32>
      %swap3A_1234 = vector.shape_cast %add3A_1229 : vector<16xf32> to vector<1x16xf32>
      tpu.vector_store %arg9[%swap3A_1230, %swap3A_1231], %swap3A_1234 {strides = array<i32>} : memref<16x1024xf32, #tpu.memory_space<vmem>>, vector<1x16xf32>,
      %scan3A_1235 = arith.constant 0 : i32
      scf.yield %scan3A_1235 : i32
    }
    %scan3A_498 = arith.constant 64 : i32
    %get3A_499 = arith.constant 20 : i32
    %get3A_500 = arith.index_cast %get3A_499 : i32 to index
    %get3A_501 = arith.constant 0 : index
    %get3A_502 = tpu.vector_load %arg8[%get3A_500, %get3A_501] {strides = array<i32>} : memref<32x128xf32, #tpu.memory_space<vmem>>, vector<1x16xf32>,
    %get3A_503 = vector.shape_cast %get3A_502 : vector<1x16xf32> to vector<16xf32>
    %get3A_504 = arith.constant 21 : i32
    %get3A_505 = arith.index_cast %get3A_504 : i32 to index
    %get3A_506 = arith.constant 0 : index
    %get3A_507 = tpu.vector_load %arg8[%get3A_505, %get3A_506] {strides = array<i32>} : memref<32x128xf32, #tpu.memory_space<vmem>>, vector<1x16xf32>,
    %get3A_508 = vector.shape_cast %get3A_507 : vector<1x16xf32> to vector<16xf32>
    %scan3A_509 = arith.constant 0 : i32
    %scan3A_510 = arith.constant 0 : i32
    %scan3A_511 = arith.constant 64 : i32
    %scan3A_512 = arith.addi %scan3A_510, %scan3A_511 : i32
    %scan3A_513 = arith.constant 1 : i32
    %scan3A_514 = scf.for %scan3A_1213 = %scan3A_510 to %scan3A_512 step %scan3A_513 iter_args(%scan3A_1214 = %scan3A_509) -> (i32)  : i32 {
      %mul3A_1215 = arith.constant 16 : i32
      %mul3A_1216 = arith.muli %scan3A_1213, %mul3A_1215 : i32
      %get3A_1217 = arith.constant 20 : i32
      %get3A_1218 = arith.index_cast %get3A_1217 : i32 to index
      %get3A_1219 = arith.index_cast %mul3A_1216 : i32 to index
      %get3A_1220 = tpu.vector_load %arg7[%get3A_1218, %get3A_1219] {strides = array<i32>} : memref<32x1024xf32, #tpu.memory_space<vmem>>, vector<1x16xf32>,
      %get3A_1221 = vector.shape_cast %get3A_1220 : vector<1x16xf32> to vector<16xf32>
      %mul3A_1222 = arith.mulf %get3A_503, %get3A_1221 : vector<16xf32>
      %get3A_1223 = arith.constant 21 : i32
      %get3A_1224 = arith.index_cast %get3A_1223 : i32 to index
      %get3A_1225 = arith.index_cast %mul3A_1216 : i32 to index
      %get3A_1226 = tpu.vector_load %arg7[%get3A_1224, %get3A_1225] {strides = array<i32>} : memref<32x1024xf32, #tpu.memory_space<vmem>>, vector<1x16xf32>,
      %get3A_1227 = vector.shape_cast %get3A_1226 : vector<1x16xf32> to vector<16xf32>
      %mul3A_1228 = arith.mulf %get3A_508, %get3A_1227 : vector<16xf32>
      %add3A_1229 = arith.addf %mul3A_1222, %mul3A_1228 : vector<16xf32>
      %swap3A = arith.constant 10 : i32
      %swap3A_1230 = arith.index_cast %swap3A : i32 to index
      %swap3A_1231 = arith.index_cast %mul3A_1216 : i32 to index
      %swap3A_1232 = tpu.vector_load %arg9[%swap3A_1230, %swap3A_1231] {strides = array<i32>} : memref<16x1024xf32, #tpu.memory_space<vmem>>, vector<1x16xf32>,
      %swap3A_1233 = vector.shape_cast %swap3A_1232 : vector<1x16xf32> to vector<16xf32>
      %swap3A_1234 = vector.shape_cast %add3A_1229 : vector<16xf32> to vector<1x16xf32>
      tpu.vector_store %arg9[%swap3A_1230, %swap3A_1231], %swap3A_1234 {strides = array<i32>} : memref<16x1024xf32, #tpu.memory_space<vmem>>, vector<1x16xf32>,
      %scan3A_1235 = arith.constant 0 : i32
      scf.yield %scan3A_1235 : i32
    }
    %scan3A_515 = arith.constant 64 : i32
    %get3A_516 = arith.constant 22 : i32
    %get3A_517 = arith.index_cast %get3A_516 : i32 to index
    %get3A_518 = arith.constant 0 : index
    %get3A_519 = tpu.vector_load %arg8[%get3A_517, %get3A_518] {strides = array<i32>} : memref<32x128xf32, #tpu.memory_space<vmem>>, vector<1x16xf32>,
    %get3A_520 = vector.shape_cast %get3A_519 : vector<1x16xf32> to vector<16xf32>
    %get3A_521 = arith.constant 23 : i32
    %get3A_522 = arith.index_cast %get3A_521 : i32 to index
    %get3A_523 = arith.constant 0 : index
    %get3A_524 = tpu.vector_load %arg8[%get3A_522, %get3A_523] {strides = array<i32>} : memref<32x128xf32, #tpu.memory_space<vmem>>, vector<1x16xf32>,
    %get3A_525 = vector.shape_cast %get3A_524 : vector<1x16xf32> to vector<16xf32>
    %scan3A_526 = arith.constant 0 : i32
    %scan3A_527 = arith.constant 0 : i32
    %scan3A_528 = arith.constant 64 : i32
    %scan3A_529 = arith.addi %scan3A_527, %scan3A_528 : i32
    %scan3A_530 = arith.constant 1 : i32
    %scan3A_531 = scf.for %scan3A_1213 = %scan3A_527 to %scan3A_529 step %scan3A_530 iter_args(%scan3A_1214 = %scan3A_526) -> (i32)  : i32 {
      %mul3A_1215 = arith.constant 16 : i32
      %mul3A_1216 = arith.muli %scan3A_1213, %mul3A_1215 : i32
      %get3A_1217 = arith.constant 22 : i32
      %get3A_1218 = arith.index_cast %get3A_1217 : i32 to index
      %get3A_1219 = arith.index_cast %mul3A_1216 : i32 to index
      %get3A_1220 = tpu.vector_load %arg7[%get3A_1218, %get3A_1219] {strides = array<i32>} : memref<32x1024xf32, #tpu.memory_space<vmem>>, vector<1x16xf32>,
      %get3A_1221 = vector.shape_cast %get3A_1220 : vector<1x16xf32> to vector<16xf32>
      %mul3A_1222 = arith.mulf %get3A_520, %get3A_1221 : vector<16xf32>
      %get3A_1223 = arith.constant 23 : i32
      %get3A_1224 = arith.index_cast %get3A_1223 : i32 to index
      %get3A_1225 = arith.index_cast %mul3A_1216 : i32 to index
      %get3A_1226 = tpu.vector_load %arg7[%get3A_1224, %get3A_1225] {strides = array<i32>} : memref<32x1024xf32, #tpu.memory_space<vmem>>, vector<1x16xf32>,
      %get3A_1227 = vector.shape_cast %get3A_1226 : vector<1x16xf32> to vector<16xf32>
      %mul3A_1228 = arith.mulf %get3A_525, %get3A_1227 : vector<16xf32>
      %add3A_1229 = arith.addf %mul3A_1222, %mul3A_1228 : vector<16xf32>
      %swap3A = arith.constant 11 : i32
      %swap3A_1230 = arith.index_cast %swap3A : i32 to index
      %swap3A_1231 = arith.index_cast %mul3A_1216 : i32 to index
      %swap3A_1232 = tpu.vector_load %arg9[%swap3A_1230, %swap3A_1231] {strides = array<i32>} : memref<16x1024xf32, #tpu.memory_space<vmem>>, vector<1x16xf32>,
      %swap3A_1233 = vector.shape_cast %swap3A_1232 : vector<1x16xf32> to vector<16xf32>
      %swap3A_1234 = vector.shape_cast %add3A_1229 : vector<16xf32> to vector<1x16xf32>
      tpu.vector_store %arg9[%swap3A_1230, %swap3A_1231], %swap3A_1234 {strides = array<i32>} : memref<16x1024xf32, #tpu.memory_space<vmem>>, vector<1x16xf32>,
      %scan3A_1235 = arith.constant 0 : i32
      scf.yield %scan3A_1235 : i32
    }
    %scan3A_532 = arith.constant 64 : i32
    %get3A_533 = arith.constant 24 : i32
    %get3A_534 = arith.index_cast %get3A_533 : i32 to index
    %get3A_535 = arith.constant 0 : index
    %get3A_536 = tpu.vector_load %arg8[%get3A_534, %get3A_535] {strides = array<i32>} : memref<32x128xf32, #tpu.memory_space<vmem>>, vector<1x16xf32>,
    %get3A_537 = vector.shape_cast %get3A_536 : vector<1x16xf32> to vector<16xf32>
    %get3A_538 = arith.constant 25 : i32
    %get3A_539 = arith.index_cast %get3A_538 : i32 to index
    %get3A_540 = arith.constant 0 : index
    %get3A_541 = tpu.vector_load %arg8[%get3A_539, %get3A_540] {strides = array<i32>} : memref<32x128xf32, #tpu.memory_space<vmem>>, vector<1x16xf32>,
    %get3A_542 = vector.shape_cast %get3A_541 : vector<1x16xf32> to vector<16xf32>
    %scan3A_543 = arith.constant 0 : i32
    %scan3A_544 = arith.constant 0 : i32
    %scan3A_545 = arith.constant 64 : i32
    %scan3A_546 = arith.addi %scan3A_544, %scan3A_545 : i32
    %scan3A_547 = arith.constant 1 : i32
    %scan3A_548 = scf.for %scan3A_1213 = %scan3A_544 to %scan3A_546 step %scan3A_547 iter_args(%scan3A_1214 = %scan3A_543) -> (i32)  : i32 {
      %mul3A_1215 = arith.constant 16 : i32
      %mul3A_1216 = arith.muli %scan3A_1213, %mul3A_1215 : i32
      %get3A_1217 = arith.constant 24 : i32
      %get3A_1218 = arith.index_cast %get3A_1217 : i32 to index
      %get3A_1219 = arith.index_cast %mul3A_1216 : i32 to index
      %get3A_1220 = tpu.vector_load %arg7[%get3A_1218, %get3A_1219] {strides = array<i32>} : memref<32x1024xf32, #tpu.memory_space<vmem>>, vector<1x16xf32>,
      %get3A_1221 = vector.shape_cast %get3A_1220 : vector<1x16xf32> to vector<16xf32>
      %mul3A_1222 = arith.mulf %get3A_537, %get3A_1221 : vector<16xf32>
      %get3A_1223 = arith.constant 25 : i32
      %get3A_1224 = arith.index_cast %get3A_1223 : i32 to index
      %get3A_1225 = arith.index_cast %mul3A_1216 : i32 to index
      %get3A_1226 = tpu.vector_load %arg7[%get3A_1224, %get3A_1225] {strides = array<i32>} : memref<32x1024xf32, #tpu.memory_space<vmem>>, vector<1x16xf32>,
      %get3A_1227 = vector.shape_cast %get3A_1226 : vector<1x16xf32> to vector<16xf32>
      %mul3A_1228 = arith.mulf %get3A_542, %get3A_1227 : vector<16xf32>
      %add3A_1229 = arith.addf %mul3A_1222, %mul3A_1228 : vector<16xf32>
      %swap3A = arith.constant 12 : i32
      %swap3A_1230 = arith.index_cast %swap3A : i32 to index
      %swap3A_1231 = arith.index_cast %mul3A_1216 : i32 to index
      %swap3A_1232 = tpu.vector_load %arg9[%swap3A_1230, %swap3A_1231] {strides = array<i32>} : memref<16x1024xf32, #tpu.memory_space<vmem>>, vector<1x16xf32>,
      %swap3A_1233 = vector.shape_cast %swap3A_1232 : vector<1x16xf32> to vector<16xf32>
      %swap3A_1234 = vector.shape_cast %add3A_1229 : vector<16xf32> to vector<1x16xf32>
      tpu.vector_store %arg9[%swap3A_1230, %swap3A_1231], %swap3A_1234 {strides = array<i32>} : memref<16x1024xf32, #tpu.memory_space<vmem>>, vector<1x16xf32>,
      %scan3A_1235 = arith.constant 0 : i32
      scf.yield %scan3A_1235 : i32
    }
    %scan3A_549 = arith.constant 64 : i32
    %get3A_550 = arith.constant 26 : i32
    %get3A_551 = arith.index_cast %get3A_550 : i32 to index
    %get3A_552 = arith.constant 0 : index
    %get3A_553 = tpu.vector_load %arg8[%get3A_551, %get3A_552] {strides = array<i32>} : memref<32x128xf32, #tpu.memory_space<vmem>>, vector<1x16xf32>,
    %get3A_554 = vector.shape_cast %get3A_553 : vector<1x16xf32> to vector<16xf32>
    %get3A_555 = arith.constant 27 : i32
    %get3A_556 = arith.index_cast %get3A_555 : i32 to index
    %get3A_557 = arith.constant 0 : index
    %get3A_558 = tpu.vector_load %arg8[%get3A_556, %get3A_557] {strides = array<i32>} : memref<32x128xf32, #tpu.memory_space<vmem>>, vector<1x16xf32>,
    %get3A_559 = vector.shape_cast %get3A_558 : vector<1x16xf32> to vector<16xf32>
    %scan3A_560 = arith.constant 0 : i32
    %scan3A_561 = arith.constant 0 : i32
    %scan3A_562 = arith.constant 64 : i32
    %scan3A_563 = arith.addi %scan3A_561, %scan3A_562 : i32
    %scan3A_564 = arith.constant 1 : i32
    %scan3A_565 = scf.for %scan3A_1213 = %scan3A_561 to %scan3A_563 step %scan3A_564 iter_args(%scan3A_1214 = %scan3A_560) -> (i32)  : i32 {
      %mul3A_1215 = arith.constant 16 : i32
      %mul3A_1216 = arith.muli %scan3A_1213, %mul3A_1215 : i32
      %get3A_1217 = arith.constant 26 : i32
      %get3A_1218 = arith.index_cast %get3A_1217 : i32 to index
      %get3A_1219 = arith.index_cast %mul3A_1216 : i32 to index
      %get3A_1220 = tpu.vector_load %arg7[%get3A_1218, %get3A_1219] {strides = array<i32>} : memref<32x1024xf32, #tpu.memory_space<vmem>>, vector<1x16xf32>,
      %get3A_1221 = vector.shape_cast %get3A_1220 : vector<1x16xf32> to vector<16xf32>
      %mul3A_1222 = arith.mulf %get3A_554, %get3A_1221 : vector<16xf32>
      %get3A_1223 = arith.constant 27 : i32
      %get3A_1224 = arith.index_cast %get3A_1223 : i32 to index
      %get3A_1225 = arith.index_cast %mul3A_1216 : i32 to index
      %get3A_1226 = tpu.vector_load %arg7[%get3A_1224, %get3A_1225] {strides = array<i32>} : memref<32x1024xf32, #tpu.memory_space<vmem>>, vector<1x16xf32>,
      %get3A_1227 = vector.shape_cast %get3A_1226 : vector<1x16xf32> to vector<16xf32>
      %mul3A_1228 = arith.mulf %get3A_559, %get3A_1227 : vector<16xf32>
      %add3A_1229 = arith.addf %mul3A_1222, %mul3A_1228 : vector<16xf32>
      %swap3A = arith.constant 13 : i32
      %swap3A_1230 = arith.index_cast %swap3A : i32 to index
      %swap3A_1231 = arith.index_cast %mul3A_1216 : i32 to index
      %swap3A_1232 = tpu.vector_load %arg9[%swap3A_1230, %swap3A_1231] {strides = array<i32>} : memref<16x1024xf32, #tpu.memory_space<vmem>>, vector<1x16xf32>,
      %swap3A_1233 = vector.shape_cast %swap3A_1232 : vector<1x16xf32> to vector<16xf32>
      %swap3A_1234 = vector.shape_cast %add3A_1229 : vector<16xf32> to vector<1x16xf32>
      tpu.vector_store %arg9[%swap3A_1230, %swap3A_1231], %swap3A_1234 {strides = array<i32>} : memref<16x1024xf32, #tpu.memory_space<vmem>>, vector<1x16xf32>,
      %scan3A_1235 = arith.constant 0 : i32
      scf.yield %scan3A_1235 : i32
    }
    %scan3A_566 = arith.constant 64 : i32
    %get3A_567 = arith.constant 28 : i32
    %get3A_568 = arith.index_cast %get3A_567 : i32 to index
    %get3A_569 = arith.constant 0 : index
    %get3A_570 = tpu.vector_load %arg8[%get3A_568, %get3A_569] {strides = array<i32>} : memref<32x128xf32, #tpu.memory_space<vmem>>, vector<1x16xf32>,
    %get3A_571 = vector.shape_cast %get3A_570 : vector<1x16xf32> to vector<16xf32>
    %get3A_572 = arith.constant 29 : i32
    %get3A_573 = arith.index_cast %get3A_572 : i32 to index
    %get3A_574 = arith.constant 0 : index
    %get3A_575 = tpu.vector_load %arg8[%get3A_573, %get3A_574] {strides = array<i32>} : memref<32x128xf32, #tpu.memory_space<vmem>>, vector<1x16xf32>,
    %get3A_576 = vector.shape_cast %get3A_575 : vector<1x16xf32> to vector<16xf32>
    %scan3A_577 = arith.constant 0 : i32
    %scan3A_578 = arith.constant 0 : i32
    %scan3A_579 = arith.constant 64 : i32
    %scan3A_580 = arith.addi %scan3A_578, %scan3A_579 : i32
    %scan3A_581 = arith.constant 1 : i32
    %scan3A_582 = scf.for %scan3A_1213 = %scan3A_578 to %scan3A_580 step %scan3A_581 iter_args(%scan3A_1214 = %scan3A_577) -> (i32)  : i32 {
      %mul3A_1215 = arith.constant 16 : i32
      %mul3A_1216 = arith.muli %scan3A_1213, %mul3A_1215 : i32
      %get3A_1217 = arith.constant 28 : i32
      %get3A_1218 = arith.index_cast %get3A_1217 : i32 to index
      %get3A_1219 = arith.index_cast %mul3A_1216 : i32 to index
      %get3A_1220 = tpu.vector_load %arg7[%get3A_1218, %get3A_1219] {strides = array<i32>} : memref<32x1024xf32, #tpu.memory_space<vmem>>, vector<1x16xf32>,
      %get3A_1221 = vector.shape_cast %get3A_1220 : vector<1x16xf32> to vector<16xf32>
      %mul3A_1222 = arith.mulf %get3A_571, %get3A_1221 : vector<16xf32>
      %get3A_1223 = arith.constant 29 : i32
      %get3A_1224 = arith.index_cast %get3A_1223 : i32 to index
      %get3A_1225 = arith.index_cast %mul3A_1216 : i32 to index
      %get3A_1226 = tpu.vector_load %arg7[%get3A_1224, %get3A_1225] {strides = array<i32>} : memref<32x1024xf32, #tpu.memory_space<vmem>>, vector<1x16xf32>,
      %get3A_1227 = vector.shape_cast %get3A_1226 : vector<1x16xf32> to vector<16xf32>
      %mul3A_1228 = arith.mulf %get3A_576, %get3A_1227 : vector<16xf32>
      %add3A_1229 = arith.addf %mul3A_1222, %mul3A_1228 : vector<16xf32>
      %swap3A = arith.constant 14 : i32
      %swap3A_1230 = arith.index_cast %swap3A : i32 to index
      %swap3A_1231 = arith.index_cast %mul3A_1216 : i32 to index
      %swap3A_1232 = tpu.vector_load %arg9[%swap3A_1230, %swap3A_1231] {strides = array<i32>} : memref<16x1024xf32, #tpu.memory_space<vmem>>, vector<1x16xf32>,
      %swap3A_1233 = vector.shape_cast %swap3A_1232 : vector<1x16xf32> to vector<16xf32>
      %swap3A_1234 = vector.shape_cast %add3A_1229 : vector<16xf32> to vector<1x16xf32>
      tpu.vector_store %arg9[%swap3A_1230, %swap3A_1231], %swap3A_1234 {strides = array<i32>} : memref<16x1024xf32, #tpu.memory_space<vmem>>, vector<1x16xf32>,
      %scan3A_1235 = arith.constant 0 : i32
      scf.yield %scan3A_1235 : i32
    }
    %scan3A_583 = arith.constant 64 : i32
    %get3A_584 = arith.constant 30 : i32
    %get3A_585 = arith.index_cast %get3A_584 : i32 to index
    %get3A_586 = arith.constant 0 : index
    %get3A_587 = tpu.vector_load %arg8[%get3A_585, %get3A_586] {strides = array<i32>} : memref<32x128xf32, #tpu.memory_space<vmem>>, vector<1x16xf32>,
    %get3A_588 = vector.shape_cast %get3A_587 : vector<1x16xf32> to vector<16xf32>
    %get3A_589 = arith.constant 31 : i32
    %get3A_590 = arith.index_cast %get3A_589 : i32 to index
    %get3A_591 = arith.constant 0 : index
    %get3A_592 = tpu.vector_load %arg8[%get3A_590, %get3A_591] {strides = array<i32>} : memref<32x128xf32, #tpu.memory_space<vmem>>, vector<1x16xf32>,
    %get3A_593 = vector.shape_cast %get3A_592 : vector<1x16xf32> to vector<16xf32>
    %scan3A_594 = arith.constant 0 : i32
    %scan3A_595 = arith.constant 0 : i32
    %scan3A_596 = arith.constant 64 : i32
    %scan3A_597 = arith.addi %scan3A_595, %scan3A_596 : i32
    %scan3A_598 = arith.constant 1 : i32
    %scan3A_599 = scf.for %scan3A_1213 = %scan3A_595 to %scan3A_597 step %scan3A_598 iter_args(%scan3A_1214 = %scan3A_594) -> (i32)  : i32 {
      %mul3A_1215 = arith.constant 16 : i32
      %mul3A_1216 = arith.muli %scan3A_1213, %mul3A_1215 : i32
      %get3A_1217 = arith.constant 30 : i32
      %get3A_1218 = arith.index_cast %get3A_1217 : i32 to index
      %get3A_1219 = arith.index_cast %mul3A_1216 : i32 to index
      %get3A_1220 = tpu.vector_load %arg7[%get3A_1218, %get3A_1219] {strides = array<i32>} : memref<32x1024xf32, #tpu.memory_space<vmem>>, vector<1x16xf32>,
      %get3A_1221 = vector.shape_cast %get3A_1220 : vector<1x16xf32> to vector<16xf32>
      %mul3A_1222 = arith.mulf %get3A_588, %get3A_1221 : vector<16xf32>
      %get3A_1223 = arith.constant 31 : i32
      %get3A_1224 = arith.index_cast %get3A_1223 : i32 to index
      %get3A_1225 = arith.index_cast %mul3A_1216 : i32 to index
      %get3A_1226 = tpu.vector_load %arg7[%get3A_1224, %get3A_1225] {strides = array<i32>} : memref<32x1024xf32, #tpu.memory_space<vmem>>, vector<1x16xf32>,
      %get3A_1227 = vector.shape_cast %get3A_1226 : vector<1x16xf32> to vector<16xf32>
      %mul3A_1228 = arith.mulf %get3A_593, %get3A_1227 : vector<16xf32>
      %add3A_1229 = arith.addf %mul3A_1222, %mul3A_1228 : vector<16xf32>
      %swap3A = arith.constant 15 : i32
      %swap3A_1230 = arith.index_cast %swap3A : i32 to index
      %swap3A_1231 = arith.index_cast %mul3A_1216 : i32 to index
      %swap3A_1232 = tpu.vector_load %arg9[%swap3A_1230, %swap3A_1231] {strides = array<i32>} : memref<16x1024xf32, #tpu.memory_space<vmem>>, vector<1x16xf32>,
      %swap3A_1233 = vector.shape_cast %swap3A_1232 : vector<1x16xf32> to vector<16xf32>
      %swap3A_1234 = vector.shape_cast %add3A_1229 : vector<16xf32> to vector<1x16xf32>
      tpu.vector_store %arg9[%swap3A_1230, %swap3A_1231], %swap3A_1234 {strides = array<i32>} : memref<16x1024xf32, #tpu.memory_space<vmem>>, vector<1x16xf32>,
      %scan3A_1235 = arith.constant 0 : i32
      scf.yield %scan3A_1235 : i32
    }
    %scan3A_600 = arith.constant 64 : i32
    %mul3A_601 = arith.constant 64 : i32
    %mul3A_602 = arith.muli %add3A, %mul3A_601 : i32
    %add3A_603 = arith.constant 16 : i32
    %add3A_604 = arith.addi %mul3A_602, %add3A_603 : i32
    "tpu.region"() ({
      %run_scoped3A = tpu.sem_alloc : memref<!tpu.dma_semaphore, #tpu.memory_space<semaphore_mem>>
      %dma_start3A_1213 = arith.constant 0 : i32
      %dma_start3A_1214 = tpu.memref_slice %arg5[%add3A_604, %dma_start3A_1213] : memref<2048x1024xf32, #tpu.memory_space<hbm>> -> memref<16x1024xf32, #tpu.memory_space<hbm>>
      %dma_start3A_1215 = arith.constant 0 : i32
      %dma_start3A_1216 = tpu.memref_slice %arg5[%add3A_604, %dma_start3A_1215] : memref<2048x1024xf32, #tpu.memory_space<hbm>> -> memref<16x1024xf32, #tpu.memory_space<hbm>>
      tpu.enqueue_dma source(%arg9 : memref<16x1024xf32, #tpu.memory_space<vmem>>) target(%dma_start3A_1216 : memref<16x1024xf32, #tpu.memory_space<hbm>>) target_semaphore(%run_scoped3A : memref<!tpu.dma_semaphore, #tpu.memory_space<semaphore_mem>>)
      %dma_wait3A_1217 = arith.constant 0 : i32
      %dma_wait3A_1218 = tpu.memref_slice %arg5[%add3A_604, %dma_wait3A_1217] : memref<2048x1024xf32, #tpu.memory_space<hbm>> -> memref<16x1024xf32, #tpu.memory_space<hbm>>
      %dma_wait3A_1219 = arith.constant 0 : i32
      %dma_wait3A_1220 = tpu.memref_slice %arg5[%add3A_604, %dma_wait3A_1219] : memref<2048x1024xf32, #tpu.memory_space<hbm>> -> memref<16x1024xf32, #tpu.memory_space<hbm>>
      tpu.wait_dma2 semaphore(%run_scoped3A : memref<!tpu.dma_semaphore, #tpu.memory_space<semaphore_mem>>) src(%arg9 : memref<16x1024xf32, #tpu.memory_space<vmem>>) dst(%dma_wait3A_1220 : memref<16x1024xf32, #tpu.memory_space<hbm>>)
      tpu.yield
    }) : () -> ()
    %dma_start3A_605 = arith.constant 2 : i32
    %dma_start3A_606 = arith.constant 0 : i32
    %dma_start3A_607 = tpu.memref_slice %arg6[%dma_start3A_605, %dma_start3A_606] : memref<4x32xi32, #tpu.memory_space<vmem>> -> memref<1x32xi32, #tpu.memory_space<vmem>>
    %dma_start3A_608 = tpu.memref_squeeze %dma_start3A_607 : memref<1x32xi32, #tpu.memory_space<vmem>> -> memref<32xi32, #tpu.memory_space<vmem>>
    %dma_start3A_609 = arith.constant 0 : i32
    %dma_start3A_610 = arith.constant 0 : i32
    %dma_start3A_611 = tpu.memref_slice %arg3[%dma_start3A_609, %dma_start3A_610] : memref<6144x128xf32, #tpu.memory_space<hbm>> -> memref<6144x128xf32, #tpu.memory_space<hbm>>
    tpu.enqueue_indirect_dma source(%dma_start3A_611 : memref<6144x128xf32, #tpu.memory_space<hbm>>) target(%arg8 : memref<32x128xf32, #tpu.memory_space<vmem>>) offsets(%dma_start3A_608 : memref<32xi32, #tpu.memory_space<vmem>>) semaphore(%arg11 : memref<!tpu.dma_semaphore, #tpu.memory_space<semaphore_mem>>)
    %dma_start3A_612 = arith.constant 2 : i32
    %dma_start3A_613 = arith.constant 0 : i32
    %dma_start3A_614 = tpu.memref_slice %arg6[%dma_start3A_612, %dma_start3A_613] : memref<4x32xi32, #tpu.memory_space<vmem>> -> memref<1x32xi32, #tpu.memory_space<vmem>>
    %dma_start3A_615 = tpu.memref_squeeze %dma_start3A_614 : memref<1x32xi32, #tpu.memory_space<vmem>> -> memref<32xi32, #tpu.memory_space<vmem>>
    %dma_start3A_616 = arith.constant 0 : i32
    %dma_start3A_617 = arith.constant 0 : i32
    %dma_start3A_618 = tpu.memref_slice %arg2[%dma_start3A_616, %dma_start3A_617] : memref<6144x1024xf32, #tpu.memory_space<hbm>> -> memref<6144x1024xf32, #tpu.memory_space<hbm>>
    tpu.enqueue_indirect_dma source(%dma_start3A_618 : memref<6144x1024xf32, #tpu.memory_space<hbm>>) target(%arg7 : memref<32x1024xf32, #tpu.memory_space<vmem>>) offsets(%dma_start3A_615 : memref<32xi32, #tpu.memory_space<vmem>>) semaphore(%arg10 : memref<!tpu.dma_semaphore, #tpu.memory_space<semaphore_mem>>)
    %dma_wait3A_619 = arith.constant 2 : i32
    %dma_wait3A_620 = arith.constant 0 : i32
    %dma_wait3A_621 = tpu.memref_slice %arg6[%dma_wait3A_619, %dma_wait3A_620] : memref<4x32xi32, #tpu.memory_space<vmem>> -> memref<1x32xi32, #tpu.memory_space<vmem>>
    %dma_wait3A_622 = tpu.memref_squeeze %dma_wait3A_621 : memref<1x32xi32, #tpu.memory_space<vmem>> -> memref<32xi32, #tpu.memory_space<vmem>>
    %dma_wait3A_623 = arith.constant 0 : i32
    %dma_wait3A_624 = arith.constant 0 : i32
    %dma_wait3A_625 = tpu.memref_slice %arg2[%dma_wait3A_623, %dma_wait3A_624] : memref<6144x1024xf32, #tpu.memory_space<hbm>> -> memref<6144x1024xf32, #tpu.memory_space<hbm>>
    tpu.wait_indirect_dma semaphore(%arg10 : memref<!tpu.dma_semaphore, #tpu.memory_space<semaphore_mem>>) src(%dma_wait3A_625 : memref<6144x1024xf32, #tpu.memory_space<hbm>>) dst(%arg7 : memref<32x1024xf32, #tpu.memory_space<vmem>>)
    %dma_wait3A_626 = arith.constant 2 : i32
    %dma_wait3A_627 = arith.constant 0 : i32
    %dma_wait3A_628 = tpu.memref_slice %arg6[%dma_wait3A_626, %dma_wait3A_627] : memref<4x32xi32, #tpu.memory_space<vmem>> -> memref<1x32xi32, #tpu.memory_space<vmem>>
    %dma_wait3A_629 = tpu.memref_squeeze %dma_wait3A_628 : memref<1x32xi32, #tpu.memory_space<vmem>> -> memref<32xi32, #tpu.memory_space<vmem>>
    %dma_wait3A_630 = arith.constant 0 : i32
    %dma_wait3A_631 = arith.constant 0 : i32
    %dma_wait3A_632 = tpu.memref_slice %arg3[%dma_wait3A_630, %dma_wait3A_631] : memref<6144x128xf32, #tpu.memory_space<hbm>> -> memref<6144x128xf32, #tpu.memory_space<hbm>>
    tpu.wait_indirect_dma semaphore(%arg11 : memref<!tpu.dma_semaphore, #tpu.memory_space<semaphore_mem>>) src(%dma_wait3A_632 : memref<6144x128xf32, #tpu.memory_space<hbm>>) dst(%arg8 : memref<32x128xf32, #tpu.memory_space<vmem>>)
    %get3A_633 = arith.constant 0 : i32
    %get3A_634 = arith.index_cast %get3A_633 : i32 to index
    %get3A_635 = arith.constant 0 : index
    %get3A_636 = tpu.vector_load %arg8[%get3A_634, %get3A_635] {strides = array<i32>} : memref<32x128xf32, #tpu.memory_space<vmem>>, vector<1x16xf32>,
    %get3A_637 = vector.shape_cast %get3A_636 : vector<1x16xf32> to vector<16xf32>
    %get3A_638 = arith.constant 1 : i32
    %get3A_639 = arith.index_cast %get3A_638 : i32 to index
    %get3A_640 = arith.constant 0 : index
    %get3A_641 = tpu.vector_load %arg8[%get3A_639, %get3A_640] {strides = array<i32>} : memref<32x128xf32, #tpu.memory_space<vmem>>, vector<1x16xf32>,
    %get3A_642 = vector.shape_cast %get3A_641 : vector<1x16xf32> to vector<16xf32>
    %scan3A_643 = arith.constant 0 : i32
    %scan3A_644 = arith.constant 0 : i32
    %scan3A_645 = arith.constant 64 : i32
    %scan3A_646 = arith.addi %scan3A_644, %scan3A_645 : i32
    %scan3A_647 = arith.constant 1 : i32
    %scan3A_648 = scf.for %scan3A_1213 = %scan3A_644 to %scan3A_646 step %scan3A_647 iter_args(%scan3A_1214 = %scan3A_643) -> (i32)  : i32 {
      %mul3A_1215 = arith.constant 16 : i32
      %mul3A_1216 = arith.muli %scan3A_1213, %mul3A_1215 : i32
      %get3A_1217 = arith.constant 0 : i32
      %get3A_1218 = arith.index_cast %get3A_1217 : i32 to index
      %get3A_1219 = arith.index_cast %mul3A_1216 : i32 to index
      %get3A_1220 = tpu.vector_load %arg7[%get3A_1218, %get3A_1219] {strides = array<i32>} : memref<32x1024xf32, #tpu.memory_space<vmem>>, vector<1x16xf32>,
      %get3A_1221 = vector.shape_cast %get3A_1220 : vector<1x16xf32> to vector<16xf32>
      %mul3A_1222 = arith.mulf %get3A_637, %get3A_1221 : vector<16xf32>
      %get3A_1223 = arith.constant 1 : i32
      %get3A_1224 = arith.index_cast %get3A_1223 : i32 to index
      %get3A_1225 = arith.index_cast %mul3A_1216 : i32 to index
      %get3A_1226 = tpu.vector_load %arg7[%get3A_1224, %get3A_1225] {strides = array<i32>} : memref<32x1024xf32, #tpu.memory_space<vmem>>, vector<1x16xf32>,
      %get3A_1227 = vector.shape_cast %get3A_1226 : vector<1x16xf32> to vector<16xf32>
      %mul3A_1228 = arith.mulf %get3A_642, %get3A_1227 : vector<16xf32>
      %add3A_1229 = arith.addf %mul3A_1222, %mul3A_1228 : vector<16xf32>
      %swap3A = arith.constant 0 : i32
      %swap3A_1230 = arith.index_cast %swap3A : i32 to index
      %swap3A_1231 = arith.index_cast %mul3A_1216 : i32 to index
      %swap3A_1232 = tpu.vector_load %arg9[%swap3A_1230, %swap3A_1231] {strides = array<i32>} : memref<16x1024xf32, #tpu.memory_space<vmem>>, vector<1x16xf32>,
      %swap3A_1233 = vector.shape_cast %swap3A_1232 : vector<1x16xf32> to vector<16xf32>
      %swap3A_1234 = vector.shape_cast %add3A_1229 : vector<16xf32> to vector<1x16xf32>
      tpu.vector_store %arg9[%swap3A_1230, %swap3A_1231], %swap3A_1234 {strides = array<i32>} : memref<16x1024xf32, #tpu.memory_space<vmem>>, vector<1x16xf32>,
      %scan3A_1235 = arith.constant 0 : i32
      scf.yield %scan3A_1235 : i32
    }
    %scan3A_649 = arith.constant 64 : i32
    %get3A_650 = arith.constant 2 : i32
    %get3A_651 = arith.index_cast %get3A_650 : i32 to index
    %get3A_652 = arith.constant 0 : index
    %get3A_653 = tpu.vector_load %arg8[%get3A_651, %get3A_652] {strides = array<i32>} : memref<32x128xf32, #tpu.memory_space<vmem>>, vector<1x16xf32>,
    %get3A_654 = vector.shape_cast %get3A_653 : vector<1x16xf32> to vector<16xf32>
    %get3A_655 = arith.constant 3 : i32
    %get3A_656 = arith.index_cast %get3A_655 : i32 to index
    %get3A_657 = arith.constant 0 : index
    %get3A_658 = tpu.vector_load %arg8[%get3A_656, %get3A_657] {strides = array<i32>} : memref<32x128xf32, #tpu.memory_space<vmem>>, vector<1x16xf32>,
    %get3A_659 = vector.shape_cast %get3A_658 : vector<1x16xf32> to vector<16xf32>
    %scan3A_660 = arith.constant 0 : i32
    %scan3A_661 = arith.constant 0 : i32
    %scan3A_662 = arith.constant 64 : i32
    %scan3A_663 = arith.addi %scan3A_661, %scan3A_662 : i32
    %scan3A_664 = arith.constant 1 : i32
    %scan3A_665 = scf.for %scan3A_1213 = %scan3A_661 to %scan3A_663 step %scan3A_664 iter_args(%scan3A_1214 = %scan3A_660) -> (i32)  : i32 {
      %mul3A_1215 = arith.constant 16 : i32
      %mul3A_1216 = arith.muli %scan3A_1213, %mul3A_1215 : i32
      %get3A_1217 = arith.constant 2 : i32
      %get3A_1218 = arith.index_cast %get3A_1217 : i32 to index
      %get3A_1219 = arith.index_cast %mul3A_1216 : i32 to index
      %get3A_1220 = tpu.vector_load %arg7[%get3A_1218, %get3A_1219] {strides = array<i32>} : memref<32x1024xf32, #tpu.memory_space<vmem>>, vector<1x16xf32>,
      %get3A_1221 = vector.shape_cast %get3A_1220 : vector<1x16xf32> to vector<16xf32>
      %mul3A_1222 = arith.mulf %get3A_654, %get3A_1221 : vector<16xf32>
      %get3A_1223 = arith.constant 3 : i32
      %get3A_1224 = arith.index_cast %get3A_1223 : i32 to index
      %get3A_1225 = arith.index_cast %mul3A_1216 : i32 to index
      %get3A_1226 = tpu.vector_load %arg7[%get3A_1224, %get3A_1225] {strides = array<i32>} : memref<32x1024xf32, #tpu.memory_space<vmem>>, vector<1x16xf32>,
      %get3A_1227 = vector.shape_cast %get3A_1226 : vector<1x16xf32> to vector<16xf32>
      %mul3A_1228 = arith.mulf %get3A_659, %get3A_1227 : vector<16xf32>
      %add3A_1229 = arith.addf %mul3A_1222, %mul3A_1228 : vector<16xf32>
      %swap3A = arith.constant 1 : i32
      %swap3A_1230 = arith.index_cast %swap3A : i32 to index
      %swap3A_1231 = arith.index_cast %mul3A_1216 : i32 to index
      %swap3A_1232 = tpu.vector_load %arg9[%swap3A_1230, %swap3A_1231] {strides = array<i32>} : memref<16x1024xf32, #tpu.memory_space<vmem>>, vector<1x16xf32>,
      %swap3A_1233 = vector.shape_cast %swap3A_1232 : vector<1x16xf32> to vector<16xf32>
      %swap3A_1234 = vector.shape_cast %add3A_1229 : vector<16xf32> to vector<1x16xf32>
      tpu.vector_store %arg9[%swap3A_1230, %swap3A_1231], %swap3A_1234 {strides = array<i32>} : memref<16x1024xf32, #tpu.memory_space<vmem>>, vector<1x16xf32>,
      %scan3A_1235 = arith.constant 0 : i32
      scf.yield %scan3A_1235 : i32
    }
    %scan3A_666 = arith.constant 64 : i32
    %get3A_667 = arith.constant 4 : i32
    %get3A_668 = arith.index_cast %get3A_667 : i32 to index
    %get3A_669 = arith.constant 0 : index
    %get3A_670 = tpu.vector_load %arg8[%get3A_668, %get3A_669] {strides = array<i32>} : memref<32x128xf32, #tpu.memory_space<vmem>>, vector<1x16xf32>,
    %get3A_671 = vector.shape_cast %get3A_670 : vector<1x16xf32> to vector<16xf32>
    %get3A_672 = arith.constant 5 : i32
    %get3A_673 = arith.index_cast %get3A_672 : i32 to index
    %get3A_674 = arith.constant 0 : index
    %get3A_675 = tpu.vector_load %arg8[%get3A_673, %get3A_674] {strides = array<i32>} : memref<32x128xf32, #tpu.memory_space<vmem>>, vector<1x16xf32>,
    %get3A_676 = vector.shape_cast %get3A_675 : vector<1x16xf32> to vector<16xf32>
    %scan3A_677 = arith.constant 0 : i32
    %scan3A_678 = arith.constant 0 : i32
    %scan3A_679 = arith.constant 64 : i32
    %scan3A_680 = arith.addi %scan3A_678, %scan3A_679 : i32
    %scan3A_681 = arith.constant 1 : i32
    %scan3A_682 = scf.for %scan3A_1213 = %scan3A_678 to %scan3A_680 step %scan3A_681 iter_args(%scan3A_1214 = %scan3A_677) -> (i32)  : i32 {
      %mul3A_1215 = arith.constant 16 : i32
      %mul3A_1216 = arith.muli %scan3A_1213, %mul3A_1215 : i32
      %get3A_1217 = arith.constant 4 : i32
      %get3A_1218 = arith.index_cast %get3A_1217 : i32 to index
      %get3A_1219 = arith.index_cast %mul3A_1216 : i32 to index
      %get3A_1220 = tpu.vector_load %arg7[%get3A_1218, %get3A_1219] {strides = array<i32>} : memref<32x1024xf32, #tpu.memory_space<vmem>>, vector<1x16xf32>,
      %get3A_1221 = vector.shape_cast %get3A_1220 : vector<1x16xf32> to vector<16xf32>
      %mul3A_1222 = arith.mulf %get3A_671, %get3A_1221 : vector<16xf32>
      %get3A_1223 = arith.constant 5 : i32
      %get3A_1224 = arith.index_cast %get3A_1223 : i32 to index
      %get3A_1225 = arith.index_cast %mul3A_1216 : i32 to index
      %get3A_1226 = tpu.vector_load %arg7[%get3A_1224, %get3A_1225] {strides = array<i32>} : memref<32x1024xf32, #tpu.memory_space<vmem>>, vector<1x16xf32>,
      %get3A_1227 = vector.shape_cast %get3A_1226 : vector<1x16xf32> to vector<16xf32>
      %mul3A_1228 = arith.mulf %get3A_676, %get3A_1227 : vector<16xf32>
      %add3A_1229 = arith.addf %mul3A_1222, %mul3A_1228 : vector<16xf32>
      %swap3A = arith.constant 2 : i32
      %swap3A_1230 = arith.index_cast %swap3A : i32 to index
      %swap3A_1231 = arith.index_cast %mul3A_1216 : i32 to index
      %swap3A_1232 = tpu.vector_load %arg9[%swap3A_1230, %swap3A_1231] {strides = array<i32>} : memref<16x1024xf32, #tpu.memory_space<vmem>>, vector<1x16xf32>,
      %swap3A_1233 = vector.shape_cast %swap3A_1232 : vector<1x16xf32> to vector<16xf32>
      %swap3A_1234 = vector.shape_cast %add3A_1229 : vector<16xf32> to vector<1x16xf32>
      tpu.vector_store %arg9[%swap3A_1230, %swap3A_1231], %swap3A_1234 {strides = array<i32>} : memref<16x1024xf32, #tpu.memory_space<vmem>>, vector<1x16xf32>,
      %scan3A_1235 = arith.constant 0 : i32
      scf.yield %scan3A_1235 : i32
    }
    %scan3A_683 = arith.constant 64 : i32
    %get3A_684 = arith.constant 6 : i32
    %get3A_685 = arith.index_cast %get3A_684 : i32 to index
    %get3A_686 = arith.constant 0 : index
    %get3A_687 = tpu.vector_load %arg8[%get3A_685, %get3A_686] {strides = array<i32>} : memref<32x128xf32, #tpu.memory_space<vmem>>, vector<1x16xf32>,
    %get3A_688 = vector.shape_cast %get3A_687 : vector<1x16xf32> to vector<16xf32>
    %get3A_689 = arith.constant 7 : i32
    %get3A_690 = arith.index_cast %get3A_689 : i32 to index
    %get3A_691 = arith.constant 0 : index
    %get3A_692 = tpu.vector_load %arg8[%get3A_690, %get3A_691] {strides = array<i32>} : memref<32x128xf32, #tpu.memory_space<vmem>>, vector<1x16xf32>,
    %get3A_693 = vector.shape_cast %get3A_692 : vector<1x16xf32> to vector<16xf32>
    %scan3A_694 = arith.constant 0 : i32
    %scan3A_695 = arith.constant 0 : i32
    %scan3A_696 = arith.constant 64 : i32
    %scan3A_697 = arith.addi %scan3A_695, %scan3A_696 : i32
    %scan3A_698 = arith.constant 1 : i32
    %scan3A_699 = scf.for %scan3A_1213 = %scan3A_695 to %scan3A_697 step %scan3A_698 iter_args(%scan3A_1214 = %scan3A_694) -> (i32)  : i32 {
      %mul3A_1215 = arith.constant 16 : i32
      %mul3A_1216 = arith.muli %scan3A_1213, %mul3A_1215 : i32
      %get3A_1217 = arith.constant 6 : i32
      %get3A_1218 = arith.index_cast %get3A_1217 : i32 to index
      %get3A_1219 = arith.index_cast %mul3A_1216 : i32 to index
      %get3A_1220 = tpu.vector_load %arg7[%get3A_1218, %get3A_1219] {strides = array<i32>} : memref<32x1024xf32, #tpu.memory_space<vmem>>, vector<1x16xf32>,
      %get3A_1221 = vector.shape_cast %get3A_1220 : vector<1x16xf32> to vector<16xf32>
      %mul3A_1222 = arith.mulf %get3A_688, %get3A_1221 : vector<16xf32>
      %get3A_1223 = arith.constant 7 : i32
      %get3A_1224 = arith.index_cast %get3A_1223 : i32 to index
      %get3A_1225 = arith.index_cast %mul3A_1216 : i32 to index
      %get3A_1226 = tpu.vector_load %arg7[%get3A_1224, %get3A_1225] {strides = array<i32>} : memref<32x1024xf32, #tpu.memory_space<vmem>>, vector<1x16xf32>,
      %get3A_1227 = vector.shape_cast %get3A_1226 : vector<1x16xf32> to vector<16xf32>
      %mul3A_1228 = arith.mulf %get3A_693, %get3A_1227 : vector<16xf32>
      %add3A_1229 = arith.addf %mul3A_1222, %mul3A_1228 : vector<16xf32>
      %swap3A = arith.constant 3 : i32
      %swap3A_1230 = arith.index_cast %swap3A : i32 to index
      %swap3A_1231 = arith.index_cast %mul3A_1216 : i32 to index
      %swap3A_1232 = tpu.vector_load %arg9[%swap3A_1230, %swap3A_1231] {strides = array<i32>} : memref<16x1024xf32, #tpu.memory_space<vmem>>, vector<1x16xf32>,
      %swap3A_1233 = vector.shape_cast %swap3A_1232 : vector<1x16xf32> to vector<16xf32>
      %swap3A_1234 = vector.shape_cast %add3A_1229 : vector<16xf32> to vector<1x16xf32>
      tpu.vector_store %arg9[%swap3A_1230, %swap3A_1231], %swap3A_1234 {strides = array<i32>} : memref<16x1024xf32, #tpu.memory_space<vmem>>, vector<1x16xf32>,
      %scan3A_1235 = arith.constant 0 : i32
      scf.yield %scan3A_1235 : i32
    }
    %scan3A_700 = arith.constant 64 : i32
    %get3A_701 = arith.constant 8 : i32
    %get3A_702 = arith.index_cast %get3A_701 : i32 to index
    %get3A_703 = arith.constant 0 : index
    %get3A_704 = tpu.vector_load %arg8[%get3A_702, %get3A_703] {strides = array<i32>} : memref<32x128xf32, #tpu.memory_space<vmem>>, vector<1x16xf32>,
    %get3A_705 = vector.shape_cast %get3A_704 : vector<1x16xf32> to vector<16xf32>
    %get3A_706 = arith.constant 9 : i32
    %get3A_707 = arith.index_cast %get3A_706 : i32 to index
    %get3A_708 = arith.constant 0 : index
    %get3A_709 = tpu.vector_load %arg8[%get3A_707, %get3A_708] {strides = array<i32>} : memref<32x128xf32, #tpu.memory_space<vmem>>, vector<1x16xf32>,
    %get3A_710 = vector.shape_cast %get3A_709 : vector<1x16xf32> to vector<16xf32>
    %scan3A_711 = arith.constant 0 : i32
    %scan3A_712 = arith.constant 0 : i32
    %scan3A_713 = arith.constant 64 : i32
    %scan3A_714 = arith.addi %scan3A_712, %scan3A_713 : i32
    %scan3A_715 = arith.constant 1 : i32
    %scan3A_716 = scf.for %scan3A_1213 = %scan3A_712 to %scan3A_714 step %scan3A_715 iter_args(%scan3A_1214 = %scan3A_711) -> (i32)  : i32 {
      %mul3A_1215 = arith.constant 16 : i32
      %mul3A_1216 = arith.muli %scan3A_1213, %mul3A_1215 : i32
      %get3A_1217 = arith.constant 8 : i32
      %get3A_1218 = arith.index_cast %get3A_1217 : i32 to index
      %get3A_1219 = arith.index_cast %mul3A_1216 : i32 to index
      %get3A_1220 = tpu.vector_load %arg7[%get3A_1218, %get3A_1219] {strides = array<i32>} : memref<32x1024xf32, #tpu.memory_space<vmem>>, vector<1x16xf32>,
      %get3A_1221 = vector.shape_cast %get3A_1220 : vector<1x16xf32> to vector<16xf32>
      %mul3A_1222 = arith.mulf %get3A_705, %get3A_1221 : vector<16xf32>
      %get3A_1223 = arith.constant 9 : i32
      %get3A_1224 = arith.index_cast %get3A_1223 : i32 to index
      %get3A_1225 = arith.index_cast %mul3A_1216 : i32 to index
      %get3A_1226 = tpu.vector_load %arg7[%get3A_1224, %get3A_1225] {strides = array<i32>} : memref<32x1024xf32, #tpu.memory_space<vmem>>, vector<1x16xf32>,
      %get3A_1227 = vector.shape_cast %get3A_1226 : vector<1x16xf32> to vector<16xf32>
      %mul3A_1228 = arith.mulf %get3A_710, %get3A_1227 : vector<16xf32>
      %add3A_1229 = arith.addf %mul3A_1222, %mul3A_1228 : vector<16xf32>
      %swap3A = arith.constant 4 : i32
      %swap3A_1230 = arith.index_cast %swap3A : i32 to index
      %swap3A_1231 = arith.index_cast %mul3A_1216 : i32 to index
      %swap3A_1232 = tpu.vector_load %arg9[%swap3A_1230, %swap3A_1231] {strides = array<i32>} : memref<16x1024xf32, #tpu.memory_space<vmem>>, vector<1x16xf32>,
      %swap3A_1233 = vector.shape_cast %swap3A_1232 : vector<1x16xf32> to vector<16xf32>
      %swap3A_1234 = vector.shape_cast %add3A_1229 : vector<16xf32> to vector<1x16xf32>
      tpu.vector_store %arg9[%swap3A_1230, %swap3A_1231], %swap3A_1234 {strides = array<i32>} : memref<16x1024xf32, #tpu.memory_space<vmem>>, vector<1x16xf32>,
      %scan3A_1235 = arith.constant 0 : i32
      scf.yield %scan3A_1235 : i32
    }
    %scan3A_717 = arith.constant 64 : i32
    %get3A_718 = arith.constant 10 : i32
    %get3A_719 = arith.index_cast %get3A_718 : i32 to index
    %get3A_720 = arith.constant 0 : index
    %get3A_721 = tpu.vector_load %arg8[%get3A_719, %get3A_720] {strides = array<i32>} : memref<32x128xf32, #tpu.memory_space<vmem>>, vector<1x16xf32>,
    %get3A_722 = vector.shape_cast %get3A_721 : vector<1x16xf32> to vector<16xf32>
    %get3A_723 = arith.constant 11 : i32
    %get3A_724 = arith.index_cast %get3A_723 : i32 to index
    %get3A_725 = arith.constant 0 : index
    %get3A_726 = tpu.vector_load %arg8[%get3A_724, %get3A_725] {strides = array<i32>} : memref<32x128xf32, #tpu.memory_space<vmem>>, vector<1x16xf32>,
    %get3A_727 = vector.shape_cast %get3A_726 : vector<1x16xf32> to vector<16xf32>
    %scan3A_728 = arith.constant 0 : i32
    %scan3A_729 = arith.constant 0 : i32
    %scan3A_730 = arith.constant 64 : i32
    %scan3A_731 = arith.addi %scan3A_729, %scan3A_730 : i32
    %scan3A_732 = arith.constant 1 : i32
    %scan3A_733 = scf.for %scan3A_1213 = %scan3A_729 to %scan3A_731 step %scan3A_732 iter_args(%scan3A_1214 = %scan3A_728) -> (i32)  : i32 {
      %mul3A_1215 = arith.constant 16 : i32
      %mul3A_1216 = arith.muli %scan3A_1213, %mul3A_1215 : i32
      %get3A_1217 = arith.constant 10 : i32
      %get3A_1218 = arith.index_cast %get3A_1217 : i32 to index
      %get3A_1219 = arith.index_cast %mul3A_1216 : i32 to index
      %get3A_1220 = tpu.vector_load %arg7[%get3A_1218, %get3A_1219] {strides = array<i32>} : memref<32x1024xf32, #tpu.memory_space<vmem>>, vector<1x16xf32>,
      %get3A_1221 = vector.shape_cast %get3A_1220 : vector<1x16xf32> to vector<16xf32>
      %mul3A_1222 = arith.mulf %get3A_722, %get3A_1221 : vector<16xf32>
      %get3A_1223 = arith.constant 11 : i32
      %get3A_1224 = arith.index_cast %get3A_1223 : i32 to index
      %get3A_1225 = arith.index_cast %mul3A_1216 : i32 to index
      %get3A_1226 = tpu.vector_load %arg7[%get3A_1224, %get3A_1225] {strides = array<i32>} : memref<32x1024xf32, #tpu.memory_space<vmem>>, vector<1x16xf32>,
      %get3A_1227 = vector.shape_cast %get3A_1226 : vector<1x16xf32> to vector<16xf32>
      %mul3A_1228 = arith.mulf %get3A_727, %get3A_1227 : vector<16xf32>
      %add3A_1229 = arith.addf %mul3A_1222, %mul3A_1228 : vector<16xf32>
      %swap3A = arith.constant 5 : i32
      %swap3A_1230 = arith.index_cast %swap3A : i32 to index
      %swap3A_1231 = arith.index_cast %mul3A_1216 : i32 to index
      %swap3A_1232 = tpu.vector_load %arg9[%swap3A_1230, %swap3A_1231] {strides = array<i32>} : memref<16x1024xf32, #tpu.memory_space<vmem>>, vector<1x16xf32>,
      %swap3A_1233 = vector.shape_cast %swap3A_1232 : vector<1x16xf32> to vector<16xf32>
      %swap3A_1234 = vector.shape_cast %add3A_1229 : vector<16xf32> to vector<1x16xf32>
      tpu.vector_store %arg9[%swap3A_1230, %swap3A_1231], %swap3A_1234 {strides = array<i32>} : memref<16x1024xf32, #tpu.memory_space<vmem>>, vector<1x16xf32>,
      %scan3A_1235 = arith.constant 0 : i32
      scf.yield %scan3A_1235 : i32
    }
    %scan3A_734 = arith.constant 64 : i32
    %get3A_735 = arith.constant 12 : i32
    %get3A_736 = arith.index_cast %get3A_735 : i32 to index
    %get3A_737 = arith.constant 0 : index
    %get3A_738 = tpu.vector_load %arg8[%get3A_736, %get3A_737] {strides = array<i32>} : memref<32x128xf32, #tpu.memory_space<vmem>>, vector<1x16xf32>,
    %get3A_739 = vector.shape_cast %get3A_738 : vector<1x16xf32> to vector<16xf32>
    %get3A_740 = arith.constant 13 : i32
    %get3A_741 = arith.index_cast %get3A_740 : i32 to index
    %get3A_742 = arith.constant 0 : index
    %get3A_743 = tpu.vector_load %arg8[%get3A_741, %get3A_742] {strides = array<i32>} : memref<32x128xf32, #tpu.memory_space<vmem>>, vector<1x16xf32>,
    %get3A_744 = vector.shape_cast %get3A_743 : vector<1x16xf32> to vector<16xf32>
    %scan3A_745 = arith.constant 0 : i32
    %scan3A_746 = arith.constant 0 : i32
    %scan3A_747 = arith.constant 64 : i32
    %scan3A_748 = arith.addi %scan3A_746, %scan3A_747 : i32
    %scan3A_749 = arith.constant 1 : i32
    %scan3A_750 = scf.for %scan3A_1213 = %scan3A_746 to %scan3A_748 step %scan3A_749 iter_args(%scan3A_1214 = %scan3A_745) -> (i32)  : i32 {
      %mul3A_1215 = arith.constant 16 : i32
      %mul3A_1216 = arith.muli %scan3A_1213, %mul3A_1215 : i32
      %get3A_1217 = arith.constant 12 : i32
      %get3A_1218 = arith.index_cast %get3A_1217 : i32 to index
      %get3A_1219 = arith.index_cast %mul3A_1216 : i32 to index
      %get3A_1220 = tpu.vector_load %arg7[%get3A_1218, %get3A_1219] {strides = array<i32>} : memref<32x1024xf32, #tpu.memory_space<vmem>>, vector<1x16xf32>,
      %get3A_1221 = vector.shape_cast %get3A_1220 : vector<1x16xf32> to vector<16xf32>
      %mul3A_1222 = arith.mulf %get3A_739, %get3A_1221 : vector<16xf32>
      %get3A_1223 = arith.constant 13 : i32
      %get3A_1224 = arith.index_cast %get3A_1223 : i32 to index
      %get3A_1225 = arith.index_cast %mul3A_1216 : i32 to index
      %get3A_1226 = tpu.vector_load %arg7[%get3A_1224, %get3A_1225] {strides = array<i32>} : memref<32x1024xf32, #tpu.memory_space<vmem>>, vector<1x16xf32>,
      %get3A_1227 = vector.shape_cast %get3A_1226 : vector<1x16xf32> to vector<16xf32>
      %mul3A_1228 = arith.mulf %get3A_744, %get3A_1227 : vector<16xf32>
      %add3A_1229 = arith.addf %mul3A_1222, %mul3A_1228 : vector<16xf32>
      %swap3A = arith.constant 6 : i32
      %swap3A_1230 = arith.index_cast %swap3A : i32 to index
      %swap3A_1231 = arith.index_cast %mul3A_1216 : i32 to index
      %swap3A_1232 = tpu.vector_load %arg9[%swap3A_1230, %swap3A_1231] {strides = array<i32>} : memref<16x1024xf32, #tpu.memory_space<vmem>>, vector<1x16xf32>,
      %swap3A_1233 = vector.shape_cast %swap3A_1232 : vector<1x16xf32> to vector<16xf32>
      %swap3A_1234 = vector.shape_cast %add3A_1229 : vector<16xf32> to vector<1x16xf32>
      tpu.vector_store %arg9[%swap3A_1230, %swap3A_1231], %swap3A_1234 {strides = array<i32>} : memref<16x1024xf32, #tpu.memory_space<vmem>>, vector<1x16xf32>,
      %scan3A_1235 = arith.constant 0 : i32
      scf.yield %scan3A_1235 : i32
    }
    %scan3A_751 = arith.constant 64 : i32
    %get3A_752 = arith.constant 14 : i32
    %get3A_753 = arith.index_cast %get3A_752 : i32 to index
    %get3A_754 = arith.constant 0 : index
    %get3A_755 = tpu.vector_load %arg8[%get3A_753, %get3A_754] {strides = array<i32>} : memref<32x128xf32, #tpu.memory_space<vmem>>, vector<1x16xf32>,
    %get3A_756 = vector.shape_cast %get3A_755 : vector<1x16xf32> to vector<16xf32>
    %get3A_757 = arith.constant 15 : i32
    %get3A_758 = arith.index_cast %get3A_757 : i32 to index
    %get3A_759 = arith.constant 0 : index
    %get3A_760 = tpu.vector_load %arg8[%get3A_758, %get3A_759] {strides = array<i32>} : memref<32x128xf32, #tpu.memory_space<vmem>>, vector<1x16xf32>,
    %get3A_761 = vector.shape_cast %get3A_760 : vector<1x16xf32> to vector<16xf32>
    %scan3A_762 = arith.constant 0 : i32
    %scan3A_763 = arith.constant 0 : i32
    %scan3A_764 = arith.constant 64 : i32
    %scan3A_765 = arith.addi %scan3A_763, %scan3A_764 : i32
    %scan3A_766 = arith.constant 1 : i32
    %scan3A_767 = scf.for %scan3A_1213 = %scan3A_763 to %scan3A_765 step %scan3A_766 iter_args(%scan3A_1214 = %scan3A_762) -> (i32)  : i32 {
      %mul3A_1215 = arith.constant 16 : i32
      %mul3A_1216 = arith.muli %scan3A_1213, %mul3A_1215 : i32
      %get3A_1217 = arith.constant 14 : i32
      %get3A_1218 = arith.index_cast %get3A_1217 : i32 to index
      %get3A_1219 = arith.index_cast %mul3A_1216 : i32 to index
      %get3A_1220 = tpu.vector_load %arg7[%get3A_1218, %get3A_1219] {strides = array<i32>} : memref<32x1024xf32, #tpu.memory_space<vmem>>, vector<1x16xf32>,
      %get3A_1221 = vector.shape_cast %get3A_1220 : vector<1x16xf32> to vector<16xf32>
      %mul3A_1222 = arith.mulf %get3A_756, %get3A_1221 : vector<16xf32>
      %get3A_1223 = arith.constant 15 : i32
      %get3A_1224 = arith.index_cast %get3A_1223 : i32 to index
      %get3A_1225 = arith.index_cast %mul3A_1216 : i32 to index
      %get3A_1226 = tpu.vector_load %arg7[%get3A_1224, %get3A_1225] {strides = array<i32>} : memref<32x1024xf32, #tpu.memory_space<vmem>>, vector<1x16xf32>,
      %get3A_1227 = vector.shape_cast %get3A_1226 : vector<1x16xf32> to vector<16xf32>
      %mul3A_1228 = arith.mulf %get3A_761, %get3A_1227 : vector<16xf32>
      %add3A_1229 = arith.addf %mul3A_1222, %mul3A_1228 : vector<16xf32>
      %swap3A = arith.constant 7 : i32
      %swap3A_1230 = arith.index_cast %swap3A : i32 to index
      %swap3A_1231 = arith.index_cast %mul3A_1216 : i32 to index
      %swap3A_1232 = tpu.vector_load %arg9[%swap3A_1230, %swap3A_1231] {strides = array<i32>} : memref<16x1024xf32, #tpu.memory_space<vmem>>, vector<1x16xf32>,
      %swap3A_1233 = vector.shape_cast %swap3A_1232 : vector<1x16xf32> to vector<16xf32>
      %swap3A_1234 = vector.shape_cast %add3A_1229 : vector<16xf32> to vector<1x16xf32>
      tpu.vector_store %arg9[%swap3A_1230, %swap3A_1231], %swap3A_1234 {strides = array<i32>} : memref<16x1024xf32, #tpu.memory_space<vmem>>, vector<1x16xf32>,
      %scan3A_1235 = arith.constant 0 : i32
      scf.yield %scan3A_1235 : i32
    }
    %scan3A_768 = arith.constant 64 : i32
    %get3A_769 = arith.constant 16 : i32
    %get3A_770 = arith.index_cast %get3A_769 : i32 to index
    %get3A_771 = arith.constant 0 : index
    %get3A_772 = tpu.vector_load %arg8[%get3A_770, %get3A_771] {strides = array<i32>} : memref<32x128xf32, #tpu.memory_space<vmem>>, vector<1x16xf32>,
    %get3A_773 = vector.shape_cast %get3A_772 : vector<1x16xf32> to vector<16xf32>
    %get3A_774 = arith.constant 17 : i32
    %get3A_775 = arith.index_cast %get3A_774 : i32 to index
    %get3A_776 = arith.constant 0 : index
    %get3A_777 = tpu.vector_load %arg8[%get3A_775, %get3A_776] {strides = array<i32>} : memref<32x128xf32, #tpu.memory_space<vmem>>, vector<1x16xf32>,
    %get3A_778 = vector.shape_cast %get3A_777 : vector<1x16xf32> to vector<16xf32>
    %scan3A_779 = arith.constant 0 : i32
    %scan3A_780 = arith.constant 0 : i32
    %scan3A_781 = arith.constant 64 : i32
    %scan3A_782 = arith.addi %scan3A_780, %scan3A_781 : i32
    %scan3A_783 = arith.constant 1 : i32
    %scan3A_784 = scf.for %scan3A_1213 = %scan3A_780 to %scan3A_782 step %scan3A_783 iter_args(%scan3A_1214 = %scan3A_779) -> (i32)  : i32 {
      %mul3A_1215 = arith.constant 16 : i32
      %mul3A_1216 = arith.muli %scan3A_1213, %mul3A_1215 : i32
      %get3A_1217 = arith.constant 16 : i32
      %get3A_1218 = arith.index_cast %get3A_1217 : i32 to index
      %get3A_1219 = arith.index_cast %mul3A_1216 : i32 to index
      %get3A_1220 = tpu.vector_load %arg7[%get3A_1218, %get3A_1219] {strides = array<i32>} : memref<32x1024xf32, #tpu.memory_space<vmem>>, vector<1x16xf32>,
      %get3A_1221 = vector.shape_cast %get3A_1220 : vector<1x16xf32> to vector<16xf32>
      %mul3A_1222 = arith.mulf %get3A_773, %get3A_1221 : vector<16xf32>
      %get3A_1223 = arith.constant 17 : i32
      %get3A_1224 = arith.index_cast %get3A_1223 : i32 to index
      %get3A_1225 = arith.index_cast %mul3A_1216 : i32 to index
      %get3A_1226 = tpu.vector_load %arg7[%get3A_1224, %get3A_1225] {strides = array<i32>} : memref<32x1024xf32, #tpu.memory_space<vmem>>, vector<1x16xf32>,
      %get3A_1227 = vector.shape_cast %get3A_1226 : vector<1x16xf32> to vector<16xf32>
      %mul3A_1228 = arith.mulf %get3A_778, %get3A_1227 : vector<16xf32>
      %add3A_1229 = arith.addf %mul3A_1222, %mul3A_1228 : vector<16xf32>
      %swap3A = arith.constant 8 : i32
      %swap3A_1230 = arith.index_cast %swap3A : i32 to index
      %swap3A_1231 = arith.index_cast %mul3A_1216 : i32 to index
      %swap3A_1232 = tpu.vector_load %arg9[%swap3A_1230, %swap3A_1231] {strides = array<i32>} : memref<16x1024xf32, #tpu.memory_space<vmem>>, vector<1x16xf32>,
      %swap3A_1233 = vector.shape_cast %swap3A_1232 : vector<1x16xf32> to vector<16xf32>
      %swap3A_1234 = vector.shape_cast %add3A_1229 : vector<16xf32> to vector<1x16xf32>
      tpu.vector_store %arg9[%swap3A_1230, %swap3A_1231], %swap3A_1234 {strides = array<i32>} : memref<16x1024xf32, #tpu.memory_space<vmem>>, vector<1x16xf32>,
      %scan3A_1235 = arith.constant 0 : i32
      scf.yield %scan3A_1235 : i32
    }
    %scan3A_785 = arith.constant 64 : i32
    %get3A_786 = arith.constant 18 : i32
    %get3A_787 = arith.index_cast %get3A_786 : i32 to index
    %get3A_788 = arith.constant 0 : index
    %get3A_789 = tpu.vector_load %arg8[%get3A_787, %get3A_788] {strides = array<i32>} : memref<32x128xf32, #tpu.memory_space<vmem>>, vector<1x16xf32>,
    %get3A_790 = vector.shape_cast %get3A_789 : vector<1x16xf32> to vector<16xf32>
    %get3A_791 = arith.constant 19 : i32
    %get3A_792 = arith.index_cast %get3A_791 : i32 to index
    %get3A_793 = arith.constant 0 : index
    %get3A_794 = tpu.vector_load %arg8[%get3A_792, %get3A_793] {strides = array<i32>} : memref<32x128xf32, #tpu.memory_space<vmem>>, vector<1x16xf32>,
    %get3A_795 = vector.shape_cast %get3A_794 : vector<1x16xf32> to vector<16xf32>
    %scan3A_796 = arith.constant 0 : i32
    %scan3A_797 = arith.constant 0 : i32
    %scan3A_798 = arith.constant 64 : i32
    %scan3A_799 = arith.addi %scan3A_797, %scan3A_798 : i32
    %scan3A_800 = arith.constant 1 : i32
    %scan3A_801 = scf.for %scan3A_1213 = %scan3A_797 to %scan3A_799 step %scan3A_800 iter_args(%scan3A_1214 = %scan3A_796) -> (i32)  : i32 {
      %mul3A_1215 = arith.constant 16 : i32
      %mul3A_1216 = arith.muli %scan3A_1213, %mul3A_1215 : i32
      %get3A_1217 = arith.constant 18 : i32
      %get3A_1218 = arith.index_cast %get3A_1217 : i32 to index
      %get3A_1219 = arith.index_cast %mul3A_1216 : i32 to index
      %get3A_1220 = tpu.vector_load %arg7[%get3A_1218, %get3A_1219] {strides = array<i32>} : memref<32x1024xf32, #tpu.memory_space<vmem>>, vector<1x16xf32>,
      %get3A_1221 = vector.shape_cast %get3A_1220 : vector<1x16xf32> to vector<16xf32>
      %mul3A_1222 = arith.mulf %get3A_790, %get3A_1221 : vector<16xf32>
      %get3A_1223 = arith.constant 19 : i32
      %get3A_1224 = arith.index_cast %get3A_1223 : i32 to index
      %get3A_1225 = arith.index_cast %mul3A_1216 : i32 to index
      %get3A_1226 = tpu.vector_load %arg7[%get3A_1224, %get3A_1225] {strides = array<i32>} : memref<32x1024xf32, #tpu.memory_space<vmem>>, vector<1x16xf32>,
      %get3A_1227 = vector.shape_cast %get3A_1226 : vector<1x16xf32> to vector<16xf32>
      %mul3A_1228 = arith.mulf %get3A_795, %get3A_1227 : vector<16xf32>
      %add3A_1229 = arith.addf %mul3A_1222, %mul3A_1228 : vector<16xf32>
      %swap3A = arith.constant 9 : i32
      %swap3A_1230 = arith.index_cast %swap3A : i32 to index
      %swap3A_1231 = arith.index_cast %mul3A_1216 : i32 to index
      %swap3A_1232 = tpu.vector_load %arg9[%swap3A_1230, %swap3A_1231] {strides = array<i32>} : memref<16x1024xf32, #tpu.memory_space<vmem>>, vector<1x16xf32>,
      %swap3A_1233 = vector.shape_cast %swap3A_1232 : vector<1x16xf32> to vector<16xf32>
      %swap3A_1234 = vector.shape_cast %add3A_1229 : vector<16xf32> to vector<1x16xf32>
      tpu.vector_store %arg9[%swap3A_1230, %swap3A_1231], %swap3A_1234 {strides = array<i32>} : memref<16x1024xf32, #tpu.memory_space<vmem>>, vector<1x16xf32>,
      %scan3A_1235 = arith.constant 0 : i32
      scf.yield %scan3A_1235 : i32
    }
    %scan3A_802 = arith.constant 64 : i32
    %get3A_803 = arith.constant 20 : i32
    %get3A_804 = arith.index_cast %get3A_803 : i32 to index
    %get3A_805 = arith.constant 0 : index
    %get3A_806 = tpu.vector_load %arg8[%get3A_804, %get3A_805] {strides = array<i32>} : memref<32x128xf32, #tpu.memory_space<vmem>>, vector<1x16xf32>,
    %get3A_807 = vector.shape_cast %get3A_806 : vector<1x16xf32> to vector<16xf32>
    %get3A_808 = arith.constant 21 : i32
    %get3A_809 = arith.index_cast %get3A_808 : i32 to index
    %get3A_810 = arith.constant 0 : index
    %get3A_811 = tpu.vector_load %arg8[%get3A_809, %get3A_810] {strides = array<i32>} : memref<32x128xf32, #tpu.memory_space<vmem>>, vector<1x16xf32>,
    %get3A_812 = vector.shape_cast %get3A_811 : vector<1x16xf32> to vector<16xf32>
    %scan3A_813 = arith.constant 0 : i32
    %scan3A_814 = arith.constant 0 : i32
    %scan3A_815 = arith.constant 64 : i32
    %scan3A_816 = arith.addi %scan3A_814, %scan3A_815 : i32
    %scan3A_817 = arith.constant 1 : i32
    %scan3A_818 = scf.for %scan3A_1213 = %scan3A_814 to %scan3A_816 step %scan3A_817 iter_args(%scan3A_1214 = %scan3A_813) -> (i32)  : i32 {
      %mul3A_1215 = arith.constant 16 : i32
      %mul3A_1216 = arith.muli %scan3A_1213, %mul3A_1215 : i32
      %get3A_1217 = arith.constant 20 : i32
      %get3A_1218 = arith.index_cast %get3A_1217 : i32 to index
      %get3A_1219 = arith.index_cast %mul3A_1216 : i32 to index
      %get3A_1220 = tpu.vector_load %arg7[%get3A_1218, %get3A_1219] {strides = array<i32>} : memref<32x1024xf32, #tpu.memory_space<vmem>>, vector<1x16xf32>,
      %get3A_1221 = vector.shape_cast %get3A_1220 : vector<1x16xf32> to vector<16xf32>
      %mul3A_1222 = arith.mulf %get3A_807, %get3A_1221 : vector<16xf32>
      %get3A_1223 = arith.constant 21 : i32
      %get3A_1224 = arith.index_cast %get3A_1223 : i32 to index
      %get3A_1225 = arith.index_cast %mul3A_1216 : i32 to index
      %get3A_1226 = tpu.vector_load %arg7[%get3A_1224, %get3A_1225] {strides = array<i32>} : memref<32x1024xf32, #tpu.memory_space<vmem>>, vector<1x16xf32>,
      %get3A_1227 = vector.shape_cast %get3A_1226 : vector<1x16xf32> to vector<16xf32>
      %mul3A_1228 = arith.mulf %get3A_812, %get3A_1227 : vector<16xf32>
      %add3A_1229 = arith.addf %mul3A_1222, %mul3A_1228 : vector<16xf32>
      %swap3A = arith.constant 10 : i32
      %swap3A_1230 = arith.index_cast %swap3A : i32 to index
      %swap3A_1231 = arith.index_cast %mul3A_1216 : i32 to index
      %swap3A_1232 = tpu.vector_load %arg9[%swap3A_1230, %swap3A_1231] {strides = array<i32>} : memref<16x1024xf32, #tpu.memory_space<vmem>>, vector<1x16xf32>,
      %swap3A_1233 = vector.shape_cast %swap3A_1232 : vector<1x16xf32> to vector<16xf32>
      %swap3A_1234 = vector.shape_cast %add3A_1229 : vector<16xf32> to vector<1x16xf32>
      tpu.vector_store %arg9[%swap3A_1230, %swap3A_1231], %swap3A_1234 {strides = array<i32>} : memref<16x1024xf32, #tpu.memory_space<vmem>>, vector<1x16xf32>,
      %scan3A_1235 = arith.constant 0 : i32
      scf.yield %scan3A_1235 : i32
    }
    %scan3A_819 = arith.constant 64 : i32
    %get3A_820 = arith.constant 22 : i32
    %get3A_821 = arith.index_cast %get3A_820 : i32 to index
    %get3A_822 = arith.constant 0 : index
    %get3A_823 = tpu.vector_load %arg8[%get3A_821, %get3A_822] {strides = array<i32>} : memref<32x128xf32, #tpu.memory_space<vmem>>, vector<1x16xf32>,
    %get3A_824 = vector.shape_cast %get3A_823 : vector<1x16xf32> to vector<16xf32>
    %get3A_825 = arith.constant 23 : i32
    %get3A_826 = arith.index_cast %get3A_825 : i32 to index
    %get3A_827 = arith.constant 0 : index
    %get3A_828 = tpu.vector_load %arg8[%get3A_826, %get3A_827] {strides = array<i32>} : memref<32x128xf32, #tpu.memory_space<vmem>>, vector<1x16xf32>,
    %get3A_829 = vector.shape_cast %get3A_828 : vector<1x16xf32> to vector<16xf32>
    %scan3A_830 = arith.constant 0 : i32
    %scan3A_831 = arith.constant 0 : i32
    %scan3A_832 = arith.constant 64 : i32
    %scan3A_833 = arith.addi %scan3A_831, %scan3A_832 : i32
    %scan3A_834 = arith.constant 1 : i32
    %scan3A_835 = scf.for %scan3A_1213 = %scan3A_831 to %scan3A_833 step %scan3A_834 iter_args(%scan3A_1214 = %scan3A_830) -> (i32)  : i32 {
      %mul3A_1215 = arith.constant 16 : i32
      %mul3A_1216 = arith.muli %scan3A_1213, %mul3A_1215 : i32
      %get3A_1217 = arith.constant 22 : i32
      %get3A_1218 = arith.index_cast %get3A_1217 : i32 to index
      %get3A_1219 = arith.index_cast %mul3A_1216 : i32 to index
      %get3A_1220 = tpu.vector_load %arg7[%get3A_1218, %get3A_1219] {strides = array<i32>} : memref<32x1024xf32, #tpu.memory_space<vmem>>, vector<1x16xf32>,
      %get3A_1221 = vector.shape_cast %get3A_1220 : vector<1x16xf32> to vector<16xf32>
      %mul3A_1222 = arith.mulf %get3A_824, %get3A_1221 : vector<16xf32>
      %get3A_1223 = arith.constant 23 : i32
      %get3A_1224 = arith.index_cast %get3A_1223 : i32 to index
      %get3A_1225 = arith.index_cast %mul3A_1216 : i32 to index
      %get3A_1226 = tpu.vector_load %arg7[%get3A_1224, %get3A_1225] {strides = array<i32>} : memref<32x1024xf32, #tpu.memory_space<vmem>>, vector<1x16xf32>,
      %get3A_1227 = vector.shape_cast %get3A_1226 : vector<1x16xf32> to vector<16xf32>
      %mul3A_1228 = arith.mulf %get3A_829, %get3A_1227 : vector<16xf32>
      %add3A_1229 = arith.addf %mul3A_1222, %mul3A_1228 : vector<16xf32>
      %swap3A = arith.constant 11 : i32
      %swap3A_1230 = arith.index_cast %swap3A : i32 to index
      %swap3A_1231 = arith.index_cast %mul3A_1216 : i32 to index
      %swap3A_1232 = tpu.vector_load %arg9[%swap3A_1230, %swap3A_1231] {strides = array<i32>} : memref<16x1024xf32, #tpu.memory_space<vmem>>, vector<1x16xf32>,
      %swap3A_1233 = vector.shape_cast %swap3A_1232 : vector<1x16xf32> to vector<16xf32>
      %swap3A_1234 = vector.shape_cast %add3A_1229 : vector<16xf32> to vector<1x16xf32>
      tpu.vector_store %arg9[%swap3A_1230, %swap3A_1231], %swap3A_1234 {strides = array<i32>} : memref<16x1024xf32, #tpu.memory_space<vmem>>, vector<1x16xf32>,
      %scan3A_1235 = arith.constant 0 : i32
      scf.yield %scan3A_1235 : i32
    }
    %scan3A_836 = arith.constant 64 : i32
    %get3A_837 = arith.constant 24 : i32
    %get3A_838 = arith.index_cast %get3A_837 : i32 to index
    %get3A_839 = arith.constant 0 : index
    %get3A_840 = tpu.vector_load %arg8[%get3A_838, %get3A_839] {strides = array<i32>} : memref<32x128xf32, #tpu.memory_space<vmem>>, vector<1x16xf32>,
    %get3A_841 = vector.shape_cast %get3A_840 : vector<1x16xf32> to vector<16xf32>
    %get3A_842 = arith.constant 25 : i32
    %get3A_843 = arith.index_cast %get3A_842 : i32 to index
    %get3A_844 = arith.constant 0 : index
    %get3A_845 = tpu.vector_load %arg8[%get3A_843, %get3A_844] {strides = array<i32>} : memref<32x128xf32, #tpu.memory_space<vmem>>, vector<1x16xf32>,
    %get3A_846 = vector.shape_cast %get3A_845 : vector<1x16xf32> to vector<16xf32>
    %scan3A_847 = arith.constant 0 : i32
    %scan3A_848 = arith.constant 0 : i32
    %scan3A_849 = arith.constant 64 : i32
    %scan3A_850 = arith.addi %scan3A_848, %scan3A_849 : i32
    %scan3A_851 = arith.constant 1 : i32
    %scan3A_852 = scf.for %scan3A_1213 = %scan3A_848 to %scan3A_850 step %scan3A_851 iter_args(%scan3A_1214 = %scan3A_847) -> (i32)  : i32 {
      %mul3A_1215 = arith.constant 16 : i32
      %mul3A_1216 = arith.muli %scan3A_1213, %mul3A_1215 : i32
      %get3A_1217 = arith.constant 24 : i32
      %get3A_1218 = arith.index_cast %get3A_1217 : i32 to index
      %get3A_1219 = arith.index_cast %mul3A_1216 : i32 to index
      %get3A_1220 = tpu.vector_load %arg7[%get3A_1218, %get3A_1219] {strides = array<i32>} : memref<32x1024xf32, #tpu.memory_space<vmem>>, vector<1x16xf32>,
      %get3A_1221 = vector.shape_cast %get3A_1220 : vector<1x16xf32> to vector<16xf32>
      %mul3A_1222 = arith.mulf %get3A_841, %get3A_1221 : vector<16xf32>
      %get3A_1223 = arith.constant 25 : i32
      %get3A_1224 = arith.index_cast %get3A_1223 : i32 to index
      %get3A_1225 = arith.index_cast %mul3A_1216 : i32 to index
      %get3A_1226 = tpu.vector_load %arg7[%get3A_1224, %get3A_1225] {strides = array<i32>} : memref<32x1024xf32, #tpu.memory_space<vmem>>, vector<1x16xf32>,
      %get3A_1227 = vector.shape_cast %get3A_1226 : vector<1x16xf32> to vector<16xf32>
      %mul3A_1228 = arith.mulf %get3A_846, %get3A_1227 : vector<16xf32>
      %add3A_1229 = arith.addf %mul3A_1222, %mul3A_1228 : vector<16xf32>
      %swap3A = arith.constant 12 : i32
      %swap3A_1230 = arith.index_cast %swap3A : i32 to index
      %swap3A_1231 = arith.index_cast %mul3A_1216 : i32 to index
      %swap3A_1232 = tpu.vector_load %arg9[%swap3A_1230, %swap3A_1231] {strides = array<i32>} : memref<16x1024xf32, #tpu.memory_space<vmem>>, vector<1x16xf32>,
      %swap3A_1233 = vector.shape_cast %swap3A_1232 : vector<1x16xf32> to vector<16xf32>
      %swap3A_1234 = vector.shape_cast %add3A_1229 : vector<16xf32> to vector<1x16xf32>
      tpu.vector_store %arg9[%swap3A_1230, %swap3A_1231], %swap3A_1234 {strides = array<i32>} : memref<16x1024xf32, #tpu.memory_space<vmem>>, vector<1x16xf32>,
      %scan3A_1235 = arith.constant 0 : i32
      scf.yield %scan3A_1235 : i32
    }
    %scan3A_853 = arith.constant 64 : i32
    %get3A_854 = arith.constant 26 : i32
    %get3A_855 = arith.index_cast %get3A_854 : i32 to index
    %get3A_856 = arith.constant 0 : index
    %get3A_857 = tpu.vector_load %arg8[%get3A_855, %get3A_856] {strides = array<i32>} : memref<32x128xf32, #tpu.memory_space<vmem>>, vector<1x16xf32>,
    %get3A_858 = vector.shape_cast %get3A_857 : vector<1x16xf32> to vector<16xf32>
    %get3A_859 = arith.constant 27 : i32
    %get3A_860 = arith.index_cast %get3A_859 : i32 to index
    %get3A_861 = arith.constant 0 : index
    %get3A_862 = tpu.vector_load %arg8[%get3A_860, %get3A_861] {strides = array<i32>} : memref<32x128xf32, #tpu.memory_space<vmem>>, vector<1x16xf32>,
    %get3A_863 = vector.shape_cast %get3A_862 : vector<1x16xf32> to vector<16xf32>
    %scan3A_864 = arith.constant 0 : i32
    %scan3A_865 = arith.constant 0 : i32
    %scan3A_866 = arith.constant 64 : i32
    %scan3A_867 = arith.addi %scan3A_865, %scan3A_866 : i32
    %scan3A_868 = arith.constant 1 : i32
    %scan3A_869 = scf.for %scan3A_1213 = %scan3A_865 to %scan3A_867 step %scan3A_868 iter_args(%scan3A_1214 = %scan3A_864) -> (i32)  : i32 {
      %mul3A_1215 = arith.constant 16 : i32
      %mul3A_1216 = arith.muli %scan3A_1213, %mul3A_1215 : i32
      %get3A_1217 = arith.constant 26 : i32
      %get3A_1218 = arith.index_cast %get3A_1217 : i32 to index
      %get3A_1219 = arith.index_cast %mul3A_1216 : i32 to index
      %get3A_1220 = tpu.vector_load %arg7[%get3A_1218, %get3A_1219] {strides = array<i32>} : memref<32x1024xf32, #tpu.memory_space<vmem>>, vector<1x16xf32>,
      %get3A_1221 = vector.shape_cast %get3A_1220 : vector<1x16xf32> to vector<16xf32>
      %mul3A_1222 = arith.mulf %get3A_858, %get3A_1221 : vector<16xf32>
      %get3A_1223 = arith.constant 27 : i32
      %get3A_1224 = arith.index_cast %get3A_1223 : i32 to index
      %get3A_1225 = arith.index_cast %mul3A_1216 : i32 to index
      %get3A_1226 = tpu.vector_load %arg7[%get3A_1224, %get3A_1225] {strides = array<i32>} : memref<32x1024xf32, #tpu.memory_space<vmem>>, vector<1x16xf32>,
      %get3A_1227 = vector.shape_cast %get3A_1226 : vector<1x16xf32> to vector<16xf32>
      %mul3A_1228 = arith.mulf %get3A_863, %get3A_1227 : vector<16xf32>
      %add3A_1229 = arith.addf %mul3A_1222, %mul3A_1228 : vector<16xf32>
      %swap3A = arith.constant 13 : i32
      %swap3A_1230 = arith.index_cast %swap3A : i32 to index
      %swap3A_1231 = arith.index_cast %mul3A_1216 : i32 to index
      %swap3A_1232 = tpu.vector_load %arg9[%swap3A_1230, %swap3A_1231] {strides = array<i32>} : memref<16x1024xf32, #tpu.memory_space<vmem>>, vector<1x16xf32>,
      %swap3A_1233 = vector.shape_cast %swap3A_1232 : vector<1x16xf32> to vector<16xf32>
      %swap3A_1234 = vector.shape_cast %add3A_1229 : vector<16xf32> to vector<1x16xf32>
      tpu.vector_store %arg9[%swap3A_1230, %swap3A_1231], %swap3A_1234 {strides = array<i32>} : memref<16x1024xf32, #tpu.memory_space<vmem>>, vector<1x16xf32>,
      %scan3A_1235 = arith.constant 0 : i32
      scf.yield %scan3A_1235 : i32
    }
    %scan3A_870 = arith.constant 64 : i32
    %get3A_871 = arith.constant 28 : i32
    %get3A_872 = arith.index_cast %get3A_871 : i32 to index
    %get3A_873 = arith.constant 0 : index
    %get3A_874 = tpu.vector_load %arg8[%get3A_872, %get3A_873] {strides = array<i32>} : memref<32x128xf32, #tpu.memory_space<vmem>>, vector<1x16xf32>,
    %get3A_875 = vector.shape_cast %get3A_874 : vector<1x16xf32> to vector<16xf32>
    %get3A_876 = arith.constant 29 : i32
    %get3A_877 = arith.index_cast %get3A_876 : i32 to index
    %get3A_878 = arith.constant 0 : index
    %get3A_879 = tpu.vector_load %arg8[%get3A_877, %get3A_878] {strides = array<i32>} : memref<32x128xf32, #tpu.memory_space<vmem>>, vector<1x16xf32>,
    %get3A_880 = vector.shape_cast %get3A_879 : vector<1x16xf32> to vector<16xf32>
    %scan3A_881 = arith.constant 0 : i32
    %scan3A_882 = arith.constant 0 : i32
    %scan3A_883 = arith.constant 64 : i32
    %scan3A_884 = arith.addi %scan3A_882, %scan3A_883 : i32
    %scan3A_885 = arith.constant 1 : i32
    %scan3A_886 = scf.for %scan3A_1213 = %scan3A_882 to %scan3A_884 step %scan3A_885 iter_args(%scan3A_1214 = %scan3A_881) -> (i32)  : i32 {
      %mul3A_1215 = arith.constant 16 : i32
      %mul3A_1216 = arith.muli %scan3A_1213, %mul3A_1215 : i32
      %get3A_1217 = arith.constant 28 : i32
      %get3A_1218 = arith.index_cast %get3A_1217 : i32 to index
      %get3A_1219 = arith.index_cast %mul3A_1216 : i32 to index
      %get3A_1220 = tpu.vector_load %arg7[%get3A_1218, %get3A_1219] {strides = array<i32>} : memref<32x1024xf32, #tpu.memory_space<vmem>>, vector<1x16xf32>,
      %get3A_1221 = vector.shape_cast %get3A_1220 : vector<1x16xf32> to vector<16xf32>
      %mul3A_1222 = arith.mulf %get3A_875, %get3A_1221 : vector<16xf32>
      %get3A_1223 = arith.constant 29 : i32
      %get3A_1224 = arith.index_cast %get3A_1223 : i32 to index
      %get3A_1225 = arith.index_cast %mul3A_1216 : i32 to index
      %get3A_1226 = tpu.vector_load %arg7[%get3A_1224, %get3A_1225] {strides = array<i32>} : memref<32x1024xf32, #tpu.memory_space<vmem>>, vector<1x16xf32>,
      %get3A_1227 = vector.shape_cast %get3A_1226 : vector<1x16xf32> to vector<16xf32>
      %mul3A_1228 = arith.mulf %get3A_880, %get3A_1227 : vector<16xf32>
      %add3A_1229 = arith.addf %mul3A_1222, %mul3A_1228 : vector<16xf32>
      %swap3A = arith.constant 14 : i32
      %swap3A_1230 = arith.index_cast %swap3A : i32 to index
      %swap3A_1231 = arith.index_cast %mul3A_1216 : i32 to index
      %swap3A_1232 = tpu.vector_load %arg9[%swap3A_1230, %swap3A_1231] {strides = array<i32>} : memref<16x1024xf32, #tpu.memory_space<vmem>>, vector<1x16xf32>,
      %swap3A_1233 = vector.shape_cast %swap3A_1232 : vector<1x16xf32> to vector<16xf32>
      %swap3A_1234 = vector.shape_cast %add3A_1229 : vector<16xf32> to vector<1x16xf32>
      tpu.vector_store %arg9[%swap3A_1230, %swap3A_1231], %swap3A_1234 {strides = array<i32>} : memref<16x1024xf32, #tpu.memory_space<vmem>>, vector<1x16xf32>,
      %scan3A_1235 = arith.constant 0 : i32
      scf.yield %scan3A_1235 : i32
    }
    %scan3A_887 = arith.constant 64 : i32
    %get3A_888 = arith.constant 30 : i32
    %get3A_889 = arith.index_cast %get3A_888 : i32 to index
    %get3A_890 = arith.constant 0 : index
    %get3A_891 = tpu.vector_load %arg8[%get3A_889, %get3A_890] {strides = array<i32>} : memref<32x128xf32, #tpu.memory_space<vmem>>, vector<1x16xf32>,
    %get3A_892 = vector.shape_cast %get3A_891 : vector<1x16xf32> to vector<16xf32>
    %get3A_893 = arith.constant 31 : i32
    %get3A_894 = arith.index_cast %get3A_893 : i32 to index
    %get3A_895 = arith.constant 0 : index
    %get3A_896 = tpu.vector_load %arg8[%get3A_894, %get3A_895] {strides = array<i32>} : memref<32x128xf32, #tpu.memory_space<vmem>>, vector<1x16xf32>,
    %get3A_897 = vector.shape_cast %get3A_896 : vector<1x16xf32> to vector<16xf32>
    %scan3A_898 = arith.constant 0 : i32
    %scan3A_899 = arith.constant 0 : i32
    %scan3A_900 = arith.constant 64 : i32
    %scan3A_901 = arith.addi %scan3A_899, %scan3A_900 : i32
    %scan3A_902 = arith.constant 1 : i32
    %scan3A_903 = scf.for %scan3A_1213 = %scan3A_899 to %scan3A_901 step %scan3A_902 iter_args(%scan3A_1214 = %scan3A_898) -> (i32)  : i32 {
      %mul3A_1215 = arith.constant 16 : i32
      %mul3A_1216 = arith.muli %scan3A_1213, %mul3A_1215 : i32
      %get3A_1217 = arith.constant 30 : i32
      %get3A_1218 = arith.index_cast %get3A_1217 : i32 to index
      %get3A_1219 = arith.index_cast %mul3A_1216 : i32 to index
      %get3A_1220 = tpu.vector_load %arg7[%get3A_1218, %get3A_1219] {strides = array<i32>} : memref<32x1024xf32, #tpu.memory_space<vmem>>, vector<1x16xf32>,
      %get3A_1221 = vector.shape_cast %get3A_1220 : vector<1x16xf32> to vector<16xf32>
      %mul3A_1222 = arith.mulf %get3A_892, %get3A_1221 : vector<16xf32>
      %get3A_1223 = arith.constant 31 : i32
      %get3A_1224 = arith.index_cast %get3A_1223 : i32 to index
      %get3A_1225 = arith.index_cast %mul3A_1216 : i32 to index
      %get3A_1226 = tpu.vector_load %arg7[%get3A_1224, %get3A_1225] {strides = array<i32>} : memref<32x1024xf32, #tpu.memory_space<vmem>>, vector<1x16xf32>,
      %get3A_1227 = vector.shape_cast %get3A_1226 : vector<1x16xf32> to vector<16xf32>
      %mul3A_1228 = arith.mulf %get3A_897, %get3A_1227 : vector<16xf32>
      %add3A_1229 = arith.addf %mul3A_1222, %mul3A_1228 : vector<16xf32>
      %swap3A = arith.constant 15 : i32
      %swap3A_1230 = arith.index_cast %swap3A : i32 to index
      %swap3A_1231 = arith.index_cast %mul3A_1216 : i32 to index
      %swap3A_1232 = tpu.vector_load %arg9[%swap3A_1230, %swap3A_1231] {strides = array<i32>} : memref<16x1024xf32, #tpu.memory_space<vmem>>, vector<1x16xf32>,
      %swap3A_1233 = vector.shape_cast %swap3A_1232 : vector<1x16xf32> to vector<16xf32>
      %swap3A_1234 = vector.shape_cast %add3A_1229 : vector<16xf32> to vector<1x16xf32>
      tpu.vector_store %arg9[%swap3A_1230, %swap3A_1231], %swap3A_1234 {strides = array<i32>} : memref<16x1024xf32, #tpu.memory_space<vmem>>, vector<1x16xf32>,
      %scan3A_1235 = arith.constant 0 : i32
      scf.yield %scan3A_1235 : i32
    }
    %scan3A_904 = arith.constant 64 : i32
    %mul3A_905 = arith.constant 64 : i32
    %mul3A_906 = arith.muli %add3A, %mul3A_905 : i32
    %add3A_907 = arith.constant 32 : i32
    %add3A_908 = arith.addi %mul3A_906, %add3A_907 : i32
    "tpu.region"() ({
      %run_scoped3A = tpu.sem_alloc : memref<!tpu.dma_semaphore, #tpu.memory_space<semaphore_mem>>
      %dma_start3A_1213 = arith.constant 0 : i32
      %dma_start3A_1214 = tpu.memref_slice %arg5[%add3A_908, %dma_start3A_1213] : memref<2048x1024xf32, #tpu.memory_space<hbm>> -> memref<16x1024xf32, #tpu.memory_space<hbm>>
      %dma_start3A_1215 = arith.constant 0 : i32
      %dma_start3A_1216 = tpu.memref_slice %arg5[%add3A_908, %dma_start3A_1215] : memref<2048x1024xf32, #tpu.memory_space<hbm>> -> memref<16x1024xf32, #tpu.memory_space<hbm>>
      tpu.enqueue_dma source(%arg9 : memref<16x1024xf32, #tpu.memory_space<vmem>>) target(%dma_start3A_1216 : memref<16x1024xf32, #tpu.memory_space<hbm>>) target_semaphore(%run_scoped3A : memref<!tpu.dma_semaphore, #tpu.memory_space<semaphore_mem>>)
      %dma_wait3A_1217 = arith.constant 0 : i32
      %dma_wait3A_1218 = tpu.memref_slice %arg5[%add3A_908, %dma_wait3A_1217] : memref<2048x1024xf32, #tpu.memory_space<hbm>> -> memref<16x1024xf32, #tpu.memory_space<hbm>>
      %dma_wait3A_1219 = arith.constant 0 : i32
      %dma_wait3A_1220 = tpu.memref_slice %arg5[%add3A_908, %dma_wait3A_1219] : memref<2048x1024xf32, #tpu.memory_space<hbm>> -> memref<16x1024xf32, #tpu.memory_space<hbm>>
      tpu.wait_dma2 semaphore(%run_scoped3A : memref<!tpu.dma_semaphore, #tpu.memory_space<semaphore_mem>>) src(%arg9 : memref<16x1024xf32, #tpu.memory_space<vmem>>) dst(%dma_wait3A_1220 : memref<16x1024xf32, #tpu.memory_space<hbm>>)
      tpu.yield
    }) : () -> ()
    %dma_start3A_909 = arith.constant 3 : i32
    %dma_start3A_910 = arith.constant 0 : i32
    %dma_start3A_911 = tpu.memref_slice %arg6[%dma_start3A_909, %dma_start3A_910] : memref<4x32xi32, #tpu.memory_space<vmem>> -> memref<1x32xi32, #tpu.memory_space<vmem>>
    %dma_start3A_912 = tpu.memref_squeeze %dma_start3A_911 : memref<1x32xi32, #tpu.memory_space<vmem>> -> memref<32xi32, #tpu.memory_space<vmem>>
    %dma_start3A_913 = arith.constant 0 : i32
    %dma_start3A_914 = arith.constant 0 : i32
    %dma_start3A_915 = tpu.memref_slice %arg3[%dma_start3A_913, %dma_start3A_914] : memref<6144x128xf32, #tpu.memory_space<hbm>> -> memref<6144x128xf32, #tpu.memory_space<hbm>>
    tpu.enqueue_indirect_dma source(%dma_start3A_915 : memref<6144x128xf32, #tpu.memory_space<hbm>>) target(%arg8 : memref<32x128xf32, #tpu.memory_space<vmem>>) offsets(%dma_start3A_912 : memref<32xi32, #tpu.memory_space<vmem>>) semaphore(%arg11 : memref<!tpu.dma_semaphore, #tpu.memory_space<semaphore_mem>>)
    %dma_start3A_916 = arith.constant 3 : i32
    %dma_start3A_917 = arith.constant 0 : i32
    %dma_start3A_918 = tpu.memref_slice %arg6[%dma_start3A_916, %dma_start3A_917] : memref<4x32xi32, #tpu.memory_space<vmem>> -> memref<1x32xi32, #tpu.memory_space<vmem>>
    %dma_start3A_919 = tpu.memref_squeeze %dma_start3A_918 : memref<1x32xi32, #tpu.memory_space<vmem>> -> memref<32xi32, #tpu.memory_space<vmem>>
    %dma_start3A_920 = arith.constant 0 : i32
    %dma_start3A_921 = arith.constant 0 : i32
    %dma_start3A_922 = tpu.memref_slice %arg2[%dma_start3A_920, %dma_start3A_921] : memref<6144x1024xf32, #tpu.memory_space<hbm>> -> memref<6144x1024xf32, #tpu.memory_space<hbm>>
    tpu.enqueue_indirect_dma source(%dma_start3A_922 : memref<6144x1024xf32, #tpu.memory_space<hbm>>) target(%arg7 : memref<32x1024xf32, #tpu.memory_space<vmem>>) offsets(%dma_start3A_919 : memref<32xi32, #tpu.memory_space<vmem>>) semaphore(%arg10 : memref<!tpu.dma_semaphore, #tpu.memory_space<semaphore_mem>>)
    %dma_wait3A_923 = arith.constant 3 : i32
    %dma_wait3A_924 = arith.constant 0 : i32
    %dma_wait3A_925 = tpu.memref_slice %arg6[%dma_wait3A_923, %dma_wait3A_924] : memref<4x32xi32, #tpu.memory_space<vmem>> -> memref<1x32xi32, #tpu.memory_space<vmem>>
    %dma_wait3A_926 = tpu.memref_squeeze %dma_wait3A_925 : memref<1x32xi32, #tpu.memory_space<vmem>> -> memref<32xi32, #tpu.memory_space<vmem>>
    %dma_wait3A_927 = arith.constant 0 : i32
    %dma_wait3A_928 = arith.constant 0 : i32
    %dma_wait3A_929 = tpu.memref_slice %arg2[%dma_wait3A_927, %dma_wait3A_928] : memref<6144x1024xf32, #tpu.memory_space<hbm>> -> memref<6144x1024xf32, #tpu.memory_space<hbm>>
    tpu.wait_indirect_dma semaphore(%arg10 : memref<!tpu.dma_semaphore, #tpu.memory_space<semaphore_mem>>) src(%dma_wait3A_929 : memref<6144x1024xf32, #tpu.memory_space<hbm>>) dst(%arg7 : memref<32x1024xf32, #tpu.memory_space<vmem>>)
    %dma_wait3A_930 = arith.constant 3 : i32
    %dma_wait3A_931 = arith.constant 0 : i32
    %dma_wait3A_932 = tpu.memref_slice %arg6[%dma_wait3A_930, %dma_wait3A_931] : memref<4x32xi32, #tpu.memory_space<vmem>> -> memref<1x32xi32, #tpu.memory_space<vmem>>
    %dma_wait3A_933 = tpu.memref_squeeze %dma_wait3A_932 : memref<1x32xi32, #tpu.memory_space<vmem>> -> memref<32xi32, #tpu.memory_space<vmem>>
    %dma_wait3A_934 = arith.constant 0 : i32
    %dma_wait3A_935 = arith.constant 0 : i32
    %dma_wait3A_936 = tpu.memref_slice %arg3[%dma_wait3A_934, %dma_wait3A_935] : memref<6144x128xf32, #tpu.memory_space<hbm>> -> memref<6144x128xf32, #tpu.memory_space<hbm>>
    tpu.wait_indirect_dma semaphore(%arg11 : memref<!tpu.dma_semaphore, #tpu.memory_space<semaphore_mem>>) src(%dma_wait3A_936 : memref<6144x128xf32, #tpu.memory_space<hbm>>) dst(%arg8 : memref<32x128xf32, #tpu.memory_space<vmem>>)
    %get3A_937 = arith.constant 0 : i32
    %get3A_938 = arith.index_cast %get3A_937 : i32 to index
    %get3A_939 = arith.constant 0 : index
    %get3A_940 = tpu.vector_load %arg8[%get3A_938, %get3A_939] {strides = array<i32>} : memref<32x128xf32, #tpu.memory_space<vmem>>, vector<1x16xf32>,
    %get3A_941 = vector.shape_cast %get3A_940 : vector<1x16xf32> to vector<16xf32>
    %get3A_942 = arith.constant 1 : i32
    %get3A_943 = arith.index_cast %get3A_942 : i32 to index
    %get3A_944 = arith.constant 0 : index
    %get3A_945 = tpu.vector_load %arg8[%get3A_943, %get3A_944] {strides = array<i32>} : memref<32x128xf32, #tpu.memory_space<vmem>>, vector<1x16xf32>,
    %get3A_946 = vector.shape_cast %get3A_945 : vector<1x16xf32> to vector<16xf32>
    %scan3A_947 = arith.constant 0 : i32
    %scan3A_948 = arith.constant 0 : i32
    %scan3A_949 = arith.constant 64 : i32
    %scan3A_950 = arith.addi %scan3A_948, %scan3A_949 : i32
    %scan3A_951 = arith.constant 1 : i32
    %scan3A_952 = scf.for %scan3A_1213 = %scan3A_948 to %scan3A_950 step %scan3A_951 iter_args(%scan3A_1214 = %scan3A_947) -> (i32)  : i32 {
      %mul3A_1215 = arith.constant 16 : i32
      %mul3A_1216 = arith.muli %scan3A_1213, %mul3A_1215 : i32
      %get3A_1217 = arith.constant 0 : i32
      %get3A_1218 = arith.index_cast %get3A_1217 : i32 to index
      %get3A_1219 = arith.index_cast %mul3A_1216 : i32 to index
      %get3A_1220 = tpu.vector_load %arg7[%get3A_1218, %get3A_1219] {strides = array<i32>} : memref<32x1024xf32, #tpu.memory_space<vmem>>, vector<1x16xf32>,
      %get3A_1221 = vector.shape_cast %get3A_1220 : vector<1x16xf32> to vector<16xf32>
      %mul3A_1222 = arith.mulf %get3A_941, %get3A_1221 : vector<16xf32>
      %get3A_1223 = arith.constant 1 : i32
      %get3A_1224 = arith.index_cast %get3A_1223 : i32 to index
      %get3A_1225 = arith.index_cast %mul3A_1216 : i32 to index
      %get3A_1226 = tpu.vector_load %arg7[%get3A_1224, %get3A_1225] {strides = array<i32>} : memref<32x1024xf32, #tpu.memory_space<vmem>>, vector<1x16xf32>,
      %get3A_1227 = vector.shape_cast %get3A_1226 : vector<1x16xf32> to vector<16xf32>
      %mul3A_1228 = arith.mulf %get3A_946, %get3A_1227 : vector<16xf32>
      %add3A_1229 = arith.addf %mul3A_1222, %mul3A_1228 : vector<16xf32>
      %swap3A = arith.constant 0 : i32
      %swap3A_1230 = arith.index_cast %swap3A : i32 to index
      %swap3A_1231 = arith.index_cast %mul3A_1216 : i32 to index
      %swap3A_1232 = tpu.vector_load %arg9[%swap3A_1230, %swap3A_1231] {strides = array<i32>} : memref<16x1024xf32, #tpu.memory_space<vmem>>, vector<1x16xf32>,
      %swap3A_1233 = vector.shape_cast %swap3A_1232 : vector<1x16xf32> to vector<16xf32>
      %swap3A_1234 = vector.shape_cast %add3A_1229 : vector<16xf32> to vector<1x16xf32>
      tpu.vector_store %arg9[%swap3A_1230, %swap3A_1231], %swap3A_1234 {strides = array<i32>} : memref<16x1024xf32, #tpu.memory_space<vmem>>, vector<1x16xf32>,
      %scan3A_1235 = arith.constant 0 : i32
      scf.yield %scan3A_1235 : i32
    }
    %scan3A_953 = arith.constant 64 : i32
    %get3A_954 = arith.constant 2 : i32
    %get3A_955 = arith.index_cast %get3A_954 : i32 to index
    %get3A_956 = arith.constant 0 : index
    %get3A_957 = tpu.vector_load %arg8[%get3A_955, %get3A_956] {strides = array<i32>} : memref<32x128xf32, #tpu.memory_space<vmem>>, vector<1x16xf32>,
    %get3A_958 = vector.shape_cast %get3A_957 : vector<1x16xf32> to vector<16xf32>
    %get3A_959 = arith.constant 3 : i32
    %get3A_960 = arith.index_cast %get3A_959 : i32 to index
    %get3A_961 = arith.constant 0 : index
    %get3A_962 = tpu.vector_load %arg8[%get3A_960, %get3A_961] {strides = array<i32>} : memref<32x128xf32, #tpu.memory_space<vmem>>, vector<1x16xf32>,
    %get3A_963 = vector.shape_cast %get3A_962 : vector<1x16xf32> to vector<16xf32>
    %scan3A_964 = arith.constant 0 : i32
    %scan3A_965 = arith.constant 0 : i32
    %scan3A_966 = arith.constant 64 : i32
    %scan3A_967 = arith.addi %scan3A_965, %scan3A_966 : i32
    %scan3A_968 = arith.constant 1 : i32
    %scan3A_969 = scf.for %scan3A_1213 = %scan3A_965 to %scan3A_967 step %scan3A_968 iter_args(%scan3A_1214 = %scan3A_964) -> (i32)  : i32 {
      %mul3A_1215 = arith.constant 16 : i32
      %mul3A_1216 = arith.muli %scan3A_1213, %mul3A_1215 : i32
      %get3A_1217 = arith.constant 2 : i32
      %get3A_1218 = arith.index_cast %get3A_1217 : i32 to index
      %get3A_1219 = arith.index_cast %mul3A_1216 : i32 to index
      %get3A_1220 = tpu.vector_load %arg7[%get3A_1218, %get3A_1219] {strides = array<i32>} : memref<32x1024xf32, #tpu.memory_space<vmem>>, vector<1x16xf32>,
      %get3A_1221 = vector.shape_cast %get3A_1220 : vector<1x16xf32> to vector<16xf32>
      %mul3A_1222 = arith.mulf %get3A_958, %get3A_1221 : vector<16xf32>
      %get3A_1223 = arith.constant 3 : i32
      %get3A_1224 = arith.index_cast %get3A_1223 : i32 to index
      %get3A_1225 = arith.index_cast %mul3A_1216 : i32 to index
      %get3A_1226 = tpu.vector_load %arg7[%get3A_1224, %get3A_1225] {strides = array<i32>} : memref<32x1024xf32, #tpu.memory_space<vmem>>, vector<1x16xf32>,
      %get3A_1227 = vector.shape_cast %get3A_1226 : vector<1x16xf32> to vector<16xf32>
      %mul3A_1228 = arith.mulf %get3A_963, %get3A_1227 : vector<16xf32>
      %add3A_1229 = arith.addf %mul3A_1222, %mul3A_1228 : vector<16xf32>
      %swap3A = arith.constant 1 : i32
      %swap3A_1230 = arith.index_cast %swap3A : i32 to index
      %swap3A_1231 = arith.index_cast %mul3A_1216 : i32 to index
      %swap3A_1232 = tpu.vector_load %arg9[%swap3A_1230, %swap3A_1231] {strides = array<i32>} : memref<16x1024xf32, #tpu.memory_space<vmem>>, vector<1x16xf32>,
      %swap3A_1233 = vector.shape_cast %swap3A_1232 : vector<1x16xf32> to vector<16xf32>
      %swap3A_1234 = vector.shape_cast %add3A_1229 : vector<16xf32> to vector<1x16xf32>
      tpu.vector_store %arg9[%swap3A_1230, %swap3A_1231], %swap3A_1234 {strides = array<i32>} : memref<16x1024xf32, #tpu.memory_space<vmem>>, vector<1x16xf32>,
      %scan3A_1235 = arith.constant 0 : i32
      scf.yield %scan3A_1235 : i32
    }
    %scan3A_970 = arith.constant 64 : i32
    %get3A_971 = arith.constant 4 : i32
    %get3A_972 = arith.index_cast %get3A_971 : i32 to index
    %get3A_973 = arith.constant 0 : index
    %get3A_974 = tpu.vector_load %arg8[%get3A_972, %get3A_973] {strides = array<i32>} : memref<32x128xf32, #tpu.memory_space<vmem>>, vector<1x16xf32>,
    %get3A_975 = vector.shape_cast %get3A_974 : vector<1x16xf32> to vector<16xf32>
    %get3A_976 = arith.constant 5 : i32
    %get3A_977 = arith.index_cast %get3A_976 : i32 to index
    %get3A_978 = arith.constant 0 : index
    %get3A_979 = tpu.vector_load %arg8[%get3A_977, %get3A_978] {strides = array<i32>} : memref<32x128xf32, #tpu.memory_space<vmem>>, vector<1x16xf32>,
    %get3A_980 = vector.shape_cast %get3A_979 : vector<1x16xf32> to vector<16xf32>
    %scan3A_981 = arith.constant 0 : i32
    %scan3A_982 = arith.constant 0 : i32
    %scan3A_983 = arith.constant 64 : i32
    %scan3A_984 = arith.addi %scan3A_982, %scan3A_983 : i32
    %scan3A_985 = arith.constant 1 : i32
    %scan3A_986 = scf.for %scan3A_1213 = %scan3A_982 to %scan3A_984 step %scan3A_985 iter_args(%scan3A_1214 = %scan3A_981) -> (i32)  : i32 {
      %mul3A_1215 = arith.constant 16 : i32
      %mul3A_1216 = arith.muli %scan3A_1213, %mul3A_1215 : i32
      %get3A_1217 = arith.constant 4 : i32
      %get3A_1218 = arith.index_cast %get3A_1217 : i32 to index
      %get3A_1219 = arith.index_cast %mul3A_1216 : i32 to index
      %get3A_1220 = tpu.vector_load %arg7[%get3A_1218, %get3A_1219] {strides = array<i32>} : memref<32x1024xf32, #tpu.memory_space<vmem>>, vector<1x16xf32>,
      %get3A_1221 = vector.shape_cast %get3A_1220 : vector<1x16xf32> to vector<16xf32>
      %mul3A_1222 = arith.mulf %get3A_975, %get3A_1221 : vector<16xf32>
      %get3A_1223 = arith.constant 5 : i32
      %get3A_1224 = arith.index_cast %get3A_1223 : i32 to index
      %get3A_1225 = arith.index_cast %mul3A_1216 : i32 to index
      %get3A_1226 = tpu.vector_load %arg7[%get3A_1224, %get3A_1225] {strides = array<i32>} : memref<32x1024xf32, #tpu.memory_space<vmem>>, vector<1x16xf32>,
      %get3A_1227 = vector.shape_cast %get3A_1226 : vector<1x16xf32> to vector<16xf32>
      %mul3A_1228 = arith.mulf %get3A_980, %get3A_1227 : vector<16xf32>
      %add3A_1229 = arith.addf %mul3A_1222, %mul3A_1228 : vector<16xf32>
      %swap3A = arith.constant 2 : i32
      %swap3A_1230 = arith.index_cast %swap3A : i32 to index
      %swap3A_1231 = arith.index_cast %mul3A_1216 : i32 to index
      %swap3A_1232 = tpu.vector_load %arg9[%swap3A_1230, %swap3A_1231] {strides = array<i32>} : memref<16x1024xf32, #tpu.memory_space<vmem>>, vector<1x16xf32>,
      %swap3A_1233 = vector.shape_cast %swap3A_1232 : vector<1x16xf32> to vector<16xf32>
      %swap3A_1234 = vector.shape_cast %add3A_1229 : vector<16xf32> to vector<1x16xf32>
      tpu.vector_store %arg9[%swap3A_1230, %swap3A_1231], %swap3A_1234 {strides = array<i32>} : memref<16x1024xf32, #tpu.memory_space<vmem>>, vector<1x16xf32>,
      %scan3A_1235 = arith.constant 0 : i32
      scf.yield %scan3A_1235 : i32
    }
    %scan3A_987 = arith.constant 64 : i32
    %get3A_988 = arith.constant 6 : i32
    %get3A_989 = arith.index_cast %get3A_988 : i32 to index
    %get3A_990 = arith.constant 0 : index
    %get3A_991 = tpu.vector_load %arg8[%get3A_989, %get3A_990] {strides = array<i32>} : memref<32x128xf32, #tpu.memory_space<vmem>>, vector<1x16xf32>,
    %get3A_992 = vector.shape_cast %get3A_991 : vector<1x16xf32> to vector<16xf32>
    %get3A_993 = arith.constant 7 : i32
    %get3A_994 = arith.index_cast %get3A_993 : i32 to index
    %get3A_995 = arith.constant 0 : index
    %get3A_996 = tpu.vector_load %arg8[%get3A_994, %get3A_995] {strides = array<i32>} : memref<32x128xf32, #tpu.memory_space<vmem>>, vector<1x16xf32>,
    %get3A_997 = vector.shape_cast %get3A_996 : vector<1x16xf32> to vector<16xf32>
    %scan3A_998 = arith.constant 0 : i32
    %scan3A_999 = arith.constant 0 : i32
    %scan3A_1000 = arith.constant 64 : i32
    %scan3A_1001 = arith.addi %scan3A_999, %scan3A_1000 : i32
    %scan3A_1002 = arith.constant 1 : i32
    %scan3A_1003 = scf.for %scan3A_1213 = %scan3A_999 to %scan3A_1001 step %scan3A_1002 iter_args(%scan3A_1214 = %scan3A_998) -> (i32)  : i32 {
      %mul3A_1215 = arith.constant 16 : i32
      %mul3A_1216 = arith.muli %scan3A_1213, %mul3A_1215 : i32
      %get3A_1217 = arith.constant 6 : i32
      %get3A_1218 = arith.index_cast %get3A_1217 : i32 to index
      %get3A_1219 = arith.index_cast %mul3A_1216 : i32 to index
      %get3A_1220 = tpu.vector_load %arg7[%get3A_1218, %get3A_1219] {strides = array<i32>} : memref<32x1024xf32, #tpu.memory_space<vmem>>, vector<1x16xf32>,
      %get3A_1221 = vector.shape_cast %get3A_1220 : vector<1x16xf32> to vector<16xf32>
      %mul3A_1222 = arith.mulf %get3A_992, %get3A_1221 : vector<16xf32>
      %get3A_1223 = arith.constant 7 : i32
      %get3A_1224 = arith.index_cast %get3A_1223 : i32 to index
      %get3A_1225 = arith.index_cast %mul3A_1216 : i32 to index
      %get3A_1226 = tpu.vector_load %arg7[%get3A_1224, %get3A_1225] {strides = array<i32>} : memref<32x1024xf32, #tpu.memory_space<vmem>>, vector<1x16xf32>,
      %get3A_1227 = vector.shape_cast %get3A_1226 : vector<1x16xf32> to vector<16xf32>
      %mul3A_1228 = arith.mulf %get3A_997, %get3A_1227 : vector<16xf32>
      %add3A_1229 = arith.addf %mul3A_1222, %mul3A_1228 : vector<16xf32>
      %swap3A = arith.constant 3 : i32
      %swap3A_1230 = arith.index_cast %swap3A : i32 to index
      %swap3A_1231 = arith.index_cast %mul3A_1216 : i32 to index
      %swap3A_1232 = tpu.vector_load %arg9[%swap3A_1230, %swap3A_1231] {strides = array<i32>} : memref<16x1024xf32, #tpu.memory_space<vmem>>, vector<1x16xf32>,
      %swap3A_1233 = vector.shape_cast %swap3A_1232 : vector<1x16xf32> to vector<16xf32>
      %swap3A_1234 = vector.shape_cast %add3A_1229 : vector<16xf32> to vector<1x16xf32>
      tpu.vector_store %arg9[%swap3A_1230, %swap3A_1231], %swap3A_1234 {strides = array<i32>} : memref<16x1024xf32, #tpu.memory_space<vmem>>, vector<1x16xf32>,
      %scan3A_1235 = arith.constant 0 : i32
      scf.yield %scan3A_1235 : i32
    }
    %scan3A_1004 = arith.constant 64 : i32
    %get3A_1005 = arith.constant 8 : i32
    %get3A_1006 = arith.index_cast %get3A_1005 : i32 to index
    %get3A_1007 = arith.constant 0 : index
    %get3A_1008 = tpu.vector_load %arg8[%get3A_1006, %get3A_1007] {strides = array<i32>} : memref<32x128xf32, #tpu.memory_space<vmem>>, vector<1x16xf32>,
    %get3A_1009 = vector.shape_cast %get3A_1008 : vector<1x16xf32> to vector<16xf32>
    %get3A_1010 = arith.constant 9 : i32
    %get3A_1011 = arith.index_cast %get3A_1010 : i32 to index
    %get3A_1012 = arith.constant 0 : index
    %get3A_1013 = tpu.vector_load %arg8[%get3A_1011, %get3A_1012] {strides = array<i32>} : memref<32x128xf32, #tpu.memory_space<vmem>>, vector<1x16xf32>,
    %get3A_1014 = vector.shape_cast %get3A_1013 : vector<1x16xf32> to vector<16xf32>
    %scan3A_1015 = arith.constant 0 : i32
    %scan3A_1016 = arith.constant 0 : i32
    %scan3A_1017 = arith.constant 64 : i32
    %scan3A_1018 = arith.addi %scan3A_1016, %scan3A_1017 : i32
    %scan3A_1019 = arith.constant 1 : i32
    %scan3A_1020 = scf.for %scan3A_1213 = %scan3A_1016 to %scan3A_1018 step %scan3A_1019 iter_args(%scan3A_1214 = %scan3A_1015) -> (i32)  : i32 {
      %mul3A_1215 = arith.constant 16 : i32
      %mul3A_1216 = arith.muli %scan3A_1213, %mul3A_1215 : i32
      %get3A_1217 = arith.constant 8 : i32
      %get3A_1218 = arith.index_cast %get3A_1217 : i32 to index
      %get3A_1219 = arith.index_cast %mul3A_1216 : i32 to index
      %get3A_1220 = tpu.vector_load %arg7[%get3A_1218, %get3A_1219] {strides = array<i32>} : memref<32x1024xf32, #tpu.memory_space<vmem>>, vector<1x16xf32>,
      %get3A_1221 = vector.shape_cast %get3A_1220 : vector<1x16xf32> to vector<16xf32>
      %mul3A_1222 = arith.mulf %get3A_1009, %get3A_1221 : vector<16xf32>
      %get3A_1223 = arith.constant 9 : i32
      %get3A_1224 = arith.index_cast %get3A_1223 : i32 to index
      %get3A_1225 = arith.index_cast %mul3A_1216 : i32 to index
      %get3A_1226 = tpu.vector_load %arg7[%get3A_1224, %get3A_1225] {strides = array<i32>} : memref<32x1024xf32, #tpu.memory_space<vmem>>, vector<1x16xf32>,
      %get3A_1227 = vector.shape_cast %get3A_1226 : vector<1x16xf32> to vector<16xf32>
      %mul3A_1228 = arith.mulf %get3A_1014, %get3A_1227 : vector<16xf32>
      %add3A_1229 = arith.addf %mul3A_1222, %mul3A_1228 : vector<16xf32>
      %swap3A = arith.constant 4 : i32
      %swap3A_1230 = arith.index_cast %swap3A : i32 to index
      %swap3A_1231 = arith.index_cast %mul3A_1216 : i32 to index
      %swap3A_1232 = tpu.vector_load %arg9[%swap3A_1230, %swap3A_1231] {strides = array<i32>} : memref<16x1024xf32, #tpu.memory_space<vmem>>, vector<1x16xf32>,
      %swap3A_1233 = vector.shape_cast %swap3A_1232 : vector<1x16xf32> to vector<16xf32>
      %swap3A_1234 = vector.shape_cast %add3A_1229 : vector<16xf32> to vector<1x16xf32>
      tpu.vector_store %arg9[%swap3A_1230, %swap3A_1231], %swap3A_1234 {strides = array<i32>} : memref<16x1024xf32, #tpu.memory_space<vmem>>, vector<1x16xf32>,
      %scan3A_1235 = arith.constant 0 : i32
      scf.yield %scan3A_1235 : i32
    }
    %scan3A_1021 = arith.constant 64 : i32
    %get3A_1022 = arith.constant 10 : i32
    %get3A_1023 = arith.index_cast %get3A_1022 : i32 to index
    %get3A_1024 = arith.constant 0 : index
    %get3A_1025 = tpu.vector_load %arg8[%get3A_1023, %get3A_1024] {strides = array<i32>} : memref<32x128xf32, #tpu.memory_space<vmem>>, vector<1x16xf32>,
    %get3A_1026 = vector.shape_cast %get3A_1025 : vector<1x16xf32> to vector<16xf32>
    %get3A_1027 = arith.constant 11 : i32
    %get3A_1028 = arith.index_cast %get3A_1027 : i32 to index
    %get3A_1029 = arith.constant 0 : index
    %get3A_1030 = tpu.vector_load %arg8[%get3A_1028, %get3A_1029] {strides = array<i32>} : memref<32x128xf32, #tpu.memory_space<vmem>>, vector<1x16xf32>,
    %get3A_1031 = vector.shape_cast %get3A_1030 : vector<1x16xf32> to vector<16xf32>
    %scan3A_1032 = arith.constant 0 : i32
    %scan3A_1033 = arith.constant 0 : i32
    %scan3A_1034 = arith.constant 64 : i32
    %scan3A_1035 = arith.addi %scan3A_1033, %scan3A_1034 : i32
    %scan3A_1036 = arith.constant 1 : i32
    %scan3A_1037 = scf.for %scan3A_1213 = %scan3A_1033 to %scan3A_1035 step %scan3A_1036 iter_args(%scan3A_1214 = %scan3A_1032) -> (i32)  : i32 {
      %mul3A_1215 = arith.constant 16 : i32
      %mul3A_1216 = arith.muli %scan3A_1213, %mul3A_1215 : i32
      %get3A_1217 = arith.constant 10 : i32
      %get3A_1218 = arith.index_cast %get3A_1217 : i32 to index
      %get3A_1219 = arith.index_cast %mul3A_1216 : i32 to index
      %get3A_1220 = tpu.vector_load %arg7[%get3A_1218, %get3A_1219] {strides = array<i32>} : memref<32x1024xf32, #tpu.memory_space<vmem>>, vector<1x16xf32>,
      %get3A_1221 = vector.shape_cast %get3A_1220 : vector<1x16xf32> to vector<16xf32>
      %mul3A_1222 = arith.mulf %get3A_1026, %get3A_1221 : vector<16xf32>
      %get3A_1223 = arith.constant 11 : i32
      %get3A_1224 = arith.index_cast %get3A_1223 : i32 to index
      %get3A_1225 = arith.index_cast %mul3A_1216 : i32 to index
      %get3A_1226 = tpu.vector_load %arg7[%get3A_1224, %get3A_1225] {strides = array<i32>} : memref<32x1024xf32, #tpu.memory_space<vmem>>, vector<1x16xf32>,
      %get3A_1227 = vector.shape_cast %get3A_1226 : vector<1x16xf32> to vector<16xf32>
      %mul3A_1228 = arith.mulf %get3A_1031, %get3A_1227 : vector<16xf32>
      %add3A_1229 = arith.addf %mul3A_1222, %mul3A_1228 : vector<16xf32>
      %swap3A = arith.constant 5 : i32
      %swap3A_1230 = arith.index_cast %swap3A : i32 to index
      %swap3A_1231 = arith.index_cast %mul3A_1216 : i32 to index
      %swap3A_1232 = tpu.vector_load %arg9[%swap3A_1230, %swap3A_1231] {strides = array<i32>} : memref<16x1024xf32, #tpu.memory_space<vmem>>, vector<1x16xf32>,
      %swap3A_1233 = vector.shape_cast %swap3A_1232 : vector<1x16xf32> to vector<16xf32>
      %swap3A_1234 = vector.shape_cast %add3A_1229 : vector<16xf32> to vector<1x16xf32>
      tpu.vector_store %arg9[%swap3A_1230, %swap3A_1231], %swap3A_1234 {strides = array<i32>} : memref<16x1024xf32, #tpu.memory_space<vmem>>, vector<1x16xf32>,
      %scan3A_1235 = arith.constant 0 : i32
      scf.yield %scan3A_1235 : i32
    }
    %scan3A_1038 = arith.constant 64 : i32
    %get3A_1039 = arith.constant 12 : i32
    %get3A_1040 = arith.index_cast %get3A_1039 : i32 to index
    %get3A_1041 = arith.constant 0 : index
    %get3A_1042 = tpu.vector_load %arg8[%get3A_1040, %get3A_1041] {strides = array<i32>} : memref<32x128xf32, #tpu.memory_space<vmem>>, vector<1x16xf32>,
    %get3A_1043 = vector.shape_cast %get3A_1042 : vector<1x16xf32> to vector<16xf32>
    %get3A_1044 = arith.constant 13 : i32
    %get3A_1045 = arith.index_cast %get3A_1044 : i32 to index
    %get3A_1046 = arith.constant 0 : index
    %get3A_1047 = tpu.vector_load %arg8[%get3A_1045, %get3A_1046] {strides = array<i32>} : memref<32x128xf32, #tpu.memory_space<vmem>>, vector<1x16xf32>,
    %get3A_1048 = vector.shape_cast %get3A_1047 : vector<1x16xf32> to vector<16xf32>
    %scan3A_1049 = arith.constant 0 : i32
    %scan3A_1050 = arith.constant 0 : i32
    %scan3A_1051 = arith.constant 64 : i32
    %scan3A_1052 = arith.addi %scan3A_1050, %scan3A_1051 : i32
    %scan3A_1053 = arith.constant 1 : i32
    %scan3A_1054 = scf.for %scan3A_1213 = %scan3A_1050 to %scan3A_1052 step %scan3A_1053 iter_args(%scan3A_1214 = %scan3A_1049) -> (i32)  : i32 {
      %mul3A_1215 = arith.constant 16 : i32
      %mul3A_1216 = arith.muli %scan3A_1213, %mul3A_1215 : i32
      %get3A_1217 = arith.constant 12 : i32
      %get3A_1218 = arith.index_cast %get3A_1217 : i32 to index
      %get3A_1219 = arith.index_cast %mul3A_1216 : i32 to index
      %get3A_1220 = tpu.vector_load %arg7[%get3A_1218, %get3A_1219] {strides = array<i32>} : memref<32x1024xf32, #tpu.memory_space<vmem>>, vector<1x16xf32>,
      %get3A_1221 = vector.shape_cast %get3A_1220 : vector<1x16xf32> to vector<16xf32>
      %mul3A_1222 = arith.mulf %get3A_1043, %get3A_1221 : vector<16xf32>
      %get3A_1223 = arith.constant 13 : i32
      %get3A_1224 = arith.index_cast %get3A_1223 : i32 to index
      %get3A_1225 = arith.index_cast %mul3A_1216 : i32 to index
      %get3A_1226 = tpu.vector_load %arg7[%get3A_1224, %get3A_1225] {strides = array<i32>} : memref<32x1024xf32, #tpu.memory_space<vmem>>, vector<1x16xf32>,
      %get3A_1227 = vector.shape_cast %get3A_1226 : vector<1x16xf32> to vector<16xf32>
      %mul3A_1228 = arith.mulf %get3A_1048, %get3A_1227 : vector<16xf32>
      %add3A_1229 = arith.addf %mul3A_1222, %mul3A_1228 : vector<16xf32>
      %swap3A = arith.constant 6 : i32
      %swap3A_1230 = arith.index_cast %swap3A : i32 to index
      %swap3A_1231 = arith.index_cast %mul3A_1216 : i32 to index
      %swap3A_1232 = tpu.vector_load %arg9[%swap3A_1230, %swap3A_1231] {strides = array<i32>} : memref<16x1024xf32, #tpu.memory_space<vmem>>, vector<1x16xf32>,
      %swap3A_1233 = vector.shape_cast %swap3A_1232 : vector<1x16xf32> to vector<16xf32>
      %swap3A_1234 = vector.shape_cast %add3A_1229 : vector<16xf32> to vector<1x16xf32>
      tpu.vector_store %arg9[%swap3A_1230, %swap3A_1231], %swap3A_1234 {strides = array<i32>} : memref<16x1024xf32, #tpu.memory_space<vmem>>, vector<1x16xf32>,
      %scan3A_1235 = arith.constant 0 : i32
      scf.yield %scan3A_1235 : i32
    }
    %scan3A_1055 = arith.constant 64 : i32
    %get3A_1056 = arith.constant 14 : i32
    %get3A_1057 = arith.index_cast %get3A_1056 : i32 to index
    %get3A_1058 = arith.constant 0 : index
    %get3A_1059 = tpu.vector_load %arg8[%get3A_1057, %get3A_1058] {strides = array<i32>} : memref<32x128xf32, #tpu.memory_space<vmem>>, vector<1x16xf32>,
    %get3A_1060 = vector.shape_cast %get3A_1059 : vector<1x16xf32> to vector<16xf32>
    %get3A_1061 = arith.constant 15 : i32
    %get3A_1062 = arith.index_cast %get3A_1061 : i32 to index
    %get3A_1063 = arith.constant 0 : index
    %get3A_1064 = tpu.vector_load %arg8[%get3A_1062, %get3A_1063] {strides = array<i32>} : memref<32x128xf32, #tpu.memory_space<vmem>>, vector<1x16xf32>,
    %get3A_1065 = vector.shape_cast %get3A_1064 : vector<1x16xf32> to vector<16xf32>
    %scan3A_1066 = arith.constant 0 : i32
    %scan3A_1067 = arith.constant 0 : i32
    %scan3A_1068 = arith.constant 64 : i32
    %scan3A_1069 = arith.addi %scan3A_1067, %scan3A_1068 : i32
    %scan3A_1070 = arith.constant 1 : i32
    %scan3A_1071 = scf.for %scan3A_1213 = %scan3A_1067 to %scan3A_1069 step %scan3A_1070 iter_args(%scan3A_1214 = %scan3A_1066) -> (i32)  : i32 {
      %mul3A_1215 = arith.constant 16 : i32
      %mul3A_1216 = arith.muli %scan3A_1213, %mul3A_1215 : i32
      %get3A_1217 = arith.constant 14 : i32
      %get3A_1218 = arith.index_cast %get3A_1217 : i32 to index
      %get3A_1219 = arith.index_cast %mul3A_1216 : i32 to index
      %get3A_1220 = tpu.vector_load %arg7[%get3A_1218, %get3A_1219] {strides = array<i32>} : memref<32x1024xf32, #tpu.memory_space<vmem>>, vector<1x16xf32>,
      %get3A_1221 = vector.shape_cast %get3A_1220 : vector<1x16xf32> to vector<16xf32>
      %mul3A_1222 = arith.mulf %get3A_1060, %get3A_1221 : vector<16xf32>
      %get3A_1223 = arith.constant 15 : i32
      %get3A_1224 = arith.index_cast %get3A_1223 : i32 to index
      %get3A_1225 = arith.index_cast %mul3A_1216 : i32 to index
      %get3A_1226 = tpu.vector_load %arg7[%get3A_1224, %get3A_1225] {strides = array<i32>} : memref<32x1024xf32, #tpu.memory_space<vmem>>, vector<1x16xf32>,
      %get3A_1227 = vector.shape_cast %get3A_1226 : vector<1x16xf32> to vector<16xf32>
      %mul3A_1228 = arith.mulf %get3A_1065, %get3A_1227 : vector<16xf32>
      %add3A_1229 = arith.addf %mul3A_1222, %mul3A_1228 : vector<16xf32>
      %swap3A = arith.constant 7 : i32
      %swap3A_1230 = arith.index_cast %swap3A : i32 to index
      %swap3A_1231 = arith.index_cast %mul3A_1216 : i32 to index
      %swap3A_1232 = tpu.vector_load %arg9[%swap3A_1230, %swap3A_1231] {strides = array<i32>} : memref<16x1024xf32, #tpu.memory_space<vmem>>, vector<1x16xf32>,
      %swap3A_1233 = vector.shape_cast %swap3A_1232 : vector<1x16xf32> to vector<16xf32>
      %swap3A_1234 = vector.shape_cast %add3A_1229 : vector<16xf32> to vector<1x16xf32>
      tpu.vector_store %arg9[%swap3A_1230, %swap3A_1231], %swap3A_1234 {strides = array<i32>} : memref<16x1024xf32, #tpu.memory_space<vmem>>, vector<1x16xf32>,
      %scan3A_1235 = arith.constant 0 : i32
      scf.yield %scan3A_1235 : i32
    }
    %scan3A_1072 = arith.constant 64 : i32
    %get3A_1073 = arith.constant 16 : i32
    %get3A_1074 = arith.index_cast %get3A_1073 : i32 to index
    %get3A_1075 = arith.constant 0 : index
    %get3A_1076 = tpu.vector_load %arg8[%get3A_1074, %get3A_1075] {strides = array<i32>} : memref<32x128xf32, #tpu.memory_space<vmem>>, vector<1x16xf32>,
    %get3A_1077 = vector.shape_cast %get3A_1076 : vector<1x16xf32> to vector<16xf32>
    %get3A_1078 = arith.constant 17 : i32
    %get3A_1079 = arith.index_cast %get3A_1078 : i32 to index
    %get3A_1080 = arith.constant 0 : index
    %get3A_1081 = tpu.vector_load %arg8[%get3A_1079, %get3A_1080] {strides = array<i32>} : memref<32x128xf32, #tpu.memory_space<vmem>>, vector<1x16xf32>,
    %get3A_1082 = vector.shape_cast %get3A_1081 : vector<1x16xf32> to vector<16xf32>
    %scan3A_1083 = arith.constant 0 : i32
    %scan3A_1084 = arith.constant 0 : i32
    %scan3A_1085 = arith.constant 64 : i32
    %scan3A_1086 = arith.addi %scan3A_1084, %scan3A_1085 : i32
    %scan3A_1087 = arith.constant 1 : i32
    %scan3A_1088 = scf.for %scan3A_1213 = %scan3A_1084 to %scan3A_1086 step %scan3A_1087 iter_args(%scan3A_1214 = %scan3A_1083) -> (i32)  : i32 {
      %mul3A_1215 = arith.constant 16 : i32
      %mul3A_1216 = arith.muli %scan3A_1213, %mul3A_1215 : i32
      %get3A_1217 = arith.constant 16 : i32
      %get3A_1218 = arith.index_cast %get3A_1217 : i32 to index
      %get3A_1219 = arith.index_cast %mul3A_1216 : i32 to index
      %get3A_1220 = tpu.vector_load %arg7[%get3A_1218, %get3A_1219] {strides = array<i32>} : memref<32x1024xf32, #tpu.memory_space<vmem>>, vector<1x16xf32>,
      %get3A_1221 = vector.shape_cast %get3A_1220 : vector<1x16xf32> to vector<16xf32>
      %mul3A_1222 = arith.mulf %get3A_1077, %get3A_1221 : vector<16xf32>
      %get3A_1223 = arith.constant 17 : i32
      %get3A_1224 = arith.index_cast %get3A_1223 : i32 to index
      %get3A_1225 = arith.index_cast %mul3A_1216 : i32 to index
      %get3A_1226 = tpu.vector_load %arg7[%get3A_1224, %get3A_1225] {strides = array<i32>} : memref<32x1024xf32, #tpu.memory_space<vmem>>, vector<1x16xf32>,
      %get3A_1227 = vector.shape_cast %get3A_1226 : vector<1x16xf32> to vector<16xf32>
      %mul3A_1228 = arith.mulf %get3A_1082, %get3A_1227 : vector<16xf32>
      %add3A_1229 = arith.addf %mul3A_1222, %mul3A_1228 : vector<16xf32>
      %swap3A = arith.constant 8 : i32
      %swap3A_1230 = arith.index_cast %swap3A : i32 to index
      %swap3A_1231 = arith.index_cast %mul3A_1216 : i32 to index
      %swap3A_1232 = tpu.vector_load %arg9[%swap3A_1230, %swap3A_1231] {strides = array<i32>} : memref<16x1024xf32, #tpu.memory_space<vmem>>, vector<1x16xf32>,
      %swap3A_1233 = vector.shape_cast %swap3A_1232 : vector<1x16xf32> to vector<16xf32>
      %swap3A_1234 = vector.shape_cast %add3A_1229 : vector<16xf32> to vector<1x16xf32>
      tpu.vector_store %arg9[%swap3A_1230, %swap3A_1231], %swap3A_1234 {strides = array<i32>} : memref<16x1024xf32, #tpu.memory_space<vmem>>, vector<1x16xf32>,
      %scan3A_1235 = arith.constant 0 : i32
      scf.yield %scan3A_1235 : i32
    }
    %scan3A_1089 = arith.constant 64 : i32
    %get3A_1090 = arith.constant 18 : i32
    %get3A_1091 = arith.index_cast %get3A_1090 : i32 to index
    %get3A_1092 = arith.constant 0 : index
    %get3A_1093 = tpu.vector_load %arg8[%get3A_1091, %get3A_1092] {strides = array<i32>} : memref<32x128xf32, #tpu.memory_space<vmem>>, vector<1x16xf32>,
    %get3A_1094 = vector.shape_cast %get3A_1093 : vector<1x16xf32> to vector<16xf32>
    %get3A_1095 = arith.constant 19 : i32
    %get3A_1096 = arith.index_cast %get3A_1095 : i32 to index
    %get3A_1097 = arith.constant 0 : index
    %get3A_1098 = tpu.vector_load %arg8[%get3A_1096, %get3A_1097] {strides = array<i32>} : memref<32x128xf32, #tpu.memory_space<vmem>>, vector<1x16xf32>,
    %get3A_1099 = vector.shape_cast %get3A_1098 : vector<1x16xf32> to vector<16xf32>
    %scan3A_1100 = arith.constant 0 : i32
    %scan3A_1101 = arith.constant 0 : i32
    %scan3A_1102 = arith.constant 64 : i32
    %scan3A_1103 = arith.addi %scan3A_1101, %scan3A_1102 : i32
    %scan3A_1104 = arith.constant 1 : i32
    %scan3A_1105 = scf.for %scan3A_1213 = %scan3A_1101 to %scan3A_1103 step %scan3A_1104 iter_args(%scan3A_1214 = %scan3A_1100) -> (i32)  : i32 {
      %mul3A_1215 = arith.constant 16 : i32
      %mul3A_1216 = arith.muli %scan3A_1213, %mul3A_1215 : i32
      %get3A_1217 = arith.constant 18 : i32
      %get3A_1218 = arith.index_cast %get3A_1217 : i32 to index
      %get3A_1219 = arith.index_cast %mul3A_1216 : i32 to index
      %get3A_1220 = tpu.vector_load %arg7[%get3A_1218, %get3A_1219] {strides = array<i32>} : memref<32x1024xf32, #tpu.memory_space<vmem>>, vector<1x16xf32>,
      %get3A_1221 = vector.shape_cast %get3A_1220 : vector<1x16xf32> to vector<16xf32>
      %mul3A_1222 = arith.mulf %get3A_1094, %get3A_1221 : vector<16xf32>
      %get3A_1223 = arith.constant 19 : i32
      %get3A_1224 = arith.index_cast %get3A_1223 : i32 to index
      %get3A_1225 = arith.index_cast %mul3A_1216 : i32 to index
      %get3A_1226 = tpu.vector_load %arg7[%get3A_1224, %get3A_1225] {strides = array<i32>} : memref<32x1024xf32, #tpu.memory_space<vmem>>, vector<1x16xf32>,
      %get3A_1227 = vector.shape_cast %get3A_1226 : vector<1x16xf32> to vector<16xf32>
      %mul3A_1228 = arith.mulf %get3A_1099, %get3A_1227 : vector<16xf32>
      %add3A_1229 = arith.addf %mul3A_1222, %mul3A_1228 : vector<16xf32>
      %swap3A = arith.constant 9 : i32
      %swap3A_1230 = arith.index_cast %swap3A : i32 to index
      %swap3A_1231 = arith.index_cast %mul3A_1216 : i32 to index
      %swap3A_1232 = tpu.vector_load %arg9[%swap3A_1230, %swap3A_1231] {strides = array<i32>} : memref<16x1024xf32, #tpu.memory_space<vmem>>, vector<1x16xf32>,
      %swap3A_1233 = vector.shape_cast %swap3A_1232 : vector<1x16xf32> to vector<16xf32>
      %swap3A_1234 = vector.shape_cast %add3A_1229 : vector<16xf32> to vector<1x16xf32>
      tpu.vector_store %arg9[%swap3A_1230, %swap3A_1231], %swap3A_1234 {strides = array<i32>} : memref<16x1024xf32, #tpu.memory_space<vmem>>, vector<1x16xf32>,
      %scan3A_1235 = arith.constant 0 : i32
      scf.yield %scan3A_1235 : i32
    }
    %scan3A_1106 = arith.constant 64 : i32
    %get3A_1107 = arith.constant 20 : i32
    %get3A_1108 = arith.index_cast %get3A_1107 : i32 to index
    %get3A_1109 = arith.constant 0 : index
    %get3A_1110 = tpu.vector_load %arg8[%get3A_1108, %get3A_1109] {strides = array<i32>} : memref<32x128xf32, #tpu.memory_space<vmem>>, vector<1x16xf32>,
    %get3A_1111 = vector.shape_cast %get3A_1110 : vector<1x16xf32> to vector<16xf32>
    %get3A_1112 = arith.constant 21 : i32
    %get3A_1113 = arith.index_cast %get3A_1112 : i32 to index
    %get3A_1114 = arith.constant 0 : index
    %get3A_1115 = tpu.vector_load %arg8[%get3A_1113, %get3A_1114] {strides = array<i32>} : memref<32x128xf32, #tpu.memory_space<vmem>>, vector<1x16xf32>,
    %get3A_1116 = vector.shape_cast %get3A_1115 : vector<1x16xf32> to vector<16xf32>
    %scan3A_1117 = arith.constant 0 : i32
    %scan3A_1118 = arith.constant 0 : i32
    %scan3A_1119 = arith.constant 64 : i32
    %scan3A_1120 = arith.addi %scan3A_1118, %scan3A_1119 : i32
    %scan3A_1121 = arith.constant 1 : i32
    %scan3A_1122 = scf.for %scan3A_1213 = %scan3A_1118 to %scan3A_1120 step %scan3A_1121 iter_args(%scan3A_1214 = %scan3A_1117) -> (i32)  : i32 {
      %mul3A_1215 = arith.constant 16 : i32
      %mul3A_1216 = arith.muli %scan3A_1213, %mul3A_1215 : i32
      %get3A_1217 = arith.constant 20 : i32
      %get3A_1218 = arith.index_cast %get3A_1217 : i32 to index
      %get3A_1219 = arith.index_cast %mul3A_1216 : i32 to index
      %get3A_1220 = tpu.vector_load %arg7[%get3A_1218, %get3A_1219] {strides = array<i32>} : memref<32x1024xf32, #tpu.memory_space<vmem>>, vector<1x16xf32>,
      %get3A_1221 = vector.shape_cast %get3A_1220 : vector<1x16xf32> to vector<16xf32>
      %mul3A_1222 = arith.mulf %get3A_1111, %get3A_1221 : vector<16xf32>
      %get3A_1223 = arith.constant 21 : i32
      %get3A_1224 = arith.index_cast %get3A_1223 : i32 to index
      %get3A_1225 = arith.index_cast %mul3A_1216 : i32 to index
      %get3A_1226 = tpu.vector_load %arg7[%get3A_1224, %get3A_1225] {strides = array<i32>} : memref<32x1024xf32, #tpu.memory_space<vmem>>, vector<1x16xf32>,
      %get3A_1227 = vector.shape_cast %get3A_1226 : vector<1x16xf32> to vector<16xf32>
      %mul3A_1228 = arith.mulf %get3A_1116, %get3A_1227 : vector<16xf32>
      %add3A_1229 = arith.addf %mul3A_1222, %mul3A_1228 : vector<16xf32>
      %swap3A = arith.constant 10 : i32
      %swap3A_1230 = arith.index_cast %swap3A : i32 to index
      %swap3A_1231 = arith.index_cast %mul3A_1216 : i32 to index
      %swap3A_1232 = tpu.vector_load %arg9[%swap3A_1230, %swap3A_1231] {strides = array<i32>} : memref<16x1024xf32, #tpu.memory_space<vmem>>, vector<1x16xf32>,
      %swap3A_1233 = vector.shape_cast %swap3A_1232 : vector<1x16xf32> to vector<16xf32>
      %swap3A_1234 = vector.shape_cast %add3A_1229 : vector<16xf32> to vector<1x16xf32>
      tpu.vector_store %arg9[%swap3A_1230, %swap3A_1231], %swap3A_1234 {strides = array<i32>} : memref<16x1024xf32, #tpu.memory_space<vmem>>, vector<1x16xf32>,
      %scan3A_1235 = arith.constant 0 : i32
      scf.yield %scan3A_1235 : i32
    }
    %scan3A_1123 = arith.constant 64 : i32
    %get3A_1124 = arith.constant 22 : i32
    %get3A_1125 = arith.index_cast %get3A_1124 : i32 to index
    %get3A_1126 = arith.constant 0 : index
    %get3A_1127 = tpu.vector_load %arg8[%get3A_1125, %get3A_1126] {strides = array<i32>} : memref<32x128xf32, #tpu.memory_space<vmem>>, vector<1x16xf32>,
    %get3A_1128 = vector.shape_cast %get3A_1127 : vector<1x16xf32> to vector<16xf32>
    %get3A_1129 = arith.constant 23 : i32
    %get3A_1130 = arith.index_cast %get3A_1129 : i32 to index
    %get3A_1131 = arith.constant 0 : index
    %get3A_1132 = tpu.vector_load %arg8[%get3A_1130, %get3A_1131] {strides = array<i32>} : memref<32x128xf32, #tpu.memory_space<vmem>>, vector<1x16xf32>,
    %get3A_1133 = vector.shape_cast %get3A_1132 : vector<1x16xf32> to vector<16xf32>
    %scan3A_1134 = arith.constant 0 : i32
    %scan3A_1135 = arith.constant 0 : i32
    %scan3A_1136 = arith.constant 64 : i32
    %scan3A_1137 = arith.addi %scan3A_1135, %scan3A_1136 : i32
    %scan3A_1138 = arith.constant 1 : i32
    %scan3A_1139 = scf.for %scan3A_1213 = %scan3A_1135 to %scan3A_1137 step %scan3A_1138 iter_args(%scan3A_1214 = %scan3A_1134) -> (i32)  : i32 {
      %mul3A_1215 = arith.constant 16 : i32
      %mul3A_1216 = arith.muli %scan3A_1213, %mul3A_1215 : i32
      %get3A_1217 = arith.constant 22 : i32
      %get3A_1218 = arith.index_cast %get3A_1217 : i32 to index
      %get3A_1219 = arith.index_cast %mul3A_1216 : i32 to index
      %get3A_1220 = tpu.vector_load %arg7[%get3A_1218, %get3A_1219] {strides = array<i32>} : memref<32x1024xf32, #tpu.memory_space<vmem>>, vector<1x16xf32>,
      %get3A_1221 = vector.shape_cast %get3A_1220 : vector<1x16xf32> to vector<16xf32>
      %mul3A_1222 = arith.mulf %get3A_1128, %get3A_1221 : vector<16xf32>
      %get3A_1223 = arith.constant 23 : i32
      %get3A_1224 = arith.index_cast %get3A_1223 : i32 to index
      %get3A_1225 = arith.index_cast %mul3A_1216 : i32 to index
      %get3A_1226 = tpu.vector_load %arg7[%get3A_1224, %get3A_1225] {strides = array<i32>} : memref<32x1024xf32, #tpu.memory_space<vmem>>, vector<1x16xf32>,
      %get3A_1227 = vector.shape_cast %get3A_1226 : vector<1x16xf32> to vector<16xf32>
      %mul3A_1228 = arith.mulf %get3A_1133, %get3A_1227 : vector<16xf32>
      %add3A_1229 = arith.addf %mul3A_1222, %mul3A_1228 : vector<16xf32>
      %swap3A = arith.constant 11 : i32
      %swap3A_1230 = arith.index_cast %swap3A : i32 to index
      %swap3A_1231 = arith.index_cast %mul3A_1216 : i32 to index
      %swap3A_1232 = tpu.vector_load %arg9[%swap3A_1230, %swap3A_1231] {strides = array<i32>} : memref<16x1024xf32, #tpu.memory_space<vmem>>, vector<1x16xf32>,
      %swap3A_1233 = vector.shape_cast %swap3A_1232 : vector<1x16xf32> to vector<16xf32>
      %swap3A_1234 = vector.shape_cast %add3A_1229 : vector<16xf32> to vector<1x16xf32>
      tpu.vector_store %arg9[%swap3A_1230, %swap3A_1231], %swap3A_1234 {strides = array<i32>} : memref<16x1024xf32, #tpu.memory_space<vmem>>, vector<1x16xf32>,
      %scan3A_1235 = arith.constant 0 : i32
      scf.yield %scan3A_1235 : i32
    }
    %scan3A_1140 = arith.constant 64 : i32
    %get3A_1141 = arith.constant 24 : i32
    %get3A_1142 = arith.index_cast %get3A_1141 : i32 to index
    %get3A_1143 = arith.constant 0 : index
    %get3A_1144 = tpu.vector_load %arg8[%get3A_1142, %get3A_1143] {strides = array<i32>} : memref<32x128xf32, #tpu.memory_space<vmem>>, vector<1x16xf32>,
    %get3A_1145 = vector.shape_cast %get3A_1144 : vector<1x16xf32> to vector<16xf32>
    %get3A_1146 = arith.constant 25 : i32
    %get3A_1147 = arith.index_cast %get3A_1146 : i32 to index
    %get3A_1148 = arith.constant 0 : index
    %get3A_1149 = tpu.vector_load %arg8[%get3A_1147, %get3A_1148] {strides = array<i32>} : memref<32x128xf32, #tpu.memory_space<vmem>>, vector<1x16xf32>,
    %get3A_1150 = vector.shape_cast %get3A_1149 : vector<1x16xf32> to vector<16xf32>
    %scan3A_1151 = arith.constant 0 : i32
    %scan3A_1152 = arith.constant 0 : i32
    %scan3A_1153 = arith.constant 64 : i32
    %scan3A_1154 = arith.addi %scan3A_1152, %scan3A_1153 : i32
    %scan3A_1155 = arith.constant 1 : i32
    %scan3A_1156 = scf.for %scan3A_1213 = %scan3A_1152 to %scan3A_1154 step %scan3A_1155 iter_args(%scan3A_1214 = %scan3A_1151) -> (i32)  : i32 {
      %mul3A_1215 = arith.constant 16 : i32
      %mul3A_1216 = arith.muli %scan3A_1213, %mul3A_1215 : i32
      %get3A_1217 = arith.constant 24 : i32
      %get3A_1218 = arith.index_cast %get3A_1217 : i32 to index
      %get3A_1219 = arith.index_cast %mul3A_1216 : i32 to index
      %get3A_1220 = tpu.vector_load %arg7[%get3A_1218, %get3A_1219] {strides = array<i32>} : memref<32x1024xf32, #tpu.memory_space<vmem>>, vector<1x16xf32>,
      %get3A_1221 = vector.shape_cast %get3A_1220 : vector<1x16xf32> to vector<16xf32>
      %mul3A_1222 = arith.mulf %get3A_1145, %get3A_1221 : vector<16xf32>
      %get3A_1223 = arith.constant 25 : i32
      %get3A_1224 = arith.index_cast %get3A_1223 : i32 to index
      %get3A_1225 = arith.index_cast %mul3A_1216 : i32 to index
      %get3A_1226 = tpu.vector_load %arg7[%get3A_1224, %get3A_1225] {strides = array<i32>} : memref<32x1024xf32, #tpu.memory_space<vmem>>, vector<1x16xf32>,
      %get3A_1227 = vector.shape_cast %get3A_1226 : vector<1x16xf32> to vector<16xf32>
      %mul3A_1228 = arith.mulf %get3A_1150, %get3A_1227 : vector<16xf32>
      %add3A_1229 = arith.addf %mul3A_1222, %mul3A_1228 : vector<16xf32>
      %swap3A = arith.constant 12 : i32
      %swap3A_1230 = arith.index_cast %swap3A : i32 to index
      %swap3A_1231 = arith.index_cast %mul3A_1216 : i32 to index
      %swap3A_1232 = tpu.vector_load %arg9[%swap3A_1230, %swap3A_1231] {strides = array<i32>} : memref<16x1024xf32, #tpu.memory_space<vmem>>, vector<1x16xf32>,
      %swap3A_1233 = vector.shape_cast %swap3A_1232 : vector<1x16xf32> to vector<16xf32>
      %swap3A_1234 = vector.shape_cast %add3A_1229 : vector<16xf32> to vector<1x16xf32>
      tpu.vector_store %arg9[%swap3A_1230, %swap3A_1231], %swap3A_1234 {strides = array<i32>} : memref<16x1024xf32, #tpu.memory_space<vmem>>, vector<1x16xf32>,
      %scan3A_1235 = arith.constant 0 : i32
      scf.yield %scan3A_1235 : i32
    }
    %scan3A_1157 = arith.constant 64 : i32
    %get3A_1158 = arith.constant 26 : i32
    %get3A_1159 = arith.index_cast %get3A_1158 : i32 to index
    %get3A_1160 = arith.constant 0 : index
    %get3A_1161 = tpu.vector_load %arg8[%get3A_1159, %get3A_1160] {strides = array<i32>} : memref<32x128xf32, #tpu.memory_space<vmem>>, vector<1x16xf32>,
    %get3A_1162 = vector.shape_cast %get3A_1161 : vector<1x16xf32> to vector<16xf32>
    %get3A_1163 = arith.constant 27 : i32
    %get3A_1164 = arith.index_cast %get3A_1163 : i32 to index
    %get3A_1165 = arith.constant 0 : index
    %get3A_1166 = tpu.vector_load %arg8[%get3A_1164, %get3A_1165] {strides = array<i32>} : memref<32x128xf32, #tpu.memory_space<vmem>>, vector<1x16xf32>,
    %get3A_1167 = vector.shape_cast %get3A_1166 : vector<1x16xf32> to vector<16xf32>
    %scan3A_1168 = arith.constant 0 : i32
    %scan3A_1169 = arith.constant 0 : i32
    %scan3A_1170 = arith.constant 64 : i32
    %scan3A_1171 = arith.addi %scan3A_1169, %scan3A_1170 : i32
    %scan3A_1172 = arith.constant 1 : i32
    %scan3A_1173 = scf.for %scan3A_1213 = %scan3A_1169 to %scan3A_1171 step %scan3A_1172 iter_args(%scan3A_1214 = %scan3A_1168) -> (i32)  : i32 {
      %mul3A_1215 = arith.constant 16 : i32
      %mul3A_1216 = arith.muli %scan3A_1213, %mul3A_1215 : i32
      %get3A_1217 = arith.constant 26 : i32
      %get3A_1218 = arith.index_cast %get3A_1217 : i32 to index
      %get3A_1219 = arith.index_cast %mul3A_1216 : i32 to index
      %get3A_1220 = tpu.vector_load %arg7[%get3A_1218, %get3A_1219] {strides = array<i32>} : memref<32x1024xf32, #tpu.memory_space<vmem>>, vector<1x16xf32>,
      %get3A_1221 = vector.shape_cast %get3A_1220 : vector<1x16xf32> to vector<16xf32>
      %mul3A_1222 = arith.mulf %get3A_1162, %get3A_1221 : vector<16xf32>
      %get3A_1223 = arith.constant 27 : i32
      %get3A_1224 = arith.index_cast %get3A_1223 : i32 to index
      %get3A_1225 = arith.index_cast %mul3A_1216 : i32 to index
      %get3A_1226 = tpu.vector_load %arg7[%get3A_1224, %get3A_1225] {strides = array<i32>} : memref<32x1024xf32, #tpu.memory_space<vmem>>, vector<1x16xf32>,
      %get3A_1227 = vector.shape_cast %get3A_1226 : vector<1x16xf32> to vector<16xf32>
      %mul3A_1228 = arith.mulf %get3A_1167, %get3A_1227 : vector<16xf32>
      %add3A_1229 = arith.addf %mul3A_1222, %mul3A_1228 : vector<16xf32>
      %swap3A = arith.constant 13 : i32
      %swap3A_1230 = arith.index_cast %swap3A : i32 to index
      %swap3A_1231 = arith.index_cast %mul3A_1216 : i32 to index
      %swap3A_1232 = tpu.vector_load %arg9[%swap3A_1230, %swap3A_1231] {strides = array<i32>} : memref<16x1024xf32, #tpu.memory_space<vmem>>, vector<1x16xf32>,
      %swap3A_1233 = vector.shape_cast %swap3A_1232 : vector<1x16xf32> to vector<16xf32>
      %swap3A_1234 = vector.shape_cast %add3A_1229 : vector<16xf32> to vector<1x16xf32>
      tpu.vector_store %arg9[%swap3A_1230, %swap3A_1231], %swap3A_1234 {strides = array<i32>} : memref<16x1024xf32, #tpu.memory_space<vmem>>, vector<1x16xf32>,
      %scan3A_1235 = arith.constant 0 : i32
      scf.yield %scan3A_1235 : i32
    }
    %scan3A_1174 = arith.constant 64 : i32
    %get3A_1175 = arith.constant 28 : i32
    %get3A_1176 = arith.index_cast %get3A_1175 : i32 to index
    %get3A_1177 = arith.constant 0 : index
    %get3A_1178 = tpu.vector_load %arg8[%get3A_1176, %get3A_1177] {strides = array<i32>} : memref<32x128xf32, #tpu.memory_space<vmem>>, vector<1x16xf32>,
    %get3A_1179 = vector.shape_cast %get3A_1178 : vector<1x16xf32> to vector<16xf32>
    %get3A_1180 = arith.constant 29 : i32
    %get3A_1181 = arith.index_cast %get3A_1180 : i32 to index
    %get3A_1182 = arith.constant 0 : index
    %get3A_1183 = tpu.vector_load %arg8[%get3A_1181, %get3A_1182] {strides = array<i32>} : memref<32x128xf32, #tpu.memory_space<vmem>>, vector<1x16xf32>,
    %get3A_1184 = vector.shape_cast %get3A_1183 : vector<1x16xf32> to vector<16xf32>
    %scan3A_1185 = arith.constant 0 : i32
    %scan3A_1186 = arith.constant 0 : i32
    %scan3A_1187 = arith.constant 64 : i32
    %scan3A_1188 = arith.addi %scan3A_1186, %scan3A_1187 : i32
    %scan3A_1189 = arith.constant 1 : i32
    %scan3A_1190 = scf.for %scan3A_1213 = %scan3A_1186 to %scan3A_1188 step %scan3A_1189 iter_args(%scan3A_1214 = %scan3A_1185) -> (i32)  : i32 {
      %mul3A_1215 = arith.constant 16 : i32
      %mul3A_1216 = arith.muli %scan3A_1213, %mul3A_1215 : i32
      %get3A_1217 = arith.constant 28 : i32
      %get3A_1218 = arith.index_cast %get3A_1217 : i32 to index
      %get3A_1219 = arith.index_cast %mul3A_1216 : i32 to index
      %get3A_1220 = tpu.vector_load %arg7[%get3A_1218, %get3A_1219] {strides = array<i32>} : memref<32x1024xf32, #tpu.memory_space<vmem>>, vector<1x16xf32>,
      %get3A_1221 = vector.shape_cast %get3A_1220 : vector<1x16xf32> to vector<16xf32>
      %mul3A_1222 = arith.mulf %get3A_1179, %get3A_1221 : vector<16xf32>
      %get3A_1223 = arith.constant 29 : i32
      %get3A_1224 = arith.index_cast %get3A_1223 : i32 to index
      %get3A_1225 = arith.index_cast %mul3A_1216 : i32 to index
      %get3A_1226 = tpu.vector_load %arg7[%get3A_1224, %get3A_1225] {strides = array<i32>} : memref<32x1024xf32, #tpu.memory_space<vmem>>, vector<1x16xf32>,
      %get3A_1227 = vector.shape_cast %get3A_1226 : vector<1x16xf32> to vector<16xf32>
      %mul3A_1228 = arith.mulf %get3A_1184, %get3A_1227 : vector<16xf32>
      %add3A_1229 = arith.addf %mul3A_1222, %mul3A_1228 : vector<16xf32>
      %swap3A = arith.constant 14 : i32
      %swap3A_1230 = arith.index_cast %swap3A : i32 to index
      %swap3A_1231 = arith.index_cast %mul3A_1216 : i32 to index
      %swap3A_1232 = tpu.vector_load %arg9[%swap3A_1230, %swap3A_1231] {strides = array<i32>} : memref<16x1024xf32, #tpu.memory_space<vmem>>, vector<1x16xf32>,
      %swap3A_1233 = vector.shape_cast %swap3A_1232 : vector<1x16xf32> to vector<16xf32>
      %swap3A_1234 = vector.shape_cast %add3A_1229 : vector<16xf32> to vector<1x16xf32>
      tpu.vector_store %arg9[%swap3A_1230, %swap3A_1231], %swap3A_1234 {strides = array<i32>} : memref<16x1024xf32, #tpu.memory_space<vmem>>, vector<1x16xf32>,
      %scan3A_1235 = arith.constant 0 : i32
      scf.yield %scan3A_1235 : i32
    }
    %scan3A_1191 = arith.constant 64 : i32
    %get3A_1192 = arith.constant 30 : i32
    %get3A_1193 = arith.index_cast %get3A_1192 : i32 to index
    %get3A_1194 = arith.constant 0 : index
    %get3A_1195 = tpu.vector_load %arg8[%get3A_1193, %get3A_1194] {strides = array<i32>} : memref<32x128xf32, #tpu.memory_space<vmem>>, vector<1x16xf32>,
    %get3A_1196 = vector.shape_cast %get3A_1195 : vector<1x16xf32> to vector<16xf32>
    %get3A_1197 = arith.constant 31 : i32
    %get3A_1198 = arith.index_cast %get3A_1197 : i32 to index
    %get3A_1199 = arith.constant 0 : index
    %get3A_1200 = tpu.vector_load %arg8[%get3A_1198, %get3A_1199] {strides = array<i32>} : memref<32x128xf32, #tpu.memory_space<vmem>>, vector<1x16xf32>,
    %get3A_1201 = vector.shape_cast %get3A_1200 : vector<1x16xf32> to vector<16xf32>
    %scan3A_1202 = arith.constant 0 : i32
    %scan3A_1203 = arith.constant 0 : i32
    %scan3A_1204 = arith.constant 64 : i32
    %scan3A_1205 = arith.addi %scan3A_1203, %scan3A_1204 : i32
    %scan3A_1206 = arith.constant 1 : i32
    %scan3A_1207 = scf.for %scan3A_1213 = %scan3A_1203 to %scan3A_1205 step %scan3A_1206 iter_args(%scan3A_1214 = %scan3A_1202) -> (i32)  : i32 {
      %mul3A_1215 = arith.constant 16 : i32
      %mul3A_1216 = arith.muli %scan3A_1213, %mul3A_1215 : i32
      %get3A_1217 = arith.constant 30 : i32
      %get3A_1218 = arith.index_cast %get3A_1217 : i32 to index
      %get3A_1219 = arith.index_cast %mul3A_1216 : i32 to index
      %get3A_1220 = tpu.vector_load %arg7[%get3A_1218, %get3A_1219] {strides = array<i32>} : memref<32x1024xf32, #tpu.memory_space<vmem>>, vector<1x16xf32>,
      %get3A_1221 = vector.shape_cast %get3A_1220 : vector<1x16xf32> to vector<16xf32>
      %mul3A_1222 = arith.mulf %get3A_1196, %get3A_1221 : vector<16xf32>
      %get3A_1223 = arith.constant 31 : i32
      %get3A_1224 = arith.index_cast %get3A_1223 : i32 to index
      %get3A_1225 = arith.index_cast %mul3A_1216 : i32 to index
      %get3A_1226 = tpu.vector_load %arg7[%get3A_1224, %get3A_1225] {strides = array<i32>} : memref<32x1024xf32, #tpu.memory_space<vmem>>, vector<1x16xf32>,
      %get3A_1227 = vector.shape_cast %get3A_1226 : vector<1x16xf32> to vector<16xf32>
      %mul3A_1228 = arith.mulf %get3A_1201, %get3A_1227 : vector<16xf32>
      %add3A_1229 = arith.addf %mul3A_1222, %mul3A_1228 : vector<16xf32>
      %swap3A = arith.constant 15 : i32
      %swap3A_1230 = arith.index_cast %swap3A : i32 to index
      %swap3A_1231 = arith.index_cast %mul3A_1216 : i32 to index
      %swap3A_1232 = tpu.vector_load %arg9[%swap3A_1230, %swap3A_1231] {strides = array<i32>} : memref<16x1024xf32, #tpu.memory_space<vmem>>, vector<1x16xf32>,
      %swap3A_1233 = vector.shape_cast %swap3A_1232 : vector<1x16xf32> to vector<16xf32>
      %swap3A_1234 = vector.shape_cast %add3A_1229 : vector<16xf32> to vector<1x16xf32>
      tpu.vector_store %arg9[%swap3A_1230, %swap3A_1231], %swap3A_1234 {strides = array<i32>} : memref<16x1024xf32, #tpu.memory_space<vmem>>, vector<1x16xf32>,
      %scan3A_1235 = arith.constant 0 : i32
      scf.yield %scan3A_1235 : i32
    }
    %scan3A_1208 = arith.constant 64 : i32
    %mul3A_1209 = arith.constant 64 : i32
    %mul3A_1210 = arith.muli %add3A, %mul3A_1209 : i32
    %add3A_1211 = arith.constant 48 : i32
    %add3A_1212 = arith.addi %mul3A_1210, %add3A_1211 : i32
    "tpu.region"() ({
      %run_scoped3A = tpu.sem_alloc : memref<!tpu.dma_semaphore, #tpu.memory_space<semaphore_mem>>
      %dma_start3A_1213 = arith.constant 0 : i32
      %dma_start3A_1214 = tpu.memref_slice %arg5[%add3A_1212, %dma_start3A_1213] : memref<2048x1024xf32, #tpu.memory_space<hbm>> -> memref<16x1024xf32, #tpu.memory_space<hbm>>
      %dma_start3A_1215 = arith.constant 0 : i32
      %dma_start3A_1216 = tpu.memref_slice %arg5[%add3A_1212, %dma_start3A_1215] : memref<2048x1024xf32, #tpu.memory_space<hbm>> -> memref<16x1024xf32, #tpu.memory_space<hbm>>
      tpu.enqueue_dma source(%arg9 : memref<16x1024xf32, #tpu.memory_space<vmem>>) target(%dma_start3A_1216 : memref<16x1024xf32, #tpu.memory_space<hbm>>) target_semaphore(%run_scoped3A : memref<!tpu.dma_semaphore, #tpu.memory_space<semaphore_mem>>)
      %dma_wait3A_1217 = arith.constant 0 : i32
      %dma_wait3A_1218 = tpu.memref_slice %arg5[%add3A_1212, %dma_wait3A_1217] : memref<2048x1024xf32, #tpu.memory_space<hbm>> -> memref<16x1024xf32, #tpu.memory_space<hbm>>
      %dma_wait3A_1219 = arith.constant 0 : i32
      %dma_wait3A_1220 = tpu.memref_slice %arg5[%add3A_1212, %dma_wait3A_1219] : memref<2048x1024xf32, #tpu.memory_space<hbm>> -> memref<16x1024xf32, #tpu.memory_space<hbm>>
      tpu.wait_dma2 semaphore(%run_scoped3A : memref<!tpu.dma_semaphore, #tpu.memory_space<semaphore_mem>>) src(%arg9 : memref<16x1024xf32, #tpu.memory_space<vmem>>) dst(%dma_wait3A_1220 : memref<16x1024xf32, #tpu.memory_space<hbm>>)
      tpu.yield
    }) : () -> ()
    return
  }
}

module attributes {stable_mosaic.version = 14 : i64} {
  func.func @_route_body(%arg0: memref<2048x1024xf32, #tpu.memory_space<vmem>>, %arg1: memref<8x1024xf32, #tpu.memory_space<vmem>>, %arg2: memref<2048x2xi32, #tpu.memory_space<vmem>>, %arg3: memref<2048x256xf32, #tpu.memory_space<vmem>>, %arg4: memref<2x8xi32, #tpu.memory_space<vmem>>) attributes {dimension_semantics = [], scalar_prefetch = 0 : i64, scratch_operands = 0 : i64, tpu.core_type = #tpu.core_type<tc>} {
    %get3A = arith.constant 0 : index
    %get3A_0 = arith.constant 0 : index
    %get3A_1 = vector.load %arg0[%get3A, %get3A_0] : memref<2048x1024xf32, #tpu.memory_space<vmem>>, vector<2048x1024xf32>
    %iota3A = tpu.iota {dimensions = array<i32: 0>} : vector<2048x2048xi32>
    %iota3A_2 = tpu.iota {dimensions = array<i32: 1>} : vector<2048x2048xi32>
    %lt3A = arith.cmpi slt, %iota3A_2, %iota3A : vector<2048x2048xi32>
    %jit3A = arith.constant 1.000000e+00 : f32
    %jit3A_3 = arith.constant 0.000000e+00 : f32
    %broadcast_in_dim3A = vector.broadcast %jit3A : f32 to vector<2048x2048xf32>
    %broadcast_in_dim3A_4 = vector.broadcast %jit3A_3 : f32 to vector<2048x2048xf32>
    %select_n3A = arith.select %lt3A, %broadcast_in_dim3A, %broadcast_in_dim3A_4 : vector<2048x2048xi1>, vector<2048x2048xf32>
    %convert_element_type3A = arith.truncf %select_n3A : vector<2048x2048xf32> to vector<2048x2048xbf16>
    %get3A_5 = arith.constant 0 : index
    %get3A_6 = arith.constant 0 : index
    %get3A_7 = vector.load %arg1[%get3A_5, %get3A_6] : memref<8x1024xf32, #tpu.memory_space<vmem>>, vector<8x1024xf32>
    %dot_general3A = arith.constant dense<0.000000e+00> : vector<2048x8xf32>
    %dot_general3A_8 = tpu.matmul %get3A_1, %get3A_7, %dot_general3A {dimension_numbers = #tpu.dot_dimension_numbers<[1], [1], [0], [0], [0, 0, 1, 0], [], []>, transpose_lhs_hint = false} : vector<2048x1024xf32>, vector<8x1024xf32>, vector<2048x8xf32> -> vector<2048x8xf32>
    %iota3A_9 = tpu.iota {dimensions = array<i32: 1>} : vector<2048x8xi32>
    %reduce_max3A = arith.constant dense<0xFF800000> : vector<2048xf32>
    %reduce_max3A_10 = vector.multi_reduction <maximumf>, %dot_general3A_8, %reduce_max3A [1] : vector<2048x8xf32> to vector<2048xf32>
    %broadcast_in_dim3A_11 = vector.shape_cast %reduce_max3A_10 : vector<2048xf32> to vector<2048x1xf32>
    %eq3A = vector.broadcast %broadcast_in_dim3A_11 : vector<2048x1xf32> to vector<2048x8xf32>
    %eq3A_12 = arith.cmpf oeq, %dot_general3A_8, %eq3A : vector<2048x8xf32>
    %jit3A_13 = arith.constant 8 : i32
    %broadcast_in_dim3A_14 = vector.broadcast %jit3A_13 : i32 to vector<2048x8xi32>
    %select_n3A_15 = arith.select %eq3A_12, %iota3A_9, %broadcast_in_dim3A_14 : vector<2048x8xi1>, vector<2048x8xi32>
    %reduce_min3A = arith.constant dense<2147483647> : vector<2048xi32>
    %reduce_min3A_16 = vector.multi_reduction <minsi>, %select_n3A_15, %reduce_min3A [1] : vector<2048x8xi32> to vector<2048xi32>
    %broadcast_in_dim3A_17 = vector.shape_cast %reduce_min3A_16 : vector<2048xi32> to vector<2048x1xi32>
    %eq3A_18 = vector.broadcast %broadcast_in_dim3A_17 : vector<2048x1xi32> to vector<2048x8xi32>
    %eq3A_19 = arith.cmpi eq, %iota3A_9, %eq3A_18 : vector<2048x8xi32>
    %jit3A_20 = arith.constant -1.000000e+30 : f32
    %broadcast_in_dim3A_21 = vector.broadcast %jit3A_20 : f32 to vector<2048x8xf32>
    %select_n3A_22 = arith.select %eq3A_19, %broadcast_in_dim3A_21, %dot_general3A_8 : vector<2048x8xi1>, vector<2048x8xf32>
    %reduce_max3A_23 = arith.constant dense<0xFF800000> : vector<2048xf32>
    %reduce_max3A_24 = vector.multi_reduction <maximumf>, %select_n3A_22, %reduce_max3A_23 [1] : vector<2048x8xf32> to vector<2048xf32>
    %broadcast_in_dim3A_25 = vector.shape_cast %reduce_max3A_24 : vector<2048xf32> to vector<2048x1xf32>
    %eq3A_26 = vector.broadcast %broadcast_in_dim3A_25 : vector<2048x1xf32> to vector<2048x8xf32>
    %eq3A_27 = arith.cmpf oeq, %select_n3A_22, %eq3A_26 : vector<2048x8xf32>
    %jit3A_28 = arith.constant 8 : i32
    %broadcast_in_dim3A_29 = vector.broadcast %jit3A_28 : i32 to vector<2048x8xi32>
    %select_n3A_30 = arith.select %eq3A_27, %iota3A_9, %broadcast_in_dim3A_29 : vector<2048x8xi1>, vector<2048x8xi32>
    %reduce_min3A_31 = arith.constant dense<2147483647> : vector<2048xi32>
    %reduce_min3A_32 = vector.multi_reduction <minsi>, %select_n3A_30, %reduce_min3A_31 [1] : vector<2048x8xi32> to vector<2048xi32>
    %broadcast_in_dim3A_33 = vector.shape_cast %reduce_min3A_32 : vector<2048xi32> to vector<2048x1xi32>
    %sub3A = arith.subf %broadcast_in_dim3A_25, %broadcast_in_dim3A_11 : vector<2048x1xf32>
    %exp3A = math.exp %sub3A : vector<2048x1xf32>
    %add3A = arith.constant 1.000000e+00 : f32
    %add3A_34 = vector.broadcast %add3A : f32 to vector<2048x1xf32>
    %add3A_35 = arith.addf %add3A_34, %exp3A : vector<2048x1xf32>
    %div3A = arith.constant 1.000000e+00 : f32
    %div3A_36 = vector.broadcast %div3A : f32 to vector<2048x1xf32>
    %div3A_37 = arith.divf %div3A_36, %add3A_35 : vector<2048x1xf32>
    %add3A_38 = arith.constant 1.000000e+00 : f32
    %add3A_39 = vector.broadcast %add3A_38 : f32 to vector<2048x1xf32>
    %add3A_40 = arith.addf %add3A_39, %exp3A : vector<2048x1xf32>
    %div3A_41 = arith.divf %exp3A, %add3A_40 : vector<2048x1xf32>
    %eq3A_42 = vector.broadcast %broadcast_in_dim3A_17 : vector<2048x1xi32> to vector<2048x8xi32>
    %eq3A_43 = arith.cmpi eq, %iota3A_9, %eq3A_42 : vector<2048x8xi32>
    %eq3A_44 = vector.broadcast %broadcast_in_dim3A_33 : vector<2048x1xi32> to vector<2048x8xi32>
    %eq3A_45 = arith.cmpi eq, %iota3A_9, %eq3A_44 : vector<2048x8xi32>
    %or3A = arith.ori %eq3A_43, %eq3A_45 : vector<2048x8xi1>
    %convert_element_type3A_46 = arith.extui %or3A : vector<2048x8xi1> to vector<2048x8xi32>
    %convert_element_type3A_47 = arith.sitofp %convert_element_type3A_46 : vector<2048x8xi32> to vector<2048x8xf32>
    %convert_element_type3A_48 = arith.truncf %convert_element_type3A_47 : vector<2048x8xf32> to vector<2048x8xbf16>
    %dot_general3A_49 = arith.constant dense<0.000000e+00> : vector<2048x8xf32>
    %dot_general3A_50 = tpu.matmul %convert_element_type3A, %convert_element_type3A_48, %dot_general3A_49 {dimension_numbers = #tpu.dot_dimension_numbers<[1], [0], [0], [1], [0, 0, 1, 1], [], []>, transpose_lhs_hint = false} : vector<2048x2048xbf16>, vector<2048x8xbf16>, vector<2048x8xf32> -> vector<2048x8xf32>
    %broadcast_in_dim3A_51 = arith.constant 1.000000e+00 : f32
    %broadcast_in_dim3A_52 = vector.broadcast %broadcast_in_dim3A_51 : f32 to vector<1x2048xf32>
    %dot_general3A_53 = arith.constant dense<0.000000e+00> : vector<1x8xf32>
    %dot_general3A_54 = tpu.matmul %broadcast_in_dim3A_52, %convert_element_type3A_47, %dot_general3A_53 {dimension_numbers = #tpu.dot_dimension_numbers<[1], [0], [0], [1], [0, 0, 1, 1], [], []>, transpose_lhs_hint = false} : vector<1x2048xf32>, vector<2048x8xf32>, vector<1x8xf32> -> vector<1x8xf32>
    %div3A_55 = arith.constant 2.560000e+02 : f32
    %div3A_56 = vector.broadcast %div3A_55 : f32 to vector<1x8xf32>
    %div3A_57 = arith.divf %dot_general3A_54, %div3A_56 : vector<1x8xf32>
    %ceil3A = math.ceil %div3A_57 : vector<1x8xf32>
    %mul3A = arith.constant 2.560000e+02 : f32
    %mul3A_58 = vector.broadcast %mul3A : f32 to vector<1x8xf32>
    %mul3A_59 = arith.mulf %ceil3A, %mul3A_58 : vector<1x8xf32>
    %iota3A_60 = tpu.iota {dimensions = array<i32: 0>} : vector<8x8xi32>
    %iota3A_61 = tpu.iota {dimensions = array<i32: 1>} : vector<8x8xi32>
    %lt3A_62 = arith.cmpi slt, %iota3A_60, %iota3A_61 : vector<8x8xi32>
    %convert_element_type3A_63 = arith.extui %lt3A_62 : vector<8x8xi1> to vector<8x8xi32>
    %convert_element_type3A_64 = arith.sitofp %convert_element_type3A_63 : vector<8x8xi32> to vector<8x8xf32>
    %dot_general3A_65 = arith.constant dense<0.000000e+00> : vector<1x8xf32>
    %dot_general3A_66 = tpu.matmul %mul3A_59, %convert_element_type3A_64, %dot_general3A_65 {dimension_numbers = #tpu.dot_dimension_numbers<[1], [0], [0], [1], [0, 0, 1, 1], [], []>, transpose_lhs_hint = false} : vector<1x8xf32>, vector<8x8xf32>, vector<1x8xf32> -> vector<1x8xf32>
    %add3A_67 = vector.broadcast %dot_general3A_66 : vector<1x8xf32> to vector<2048x8xf32>
    %add3A_68 = arith.addf %add3A_67, %dot_general3A_50 : vector<2048x8xf32>
    %eq3A_69 = vector.broadcast %broadcast_in_dim3A_17 : vector<2048x1xi32> to vector<2048x8xi32>
    %eq3A_70 = arith.cmpi eq, %iota3A_9, %eq3A_69 : vector<2048x8xi32>
    %jit3A_71 = arith.constant 0.000000e+00 : f32
    %broadcast_in_dim3A_72 = vector.broadcast %jit3A_71 : f32 to vector<2048x8xf32>
    %select_n3A_73 = arith.select %eq3A_70, %add3A_68, %broadcast_in_dim3A_72 : vector<2048x8xi1>, vector<2048x8xf32>
    %reduce_sum3A = arith.constant dense<0.000000e+00> : vector<2048xf32>
    %reduce_sum3A_74 = vector.multi_reduction <add>, %select_n3A_73, %reduce_sum3A [1] : vector<2048x8xf32> to vector<2048xf32>
    %broadcast_in_dim3A_75 = vector.shape_cast %reduce_sum3A_74 : vector<2048xf32> to vector<2048x1xf32>
    %eq3A_76 = vector.broadcast %broadcast_in_dim3A_33 : vector<2048x1xi32> to vector<2048x8xi32>
    %eq3A_77 = arith.cmpi eq, %iota3A_9, %eq3A_76 : vector<2048x8xi32>
    %jit3A_78 = arith.constant 0.000000e+00 : f32
    %broadcast_in_dim3A_79 = vector.broadcast %jit3A_78 : f32 to vector<2048x8xf32>
    %select_n3A_80 = arith.select %eq3A_77, %add3A_68, %broadcast_in_dim3A_79 : vector<2048x8xi1>, vector<2048x8xf32>
    %reduce_sum3A_81 = arith.constant dense<0.000000e+00> : vector<2048xf32>
    %reduce_sum3A_82 = vector.multi_reduction <add>, %select_n3A_80, %reduce_sum3A_81 [1] : vector<2048x8xf32> to vector<2048xf32>
    %broadcast_in_dim3A_83 = vector.shape_cast %reduce_sum3A_82 : vector<2048xf32> to vector<2048x1xf32>
    %concatenate3A = tpu.concatenate %broadcast_in_dim3A_75, %broadcast_in_dim3A_83 in 1 : vector<2048x1xf32>, vector<2048x1xf32> -> vector<2048x2xf32>
    %convert_element_type3A_84 = arith.fptosi %concatenate3A : vector<2048x2xf32> to vector<2048x2xi32>
    %swap3A = arith.constant 0 : index
    %swap3A_85 = arith.constant 0 : index
    %swap3A_86 = vector.load %arg2[%swap3A, %swap3A_85] : memref<2048x2xi32, #tpu.memory_space<vmem>>, vector<2048x2xi32>
    tpu.vector_store %arg2[%swap3A, %swap3A_85], %convert_element_type3A_84 {strides = array<i32>} : memref<2048x2xi32, #tpu.memory_space<vmem>>, vector<2048x2xi32>,
    %broadcast_in_dim3A_87 = vector.shape_cast %div3A_37 : vector<2048x1xf32> to vector<2048x1xf32>
    %broadcast_in_dim3A_88 = vector.broadcast %broadcast_in_dim3A_87 : vector<2048x1xf32> to vector<2048x128xf32>
    %broadcast_in_dim3A_89 = vector.shape_cast %div3A_41 : vector<2048x1xf32> to vector<2048x1xf32>
    %broadcast_in_dim3A_90 = vector.broadcast %broadcast_in_dim3A_89 : vector<2048x1xf32> to vector<2048x128xf32>
    %concatenate3A_91 = tpu.concatenate %broadcast_in_dim3A_88, %broadcast_in_dim3A_90 in 1 : vector<2048x128xf32>, vector<2048x128xf32> -> vector<2048x256xf32>
    %swap3A_92 = arith.constant 0 : index
    %swap3A_93 = arith.constant 0 : index
    %swap3A_94 = vector.load %arg3[%swap3A_92, %swap3A_93] : memref<2048x256xf32, #tpu.memory_space<vmem>>, vector<2048x256xf32>
    tpu.vector_store %arg3[%swap3A_92, %swap3A_93], %concatenate3A_91 {strides = array<i32>} : memref<2048x256xf32, #tpu.memory_space<vmem>>, vector<2048x256xf32>,
    %div3A_95 = arith.constant 2.560000e+02 : f32
    %div3A_96 = vector.broadcast %div3A_95 : f32 to vector<1x8xf32>
    %div3A_97 = arith.divf %dot_general3A_66, %div3A_96 : vector<1x8xf32>
    %convert_element_type3A_98 = arith.fptosi %div3A_97 : vector<1x8xf32> to vector<1x8xi32>
    %swap3A_99 = arith.constant 0 : index
    %swap3A_100 = arith.constant 0 : index
    %swap3A_101 = vector.load %arg4[%swap3A_99, %swap3A_100] : memref<2x8xi32, #tpu.memory_space<vmem>>, vector<1x8xi32>
    tpu.vector_store %arg4[%swap3A_99, %swap3A_100], %convert_element_type3A_98 {strides = array<i32>} : memref<2x8xi32, #tpu.memory_space<vmem>>, vector<1x8xi32>,
    %add3A_102 = arith.addf %dot_general3A_66, %mul3A_59 : vector<1x8xf32>
    %div3A_103 = arith.constant 2.560000e+02 : f32
    %div3A_104 = vector.broadcast %div3A_103 : f32 to vector<1x8xf32>
    %div3A_105 = arith.divf %add3A_102, %div3A_104 : vector<1x8xf32>
    %convert_element_type3A_106 = arith.fptosi %div3A_105 : vector<1x8xf32> to vector<1x8xi32>
    %swap3A_107 = arith.constant 1 : index
    %swap3A_108 = arith.constant 0 : index
    %swap3A_109 = vector.load %arg4[%swap3A_107, %swap3A_108] : memref<2x8xi32, #tpu.memory_space<vmem>>, vector<1x8xi32>
    tpu.vector_store %arg4[%swap3A_107, %swap3A_108], %convert_element_type3A_106 {strides = array<i32>} : memref<2x8xi32, #tpu.memory_space<vmem>>, vector<1x8xi32>,
    return
  }
}

module attributes {stable_mosaic.version = 14 : i64} {
  func.func @_ffn_body(%arg0: i32, %arg1: i32, %arg2: memref<8xi32, #tpu.memory_space<smem>>, %arg3: memref<8xi32, #tpu.memory_space<smem>>, %arg4: memref<6144x1024xf32, #tpu.memory_space<any>>, %arg5: memref<1x512x1024xf32, #tpu.memory_space<vmem>>, %arg6: memref<1x512x1024xf32, #tpu.memory_space<vmem>>, %arg7: memref<1x1024x512xf32, #tpu.memory_space<vmem>>, %arg8: memref<6144x1024xf32, #tpu.memory_space<any>>, %arg9: memref<6144x1024xf32, #tpu.memory_space<vmem>>, %arg10: memref<6144x1024xf32, #tpu.memory_space<vmem>>, %arg11: memref<!tpu.dma_semaphore, #tpu.memory_space<semaphore_mem>>) attributes {dimension_semantics = [#tpu.dimension_semantics<arbitrary>, #tpu.dimension_semantics<arbitrary>], iteration_bounds = array<i64: 8, 4>, scalar_prefetch = 0 : i64, scratch_operands = 3 : i64, tpu.core_type = #tpu.core_type<tc>, window_params = [{transform_indices = @transform_0, window_bounds = array<i64: 8>}, {transform_indices = @transform_1, window_bounds = array<i64: 8>}, {}, {transform_indices = @transform_3, window_bounds = array<i64: 1, 512, 1024>}, {transform_indices = @transform_4, window_bounds = array<i64: 1, 512, 1024>}, {transform_indices = @transform_5, window_bounds = array<i64: 1, 1024, 512>}, {}]} {
    %eq3A = arith.constant 0 : i32
    %eq3A_0 = arith.cmpi eq, %arg0, %eq3A : i32
    %eq3A_1 = arith.constant 0 : i32
    %eq3A_2 = arith.cmpi eq, %arg1, %eq3A_1 : i32
    %and3A = arith.andi %eq3A_0, %eq3A_2 : i1
    %convert_element_type3A = arith.extui %and3A : i1 to i32
    %cond3A = arith.constant 0 : i32
    %cond3A_3 = arith.cmpi ne, %convert_element_type3A, %cond3A : i32
    scf.if %cond3A_3 {
      tpu.enqueue_dma source(%arg4 : memref<6144x1024xf32, #tpu.memory_space<any>>) target(%arg9 : memref<6144x1024xf32, #tpu.memory_space<vmem>>) target_semaphore(%arg11 : memref<!tpu.dma_semaphore, #tpu.memory_space<semaphore_mem>>)
      tpu.wait_dma2 semaphore(%arg11 : memref<!tpu.dma_semaphore, #tpu.memory_space<semaphore_mem>>) src(%arg4 : memref<6144x1024xf32, #tpu.memory_space<any>>) dst(%arg9 : memref<6144x1024xf32, #tpu.memory_space<vmem>>)
    } else {
    }
    %get3A = arith.index_cast %arg0 : i32 to index
    %get3A_4 = memref.load %arg2[%get3A] : memref<8xi32, #tpu.memory_space<smem>>
    %get3A_5 = arith.index_cast %arg0 : i32 to index
    %get3A_6 = memref.load %arg3[%get3A_5] : memref<8xi32, #tpu.memory_space<smem>>
    %while3A = arith.constant 0 : i32
    %while3A_7 = arith.subi %get3A_6, %get3A_4 : i32
    %while3A_8 = arith.addi %get3A_4, %while3A_7 : i32
    %while3A_9 = arith.constant 1 : i32
    %while3A_10 = arith.divsi %while3A_7, %while3A_9 : i32
    %while3A_11 = arith.muli %while3A_10, %while3A_9 : i32
    %while3A_12 = arith.addi %get3A_4, %while3A_11 : i32
    %while3A_13 = arith.constant 1 : i32
    scf.for %while3A_23 = %get3A_4 to %while3A_12 step %while3A_13  : i32 {
      %mul3A = arith.constant 256 : i32
      %mul3A_24 = arith.muli %while3A_23, %mul3A : i32
      %multiple_of3A = tpu.assume_multiple %mul3A_24, 256 : i32
      %get3A_25 = arith.index_cast %multiple_of3A : i32 to index
      %get3A_26 = arith.constant 0 : index
      %get3A_27 = vector.load %arg9[%get3A_25, %get3A_26] : memref<6144x1024xf32, #tpu.memory_space<vmem>>, vector<256x1024xf32>
      %get3A_28 = arith.constant 0 : index
      %get3A_29 = arith.constant 0 : index
      %get3A_30 = arith.constant 0 : index
      %get3A_31 = vector.load %arg5[%get3A_28, %get3A_29, %get3A_30] : memref<1x512x1024xf32, #tpu.memory_space<vmem>>, vector<1x512x1024xf32>
      %get3A_32 = vector.shape_cast %get3A_31 : vector<1x512x1024xf32> to vector<512x1024xf32>
      %dot_general3A = arith.constant dense<0.000000e+00> : vector<256x512xf32>
      %dot_general3A_33 = tpu.matmul %get3A_27, %get3A_32, %dot_general3A {dimension_numbers = #tpu.dot_dimension_numbers<[1], [1], [0], [0], [0, 0, 1, 0], [], []>, transpose_lhs_hint = false} : vector<256x1024xf32>, vector<512x1024xf32>, vector<256x512xf32> -> vector<256x512xf32>
      %get3A_34 = arith.constant 0 : index
      %get3A_35 = arith.constant 0 : index
      %get3A_36 = arith.constant 0 : index
      %get3A_37 = vector.load %arg6[%get3A_34, %get3A_35, %get3A_36] : memref<1x512x1024xf32, #tpu.memory_space<vmem>>, vector<1x512x1024xf32>
      %get3A_38 = vector.shape_cast %get3A_37 : vector<1x512x1024xf32> to vector<512x1024xf32>
      %dot_general3A_39 = arith.constant dense<0.000000e+00> : vector<256x512xf32>
      %dot_general3A_40 = tpu.matmul %get3A_27, %get3A_38, %dot_general3A_39 {dimension_numbers = #tpu.dot_dimension_numbers<[1], [1], [0], [0], [0, 0, 1, 0], [], []>, transpose_lhs_hint = false} : vector<256x1024xf32>, vector<512x1024xf32>, vector<256x512xf32> -> vector<256x512xf32>
      %neg3A = arith.constant 0.000000e+00 : f32
      %neg3A_41 = vector.broadcast %neg3A : f32 to vector<256x512xf32>
      %neg3A_42 = arith.subf %neg3A_41, %dot_general3A_33 : vector<256x512xf32>
      %exp3A = math.exp %neg3A_42 : vector<256x512xf32>
      %add3A = arith.constant 1.000000e+00 : f32
      %add3A_43 = vector.broadcast %add3A : f32 to vector<256x512xf32>
      %add3A_44 = arith.addf %add3A_43, %exp3A : vector<256x512xf32>
      %div3A = arith.divf %dot_general3A_33, %add3A_44 : vector<256x512xf32>
      %mul3A_45 = arith.mulf %div3A, %dot_general3A_40 : vector<256x512xf32>
      %get3A_46 = arith.constant 0 : index
      %get3A_47 = arith.constant 0 : index
      %get3A_48 = arith.constant 0 : index
      %get3A_49 = vector.load %arg7[%get3A_46, %get3A_47, %get3A_48] : memref<1x1024x512xf32, #tpu.memory_space<vmem>>, vector<1x1024x512xf32>
      %get3A_50 = vector.shape_cast %get3A_49 : vector<1x1024x512xf32> to vector<1024x512xf32>
      %dot_general3A_51 = arith.constant dense<0.000000e+00> : vector<256x1024xf32>
      %dot_general3A_52 = tpu.matmul %mul3A_45, %get3A_50, %dot_general3A_51 {dimension_numbers = #tpu.dot_dimension_numbers<[1], [1], [0], [0], [0, 0, 1, 0], [], []>, transpose_lhs_hint = false} : vector<256x512xf32>, vector<1024x512xf32>, vector<256x1024xf32> -> vector<256x1024xf32>
      %eq3A_53 = arith.constant 0 : i32
      %eq3A_54 = arith.cmpi eq, %arg1, %eq3A_53 : i32
      %get3A_55 = arith.index_cast %multiple_of3A : i32 to index
      %get3A_56 = arith.constant 0 : index
      %get3A_57 = vector.load %arg10[%get3A_55, %get3A_56] : memref<6144x1024xf32, #tpu.memory_space<vmem>>, vector<256x1024xf32>
      %add3A_58 = arith.addf %get3A_57, %dot_general3A_52 : vector<256x1024xf32>
      %select_n3A = arith.select %eq3A_54, %dot_general3A_52, %add3A_58 : vector<256x1024xf32>
      %swap3A = arith.index_cast %multiple_of3A : i32 to index
      %swap3A_59 = arith.constant 0 : index
      %swap3A_60 = vector.load %arg10[%swap3A, %swap3A_59] : memref<6144x1024xf32, #tpu.memory_space<vmem>>, vector<256x1024xf32>
      tpu.vector_store %arg10[%swap3A, %swap3A_59], %select_n3A {strides = array<i32>} : memref<6144x1024xf32, #tpu.memory_space<vmem>>, vector<256x1024xf32>,
    }
    %while3A_14 = arith.constant 1 : i32
    scf.for %while3A_23 = %while3A_12 to %while3A_8 step %while3A_14  : i32 {
      %mul3A = arith.constant 256 : i32
      %mul3A_24 = arith.muli %while3A_23, %mul3A : i32
      %multiple_of3A = tpu.assume_multiple %mul3A_24, 256 : i32
      %get3A_25 = arith.index_cast %multiple_of3A : i32 to index
      %get3A_26 = arith.constant 0 : index
      %get3A_27 = vector.load %arg9[%get3A_25, %get3A_26] : memref<6144x1024xf32, #tpu.memory_space<vmem>>, vector<256x1024xf32>
      %get3A_28 = arith.constant 0 : index
      %get3A_29 = arith.constant 0 : index
      %get3A_30 = arith.constant 0 : index
      %get3A_31 = vector.load %arg5[%get3A_28, %get3A_29, %get3A_30] : memref<1x512x1024xf32, #tpu.memory_space<vmem>>, vector<1x512x1024xf32>
      %get3A_32 = vector.shape_cast %get3A_31 : vector<1x512x1024xf32> to vector<512x1024xf32>
      %dot_general3A = arith.constant dense<0.000000e+00> : vector<256x512xf32>
      %dot_general3A_33 = tpu.matmul %get3A_27, %get3A_32, %dot_general3A {dimension_numbers = #tpu.dot_dimension_numbers<[1], [1], [0], [0], [0, 0, 1, 0], [], []>, transpose_lhs_hint = false} : vector<256x1024xf32>, vector<512x1024xf32>, vector<256x512xf32> -> vector<256x512xf32>
      %get3A_34 = arith.constant 0 : index
      %get3A_35 = arith.constant 0 : index
      %get3A_36 = arith.constant 0 : index
      %get3A_37 = vector.load %arg6[%get3A_34, %get3A_35, %get3A_36] : memref<1x512x1024xf32, #tpu.memory_space<vmem>>, vector<1x512x1024xf32>
      %get3A_38 = vector.shape_cast %get3A_37 : vector<1x512x1024xf32> to vector<512x1024xf32>
      %dot_general3A_39 = arith.constant dense<0.000000e+00> : vector<256x512xf32>
      %dot_general3A_40 = tpu.matmul %get3A_27, %get3A_38, %dot_general3A_39 {dimension_numbers = #tpu.dot_dimension_numbers<[1], [1], [0], [0], [0, 0, 1, 0], [], []>, transpose_lhs_hint = false} : vector<256x1024xf32>, vector<512x1024xf32>, vector<256x512xf32> -> vector<256x512xf32>
      %neg3A = arith.constant 0.000000e+00 : f32
      %neg3A_41 = vector.broadcast %neg3A : f32 to vector<256x512xf32>
      %neg3A_42 = arith.subf %neg3A_41, %dot_general3A_33 : vector<256x512xf32>
      %exp3A = math.exp %neg3A_42 : vector<256x512xf32>
      %add3A = arith.constant 1.000000e+00 : f32
      %add3A_43 = vector.broadcast %add3A : f32 to vector<256x512xf32>
      %add3A_44 = arith.addf %add3A_43, %exp3A : vector<256x512xf32>
      %div3A = arith.divf %dot_general3A_33, %add3A_44 : vector<256x512xf32>
      %mul3A_45 = arith.mulf %div3A, %dot_general3A_40 : vector<256x512xf32>
      %get3A_46 = arith.constant 0 : index
      %get3A_47 = arith.constant 0 : index
      %get3A_48 = arith.constant 0 : index
      %get3A_49 = vector.load %arg7[%get3A_46, %get3A_47, %get3A_48] : memref<1x1024x512xf32, #tpu.memory_space<vmem>>, vector<1x1024x512xf32>
      %get3A_50 = vector.shape_cast %get3A_49 : vector<1x1024x512xf32> to vector<1024x512xf32>
      %dot_general3A_51 = arith.constant dense<0.000000e+00> : vector<256x1024xf32>
      %dot_general3A_52 = tpu.matmul %mul3A_45, %get3A_50, %dot_general3A_51 {dimension_numbers = #tpu.dot_dimension_numbers<[1], [1], [0], [0], [0, 0, 1, 0], [], []>, transpose_lhs_hint = false} : vector<256x512xf32>, vector<1024x512xf32>, vector<256x1024xf32> -> vector<256x1024xf32>
      %eq3A_53 = arith.constant 0 : i32
      %eq3A_54 = arith.cmpi eq, %arg1, %eq3A_53 : i32
      %get3A_55 = arith.index_cast %multiple_of3A : i32 to index
      %get3A_56 = arith.constant 0 : index
      %get3A_57 = vector.load %arg10[%get3A_55, %get3A_56] : memref<6144x1024xf32, #tpu.memory_space<vmem>>, vector<256x1024xf32>
      %add3A_58 = arith.addf %get3A_57, %dot_general3A_52 : vector<256x1024xf32>
      %select_n3A = arith.select %eq3A_54, %dot_general3A_52, %add3A_58 : vector<256x1024xf32>
      %swap3A = arith.index_cast %multiple_of3A : i32 to index
      %swap3A_59 = arith.constant 0 : index
      %swap3A_60 = vector.load %arg10[%swap3A, %swap3A_59] : memref<6144x1024xf32, #tpu.memory_space<vmem>>, vector<256x1024xf32>
      tpu.vector_store %arg10[%swap3A, %swap3A_59], %select_n3A {strides = array<i32>} : memref<6144x1024xf32, #tpu.memory_space<vmem>>, vector<256x1024xf32>,
    }
    %eq3A_15 = arith.constant 7 : i32
    %eq3A_16 = arith.cmpi eq, %arg0, %eq3A_15 : i32
    %eq3A_17 = arith.constant 3 : i32
    %eq3A_18 = arith.cmpi eq, %arg1, %eq3A_17 : i32
    %and3A_19 = arith.andi %eq3A_16, %eq3A_18 : i1
    %convert_element_type3A_20 = arith.extui %and3A_19 : i1 to i32
    %cond3A_21 = arith.constant 0 : i32
    %cond3A_22 = arith.cmpi ne, %convert_element_type3A_20, %cond3A_21 : i32
    scf.if %cond3A_22 {
      tpu.enqueue_dma source(%arg10 : memref<6144x1024xf32, #tpu.memory_space<vmem>>) target(%arg8 : memref<6144x1024xf32, #tpu.memory_space<any>>) target_semaphore(%arg11 : memref<!tpu.dma_semaphore, #tpu.memory_space<semaphore_mem>>)
      tpu.wait_dma2 semaphore(%arg11 : memref<!tpu.dma_semaphore, #tpu.memory_space<semaphore_mem>>) src(%arg10 : memref<6144x1024xf32, #tpu.memory_space<vmem>>) dst(%arg8 : memref<6144x1024xf32, #tpu.memory_space<any>>)
    } else {
    }
    return
  }
  func.func @transform_0(%arg0: i32, %arg1: i32) -> i32 {
    %c0_i32 = arith.constant 0 : i32
    %c0_i32_0 = arith.constant 0 : i32
    return %c0_i32 : i32
  }
  func.func @transform_1(%arg0: i32, %arg1: i32) -> i32 {
    %c0_i32 = arith.constant 0 : i32
    %c0_i32_0 = arith.constant 0 : i32
    return %c0_i32 : i32
  }
  func.func @transform_3(%arg0: i32, %arg1: i32) -> (i32, i32, i32) {
    %c0_i32 = arith.constant 0 : i32
    %c0_i32_0 = arith.constant 0 : i32
    return %arg0, %arg1, %c0_i32 : i32, i32, i32
  }
  func.func @transform_4(%arg0: i32, %arg1: i32) -> (i32, i32, i32) {
    %c0_i32 = arith.constant 0 : i32
    %c0_i32_0 = arith.constant 0 : i32
    return %arg0, %arg1, %c0_i32 : i32, i32, i32
  }
  func.func @transform_5(%arg0: i32, %arg1: i32) -> (i32, i32, i32) {
    %c0_i32 = arith.constant 0 : i32
    %c0_i32_0 = arith.constant 0 : i32
    return %arg0, %c0_i32, %arg1 : i32, i32, i32
  }
}

</mosaic_0001>

<sc_bundles>
// kernel: kernel.6.cloned.1.call-start
scs
__scs_entry_jumppad:
0x0: {  	(pc) =	sbr.rel $0x88, $3  }
0x1: {  	(tag) =	ssettag $0x0;
	lr =	simm.s32 $0x1  }
0x2: {  	[smem:$0x3F9C] =	sst lr;
	_ =	strace $0xD0000000  }
0x3: {  	_ = 	snop  }
0x4: {  	_ = 	snop  }
0x5: {  	_ = 	snop  }
0x6: {  	_ = 	snop  }
0x7: {  	_ = 	snop  }
__scs_overlays_trampoline_lowered:
0x8: {  	[smem:$0x3FAB] =	sst s0  }
0x9: {  	[smem:$0x3FAC] =	sst s1  }
0xa: {  	[smem:$0x3FAD] =	sst s2  }
0xb: {  	[smem:$0x3FAE] =	sst s3  }
0xc: {  	[smem:$0x3FAF] =	sst s4  }
0xd: {  	[smem:$0x3FB0] =	sst s5  }
0xe: {  	[smem:$0x3FB1] =	sst s6  }
0xf: {  	[smem:$0x3FB2] =	sst s7  }
0x10: {  	[smem:$0x3FB3] =	sst s8  }
0x11: {  	[smem:$0x3FB4] =	sst s9;
	s0 =	simm.s32 @!p0 $0x0  }
0x12: {  	s1 =	sld [smem:$0x3F9A];
	s0 =	simm.s32 @p0 $0x1  }
0x13: {  	[smem:$0x3FB5] =	sst s0;
	s0 =	simm.s32 @!p1 $0x0  }
0x14: {  	s2 =	sld [smem:$0x3F99];
	s0 =	simm.s32 @p1 $0x1  }
0x15: {  	[smem:$0x3FB6] =	sst s0;
	s0 =	simm.s32 @!p2 $0x0  }
0x16: {  	s3 =	sld [smem:$0x3FDB];
	s0 =	simm.s32 @p2 $0x1  }
0x17: {  	s4 =	simm.s32 $0x1BF5;
	[smem:$0x3FB8] =	sst s0  }
0x18: {  	s0 =	sld [smem:$0x3F9B];
	_ =	swait.ge [sflag:s4], $0x0  }
0x19: {  	s7 =	sld [smem:$0x3F9C]  }
0x1a: {  	s8 =	sadd.s32 $0xFFFFE003, lr  }
0x1b: {  	s9 =	sadd.s32 $0xFFFFFEF7, lr;
	s5 =	simm.s32 $0xFFFFFFFF;
	p2 =	slt.u32 s8, $0xFFFFF086  }
0x1c: {  	p1 =	slt.u32 s9, $0xF7A;
	s5 =	simm.s32 @!p2 $0x0  }
0x1d: {  	s5 =	simm.s32 @p1 $0x1;
	p0 =	seq.s32 s7, s2  }
0x1e: {  	s7 =	smul.u32 @!p0 $0xF7A, s2;
	p2 =	seq.s32 @!p0 s5, $0x0  }
0x1f: {  	s9 =	smul.u32 $0xF7A, s1;
	s8 =	simm.s32 @!p0 $0x1BF5;
	p2 =	por !p2, p0  }
0x20: {  	[sflag:s8] =	ssyncset.s32 @!p0 $0xFFFFF086;
	s6 =	sadd.s32 @!p0 s3, s7;
	s7 =	simm.s32 @!p0 $0x108  }
0x21: {  	s3 =	sadd.s32 s3, s9;
	s6 =	sadd.s32 @!p0 $0x88, s6;
	s7 =	simm.s32 @p2 $0x1082  }
0x22: {  	[simem:s7], [sflag:s8] =	dma.local @!p0 [hbm:s6], $0xF7A  }
0x23: {  	s9 =	sor.u32 $0xD0000000, s2;
	s6 =	simm.s32 $0x108;
	_ =	swait.ge @!p0 [sflag:s8], $0x0  }
0x24: {  	s3 =	sadd.s32 $0x88, s3;
	s6 =	simm.s32 @!p1 $0x1082;
	[sflag:s4] =	ssyncset.s32 $0xFFFFF086  }
0x25: {  	[simem:s6], [sflag:s4] =	dma.local [hbm:s3], $0xF7A  }
0x26: {  	[smem:$0x3F9C] =	sst s1;
	(tag) =	ssettag s2;
	_ =	strace s9  }
0x27: {  	s1 =	sld [smem:$0x3FAC]  }
0x28: {  	s2 =	sld [smem:$0x3FAD]  }
0x29: {  	s4 =	sld [smem:$0x3FAF]  }
0x2a: {  	p0 =	seq.s32 s5, $0x0;
	s5 =	sld [smem:$0x3FB0]  }
0x2b: {  	s6 =	sld [smem:$0x3FB1]  }
0x2c: {  	s7 =	sld [smem:$0x3FB2]  }
0x2d: {  	s3 =	simm.s32 $0x108;
	s8 =	sld [smem:$0x3FB3]  }
0x2e: {  	s3 =	simm.s32 @!p0 $0x1082;
	s9 =	sld [smem:$0x3FB4]  }
0x2f: {  	lr =	sadd.s32 s0, s3;
	s0 =	sld [smem:$0x3FAB]  }
0x30: {  	s3 =	sld [smem:$0x3FAE]  }
0x31: {  	[smem:$0x3FB7] =	sst s10  }
0x32: {  	s10 =	sld [smem:$0x3FB5];
	_ =	sdelay $0x3  }
0x33: {  	p0 =	seq.s32 s10, $0x1;
	s10 =	sld [smem:$0x3FB7];
	_ =	sdelay $0x3  }
0x34: {  	[smem:$0x3FB7] =	sst s10  }
0x35: {  	s10 =	sld [smem:$0x3FB6];
	_ =	sdelay $0x3  }
0x36: {  	p1 =	seq.s32 s10, $0x1;
	s10 =	sld [smem:$0x3FB7];
	_ =	sdelay $0x3  }
0x37: {  	[smem:$0x3FB7] =	sst s10  }
0x38: {  	s10 =	sld [smem:$0x3FB8]  }
0x39: {  	_ = 	snop;
	(pc) =	sbr.ind lr, $3  }
0x3a: {  	_ = 	snop  }
0x3b: {  	_ = 	snop  }
0x3c: {  	p2 =	seq.s32 s10, $0x1;
	s10 =	sld [smem:$0x3FB7]  }
0x3d: {  	_ =	shalt  }
0x3e: {  	_ =	shalt  }
0x3f: {  	_ =	shalt  }
0x40: {  	_ =	shalt  }
0x41: {  	_ =	shalt  }
0x42: {  	_ =	shalt  }
0x43: {  	_ =	shalt  }
0x44: {  	_ =	shalt  }
0x45: {  	_ =	shalt  }
0x46: {  	_ =	shalt  }
0x47: {  	_ =	shalt  }
0x48: {  	_ =	shalt  }
0x49: {  	_ =	shalt  }
0x4a: {  	_ =	shalt  }
0x4b: {  	_ =	shalt  }
0x4c: {  	_ =	shalt  }
0x4d: {  	_ =	shalt  }
0x4e: {  	_ =	shalt  }
0x4f: {  	_ =	shalt  }
0x50: {  	_ =	shalt  }
0x51: {  	_ =	shalt  }
0x52: {  	_ =	shalt  }
0x53: {  	_ =	shalt  }
0x54: {  	_ =	shalt  }
0x55: {  	_ =	shalt  }
0x56: {  	_ =	shalt  }
0x57: {  	_ =	shalt  }
0x58: {  	_ =	shalt  }
0x59: {  	_ =	shalt  }
0x5a: {  	_ =	shalt  }
0x5b: {  	_ =	shalt  }
0x5c: {  	_ =	shalt  }
0x5d: {  	_ =	shalt  }
0x5e: {  	_ =	shalt  }
0x5f: {  	_ =	shalt  }
0x60: {  	_ =	shalt  }
0x61: {  	_ =	shalt  }
0x62: {  	_ =	shalt  }
0x63: {  	_ =	shalt  }
0x64: {  	_ =	shalt  }
0x65: {  	_ =	shalt  }
0x66: {  	_ =	shalt  }
0x67: {  	_ =	shalt  }
0x68: {  	_ =	shalt  }
0x69: {  	_ =	shalt  }
0x6a: {  	_ =	shalt  }
0x6b: {  	_ =	shalt  }
0x6c: {  	_ =	shalt  }
0x6d: {  	_ =	shalt  }
0x6e: {  	_ =	shalt  }
0x6f: {  	_ =	shalt  }
0x70: {  	_ =	shalt  }
0x71: {  	_ =	shalt  }
0x72: {  	_ =	shalt  }
0x73: {  	_ =	shalt  }
0x74: {  	_ =	shalt  }
0x75: {  	_ =	shalt  }
0x76: {  	_ =	shalt  }
0x77: {  	_ =	shalt  }
0x78: {  	_ =	shalt  }
0x79: {  	_ =	shalt  }
0x7a: {  	_ =	shalt  }
0x7b: {  	_ =	shalt  }
0x7c: {  	_ =	shalt  }
0x7d: {  	_ =	shalt  }
0x7e: {  	_ =	shalt  }
0x7f: {  	_ =	shalt  }
0x80: {  	_ =	shalt  }
0x81: {  	_ =	shalt  }
0x82: {  	_ =	shalt  }
0x83: {  	_ =	shalt  }
0x84: {  	_ =	shalt  }
0x85: {  	_ =	shalt  }
0x86: {  	_ =	shalt  }
0x87: {  	_ =	shalt  }
.Lfunc_end0:
.L_simem_size_0:
called_computation_lowered:
.L_overlay_start_0:
0x88: {  	s2 =	sld [smem:$0x3FD9]  }
0x89: {  	s3 =	sld [smem:$0x3FFE];
	_ =	sdelay $0x1  }
0x8a: {  	s1 =	srdreg.scid  }
0x8b: {  	s0 =	sand.u32 $0x1, s1  }
0x8c: {  	s17 =	sshll.u32 s0, $0xA;
	s2 =	sadd.s32 s3, s2  }
0x8d: {  	s2 =	sadd.s32 s2, s17  }
0x8e: {  	[smem:$0x3FC3] =	sst s2  }
0x8f: {  	_ = 	snop  }
0x90: {  	s2 =	sld [smem:$0x3FC9];
	(tm) =	ssettm $0x1  }
0x91: {  	s18 =	sld [smem:$0x3FFB];
	_ =	sdelay $0x3  }
0x92: {  	_ =	strace s18  }
0x93: {  	s3 =	sld [smem:$0x3FFC];
	_ =	sdelay $0x3  }
0x94: {  	_ =	strace s3  }
0x95: {  	s3 =	sld [smem:$0x3FFD];
	_ =	sdelay $0x3  }
0x96: {  	_ =	strace s3  }
0x97: {  	_ =	strace $0x8FFFFFFF  }
0x98: {  	s19 =	sld [smem:$0x3FDB];
	_ =	sdelay $0x1  }
0x99: {  	s4 =	simm.s32 $_scs_section_size  }
0x9a: {  	s5 =	simm.s32 $_size__tile_overlayer_lowered;
	s6 =	simm.s32 $_tile_overlayer_lowered  }
0x9b: {  	s22 =	simm.s32 $0x1BFF;
	s21 =	sshll.u32 s6, $0x1;
	s3 =	sadd.s32 s4, s19  }
0x9c: {  	s7 =	simm.s32 $0x0;
	s20 =	sshll.u32 s5, $0x1;
	s5 =	sadd.s32 s21, s3  }
0x9d: {  	[timem:s7], [sflag:s22] =	dma.local [hbm:s5], s20  }
0x9e: {  	_ =	swait.ge [sflag:s22], s20  }
0x9f: {  	s4 =	ssub.s32 $0x0, s20;
	[sflag:s22] =	ssyncset.done $0x0  }
0xa0: {  	[sflag:s22] =	ssyncadd.s32 s4;
	_ =	sdelay $0x1  }
0xa1: {  	s23 =	simm.s32 $0x1B8B  }
0xa2: {  	_ =	swait.ge [sflag:s23], $0x1  }
0xa3: {  	[sflag:s23] =	ssyncset.done $0x0  }
0xa4: {  	s25 =	simm.s32 $0x1B8E;
	s24 =	sld [smem:$0x3FFE];
	[sflag:s23] =	ssyncadd.s32 $0xFFFFFFFF  }
0xa5: {  	s26 =	simm.s32 $execute0_lowered;
	[smem:$0x3FD2] =	sst s25  }
0xa6: {  	s5 =	sshll.u32 s26, $0x1;
	_ =	strace $0x80000046;
	[dreg:$0x1] =	wrdreg $0xFFFFFFFF  }
0xa7: {  	s28 =	simm.s32 $_size_execute0_lowered;
	s3 =	sadd.s32 s3, s5;
	[dreg:$0x0] =	wrdreg $0x0  }
0xa8: {  	s5 =	sshll.u32 s28, $0x1;
	[dreg:$0x2] =	wrdreg s3  }
0xa9: {  	[dreg:$0x3] =	wrdreg s5  }
0xaa: {  	[dreg:$0x4] =	wrdreg $0xC0  }
0xab: {  	_ =	task [dreg:s7], $0x5FFFF  }
0xac: {  	[dreg:$0x1] =	wrdreg $0xFFFFFFFF  }
0xad: {  	[dreg:$0x0] =	wrdreg $0x60  }
0xae: {  	[dreg:$0x2] =	wrdreg s2  }
0xaf: {  	[dreg:$0x3] =	wrdreg s24  }
0xb0: {  	[dreg:$0x4] =	wrdreg $0x9  }
0xb1: {  	_ =	task.clear_ibuf [dreg:s7], $0x5FFFF;
	_ =	strace $0x90000046  }
0xb2: {  	s29 =	simm.s32 $0x9;
	_ =	strace $0x80000048  }
0xb3: {  	_ =	swait.ge [sflag:s29], $0x1  }
0xb4: {  	[sflag:s29] =	ssyncadd.s32 $0xFFFFFFFF  }
0xb5: {  	_ =	strace $0x90000048  }
0xb6: {  	_ =	sfence  }
0xb7: {  	s30 =	sld [smem:$0x0];
	_ =	sdelay $0x2  }
0xb8: {  	s31 =	sshll.u32 s1, $0xD;
	s1 =	sshrl.u32 s1, $0x2  }
0xb9: {  	s3 =	sand.u32 $0x4000, s31;
	s1 =	sadd.s32 s1, s30  }
0xba: {  	s0 =	sor.u32 s3, s0;
	s1 =	sshll.u32 s1, $0x11  }
0xbb: {  	s0 =	sor.u32 s1, s0  }
0xbc: {  	s0 =	sadd.s32 $0x8F2B, s0  }
0xbd: {  	[sflag:s0] =	ssyncadd.remote.s32 $0x1  }
0xbe: {  	_ =	sfence.sel $0xFFFF  }
0xbf: {  	[dreg:$0x0] =	wrdreg $0xFFFFFFFF;
	(pc) =	sbr.abs _section_cstart, $3  }
0xc0: {  	[dreg:$0x1] =	wrdreg $0xFFFFFFFF  }
0xc1: {  	_ =	task.clear_ibuf [dreg:s7], $0x2FFFF;
	_ =	strace $0x9FFFFFFF  }
0xc2: {  	(tm) =	ssettm $0x7FFFFFFF  }
0xc3: {  	_ =	shalt  }
tec
execute0_lowered:
.L_overlay_start_1:
0x0: {  	(tag) =	ssettag $0x1  }
0x1: {  	s2 =	rddreg [dreg:$0x0]  }
0x2: {  	s0 =	srdreg.scid;
	s3 =	stileid.u32  }
0x3: {  	s1 =	rddreg [dreg:$0x1];
	s13 =	simm.s32 $0x2;
	s24 =	simm.s32 $0x280  }
0x4: {  	s25 =	simm.s32 $0x300;
	s26 =	simm.s32 $0x380;
	s18 =	simm.s32 $0xC00  }
0x5: {  	s19 =	simm.s32 $0x1400;
	s28 =	simm.s32 $0x5400;
	s29 =	simm.s32 $0x5C00  }
0x6: {  	s30 =	simm.s32 $0x6400;
	s31 =	simm.s32 $0x6C00;
	s0 =	sand.u32 $0x1, s0  }
0x7: {  	s4 =	sshll.u32 s3, $0x1;
	s3 =	simm.s32 $0x0;
	s20 =	sadd.s32 $0xDA400, s1  }
0x8: {  	s8 =	sadd.s32 $0x300, s2;
	s9 =	sadd.s32 $0x1A500, s1;
	[smem:$0x7FF] =	sst s3  }
0x9: {  	s4 =	sor.u32 s0, s4;
	_ =	strace $0x80000047;
	[dreg:$0xc] =	wrdreg s20  }
0xa: {  	s0 =	ssub.s32 $0x2, s0;
	s5 =	sshll.u32 s4, $0x6;
	[dreg:$0x9] =	wrdreg s24  }
0xb: {  	s4 =	sshll.u32 s4, $0xB;
	s21 =	sshrl.u32 s0, $0x1;
	[dreg:$0xa] =	wrdreg s25  }
0xc: {  	[dreg:$0xb] =	wrdreg s26;
	s20 =	simm.s32 $0x1C00;
	s24 =	simm.s32 $0x3C00  }
0xd: {  	s25 =	simm.s32 $0x4400;
	s26 =	simm.s32 $0x4C00;
	s6 =	sadd.s32 s5, s1  }
0xe: {  	s11 =	sadd.s32 s4, s1;
	s4 =	sadd.s32 $0x1A400, s1;
	s0 =	ssub.s32 s0, s21  }
0xf: {  	s21 =	simm.s32 $0x2400;
	s7 =	sadd.s32 $0x1200, s6;
	s6 =	sadd.s32 $0x9C00, s6  }
0x10: {  	s22 =	sadd.s32 $0xA400, s11;
	s10 =	sadd.s32 $0xA600, s11;
	[dreg:$0x3] =	wrdreg s7  }
0x11: {  	s12 =	sadd.s32 $0xA800, s11;
	s23 =	sadd.s32 $0xAA00, s11;
	[dreg:$0x4] =	wrdreg s6  }
0x12: {  	s11 =	sadd.s32 $0x1A700, s1;
	s17 =	smax.u32 s0, $0x1;
	[dreg:$0x5] =	wrdreg s22  }
0x13: {  	v2 =	vlaneseq.u32;
	s0 =	simm.s32 $0x1;
	s6 =	sadd.s32 $0x100, s2;
	[dreg:$0x6] =	wrdreg s10  }
0x14: {  	vm0 =	vmmov $0xffff;
	v1 =	vshrl.u32 v2, $0x3;
	s7 =	sadd.s32 $0x200, s2;
	s10 =	sadd.s32 $0x1A600, s1;
	[dreg:$0x7] =	wrdreg s12  }
0x15: {  	v0 =	vand.u32 $0x7, v2;
	v2 =	vor.u32 $0x8, v2;
	v1 =	vmul.u32 $0x8, v1;
	[dreg:$0x8] =	wrdreg s23;
	s22 =	simm.s32 $0x2C00;
	s23 =	simm.s32 $0x3400  }
.LBB2_1:
0x16: {  	s14 =	rddreg [dreg:$0x3]  }
0x17: {  	[tilespmem:s3], [sflag:$0x2] =	stream.linear.gather [hbm4b:s14+s3], $0x200, $0x38;
	[tilespmem:$0x9400] =	vst v63  }
0x18: {  	_ =	swait.ge [sflag:s13], $0x200  }
0x19: {  	[sflag:s13] =	ssyncset.done $0x0  }
0x1a: {  	s1 =	simm.s32 $0x200;
	s16 =	rddreg [dreg:$0x4];
	[sflag:s13] =	ssyncadd.s32 $0xFFFFFE00  }
0x1b: {  	[tilespmem:s1], [sflag:$0x2] =	stream.linear.gather [hbm4b:s16+s3], $0x200, $0x38;
	[tilespmem:$0x9400] =	vst v63  }
0x1c: {  	_ =	swait.ge [sflag:s13], $0x200  }
0x1d: {  	[sflag:s13] =	ssyncset.done $0x0  }
0x1e: {  	s12 =	simm.s32 $0x8400;
	s5 =	rddreg [dreg:$0x5];
	[sflag:s13] =	ssyncadd.s32 $0xFFFFFE00  }
0x1f: {  	[tilespmem:s12], [sflag:$0x2] =	stream.linear.gather [hbm4b:s5+s3], $0x1000, $0x38;
	[tilespmem:$0x9400] =	vst v63  }
0x20: {  	_ =	swait.ge [sflag:s13], $0x1000  }
0x21: {  	[sflag:s13] =	ssyncset.done $0x0  }
0x22: {  	[sflag:s13] =	ssyncadd.s32 $0xFFFFF000  }
0x23: {  	v3 =	vld [tilespmem:$0x0];
	_ =	sdelay $0x4  }
0x24: {  	v4 =	vshll.u32 v3, $0x3  }
0x25: {  	v3 =	vand.u32 $0x7, v3;
	v4 =	vand.u32 $0xFFFFFFC0, v4  }
0x26: {  	v3 =	vor.u32 v3, v4  }
0x27: {  	v4 =	vperm.xlane v3, v0;
	_ =	sdelay $0x1  }
0x28: {  	v4 =	vadd.s32 v1, v4;
	_ =	sdelay $0x3  }
0x29: {  	s14 =	simm.s32 $0x400  }
0x2a: {  	[tilespmem:s14], [sflag:$0x1] =	stream.indirect_vreg.gather [hbm4b:s2+s3], $0x80, v4, vm0, $0xb8;
	[tilespmem:$0x9400] =	vst v63  }
0x2b: {  	v3 =	vperm.xlane v3, v2  }
0x2c: {  	[tilespmem:s18], [sflag:$0x1] =	stream.indirect_vreg.gather [hbm4b:s6+s3], $0x80, v4, vm0, $0xb8;
	[tilespmem:$0x9400] =	vst v63  }
0x2d: {  	v3 =	vadd.s32 v1, v3  }
0x2e: {  	[tilespmem:s19], [sflag:$0x1] =	stream.indirect_vreg.gather [hbm4b:s7+s3], $0x80, v4, vm0, $0xb8;
	[tilespmem:$0x9400] =	vst v63  }
0x2f: {  	_ = 	snop  }
0x30: {  	[tilespmem:s20], [sflag:$0x1] =	stream.indirect_vreg.gather [hbm4b:s8+s3], $0x80, v4, vm0, $0xb8;
	[tilespmem:$0x9400] =	vst v63  }
0x31: {  	_ = 	snop  }
0x32: {  	[tilespmem:s21], [sflag:$0x1] =	stream.indirect_vreg.gather [hbm4b:s2+s3], $0x80, v3, vm0, $0xb8;
	[tilespmem:$0x9400] =	vst v63  }
0x33: {  	_ = 	snop  }
0x34: {  	[tilespmem:s22], [sflag:$0x1] =	stream.indirect_vreg.gather [hbm4b:s6+s3], $0x80, v3, vm0, $0xb8;
	[tilespmem:$0x9400] =	vst v63  }
0x35: {  	_ = 	snop  }
0x36: {  	[tilespmem:s23], [sflag:$0x1] =	stream.indirect_vreg.gather [hbm4b:s7+s3], $0x80, v3, vm0, $0xb8;
	[tilespmem:$0x9400] =	vst v63  }
0x37: {  	_ = 	snop  }
0x38: {  	[tilespmem:s24], [sflag:$0x1] =	stream.indirect_vreg.gather [hbm4b:s8+s3], $0x80, v3, vm0, $0xb8;
	[tilespmem:$0x9400] =	vst v63  }
0x39: {  	v3 =	vld [tilespmem:$0x10];
	_ =	sdelay $0x4  }
0x3a: {  	v49 =	vshll.u32 v3, $0x3  }
0x3b: {  	v3 =	vand.u32 $0x7, v3;
	v4 =	vand.u32 $0xFFFFFFC0, v49  }
0x3c: {  	v3 =	vor.u32 v3, v4  }
0x3d: {  	v4 =	vperm.xlane v3, v0;
	_ =	sdelay $0x1  }
0x3e: {  	v4 =	vadd.s32 v1, v4;
	_ =	sdelay $0x4  }
0x3f: {  	[tilespmem:s25], [sflag:$0x1] =	stream.indirect_vreg.gather [hbm4b:s2+s3], $0x80, v4, vm0, $0xb8;
	[tilespmem:$0x9400] =	vst v63  }
0x40: {  	v3 =	vperm.xlane v3, v2  }
0x41: {  	[tilespmem:s26], [sflag:$0x1] =	stream.indirect_vreg.gather [hbm4b:s6+s3], $0x80, v4, vm0, $0xb8;
	[tilespmem:$0x9400] =	vst v63  }
0x42: {  	v3 =	vadd.s32 v1, v3  }
0x43: {  	[tilespmem:s28], [sflag:$0x1] =	stream.indirect_vreg.gather [hbm4b:s7+s3], $0x80, v4, vm0, $0xb8;
	[tilespmem:$0x9400] =	vst v63  }
0x44: {  	_ = 	snop  }
0x45: {  	[tilespmem:s29], [sflag:$0x1] =	stream.indirect_vreg.gather [hbm4b:s8+s3], $0x80, v4, vm0, $0xb8;
	[tilespmem:$0x9400] =	vst v63  }
0x46: {  	_ = 	snop  }
0x47: {  	[tilespmem:s30], [sflag:$0x1] =	stream.indirect_vreg.gather [hbm4b:s2+s3], $0x80, v3, vm0, $0xb8;
	[tilespmem:$0x9400] =	vst v63  }
0x48: {  	_ = 	snop  }
0x49: {  	[tilespmem:s31], [sflag:$0x1] =	stream.indirect_vreg.gather [hbm4b:s6+s3], $0x80, v3, vm0, $0xb8;
	[tilespmem:$0x9400] =	vst v63  }
0x4a: {  	s1 =	simm.s32 $0x7400  }
0x4b: {  	[tilespmem:s1], [sflag:$0x1] =	stream.indirect_vreg.gather [hbm4b:s7+s3], $0x80, v3, vm0, $0xb8;
	[tilespmem:$0x9400] =	vst v63  }
0x4c: {  	s12 =	simm.s32 $0x7C00  }
0x4d: {  	[tilespmem:s12], [sflag:$0x1] =	stream.indirect_vreg.gather [hbm4b:s8+s3], $0x80, v3, vm0, $0xb8;
	[tilespmem:$0x9400] =	vst v63  }
0x4e: {  	_ =	swait.ge [sflag:s0], $0x8000  }
0x4f: {  	[sflag:s0] =	ssyncset.done $0x0  }
0x50: {  	[sflag:s0] =	ssyncadd.s32 $0xFFFF8000  }
0x51: {  	v3 =	vld [tilespmem:$0x200];
	_ =	sdelay $0x4  }
0x52: {  	v50 =	vshll.u32 v3, $0x3  }
0x53: {  	v3 =	vand.u32 $0x7, v3;
	v4 =	vand.u32 $0xFFFFFFC0, v50  }
0x54: {  	v3 =	vor.u32 v3, v4  }
0x55: {  	v4 =	vperm.xlane v3, v0;
	_ =	sdelay $0x1  }
0x56: {  	v4 =	vadd.s32 v1, v4;
	_ =	sdelay $0x3  }
0x57: {  	s5 =	simm.s32 $0x400  }
0x58: {  	[hbm4b:s4+s3] =	stream.indirect_vreg.scatter [tilespmem:s5], [sflag:$0x1], $0x80, v4, vm0, $0xb8;
	[tilespmem:$0x9400] =	vst v63  }
0x59: {  	v3 =	vperm.xlane v3, v2  }
0x5a: {  	[hbm4b:s9+s3] =	stream.indirect_vreg.scatter [tilespmem:s18], [sflag:$0x1], $0x80, v4, vm0, $0xb8;
	[tilespmem:$0x9400] =	vst v63  }
0x5b: {  	v3 =	vadd.s32 v1, v3  }
0x5c: {  	[hbm4b:s10+s3] =	stream.indirect_vreg.scatter [tilespmem:s19], [sflag:$0x1], $0x80, v4, vm0, $0xb8;
	[tilespmem:$0x9400] =	vst v63  }
0x5d: {  	_ = 	snop  }
0x5e: {  	[hbm4b:s11+s3] =	stream.indirect_vreg.scatter [tilespmem:s20], [sflag:$0x1], $0x80, v4, vm0, $0xb8;
	[tilespmem:$0x9400] =	vst v63  }
0x5f: {  	_ = 	snop  }
0x60: {  	[hbm4b:s4+s3] =	stream.indirect_vreg.scatter [tilespmem:s21], [sflag:$0x1], $0x80, v3, vm0, $0xb8;
	[tilespmem:$0x9400] =	vst v63  }
0x61: {  	_ = 	snop  }
0x62: {  	[hbm4b:s9+s3] =	stream.indirect_vreg.scatter [tilespmem:s22], [sflag:$0x1], $0x80, v3, vm0, $0xb8;
	[tilespmem:$0x9400] =	vst v63  }
0x63: {  	_ = 	snop  }
0x64: {  	[hbm4b:s10+s3] =	stream.indirect_vreg.scatter [tilespmem:s23], [sflag:$0x1], $0x80, v3, vm0, $0xb8;
	[tilespmem:$0x9400] =	vst v63  }
0x65: {  	_ = 	snop  }
0x66: {  	[hbm4b:s11+s3] =	stream.indirect_vreg.scatter [tilespmem:s24], [sflag:$0x1], $0x80, v3, vm0, $0xb8;
	[tilespmem:$0x9400] =	vst v63  }
0x67: {  	v3 =	vld [tilespmem:$0x210];
	_ =	sdelay $0x4  }
0x68: {  	v51 =	vshll.u32 v3, $0x3  }
0x69: {  	v3 =	vand.u32 $0x7, v3;
	v4 =	vand.u32 $0xFFFFFFC0, v51  }
0x6a: {  	v3 =	vor.u32 v3, v4  }
0x6b: {  	v4 =	vperm.xlane v3, v0;
	_ =	sdelay $0x1  }
0x6c: {  	v4 =	vadd.s32 v1, v4;
	_ =	sdelay $0x4  }
0x6d: {  	[hbm4b:s4+s3] =	stream.indirect_vreg.scatter [tilespmem:s25], [sflag:$0x1], $0x80, v4, vm0, $0xb8;
	[tilespmem:$0x9400] =	vst v63  }
0x6e: {  	v3 =	vperm.xlane v3, v2  }
0x6f: {  	[hbm4b:s9+s3] =	stream.indirect_vreg.scatter [tilespmem:s26], [sflag:$0x1], $0x80, v4, vm0, $0xb8;
	[tilespmem:$0x9400] =	vst v63  }
0x70: {  	v3 =	vadd.s32 v1, v3  }
0x71: {  	[hbm4b:s10+s3] =	stream.indirect_vreg.scatter [tilespmem:s28], [sflag:$0x1], $0x80, v4, vm0, $0xb8;
	[tilespmem:$0x9400] =	vst v63  }
0x72: {  	_ = 	snop  }
0x73: {  	[hbm4b:s11+s3] =	stream.indirect_vreg.scatter [tilespmem:s29], [sflag:$0x1], $0x80, v4, vm0, $0xb8;
	[tilespmem:$0x9400] =	vst v63  }
0x74: {  	_ = 	snop  }
0x75: {  	[hbm4b:s4+s3] =	stream.indirect_vreg.scatter [tilespmem:s30], [sflag:$0x1], $0x80, v3, vm0, $0xb8;
	[tilespmem:$0x9400] =	vst v63  }
0x76: {  	_ = 	snop  }
0x77: {  	[hbm4b:s9+s3] =	stream.indirect_vreg.scatter [tilespmem:s31], [sflag:$0x1], $0x80, v3, vm0, $0xb8;
	[tilespmem:$0x9400] =	vst v63  }
0x78: {  	_ = 	snop  }
0x79: {  	[hbm4b:s10+s3] =	stream.indirect_vreg.scatter [tilespmem:s1], [sflag:$0x1], $0x80, v3, vm0, $0xb8;
	[tilespmem:$0x9400] =	vst v63  }
0x7a: {  	s15 =	simm.s32 $0x7C00  }
0x7b: {  	[hbm4b:s11+s3] =	stream.indirect_vreg.scatter [tilespmem:s15], [sflag:$0x1], $0x80, v3, vm0, $0xb8;
	[tilespmem:$0x9400] =	vst v63  }
0x7c: {  	_ =	swait.ge [sflag:s0], $0x8000  }
0x7d: {  	s14 =	simm.s32 $0x20;
	s12 =	simm.s32 $0x8400;
	[sflag:s0] =	ssyncset.done $0x0  }
0x7e: {  	s5 =	simm.s32 $0x200;
	s15 =	rddreg [dreg:$0xc];
	[sflag:s0] =	ssyncadd.s32 $0xFFFF8000  }
0x7f: {  	[hbm4b:s15+s14] =	stream.indirect.scatter [tilespmem:s12], [sflag:$0x1], $0x80, s5, s14, $0xb8;
	[tilespmem:$0x9400] =	vst v63  }
0x80: {  	_ =	swait.ge [sflag:s0], $0x1000  }
0x81: {  	[sflag:s0] =	ssyncset.done $0x0  }
0x82: {  	s5 =	rddreg [dreg:$0x6];
	[sflag:s0] =	ssyncadd.s32 $0xFFFFF000  }
0x83: {  	[tilespmem:s12], [sflag:$0x2] =	stream.linear.gather [hbm4b:s5+s3], $0x1000, $0x38;
	[tilespmem:$0x9400] =	vst v63  }
0x84: {  	_ =	swait.ge [sflag:s13], $0x1000  }
0x85: {  	[sflag:s13] =	ssyncset.done $0x0  }
0x86: {  	[sflag:s13] =	ssyncadd.s32 $0xFFFFF000  }
0x87: {  	v3 =	vld [tilespmem:$0x80];
	_ =	sdelay $0x4  }
0x88: {  	v52 =	vshll.u32 v3, $0x3  }
0x89: {  	v3 =	vand.u32 $0x7, v3;
	v4 =	vand.u32 $0xFFFFFFC0, v52  }
0x8a: {  	v3 =	vor.u32 v3, v4  }
0x8b: {  	v4 =	vperm.xlane v3, v0;
	_ =	sdelay $0x1  }
0x8c: {  	v4 =	vadd.s32 v1, v4;
	_ =	sdelay $0x3  }
0x8d: {  	s16 =	simm.s32 $0x400  }
0x8e: {  	[tilespmem:s16], [sflag:$0x1] =	stream.indirect_vreg.gather [hbm4b:s2+s3], $0x80, v4, vm0, $0xb8;
	[tilespmem:$0x9400] =	vst v63  }
0x8f: {  	v3 =	vperm.xlane v3, v2  }
0x90: {  	[tilespmem:s18], [sflag:$0x1] =	stream.indirect_vreg.gather [hbm4b:s6+s3], $0x80, v4, vm0, $0xb8;
	[tilespmem:$0x9400] =	vst v63  }
0x91: {  	v3 =	vadd.s32 v1, v3  }
0x92: {  	[tilespmem:s19], [sflag:$0x1] =	stream.indirect_vreg.gather [hbm4b:s7+s3], $0x80, v4, vm0, $0xb8;
	[tilespmem:$0x9400] =	vst v63  }
0x93: {  	_ = 	snop  }
0x94: {  	[tilespmem:s20], [sflag:$0x1] =	stream.indirect_vreg.gather [hbm4b:s8+s3], $0x80, v4, vm0, $0xb8;
	[tilespmem:$0x9400] =	vst v63  }
0x95: {  	_ = 	snop  }
0x96: {  	[tilespmem:s21], [sflag:$0x1] =	stream.indirect_vreg.gather [hbm4b:s2+s3], $0x80, v3, vm0, $0xb8;
	[tilespmem:$0x9400] =	vst v63  }
0x97: {  	_ = 	snop  }
0x98: {  	[tilespmem:s22], [sflag:$0x1] =	stream.indirect_vreg.gather [hbm4b:s6+s3], $0x80, v3, vm0, $0xb8;
	[tilespmem:$0x9400] =	vst v63  }
0x99: {  	_ = 	snop  }
0x9a: {  	[tilespmem:s23], [sflag:$0x1] =	stream.indirect_vreg.gather [hbm4b:s7+s3], $0x80, v3, vm0, $0xb8;
	[tilespmem:$0x9400] =	vst v63  }
0x9b: {  	_ = 	snop  }
0x9c: {  	[tilespmem:s24], [sflag:$0x1] =	stream.indirect_vreg.gather [hbm4b:s8+s3], $0x80, v3, vm0, $0xb8;
	[tilespmem:$0x9400] =	vst v63  }
0x9d: {  	v3 =	vld [tilespmem:$0x90];
	_ =	sdelay $0x4  }
0x9e: {  	v53 =	vshll.u32 v3, $0x3  }
0x9f: {  	v3 =	vand.u32 $0x7, v3;
	v4 =	vand.u32 $0xFFFFFFC0, v53  }
0xa0: {  	v3 =	vor.u32 v3, v4  }
0xa1: {  	v4 =	vperm.xlane v3, v0;
	_ =	sdelay $0x1  }
0xa2: {  	v4 =	vadd.s32 v1, v4;
	_ =	sdelay $0x4  }
0xa3: {  	[tilespmem:s25], [sflag:$0x1] =	stream.indirect_vreg.gather [hbm4b:s2+s3], $0x80, v4, vm0, $0xb8;
	[tilespmem:$0x9400] =	vst v63  }
0xa4: {  	v3 =	vperm.xlane v3, v2  }
0xa5: {  	[tilespmem:s26], [sflag:$0x1] =	stream.indirect_vreg.gather [hbm4b:s6+s3], $0x80, v4, vm0, $0xb8;
	[tilespmem:$0x9400] =	vst v63  }
0xa6: {  	v3 =	vadd.s32 v1, v3  }
0xa7: {  	[tilespmem:s28], [sflag:$0x1] =	stream.indirect_vreg.gather [hbm4b:s7+s3], $0x80, v4, vm0, $0xb8;
	[tilespmem:$0x9400] =	vst v63  }
0xa8: {  	_ = 	snop  }
0xa9: {  	[tilespmem:s29], [sflag:$0x1] =	stream.indirect_vreg.gather [hbm4b:s8+s3], $0x80, v4, vm0, $0xb8;
	[tilespmem:$0x9400] =	vst v63  }
0xaa: {  	_ = 	snop  }
0xab: {  	[tilespmem:s30], [sflag:$0x1] =	stream.indirect_vreg.gather [hbm4b:s2+s3], $0x80, v3, vm0, $0xb8;
	[tilespmem:$0x9400] =	vst v63  }
0xac: {  	_ = 	snop  }
0xad: {  	[tilespmem:s31], [sflag:$0x1] =	stream.indirect_vreg.gather [hbm4b:s6+s3], $0x80, v3, vm0, $0xb8;
	[tilespmem:$0x9400] =	vst v63  }
0xae: {  	_ = 	snop  }
0xaf: {  	[tilespmem:s1], [sflag:$0x1] =	stream.indirect_vreg.gather [hbm4b:s7+s3], $0x80, v3, vm0, $0xb8;
	[tilespmem:$0x9400] =	vst v63  }
0xb0: {  	s14 =	simm.s32 $0x7C00  }
0xb1: {  	[tilespmem:s14], [sflag:$0x1] =	stream.indirect_vreg.gather [hbm4b:s8+s3], $0x80, v3, vm0, $0xb8;
	[tilespmem:$0x9400] =	vst v63  }
0xb2: {  	_ =	swait.ge [sflag:s0], $0x8000  }
0xb3: {  	[sflag:s0] =	ssyncset.done $0x0  }
0xb4: {  	[sflag:s0] =	ssyncadd.s32 $0xFFFF8000  }
0xb5: {  	v3 =	vld [tilespmem:$0x280];
	_ =	sdelay $0x4  }
0xb6: {  	v54 =	vshll.u32 v3, $0x3  }
0xb7: {  	v3 =	vand.u32 $0x7, v3;
	v4 =	vand.u32 $0xFFFFFFC0, v54  }
0xb8: {  	v3 =	vor.u32 v3, v4  }
0xb9: {  	v4 =	vperm.xlane v3, v0;
	_ =	sdelay $0x1  }
0xba: {  	v4 =	vadd.s32 v1, v4;
	_ =	sdelay $0x4  }
0xbb: {  	[hbm4b:s4+s3] =	stream.indirect_vreg.scatter [tilespmem:s16], [sflag:$0x1], $0x80, v4, vm0, $0xb8;
	[tilespmem:$0x9400] =	vst v63  }
0xbc: {  	v3 =	vperm.xlane v3, v2  }
0xbd: {  	[hbm4b:s9+s3] =	stream.indirect_vreg.scatter [tilespmem:s18], [sflag:$0x1], $0x80, v4, vm0, $0xb8;
	[tilespmem:$0x9400] =	vst v63  }
0xbe: {  	v3 =	vadd.s32 v1, v3  }
0xbf: {  	[hbm4b:s10+s3] =	stream.indirect_vreg.scatter [tilespmem:s19], [sflag:$0x1], $0x80, v4, vm0, $0xb8;
	[tilespmem:$0x9400] =	vst v63  }
0xc0: {  	_ = 	snop  }
0xc1: {  	[hbm4b:s11+s3] =	stream.indirect_vreg.scatter [tilespmem:s20], [sflag:$0x1], $0x80, v4, vm0, $0xb8;
	[tilespmem:$0x9400] =	vst v63  }
0xc2: {  	_ = 	snop  }
0xc3: {  	[hbm4b:s4+s3] =	stream.indirect_vreg.scatter [tilespmem:s21], [sflag:$0x1], $0x80, v3, vm0, $0xb8;
	[tilespmem:$0x9400] =	vst v63  }
0xc4: {  	_ = 	snop  }
0xc5: {  	[hbm4b:s9+s3] =	stream.indirect_vreg.scatter [tilespmem:s22], [sflag:$0x1], $0x80, v3, vm0, $0xb8;
	[tilespmem:$0x9400] =	vst v63  }
0xc6: {  	_ = 	snop  }
0xc7: {  	[hbm4b:s10+s3] =	stream.indirect_vreg.scatter [tilespmem:s23], [sflag:$0x1], $0x80, v3, vm0, $0xb8;
	[tilespmem:$0x9400] =	vst v63  }
0xc8: {  	_ = 	snop  }
0xc9: {  	[hbm4b:s11+s3] =	stream.indirect_vreg.scatter [tilespmem:s24], [sflag:$0x1], $0x80, v3, vm0, $0xb8;
	[tilespmem:$0x9400] =	vst v63  }
0xca: {  	v3 =	vld [tilespmem:$0x290];
	_ =	sdelay $0x4  }
0xcb: {  	v55 =	vshll.u32 v3, $0x3  }
0xcc: {  	v3 =	vand.u32 $0x7, v3;
	v4 =	vand.u32 $0xFFFFFFC0, v55  }
0xcd: {  	v3 =	vor.u32 v3, v4  }
0xce: {  	v4 =	vperm.xlane v3, v0;
	_ =	sdelay $0x1  }
0xcf: {  	v4 =	vadd.s32 v1, v4;
	_ =	sdelay $0x4  }
0xd0: {  	[hbm4b:s4+s3] =	stream.indirect_vreg.scatter [tilespmem:s25], [sflag:$0x1], $0x80, v4, vm0, $0xb8;
	[tilespmem:$0x9400] =	vst v63  }
0xd1: {  	v3 =	vperm.xlane v3, v2  }
0xd2: {  	[hbm4b:s9+s3] =	stream.indirect_vreg.scatter [tilespmem:s26], [sflag:$0x1], $0x80, v4, vm0, $0xb8;
	[tilespmem:$0x9400] =	vst v63  }
0xd3: {  	v3 =	vadd.s32 v1, v3  }
0xd4: {  	[hbm4b:s10+s3] =	stream.indirect_vreg.scatter [tilespmem:s28], [sflag:$0x1], $0x80, v4, vm0, $0xb8;
	[tilespmem:$0x9400] =	vst v63  }
0xd5: {  	_ = 	snop  }
0xd6: {  	[hbm4b:s11+s3] =	stream.indirect_vreg.scatter [tilespmem:s29], [sflag:$0x1], $0x80, v4, vm0, $0xb8;
	[tilespmem:$0x9400] =	vst v63  }
0xd7: {  	_ = 	snop  }
0xd8: {  	[hbm4b:s4+s3] =	stream.indirect_vreg.scatter [tilespmem:s30], [sflag:$0x1], $0x80, v3, vm0, $0xb8;
	[tilespmem:$0x9400] =	vst v63  }
0xd9: {  	_ = 	snop  }
0xda: {  	[hbm4b:s9+s3] =	stream.indirect_vreg.scatter [tilespmem:s31], [sflag:$0x1], $0x80, v3, vm0, $0xb8;
	[tilespmem:$0x9400] =	vst v63  }
0xdb: {  	_ = 	snop  }
0xdc: {  	[hbm4b:s10+s3] =	stream.indirect_vreg.scatter [tilespmem:s1], [sflag:$0x1], $0x80, v3, vm0, $0xb8;
	[tilespmem:$0x9400] =	vst v63  }
0xdd: {  	_ = 	snop  }
0xde: {  	[hbm4b:s11+s3] =	stream.indirect_vreg.scatter [tilespmem:s14], [sflag:$0x1], $0x80, v3, vm0, $0xb8;
	[tilespmem:$0x9400] =	vst v63  }
0xdf: {  	_ =	swait.ge [sflag:s0], $0x8000  }
0xe0: {  	s12 =	simm.s32 $0x20;
	[sflag:s0] =	ssyncset.done $0x0  }
0xe1: {  	s16 =	simm.s32 $0x8400;
	s5 =	rddreg [dreg:$0x9];
	[sflag:s0] =	ssyncadd.s32 $0xFFFF8000  }
0xe2: {  	[hbm4b:s15+s12] =	stream.indirect.scatter [tilespmem:s16], [sflag:$0x1], $0x80, s5, s12, $0xb8;
	[tilespmem:$0x9400] =	vst v63  }
0xe3: {  	_ =	swait.ge [sflag:s0], $0x1000  }
0xe4: {  	[sflag:s0] =	ssyncset.done $0x0  }
0xe5: {  	s12 =	rddreg [dreg:$0x7];
	[sflag:s0] =	ssyncadd.s32 $0xFFFFF000  }
0xe6: {  	[tilespmem:s16], [sflag:$0x2] =	stream.linear.gather [hbm4b:s12+s3], $0x1000, $0x38;
	[tilespmem:$0x9400] =	vst v63  }
0xe7: {  	_ =	swait.ge [sflag:s13], $0x1000  }
0xe8: {  	[sflag:s13] =	ssyncset.done $0x0  }
0xe9: {  	[sflag:s13] =	ssyncadd.s32 $0xFFFFF000  }
0xea: {  	v3 =	vld [tilespmem:$0x100];
	_ =	sdelay $0x4  }
0xeb: {  	v56 =	vshll.u32 v3, $0x3  }
0xec: {  	v3 =	vand.u32 $0x7, v3;
	v4 =	vand.u32 $0xFFFFFFC0, v56  }
0xed: {  	v3 =	vor.u32 v3, v4  }
0xee: {  	v4 =	vperm.xlane v3, v0;
	_ =	sdelay $0x1  }
0xef: {  	v4 =	vadd.s32 v1, v4;
	_ =	sdelay $0x3  }
0xf0: {  	s16 =	simm.s32 $0x400  }
0xf1: {  	[tilespmem:s16], [sflag:$0x1] =	stream.indirect_vreg.gather [hbm4b:s2+s3], $0x80, v4, vm0, $0xb8;
	[tilespmem:$0x9400] =	vst v63  }
0xf2: {  	v3 =	vperm.xlane v3, v2  }
0xf3: {  	[tilespmem:s18], [sflag:$0x1] =	stream.indirect_vreg.gather [hbm4b:s6+s3], $0x80, v4, vm0, $0xb8;
	[tilespmem:$0x9400] =	vst v63  }
0xf4: {  	v3 =	vadd.s32 v1, v3  }
0xf5: {  	[tilespmem:s19], [sflag:$0x1] =	stream.indirect_vreg.gather [hbm4b:s7+s3], $0x80, v4, vm0, $0xb8;
	[tilespmem:$0x9400] =	vst v63  }
0xf6: {  	_ = 	snop  }
0xf7: {  	[tilespmem:s20], [sflag:$0x1] =	stream.indirect_vreg.gather [hbm4b:s8+s3], $0x80, v4, vm0, $0xb8;
	[tilespmem:$0x9400] =	vst v63  }
0xf8: {  	_ = 	snop  }
0xf9: {  	[tilespmem:s21], [sflag:$0x1] =	stream.indirect_vreg.gather [hbm4b:s2+s3], $0x80, v3, vm0, $0xb8;
	[tilespmem:$0x9400] =	vst v63  }
0xfa: {  	_ = 	snop  }
0xfb: {  	[tilespmem:s22], [sflag:$0x1] =	stream.indirect_vreg.gather [hbm4b:s6+s3], $0x80, v3, vm0, $0xb8;
	[tilespmem:$0x9400] =	vst v63  }
0xfc: {  	_ = 	snop  }
0xfd: {  	[tilespmem:s23], [sflag:$0x1] =	stream.indirect_vreg.gather [hbm4b:s7+s3], $0x80, v3, vm0, $0xb8;
	[tilespmem:$0x9400] =	vst v63  }
0xfe: {  	_ = 	snop  }
0xff: {  	[tilespmem:s24], [sflag:$0x1] =	stream.indirect_vreg.gather [hbm4b:s8+s3], $0x80, v3, vm0, $0xb8;
	[tilespmem:$0x9400] =	vst v63  }
0x100: {  	v3 =	vld [tilespmem:$0x110];
	_ =	sdelay $0x4  }
0x101: {  	v57 =	vshll.u32 v3, $0x3  }
0x102: {  	v3 =	vand.u32 $0x7, v3;
	v4 =	vand.u32 $0xFFFFFFC0, v57  }
0x103: {  	v3 =	vor.u32 v3, v4  }
0x104: {  	v4 =	vperm.xlane v3, v0;
	_ =	sdelay $0x1  }
0x105: {  	v4 =	vadd.s32 v1, v4;
	_ =	sdelay $0x4  }
0x106: {  	[tilespmem:s25], [sflag:$0x1] =	stream.indirect_vreg.gather [hbm4b:s2+s3], $0x80, v4, vm0, $0xb8;
	[tilespmem:$0x9400] =	vst v63  }
0x107: {  	v3 =	vperm.xlane v3, v2  }
0x108: {  	[tilespmem:s26], [sflag:$0x1] =	stream.indirect_vreg.gather [hbm4b:s6+s3], $0x80, v4, vm0, $0xb8;
	[tilespmem:$0x9400] =	vst v63  }
0x109: {  	v3 =	vadd.s32 v1, v3  }
0x10a: {  	[tilespmem:s28], [sflag:$0x1] =	stream.indirect_vreg.gather [hbm4b:s7+s3], $0x80, v4, vm0, $0xb8;
	[tilespmem:$0x9400] =	vst v63  }
0x10b: {  	_ = 	snop  }
0x10c: {  	[tilespmem:s29], [sflag:$0x1] =	stream.indirect_vreg.gather [hbm4b:s8+s3], $0x80, v4, vm0, $0xb8;
	[tilespmem:$0x9400] =	vst v63  }
0x10d: {  	_ = 	snop  }
0x10e: {  	[tilespmem:s30], [sflag:$0x1] =	stream.indirect_vreg.gather [hbm4b:s2+s3], $0x80, v3, vm0, $0xb8;
	[tilespmem:$0x9400] =	vst v63  }
0x10f: {  	_ = 	snop  }
0x110: {  	[tilespmem:s31], [sflag:$0x1] =	stream.indirect_vreg.gather [hbm4b:s6+s3], $0x80, v3, vm0, $0xb8;
	[tilespmem:$0x9400] =	vst v63  }
0x111: {  	_ = 	snop  }
0x112: {  	[tilespmem:s1], [sflag:$0x1] =	stream.indirect_vreg.gather [hbm4b:s7+s3], $0x80, v3, vm0, $0xb8;
	[tilespmem:$0x9400] =	vst v63  }
0x113: {  	s12 =	simm.s32 $0x7C00  }
0x114: {  	[tilespmem:s12], [sflag:$0x1] =	stream.indirect_vreg.gather [hbm4b:s8+s3], $0x80, v3, vm0, $0xb8;
	[tilespmem:$0x9400] =	vst v63  }
0x115: {  	_ =	swait.ge [sflag:s0], $0x8000  }
0x116: {  	[sflag:s0] =	ssyncset.done $0x0  }
0x117: {  	[sflag:s0] =	ssyncadd.s32 $0xFFFF8000  }
0x118: {  	v3 =	vld [tilespmem:$0x300];
	_ =	sdelay $0x4  }
0x119: {  	v58 =	vshll.u32 v3, $0x3  }
0x11a: {  	v3 =	vand.u32 $0x7, v3;
	v4 =	vand.u32 $0xFFFFFFC0, v58  }
0x11b: {  	v3 =	vor.u32 v3, v4  }
0x11c: {  	v4 =	vperm.xlane v3, v0;
	_ =	sdelay $0x1  }
0x11d: {  	v4 =	vadd.s32 v1, v4;
	_ =	sdelay $0x4  }
0x11e: {  	[hbm4b:s4+s3] =	stream.indirect_vreg.scatter [tilespmem:s16], [sflag:$0x1], $0x80, v4, vm0, $0xb8;
	[tilespmem:$0x9400] =	vst v63  }
0x11f: {  	v3 =	vperm.xlane v3, v2  }
0x120: {  	[hbm4b:s9+s3] =	stream.indirect_vreg.scatter [tilespmem:s18], [sflag:$0x1], $0x80, v4, vm0, $0xb8;
	[tilespmem:$0x9400] =	vst v63  }
0x121: {  	v3 =	vadd.s32 v1, v3  }
0x122: {  	[hbm4b:s10+s3] =	stream.indirect_vreg.scatter [tilespmem:s19], [sflag:$0x1], $0x80, v4, vm0, $0xb8;
	[tilespmem:$0x9400] =	vst v63  }
0x123: {  	_ = 	snop  }
0x124: {  	[hbm4b:s11+s3] =	stream.indirect_vreg.scatter [tilespmem:s20], [sflag:$0x1], $0x80, v4, vm0, $0xb8;
	[tilespmem:$0x9400] =	vst v63  }
0x125: {  	_ = 	snop  }
0x126: {  	[hbm4b:s4+s3] =	stream.indirect_vreg.scatter [tilespmem:s21], [sflag:$0x1], $0x80, v3, vm0, $0xb8;
	[tilespmem:$0x9400] =	vst v63  }
0x127: {  	_ = 	snop  }
0x128: {  	[hbm4b:s9+s3] =	stream.indirect_vreg.scatter [tilespmem:s22], [sflag:$0x1], $0x80, v3, vm0, $0xb8;
	[tilespmem:$0x9400] =	vst v63  }
0x129: {  	_ = 	snop  }
0x12a: {  	[hbm4b:s10+s3] =	stream.indirect_vreg.scatter [tilespmem:s23], [sflag:$0x1], $0x80, v3, vm0, $0xb8;
	[tilespmem:$0x9400] =	vst v63  }
0x12b: {  	_ = 	snop  }
0x12c: {  	[hbm4b:s11+s3] =	stream.indirect_vreg.scatter [tilespmem:s24], [sflag:$0x1], $0x80, v3, vm0, $0xb8;
	[tilespmem:$0x9400] =	vst v63  }
0x12d: {  	v3 =	vld [tilespmem:$0x310];
	_ =	sdelay $0x4  }
0x12e: {  	v59 =	vshll.u32 v3, $0x3  }
0x12f: {  	v3 =	vand.u32 $0x7, v3;
	v4 =	vand.u32 $0xFFFFFFC0, v59  }
0x130: {  	v3 =	vor.u32 v3, v4  }
0x131: {  	v4 =	vperm.xlane v3, v0;
	_ =	sdelay $0x1  }
0x132: {  	v4 =	vadd.s32 v1, v4;
	_ =	sdelay $0x4  }
0x133: {  	[hbm4b:s4+s3] =	stream.indirect_vreg.scatter [tilespmem:s25], [sflag:$0x1], $0x80, v4, vm0, $0xb8;
	[tilespmem:$0x9400] =	vst v63  }
0x134: {  	v3 =	vperm.xlane v3, v2  }
0x135: {  	[hbm4b:s9+s3] =	stream.indirect_vreg.scatter [tilespmem:s26], [sflag:$0x1], $0x80, v4, vm0, $0xb8;
	[tilespmem:$0x9400] =	vst v63  }
0x136: {  	v3 =	vadd.s32 v1, v3  }
0x137: {  	[hbm4b:s10+s3] =	stream.indirect_vreg.scatter [tilespmem:s28], [sflag:$0x1], $0x80, v4, vm0, $0xb8;
	[tilespmem:$0x9400] =	vst v63  }
0x138: {  	_ = 	snop  }
0x139: {  	[hbm4b:s11+s3] =	stream.indirect_vreg.scatter [tilespmem:s29], [sflag:$0x1], $0x80, v4, vm0, $0xb8;
	[tilespmem:$0x9400] =	vst v63  }
0x13a: {  	_ = 	snop  }
0x13b: {  	[hbm4b:s4+s3] =	stream.indirect_vreg.scatter [tilespmem:s30], [sflag:$0x1], $0x80, v3, vm0, $0xb8;
	[tilespmem:$0x9400] =	vst v63  }
0x13c: {  	_ = 	snop  }
0x13d: {  	[hbm4b:s9+s3] =	stream.indirect_vreg.scatter [tilespmem:s31], [sflag:$0x1], $0x80, v3, vm0, $0xb8;
	[tilespmem:$0x9400] =	vst v63  }
0x13e: {  	_ = 	snop  }
0x13f: {  	[hbm4b:s10+s3] =	stream.indirect_vreg.scatter [tilespmem:s1], [sflag:$0x1], $0x80, v3, vm0, $0xb8;
	[tilespmem:$0x9400] =	vst v63  }
0x140: {  	_ = 	snop  }
0x141: {  	[hbm4b:s11+s3] =	stream.indirect_vreg.scatter [tilespmem:s12], [sflag:$0x1], $0x80, v3, vm0, $0xb8;
	[tilespmem:$0x9400] =	vst v63  }
0x142: {  	_ =	swait.ge [sflag:s0], $0x8000  }
0x143: {  	s5 =	simm.s32 $0x8400;
	[sflag:s0] =	ssyncset.done $0x0  }
0x144: {  	s12 =	simm.s32 $0x20;
	s14 =	rddreg [dreg:$0xa];
	[sflag:s0] =	ssyncadd.s32 $0xFFFF8000  }
0x145: {  	[hbm4b:s15+s12] =	stream.indirect.scatter [tilespmem:s5], [sflag:$0x1], $0x80, s14, s12, $0xb8;
	[tilespmem:$0x9400] =	vst v63  }
0x146: {  	_ =	swait.ge [sflag:s0], $0x1000  }
0x147: {  	[sflag:s0] =	ssyncset.done $0x0  }
0x148: {  	s14 =	rddreg [dreg:$0x8];
	[sflag:s0] =	ssyncadd.s32 $0xFFFFF000  }
0x149: {  	[tilespmem:s5], [sflag:$0x2] =	stream.linear.gather [hbm4b:s14+s3], $0x1000, $0x38;
	[tilespmem:$0x9400] =	vst v63  }
0x14a: {  	_ =	swait.ge [sflag:s13], $0x1000  }
0x14b: {  	[sflag:s13] =	ssyncset.done $0x0  }
0x14c: {  	[sflag:s13] =	ssyncadd.s32 $0xFFFFF000  }
0x14d: {  	v3 =	vld [tilespmem:$0x180];
	_ =	sdelay $0x4  }
0x14e: {  	v60 =	vshll.u32 v3, $0x3  }
0x14f: {  	v3 =	vand.u32 $0x7, v3;
	v4 =	vand.u32 $0xFFFFFFC0, v60  }
0x150: {  	v3 =	vor.u32 v3, v4  }
0x151: {  	v4 =	vperm.xlane v3, v0;
	_ =	sdelay $0x1  }
0x152: {  	v4 =	vadd.s32 v1, v4;
	_ =	sdelay $0x3  }
0x153: {  	s14 =	simm.s32 $0x400  }
0x154: {  	[tilespmem:s14], [sflag:$0x1] =	stream.indirect_vreg.gather [hbm4b:s2+s3], $0x80, v4, vm0, $0xb8;
	[tilespmem:$0x9400] =	vst v63  }
0x155: {  	v3 =	vperm.xlane v3, v2  }
0x156: {  	[tilespmem:s18], [sflag:$0x1] =	stream.indirect_vreg.gather [hbm4b:s6+s3], $0x80, v4, vm0, $0xb8;
	[tilespmem:$0x9400] =	vst v63  }
0x157: {  	v3 =	vadd.s32 v1, v3  }
0x158: {  	[tilespmem:s19], [sflag:$0x1] =	stream.indirect_vreg.gather [hbm4b:s7+s3], $0x80, v4, vm0, $0xb8;
	[tilespmem:$0x9400] =	vst v63  }
0x159: {  	_ = 	snop  }
0x15a: {  	[tilespmem:s20], [sflag:$0x1] =	stream.indirect_vreg.gather [hbm4b:s8+s3], $0x80, v4, vm0, $0xb8;
	[tilespmem:$0x9400] =	vst v63  }
0x15b: {  	_ = 	snop  }
0x15c: {  	[tilespmem:s21], [sflag:$0x1] =	stream.indirect_vreg.gather [hbm4b:s2+s3], $0x80, v3, vm0, $0xb8;
	[tilespmem:$0x9400] =	vst v63  }
0x15d: {  	_ = 	snop  }
0x15e: {  	[tilespmem:s22], [sflag:$0x1] =	stream.indirect_vreg.gather [hbm4b:s6+s3], $0x80, v3, vm0, $0xb8;
	[tilespmem:$0x9400] =	vst v63  }
0x15f: {  	_ = 	snop  }
0x160: {  	[tilespmem:s23], [sflag:$0x1] =	stream.indirect_vreg.gather [hbm4b:s7+s3], $0x80, v3, vm0, $0xb8;
	[tilespmem:$0x9400] =	vst v63  }
0x161: {  	_ = 	snop  }
0x162: {  	[tilespmem:s24], [sflag:$0x1] =	stream.indirect_vreg.gather [hbm4b:s8+s3], $0x80, v3, vm0, $0xb8;
	[tilespmem:$0x9400] =	vst v63  }
0x163: {  	v3 =	vld [tilespmem:$0x190];
	_ =	sdelay $0x4  }
0x164: {  	v61 =	vshll.u32 v3, $0x3  }
0x165: {  	v3 =	vand.u32 $0x7, v3;
	v4 =	vand.u32 $0xFFFFFFC0, v61  }
0x166: {  	v3 =	vor.u32 v3, v4  }
0x167: {  	v4 =	vperm.xlane v3, v0;
	_ =	sdelay $0x1  }
0x168: {  	v4 =	vadd.s32 v1, v4;
	_ =	sdelay $0x4  }
0x169: {  	[tilespmem:s25], [sflag:$0x1] =	stream.indirect_vreg.gather [hbm4b:s2+s3], $0x80, v4, vm0, $0xb8;
	[tilespmem:$0x9400] =	vst v63  }
0x16a: {  	v3 =	vperm.xlane v3, v2  }
0x16b: {  	[tilespmem:s26], [sflag:$0x1] =	stream.indirect_vreg.gather [hbm4b:s6+s3], $0x80, v4, vm0, $0xb8;
	[tilespmem:$0x9400] =	vst v63  }
0x16c: {  	v3 =	vadd.s32 v1, v3  }
0x16d: {  	[tilespmem:s28], [sflag:$0x1] =	stream.indirect_vreg.gather [hbm4b:s7+s3], $0x80, v4, vm0, $0xb8;
	[tilespmem:$0x9400] =	vst v63  }
0x16e: {  	_ = 	snop  }
0x16f: {  	[tilespmem:s29], [sflag:$0x1] =	stream.indirect_vreg.gather [hbm4b:s8+s3], $0x80, v4, vm0, $0xb8;
	[tilespmem:$0x9400] =	vst v63  }
0x170: {  	_ = 	snop  }
0x171: {  	[tilespmem:s30], [sflag:$0x1] =	stream.indirect_vreg.gather [hbm4b:s2+s3], $0x80, v3, vm0, $0xb8;
	[tilespmem:$0x9400] =	vst v63  }
0x172: {  	_ = 	snop  }
0x173: {  	[tilespmem:s31], [sflag:$0x1] =	stream.indirect_vreg.gather [hbm4b:s6+s3], $0x80, v3, vm0, $0xb8;
	[tilespmem:$0x9400] =	vst v63  }
0x174: {  	_ = 	snop  }
0x175: {  	[tilespmem:s1], [sflag:$0x1] =	stream.indirect_vreg.gather [hbm4b:s7+s3], $0x80, v3, vm0, $0xb8;
	[tilespmem:$0x9400] =	vst v63  }
0x176: {  	s16 =	simm.s32 $0x7C00  }
0x177: {  	[tilespmem:s16], [sflag:$0x1] =	stream.indirect_vreg.gather [hbm4b:s8+s3], $0x80, v3, vm0, $0xb8;
	[tilespmem:$0x9400] =	vst v63  }
0x178: {  	_ =	swait.ge [sflag:s0], $0x8000  }
0x179: {  	[sflag:s0] =	ssyncset.done $0x0  }
0x17a: {  	[sflag:s0] =	ssyncadd.s32 $0xFFFF8000  }
0x17b: {  	v3 =	vld [tilespmem:$0x380];
	_ =	sdelay $0x4  }
0x17c: {  	v62 =	vshll.u32 v3, $0x3  }
0x17d: {  	v3 =	vand.u32 $0x7, v3;
	v4 =	vand.u32 $0xFFFFFFC0, v62  }
0x17e: {  	v3 =	vor.u32 v3, v4  }
0x17f: {  	v4 =	vperm.xlane v3, v0;
	_ =	sdelay $0x1  }
0x180: {  	v4 =	vadd.s32 v1, v4;
	_ =	sdelay $0x4  }
0x181: {  	[hbm4b:s4+s3] =	stream.indirect_vreg.scatter [tilespmem:s14], [sflag:$0x1], $0x80, v4, vm0, $0xb8;
	[tilespmem:$0x9400] =	vst v63  }
0x182: {  	v3 =	vperm.xlane v3, v2  }
0x183: {  	[hbm4b:s9+s3] =	stream.indirect_vreg.scatter [tilespmem:s18], [sflag:$0x1], $0x80, v4, vm0, $0xb8;
	[tilespmem:$0x9400] =	vst v63  }
0x184: {  	v3 =	vadd.s32 v1, v3  }
0x185: {  	[hbm4b:s10+s3] =	stream.indirect_vreg.scatter [tilespmem:s19], [sflag:$0x1], $0x80, v4, vm0, $0xb8;
	[tilespmem:$0x9400] =	vst v63  }
0x186: {  	_ = 	snop  }
0x187: {  	[hbm4b:s11+s3] =	stream.indirect_vreg.scatter [tilespmem:s20], [sflag:$0x1], $0x80, v4, vm0, $0xb8;
	[tilespmem:$0x9400] =	vst v63  }
0x188: {  	_ = 	snop  }
0x189: {  	[hbm4b:s4+s3] =	stream.indirect_vreg.scatter [tilespmem:s21], [sflag:$0x1], $0x80, v3, vm0, $0xb8;
	[tilespmem:$0x9400] =	vst v63  }
0x18a: {  	_ = 	snop  }
0x18b: {  	[hbm4b:s9+s3] =	stream.indirect_vreg.scatter [tilespmem:s22], [sflag:$0x1], $0x80, v3, vm0, $0xb8;
	[tilespmem:$0x9400] =	vst v63  }
0x18c: {  	_ = 	snop  }
0x18d: {  	[hbm4b:s10+s3] =	stream.indirect_vreg.scatter [tilespmem:s23], [sflag:$0x1], $0x80, v3, vm0, $0xb8;
	[tilespmem:$0x9400] =	vst v63  }
0x18e: {  	_ = 	snop  }
0x18f: {  	[hbm4b:s11+s3] =	stream.indirect_vreg.scatter [tilespmem:s24], [sflag:$0x1], $0x80, v3, vm0, $0xb8;
	[tilespmem:$0x9400] =	vst v63  }
0x190: {  	v3 =	vld [tilespmem:$0x390];
	_ =	sdelay $0x4  }
0x191: {  	v63 =	vshll.u32 v3, $0x3  }
0x192: {  	v3 =	vand.u32 $0x7, v3;
	v4 =	vand.u32 $0xFFFFFFC0, v63  }
0x193: {  	v3 =	vor.u32 v3, v4  }
0x194: {  	v4 =	vperm.xlane v3, v0;
	_ =	sdelay $0x1  }
0x195: {  	v4 =	vadd.s32 v1, v4;
	_ =	sdelay $0x4  }
0x196: {  	[hbm4b:s4+s3] =	stream.indirect_vreg.scatter [tilespmem:s25], [sflag:$0x1], $0x80, v4, vm0, $0xb8;
	[tilespmem:$0x9400] =	vst v63  }
0x197: {  	v3 =	vperm.xlane v3, v2  }
0x198: {  	[hbm4b:s9+s3] =	stream.indirect_vreg.scatter [tilespmem:s26], [sflag:$0x1], $0x80, v4, vm0, $0xb8;
	[tilespmem:$0x9400] =	vst v63  }
0x199: {  	v3 =	vadd.s32 v1, v3  }
0x19a: {  	[hbm4b:s10+s3] =	stream.indirect_vreg.scatter [tilespmem:s28], [sflag:$0x1], $0x80, v4, vm0, $0xb8;
	[tilespmem:$0x9400] =	vst v63  }
0x19b: {  	_ = 	snop  }
0x19c: {  	[hbm4b:s11+s3] =	stream.indirect_vreg.scatter [tilespmem:s29], [sflag:$0x1], $0x80, v4, vm0, $0xb8;
	[tilespmem:$0x9400] =	vst v63  }
0x19d: {  	_ = 	snop  }
0x19e: {  	[hbm4b:s4+s3] =	stream.indirect_vreg.scatter [tilespmem:s30], [sflag:$0x1], $0x80, v3, vm0, $0xb8;
	[tilespmem:$0x9400] =	vst v63  }
0x19f: {  	_ = 	snop  }
0x1a0: {  	[hbm4b:s9+s3] =	stream.indirect_vreg.scatter [tilespmem:s31], [sflag:$0x1], $0x80, v3, vm0, $0xb8;
	[tilespmem:$0x9400] =	vst v63  }
0x1a1: {  	_ = 	snop  }
0x1a2: {  	[hbm4b:s10+s3] =	stream.indirect_vreg.scatter [tilespmem:s1], [sflag:$0x1], $0x80, v3, vm0, $0xb8;
	[tilespmem:$0x9400] =	vst v63  }
0x1a3: {  	_ = 	snop  }
0x1a4: {  	[hbm4b:s11+s3] =	stream.indirect_vreg.scatter [tilespmem:s16], [sflag:$0x1], $0x80, v3, vm0, $0xb8;
	[tilespmem:$0x9400] =	vst v63  }
0x1a5: {  	p0 =	sne.s32 s17, $0x1;
	_ =	swait.ge [sflag:s0], $0x8000  }
0x1a6: {  	s12 =	simm.s32 $0x20;
	s5 =	simm.s32 $0x8400;
	[sflag:s0] =	ssyncset.done $0x0  }
.Ltmp0:
0x1a7: {  	s16 =	rddreg [dreg:$0xb];
	[sflag:s0] =	ssyncadd.s32 $0xFFFF8000;
	(pc) =	sbr.rel @p0 .LBB2_1-.Ltmp0, $4  }
0x1a8: {  	[hbm4b:s15+s12] =	stream.indirect.scatter [tilespmem:s5], [sflag:$0x1], $0x80, s16, s12, $0xb8;
	[tilespmem:$0x9400] =	vst v63  }
0x1a9: {  	_ =	swait.ge [sflag:s0], $0x1000  }
0x1aa: {  	[sflag:s0] =	ssyncset.done $0x0  }
0x1ab: {  	s17 =	sadd.s32 $0xFFFFFFFF, s17;
	[sflag:s0] =	ssyncadd.s32 $0xFFFFF000  }
0x1ac: {  	_ =	sfence.sel $0x180000  }
0x1ad: {  	[bflag:$0x0] =	sbarrier.arrive $0xFFFF  }
0x1ae: {  	_ =	strace $0x90000047  }
0x1af: {  	s0 =	stileid.u32;
	[bflag:$0x2] =	sbarrier.arrive $0xFFFF  }
0x1b0: {  	p0 =	sne.s32 s0, $0x0;
	s0 =	rddreg [dreg:$0x2]  }
0x1b1: {  	s0 =	sadd.s32 @!p0 $0x100000, s0  }
0x1b2: {  	[sflag:s0] =	ssyncadd.tile.s32 @!p0 $0x1;
	_ =	shalt  }
.Lfunc_end2:
_tile_overlayer_lowered:
.L_overlay_start_2:
0x1b3: {  	(tag) =	ssettag $0x2  }
0x1b4: {  	s0 =	rddreg [dreg:$0x0];
	s2 =	stileid.u32  }
0x1b5: {  	s1 =	rddreg [dreg:$0x1];
	p0 =	sne.s32 s2, $0x0  }
0x1b6: {  	s3 =	rddreg [dreg:$0x2];
	[bflag:$0x3] =	sbarrier.arrive $0xFFFF;
	s2 =	simm.s32 @!p0 $0x1C02  }
0x1b7: {  	[timem:s3], [sflag:s2] =	dma.local @!p0 [hbm:s0], s1  }
0x1b8: {  	s0 =	simm.s32 @!p0 $0x2  }
0x1b9: {  	_ =	swait.ge @!p0 [sflag:s0], s1  }
0x1ba: {  	s1 =	ssub.s32 @!p0 $0x0, s1;
	[sflag:s0] =	ssyncset.done @!p0 $0x0  }
0x1bb: {  	[sflag:s0] =	ssyncadd.s32 @!p0 s1  }
0x1bc: {  	[bflag:$0x3] =	sbarrier.arrive $0xFFFF  }
0x1bd: {  	_ =	shalt  }

// kernel: kernel.9.cloned.1.call-start
scs
__scs_entry_jumppad:
0x0: {  	(pc) =	sbr.rel $0x88, $3  }
0x1: {  	(tag) =	ssettag $0x0;
	lr =	simm.s32 $0x1  }
0x2: {  	[smem:$0x3F9C] =	sst lr;
	_ =	strace $0xD0000000  }
0x3: {  	_ = 	snop  }
0x4: {  	_ = 	snop  }
0x5: {  	_ = 	snop  }
0x6: {  	_ = 	snop  }
0x7: {  	_ = 	snop  }
__scs_overlays_trampoline_lowered:
0x8: {  	[smem:$0x3FAB] =	sst s0  }
0x9: {  	[smem:$0x3FAC] =	sst s1  }
0xa: {  	[smem:$0x3FAD] =	sst s2  }
0xb: {  	[smem:$0x3FAE] =	sst s3  }
0xc: {  	[smem:$0x3FAF] =	sst s4  }
0xd: {  	[smem:$0x3FB0] =	sst s5  }
0xe: {  	[smem:$0x3FB1] =	sst s6  }
0xf: {  	[smem:$0x3FB2] =	sst s7  }
0x10: {  	[smem:$0x3FB3] =	sst s8  }
0x11: {  	[smem:$0x3FB4] =	sst s9;
	s0 =	simm.s32 @!p0 $0x0  }
0x12: {  	s1 =	sld [smem:$0x3F9A];
	s0 =	simm.s32 @p0 $0x1  }
0x13: {  	[smem:$0x3FB5] =	sst s0;
	s0 =	simm.s32 @!p1 $0x0  }
0x14: {  	s2 =	sld [smem:$0x3F99];
	s0 =	simm.s32 @p1 $0x1  }
0x15: {  	[smem:$0x3FB6] =	sst s0;
	s0 =	simm.s32 @!p2 $0x0  }
0x16: {  	s3 =	sld [smem:$0x3FDB];
	s0 =	simm.s32 @p2 $0x1  }
0x17: {  	s4 =	simm.s32 $0x1BF5;
	[smem:$0x3FB8] =	sst s0  }
0x18: {  	s0 =	sld [smem:$0x3F9B];
	_ =	swait.ge [sflag:s4], $0x0  }
0x19: {  	s7 =	sld [smem:$0x3F9C]  }
0x1a: {  	s8 =	sadd.s32 $0xFFFFE003, lr  }
0x1b: {  	s9 =	sadd.s32 $0xFFFFFEF7, lr;
	s5 =	simm.s32 $0xFFFFFFFF;
	p2 =	slt.u32 s8, $0xFFFFF086  }
0x1c: {  	p1 =	slt.u32 s9, $0xF7A;
	s5 =	simm.s32 @!p2 $0x0  }
0x1d: {  	s5 =	simm.s32 @p1 $0x1;
	p0 =	seq.s32 s7, s2  }
0x1e: {  	s7 =	smul.u32 @!p0 $0xF7A, s2;
	p2 =	seq.s32 @!p0 s5, $0x0  }
0x1f: {  	s9 =	smul.u32 $0xF7A, s1;
	s8 =	simm.s32 @!p0 $0x1BF5;
	p2 =	por !p2, p0  }
0x20: {  	[sflag:s8] =	ssyncset.s32 @!p0 $0xFFFFF086;
	s6 =	sadd.s32 @!p0 s3, s7;
	s7 =	simm.s32 @!p0 $0x108  }
0x21: {  	s3 =	sadd.s32 s3, s9;
	s6 =	sadd.s32 @!p0 $0x88, s6;
	s7 =	simm.s32 @p2 $0x1082  }
0x22: {  	[simem:s7], [sflag:s8] =	dma.local @!p0 [hbm:s6], $0xF7A  }
0x23: {  	s9 =	sor.u32 $0xD0000000, s2;
	s6 =	simm.s32 $0x108;
	_ =	swait.ge @!p0 [sflag:s8], $0x0  }
0x24: {  	s3 =	sadd.s32 $0x88, s3;
	s6 =	simm.s32 @!p1 $0x1082;
	[sflag:s4] =	ssyncset.s32 $0xFFFFF086  }
0x25: {  	[simem:s6], [sflag:s4] =	dma.local [hbm:s3], $0xF7A  }
0x26: {  	[smem:$0x3F9C] =	sst s1;
	(tag) =	ssettag s2;
	_ =	strace s9  }
0x27: {  	s1 =	sld [smem:$0x3FAC]  }
0x28: {  	s2 =	sld [smem:$0x3FAD]  }
0x29: {  	s4 =	sld [smem:$0x3FAF]  }
0x2a: {  	p0 =	seq.s32 s5, $0x0;
	s5 =	sld [smem:$0x3FB0]  }
0x2b: {  	s6 =	sld [smem:$0x3FB1]  }
0x2c: {  	s7 =	sld [smem:$0x3FB2]  }
0x2d: {  	s3 =	simm.s32 $0x108;
	s8 =	sld [smem:$0x3FB3]  }
0x2e: {  	s3 =	simm.s32 @!p0 $0x1082;
	s9 =	sld [smem:$0x3FB4]  }
0x2f: {  	lr =	sadd.s32 s0, s3;
	s0 =	sld [smem:$0x3FAB]  }
0x30: {  	s3 =	sld [smem:$0x3FAE]  }
0x31: {  	[smem:$0x3FB7] =	sst s10  }
0x32: {  	s10 =	sld [smem:$0x3FB5];
	_ =	sdelay $0x3  }
0x33: {  	p0 =	seq.s32 s10, $0x1;
	s10 =	sld [smem:$0x3FB7];
	_ =	sdelay $0x3  }
0x34: {  	[smem:$0x3FB7] =	sst s10  }
0x35: {  	s10 =	sld [smem:$0x3FB6];
	_ =	sdelay $0x3  }
0x36: {  	p1 =	seq.s32 s10, $0x1;
	s10 =	sld [smem:$0x3FB7];
	_ =	sdelay $0x3  }
0x37: {  	[smem:$0x3FB7] =	sst s10  }
0x38: {  	s10 =	sld [smem:$0x3FB8]  }
0x39: {  	_ = 	snop;
	(pc) =	sbr.ind lr, $3  }
0x3a: {  	_ = 	snop  }
0x3b: {  	_ = 	snop  }
0x3c: {  	p2 =	seq.s32 s10, $0x1;
	s10 =	sld [smem:$0x3FB7]  }
0x3d: {  	_ =	shalt  }
0x3e: {  	_ =	shalt  }
0x3f: {  	_ =	shalt  }
0x40: {  	_ =	shalt  }
0x41: {  	_ =	shalt  }
0x42: {  	_ =	shalt  }
0x43: {  	_ =	shalt  }
0x44: {  	_ =	shalt  }
0x45: {  	_ =	shalt  }
0x46: {  	_ =	shalt  }
0x47: {  	_ =	shalt  }
0x48: {  	_ =	shalt  }
0x49: {  	_ =	shalt  }
0x4a: {  	_ =	shalt  }
0x4b: {  	_ =	shalt  }
0x4c: {  	_ =	shalt  }
0x4d: {  	_ =	shalt  }
0x4e: {  	_ =	shalt  }
0x4f: {  	_ =	shalt  }
0x50: {  	_ =	shalt  }
0x51: {  	_ =	shalt  }
0x52: {  	_ =	shalt  }
0x53: {  	_ =	shalt  }
0x54: {  	_ =	shalt  }
0x55: {  	_ =	shalt  }
0x56: {  	_ =	shalt  }
0x57: {  	_ =	shalt  }
0x58: {  	_ =	shalt  }
0x59: {  	_ =	shalt  }
0x5a: {  	_ =	shalt  }
0x5b: {  	_ =	shalt  }
0x5c: {  	_ =	shalt  }
0x5d: {  	_ =	shalt  }
0x5e: {  	_ =	shalt  }
0x5f: {  	_ =	shalt  }
0x60: {  	_ =	shalt  }
0x61: {  	_ =	shalt  }
0x62: {  	_ =	shalt  }
0x63: {  	_ =	shalt  }
0x64: {  	_ =	shalt  }
0x65: {  	_ =	shalt  }
0x66: {  	_ =	shalt  }
0x67: {  	_ =	shalt  }
0x68: {  	_ =	shalt  }
0x69: {  	_ =	shalt  }
0x6a: {  	_ =	shalt  }
0x6b: {  	_ =	shalt  }
0x6c: {  	_ =	shalt  }
0x6d: {  	_ =	shalt  }
0x6e: {  	_ =	shalt  }
0x6f: {  	_ =	shalt  }
0x70: {  	_ =	shalt  }
0x71: {  	_ =	shalt  }
0x72: {  	_ =	shalt  }
0x73: {  	_ =	shalt  }
0x74: {  	_ =	shalt  }
0x75: {  	_ =	shalt  }
0x76: {  	_ =	shalt  }
0x77: {  	_ =	shalt  }
0x78: {  	_ =	shalt  }
0x79: {  	_ =	shalt  }
0x7a: {  	_ =	shalt  }
0x7b: {  	_ =	shalt  }
0x7c: {  	_ =	shalt  }
0x7d: {  	_ =	shalt  }
0x7e: {  	_ =	shalt  }
0x7f: {  	_ =	shalt  }
0x80: {  	_ =	shalt  }
0x81: {  	_ =	shalt  }
0x82: {  	_ =	shalt  }
0x83: {  	_ =	shalt  }
0x84: {  	_ =	shalt  }
0x85: {  	_ =	shalt  }
0x86: {  	_ =	shalt  }
0x87: {  	_ =	shalt  }
.Lfunc_end0:
.L_simem_size_0:
called_computation.1_lowered:
.L_overlay_start_0:
0x88: {  	s2 =	sld [smem:$0x3FD9]  }
0x89: {  	s3 =	sld [smem:$0x3FFE];
	_ =	sdelay $0x1  }
0x8a: {  	s1 =	srdreg.scid  }
0x8b: {  	s0 =	sand.u32 $0x1, s1  }
0x8c: {  	s17 =	sshll.u32 s0, $0xA;
	s2 =	sadd.s32 s3, s2  }
0x8d: {  	s2 =	sadd.s32 s2, s17  }
0x8e: {  	[smem:$0x3FC3] =	sst s2  }
0x8f: {  	_ = 	snop  }
0x90: {  	s2 =	sld [smem:$0x3FD0];
	(tm) =	ssettm $0x1  }
0x91: {  	s18 =	sld [smem:$0x3FFB];
	_ =	sdelay $0x3  }
0x92: {  	_ =	strace s18  }
0x93: {  	s3 =	sld [smem:$0x3FFC];
	_ =	sdelay $0x3  }
0x94: {  	_ =	strace s3  }
0x95: {  	s3 =	sld [smem:$0x3FFD];
	_ =	sdelay $0x3  }
0x96: {  	_ =	strace s3  }
0x97: {  	_ =	strace $0x8FFFFFFF  }
0x98: {  	s19 =	sld [smem:$0x3FDB];
	_ =	sdelay $0x1  }
0x99: {  	s4 =	simm.s32 $_scs_section_size  }
0x9a: {  	s5 =	simm.s32 $_size__tile_overlayer_lowered;
	s6 =	simm.s32 $_tile_overlayer_lowered  }
0x9b: {  	s22 =	simm.s32 $0x1BFF;
	s21 =	sshll.u32 s6, $0x1;
	s3 =	sadd.s32 s4, s19  }
0x9c: {  	s7 =	simm.s32 $0x0;
	s20 =	sshll.u32 s5, $0x1;
	s5 =	sadd.s32 s21, s3  }
0x9d: {  	[timem:s7], [sflag:s22] =	dma.local [hbm:s5], s20  }
0x9e: {  	_ =	swait.ge [sflag:s22], s20  }
0x9f: {  	s4 =	ssub.s32 $0x0, s20;
	[sflag:s22] =	ssyncset.done $0x0  }
0xa0: {  	[sflag:s22] =	ssyncadd.s32 s4;
	_ =	sdelay $0x1  }
0xa1: {  	s23 =	simm.s32 $0x1B8B  }
0xa2: {  	_ =	swait.ge [sflag:s23], $0x1  }
0xa3: {  	[sflag:s23] =	ssyncset.done $0x0  }
0xa4: {  	s25 =	simm.s32 $0x1B8E;
	s24 =	sld [smem:$0x3FFE];
	[sflag:s23] =	ssyncadd.s32 $0xFFFFFFFF  }
0xa5: {  	s26 =	simm.s32 $execute0_lowered;
	[smem:$0x3FD2] =	sst s25  }
0xa6: {  	s5 =	sshll.u32 s26, $0x1;
	_ =	strace $0x80000049;
	[dreg:$0x1] =	wrdreg $0xFFFFFFFF  }
0xa7: {  	s28 =	simm.s32 $_size_execute0_lowered;
	s3 =	sadd.s32 s3, s5;
	[dreg:$0x0] =	wrdreg $0x0  }
0xa8: {  	s5 =	sshll.u32 s28, $0x1;
	[dreg:$0x2] =	wrdreg s3  }
0xa9: {  	[dreg:$0x3] =	wrdreg s5  }
0xaa: {  	[dreg:$0x4] =	wrdreg $0xC0  }
0xab: {  	_ =	task [dreg:s7], $0x5FFFF  }
0xac: {  	[dreg:$0x1] =	wrdreg $0xFFFFFFFF  }
0xad: {  	[dreg:$0x0] =	wrdreg $0x60  }
0xae: {  	[dreg:$0x2] =	wrdreg s24  }
0xaf: {  	[dreg:$0x3] =	wrdreg s2  }
0xb0: {  	[dreg:$0x4] =	wrdreg $0x9  }
0xb1: {  	_ =	task.clear_ibuf [dreg:s7], $0x5FFFF;
	_ =	strace $0x90000049  }
0xb2: {  	s29 =	simm.s32 $0x9;
	_ =	strace $0x8000004B  }
0xb3: {  	_ =	swait.ge [sflag:s29], $0x1  }
0xb4: {  	[sflag:s29] =	ssyncadd.s32 $0xFFFFFFFF  }
0xb5: {  	_ =	strace $0x9000004B  }
0xb6: {  	_ =	sfence  }
0xb7: {  	s30 =	sld [smem:$0x0];
	_ =	sdelay $0x2  }
0xb8: {  	s31 =	sshll.u32 s1, $0xD;
	s1 =	sshrl.u32 s1, $0x2  }
0xb9: {  	s3 =	sand.u32 $0x4000, s31;
	s1 =	sadd.s32 s1, s30  }
0xba: {  	s0 =	sor.u32 s3, s0;
	s1 =	sshll.u32 s1, $0x11  }
0xbb: {  	s0 =	sor.u32 s1, s0  }
0xbc: {  	s0 =	sadd.s32 $0x8F2B, s0  }
0xbd: {  	[sflag:s0] =	ssyncadd.remote.s32 $0x1  }
0xbe: {  	_ =	sfence.sel $0xFFFF  }
0xbf: {  	[dreg:$0x0] =	wrdreg $0xFFFFFFFF;
	(pc) =	sbr.abs _section_cstart, $3  }
0xc0: {  	[dreg:$0x1] =	wrdreg $0xFFFFFFFF  }
0xc1: {  	_ =	task.clear_ibuf [dreg:s7], $0x2FFFF;
	_ =	strace $0x9FFFFFFF  }
0xc2: {  	(tm) =	ssettm $0x7FFFFFFF  }
0xc3: {  	_ =	shalt  }
tec
execute0_lowered:
.L_overlay_start_1:
0x0: {  	(tag) =	ssettag $0x1  }
0x1: {  	s0 =	rddreg [dreg:$0x0]  }
0x2: {  	s1 =	rddreg [dreg:$0x1];
	s2 =	simm.s32 $0x0  }
0x3: {  	s3 =	srdreg.scid;
	s4 =	stileid.u32;
	s14 =	simm.s32 $0x3  }
0x4: {  	s20 =	simm.s32 $0x1A00;
	s21 =	simm.s32 $0x2200;
	s22 =	simm.s32 $0x2A00  }
0x5: {  	s28 =	simm.s32 $0x5200;
	s29 =	simm.s32 $0x5A00;
	s30 =	simm.s32 $0x6200  }
0x6: {  	s31 =	simm.s32 $0x6A00;
	s10 =	simm.s32 $0x2;
	s11 =	simm.s32 $0x9200  }
0x7: {  	[smem:$0x7FF] =	sst s2;
	s3 =	sand.u32 $0x1, s3;
	s4 =	sshll.u32 s4, $0x1  }
0x8: {  	s12 =	simm.s32 $0x0;
	_ =	strace $0x8000004A;
	s5 =	sor.u32 s3, s4  }
0x9: {  	s6 =	ssub.s32 $0x2, s3;
	s3 =	sadd.s32 $0xF2400, s0;
	s4 =	sadd.s32 $0xDA400, s0  }
0xa: {  	s7 =	sshll.u32 s5, $0x6;
	s8 =	sshrl.u32 s6, $0x1;
	s5 =	sshll.u32 s5, $0xD  }
0xb: {  	s7 =	sadd.s32 s7, s0;
	s9 =	ssub.s32 s6, s8;
	s24 =	sadd.s32 s1, s5  }
0xc: {  	s6 =	sadd.s32 $0xF2500, s0;
	s23 =	sadd.s32 $0x9C00, s7;
	[dreg:$0x4] =	wrdreg s24  }
0xd: {  	s8 =	sadd.s32 $0xF2700, s0;
	s1 =	sadd.s32 $0x800, s24;
	[dreg:$0x3] =	wrdreg s23  }
0xe: {  	s5 =	simm.s32 $0x1;
	s25 =	sadd.s32 $0x1000, s24;
	[dreg:$0x5] =	wrdreg s1  }
0xf: {  	s7 =	sadd.s32 $0xF2600, s0;
	s0 =	sadd.s32 $0x1800, s24;
	[dreg:$0x6] =	wrdreg s25  }
0x10: {  	v2 =	vlaneseq.u32;
	s26 =	smax.u32 s9, $0x1;
	s24 =	simm.s32 $0x3A00;
	[dreg:$0x7] =	wrdreg s0  }
0x11: {  	vm0 =	vmmov $0xffff;
	v1 =	vshrl.u32 v2, $0x3;
	[dreg:$0x8] =	wrdreg s26;
	s23 =	simm.s32 $0x3200;
	s25 =	simm.s32 $0x4200  }
0x12: {  	v0 =	vand.u32 $0x7, v2;
	v2 =	vor.u32 $0x8, v2;
	v1 =	vmul.u32 $0x8, v1;
	s26 =	simm.s32 $0x4A00;
	s0 =	simm.s32 $0x7200;
	s1 =	simm.s32 $0x7A00  }
.LBB2_1:
0x13: {  	s9 =	rddreg [dreg:$0x3]  }
0x14: {  	[tilespmem:s2], [sflag:$0x3] =	stream.linear.gather [hbm4b:s9+s2], $0x200, $0x38;
	[tilespmem:$0xD200] =	vst v63  }
0x15: {  	_ =	swait.ge [sflag:s14], $0x200  }
0x16: {  	[sflag:s14] =	ssyncset.done $0x0  }
0x17: {  	s19 =	simm.s32 $0x20;
	s13 =	simm.s32 $0x8200;
	[sflag:s14] =	ssyncadd.s32 $0xFFFFFE00  }
0x18: {  	[tilespmem:s13], [sflag:$0x2] =	stream.indirect.gather [hbm4b:s4+s19], $0x80, s2, s19, $0xb8;
	[tilespmem:$0xD200] =	vst v63  }
0x19: {  	v3 =	vld [tilespmem:$0x0];
	_ =	sdelay $0x4  }
0x1a: {  	v4 =	vshll.u32 v3, $0x3  }
0x1b: {  	v3 =	vand.u32 $0x7, v3;
	v4 =	vand.u32 $0xFFFFFFC0, v4  }
0x1c: {  	v3 =	vor.u32 v3, v4  }
0x1d: {  	v4 =	vperm.xlane v3, v0;
	_ =	sdelay $0x1  }
0x1e: {  	v4 =	vadd.s32 v1, v4;
	_ =	sdelay $0x3  }
0x1f: {  	s13 =	simm.s32 $0x200  }
0x20: {  	[tilespmem:s13], [sflag:$0x1] =	stream.indirect_vreg.gather [hbm4b:s3+s2], $0x80, v4, vm0, $0xb8;
	[tilespmem:$0xD200] =	vst v63  }
0x21: {  	s15 =	simm.s32 $0xA00;
	v3 =	vperm.xlane v3, v2  }
0x22: {  	[tilespmem:s15], [sflag:$0x1] =	stream.indirect_vreg.gather [hbm4b:s6+s2], $0x80, v4, vm0, $0xb8;
	[tilespmem:$0xD200] =	vst v63  }
0x23: {  	s16 =	simm.s32 $0x1200;
	v3 =	vadd.s32 v1, v3  }
0x24: {  	[tilespmem:s16], [sflag:$0x1] =	stream.indirect_vreg.gather [hbm4b:s7+s2], $0x80, v4, vm0, $0xb8;
	[tilespmem:$0xD200] =	vst v63  }
0x25: {  	_ = 	snop  }
0x26: {  	[tilespmem:s20], [sflag:$0x1] =	stream.indirect_vreg.gather [hbm4b:s8+s2], $0x80, v4, vm0, $0xb8;
	[tilespmem:$0xD200] =	vst v63  }
0x27: {  	_ = 	snop  }
0x28: {  	[tilespmem:s21], [sflag:$0x1] =	stream.indirect_vreg.gather [hbm4b:s3+s2], $0x80, v3, vm0, $0xb8;
	[tilespmem:$0xD200] =	vst v63  }
0x29: {  	_ = 	snop  }
0x2a: {  	[tilespmem:s22], [sflag:$0x1] =	stream.indirect_vreg.gather [hbm4b:s6+s2], $0x80, v3, vm0, $0xb8;
	[tilespmem:$0xD200] =	vst v63  }
0x2b: {  	_ = 	snop  }
0x2c: {  	[tilespmem:s23], [sflag:$0x1] =	stream.indirect_vreg.gather [hbm4b:s7+s2], $0x80, v3, vm0, $0xb8;
	[tilespmem:$0xD200] =	vst v63  }
0x2d: {  	_ = 	snop  }
0x2e: {  	[tilespmem:s24], [sflag:$0x1] =	stream.indirect_vreg.gather [hbm4b:s8+s2], $0x80, v3, vm0, $0xb8;
	[tilespmem:$0xD200] =	vst v63  }
0x2f: {  	v3 =	vld [tilespmem:$0x10];
	_ =	sdelay $0x4  }
0x30: {  	v4 =	vshll.u32 v3, $0x3  }
0x31: {  	v3 =	vand.u32 $0x7, v3;
	v4 =	vand.u32 $0xFFFFFFC0, v4  }
0x32: {  	v3 =	vor.u32 v3, v4  }
0x33: {  	v4 =	vperm.xlane v3, v0;
	_ =	sdelay $0x1  }
0x34: {  	v4 =	vadd.s32 v1, v4;
	_ =	sdelay $0x4  }
0x35: {  	[tilespmem:s25], [sflag:$0x1] =	stream.indirect_vreg.gather [hbm4b:s3+s2], $0x80, v4, vm0, $0xb8;
	[tilespmem:$0xD200] =	vst v63  }
0x36: {  	v3 =	vperm.xlane v3, v2  }
0x37: {  	[tilespmem:s26], [sflag:$0x1] =	stream.indirect_vreg.gather [hbm4b:s6+s2], $0x80, v4, vm0, $0xb8;
	[tilespmem:$0xD200] =	vst v63  }
0x38: {  	v3 =	vadd.s32 v1, v3  }
0x39: {  	[tilespmem:s28], [sflag:$0x1] =	stream.indirect_vreg.gather [hbm4b:s7+s2], $0x80, v4, vm0, $0xb8;
	[tilespmem:$0xD200] =	vst v63  }
0x3a: {  	_ = 	snop  }
0x3b: {  	[tilespmem:s29], [sflag:$0x1] =	stream.indirect_vreg.gather [hbm4b:s8+s2], $0x80, v4, vm0, $0xb8;
	[tilespmem:$0xD200] =	vst v63  }
0x3c: {  	_ = 	snop  }
0x3d: {  	[tilespmem:s30], [sflag:$0x1] =	stream.indirect_vreg.gather [hbm4b:s3+s2], $0x80, v3, vm0, $0xb8;
	[tilespmem:$0xD200] =	vst v63  }
0x3e: {  	_ = 	snop  }
0x3f: {  	[tilespmem:s31], [sflag:$0x1] =	stream.indirect_vreg.gather [hbm4b:s6+s2], $0x80, v3, vm0, $0xb8;
	[tilespmem:$0xD200] =	vst v63  }
0x40: {  	_ = 	snop  }
0x41: {  	[tilespmem:s0], [sflag:$0x1] =	stream.indirect_vreg.gather [hbm4b:s7+s2], $0x80, v3, vm0, $0xb8;
	[tilespmem:$0xD200] =	vst v63  }
0x42: {  	_ = 	snop  }
0x43: {  	[tilespmem:s1], [sflag:$0x1] =	stream.indirect_vreg.gather [hbm4b:s8+s2], $0x80, v3, vm0, $0xb8;
	[tilespmem:$0xD200] =	vst v63  }
0x44: {  	_ =	swait.ge [sflag:s5], $0x8000  }
0x45: {  	[sflag:s5] =	ssyncset.done $0x0  }
0x46: {  	[sflag:s5] =	ssyncadd.s32 $0xFFFF8000  }
0x47: {  	_ =	swait.ge [sflag:s10], $0x1000  }
0x48: {  	[sflag:s10] =	ssyncset.done $0x0  }
0x49: {  	[sflag:s10] =	ssyncadd.s32 $0xFFFFF000  }
0x4a: {  	s17 =	sand.u32 $0x70, s2;
	s18 =	sand.u32 $0x1C00, s2;
	v3 =	vld [tilespmem:$0x8200]  }
0x4b: {  	s13 =	sor.u32 s17, s18;
	v4 =	vld [tilespmem:$0x8280]  }
0x4c: {  	v5 =	vld [tilespmem:s13+$0x200]  }
0x4d: {  	v6 =	vld [tilespmem:s13+$0x280];
	_ =	sdelay $0x1  }
0x4e: {  	s19 =	simm.s32 $0x10;
	s15 =	simm.s32 $0x80  }
0x4f: {  	s9 =	sand.u32 $0x70, s19;
	s15 =	sand.u32 $0x1C00, s15  }
0x50: {  	s9 =	sor.u32 s9, s15  }
0x51: {  	v7 =	vmul.f32 v5, v3;
	v8 =	vmul.f32 v6, v4;
	v5 =	vld [tilespmem:s9+$0x200]  }
0x52: {  	v6 =	vld [tilespmem:s9+$0x280]  }
0x53: {  	s15 =	simm.s32 $0x20;
	s16 =	simm.s32 $0x100;
	v7 =	vadd.f32 v8, v7  }
.LBB2_2:
0x54: {  	s17 =	sand.u32 $0x70, s15  }
0x55: {  	s18 =	sand.u32 $0x1C00, s16;
	[tilespmem:s13+$0x9200] =	vst v7;
	s13 =	smov.u32 s9;
	p0 =	sne.s32 s15, $0x3F0  }
.Ltmp0:
0x56: {  	s15 =	sadd.s32 $0x10, s15;
	s9 =	sor.u32 s17, s18;
	(pc) =	sbr.rel @p0 .LBB2_2-.Ltmp0, $4  }
0x57: {  	v7 =	vmul.f32 v5, v3;
	v5 =	vld [tilespmem:s9+$0x200];
	v8 =	vmul.f32 v6, v4  }
0x58: {  	v6 =	vld [tilespmem:s9+$0x280]  }
0x59: {  	v7 =	vadd.f32 v8, v7  }
0x5a: {  	s16 =	sadd.s32 $0x80, s16  }
0x5b: {  	_ =	sdelay $0x1  }
0x5c: {  	v3 =	vmul.f32 v5, v3;
	v4 =	vmul.f32 v6, v4;
	_ =	sdelay $0x1  }
0x5d: {  	v3 =	vadd.f32 v4, v3  }
0x5e: {  	[tilespmem:s13+$0x9200] =	vst v7  }
0x5f: {  	s17 =	simm.s32 $0x0;
	[tilespmem:s9+$0x9200] =	vst v3  }
0x60: {  	s18 =	sand.u32 $0x70, s17;
	s9 =	sand.u32 $0x1C00, s17;
	v3 =	vld [tilespmem:$0x8300]  }
0x61: {  	v4 =	vld [tilespmem:$0x8380];
	s13 =	sor.u32 s18, s9  }
0x62: {  	v5 =	vld [tilespmem:s13+$0x300]  }
0x63: {  	v6 =	vld [tilespmem:s13+$0x380];
	_ =	sdelay $0x1  }
0x64: {  	s19 =	simm.s32 $0x10;
	s15 =	simm.s32 $0x80  }
0x65: {  	s15 =	sand.u32 $0x1C00, s15;
	s9 =	sand.u32 $0x70, s19  }
0x66: {  	s9 =	sor.u32 s9, s15  }
0x67: {  	v7 =	vmul.f32 v5, v3;
	v8 =	vmul.f32 v6, v4;
	v5 =	vld [tilespmem:s9+$0x300]  }
0x68: {  	v6 =	vld [tilespmem:s9+$0x380]  }
0x69: {  	s16 =	simm.s32 $0x100;
	s15 =	simm.s32 $0x20;
	v7 =	vadd.f32 v8, v7  }
.LBB2_4:
0x6a: {  	s17 =	sand.u32 $0x70, s15  }
0x6b: {  	s18 =	sand.u32 $0x1C00, s16;
	[tilespmem:s13+$0x9280] =	vst v7;
	s13 =	smov.u32 s9;
	p0 =	sne.s32 s15, $0x3F0  }
.Ltmp1:
0x6c: {  	s15 =	sadd.s32 $0x10, s15;
	s9 =	sor.u32 s17, s18;
	(pc) =	sbr.rel @p0 .LBB2_4-.Ltmp1, $4  }
0x6d: {  	v7 =	vmul.f32 v5, v3;
	v5 =	vld [tilespmem:s9+$0x300];
	v8 =	vmul.f32 v6, v4  }
0x6e: {  	v6 =	vld [tilespmem:s9+$0x380]  }
0x6f: {  	v7 =	vadd.f32 v8, v7  }
0x70: {  	s16 =	sadd.s32 $0x80, s16  }
0x71: {  	_ =	sdelay $0x1  }
0x72: {  	v3 =	vmul.f32 v5, v3;
	v4 =	vmul.f32 v6, v4;
	_ =	sdelay $0x1  }
0x73: {  	v3 =	vadd.f32 v4, v3  }
0x74: {  	[tilespmem:s13+$0x9280] =	vst v7  }
0x75: {  	s17 =	simm.s32 $0x0;
	[tilespmem:s9+$0x9280] =	vst v3  }
0x76: {  	s18 =	sand.u32 $0x70, s17;
	s9 =	sand.u32 $0x1C00, s17;
	v3 =	vld [tilespmem:$0x8400]  }
0x77: {  	v4 =	vld [tilespmem:$0x8480];
	s13 =	sor.u32 s18, s9  }
0x78: {  	v5 =	vld [tilespmem:s13+$0x400]  }
0x79: {  	v6 =	vld [tilespmem:s13+$0x480];
	_ =	sdelay $0x1  }
0x7a: {  	s19 =	simm.s32 $0x10;
	s15 =	simm.s32 $0x80  }
0x7b: {  	s15 =	sand.u32 $0x1C00, s15;
	s9 =	sand.u32 $0x70, s19  }
0x7c: {  	s9 =	sor.u32 s9, s15  }
0x7d: {  	v7 =	vmul.f32 v5, v3;
	v8 =	vmul.f32 v6, v4;
	v5 =	vld [tilespmem:s9+$0x400]  }
0x7e: {  	v6 =	vld [tilespmem:s9+$0x480]  }
0x7f: {  	s16 =	simm.s32 $0x100;
	s15 =	simm.s32 $0x20;
	v7 =	vadd.f32 v8, v7  }
.LBB2_6:
0x80: {  	s17 =	sand.u32 $0x70, s15  }
0x81: {  	s18 =	sand.u32 $0x1C00, s16;
	[tilespmem:s13+$0x9300] =	vst v7;
	s13 =	smov.u32 s9;
	p0 =	sne.s32 s15, $0x3F0  }
.Ltmp2:
0x82: {  	s15 =	sadd.s32 $0x10, s15;
	s9 =	sor.u32 s17, s18;
	(pc) =	sbr.rel @p0 .LBB2_6-.Ltmp2, $4  }
0x83: {  	v7 =	vmul.f32 v5, v3;
	v5 =	vld [tilespmem:s9+$0x400];
	v8 =	vmul.f32 v6, v4  }
0x84: {  	v6 =	vld [tilespmem:s9+$0x480]  }
0x85: {  	v7 =	vadd.f32 v8, v7  }
0x86: {  	s16 =	sadd.s32 $0x80, s16  }
0x87: {  	_ =	sdelay $0x1  }
0x88: {  	v3 =	vmul.f32 v5, v3;
	v4 =	vmul.f32 v6, v4;
	_ =	sdelay $0x1  }
0x89: {  	v3 =	vadd.f32 v4, v3  }
0x8a: {  	[tilespmem:s13+$0x9300] =	vst v7  }
0x8b: {  	s17 =	simm.s32 $0x0;
	[tilespmem:s9+$0x9300] =	vst v3  }
0x8c: {  	s18 =	sand.u32 $0x70, s17;
	s15 =	sand.u32 $0x1C00, s17;
	v3 =	vld [tilespmem:$0x8500]  }
0x8d: {  	s13 =	sor.u32 s18, s15;
	s9 =	sor.u32 s17, s17;
	v4 =	vld [tilespmem:$0x8580]  }
0x8e: {  	v5 =	vld [tilespmem:s13+$0x500];
	s9 =	sor.u32 $0x380, s9  }
0x8f: {  	v6 =	vld [tilespmem:s9+$0x200];
	_ =	sdelay $0x4  }
0x90: {  	v5 =	vmul.f32 v5, v3;
	v6 =	vmul.f32 v6, v4  }
0x91: {  	s19 =	simm.s32 $0x10;
	s9 =	simm.s32 $0x80  }
0x92: {  	s16 =	sand.u32 $0x70, s19;
	s17 =	sand.u32 $0x1C00, s9;
	v5 =	vadd.f32 v6, v5  }
0x93: {  	s15 =	simm.s32 $0x20;
	s16 =	sor.u32 s16, s17;
	s17 =	sor.u32 s9, s19  }
.LBB2_8:
0x94: {  	p0 =	sne.s32 s15, $0x3F0;
	v6 =	vld [tilespmem:s16+$0x500];
	s17 =	sor.u32 $0x380, s17;
	[tilespmem:s13+$0x9380] =	vst v5;
	s13 =	smov.u32 s16  }
0x95: {  	v5 =	vld [tilespmem:s17+$0x200];
	_ =	sdelay $0x3  }
.Ltmp3:
0x96: {  	(pc) =	sbr.rel @p0 .LBB2_8-.Ltmp3, $4  }
0x97: {  	v6 =	vmul.f32 v6, v3;
	v5 =	vmul.f32 v5, v4  }
0x98: {  	s9 =	sadd.s32 $0x80, s9  }
0x99: {  	s16 =	sand.u32 $0x70, s15;
	s17 =	sand.u32 $0x1C00, s9;
	v5 =	vadd.f32 v5, v6  }
0x9a: {  	s16 =	sor.u32 s16, s17;
	s17 =	sor.u32 s9, s15;
	s15 =	sadd.s32 $0x10, s15  }
0x9b: {  	v6 =	vld [tilespmem:s16+$0x500];
	s9 =	sor.u32 $0x380, s17;
	[tilespmem:s13+$0x9380] =	vst v5  }
0x9c: {  	v5 =	vld [tilespmem:s9+$0x200];
	_ =	sdelay $0x4  }
0x9d: {  	v3 =	vmul.f32 v6, v3;
	v4 =	vmul.f32 v5, v4;
	_ =	sdelay $0x1  }
0x9e: {  	v3 =	vadd.f32 v4, v3;
	_ =	sdelay $0x1  }
0x9f: {  	s17 =	simm.s32 $0x0;
	[tilespmem:s16+$0x9380] =	vst v3  }
0xa0: {  	s18 =	sand.u32 $0x70, s17;
	s9 =	sand.u32 $0x1C00, s17;
	v3 =	vld [tilespmem:$0x8600]  }
0xa1: {  	s13 =	sor.u32 s18, s9;
	v4 =	vld [tilespmem:$0x8680]  }
0xa2: {  	v5 =	vld [tilespmem:s13+$0x2200]  }
0xa3: {  	v6 =	vld [tilespmem:s13+$0x2280];
	_ =	sdelay $0x1  }
0xa4: {  	s19 =	simm.s32 $0x10;
	s15 =	simm.s32 $0x80  }
0xa5: {  	s15 =	sand.u32 $0x1C00, s15;
	s9 =	sand.u32 $0x70, s19  }
0xa6: {  	s9 =	sor.u32 s9, s15  }
0xa7: {  	v7 =	vmul.f32 v5, v3;
	v8 =	vmul.f32 v6, v4;
	v5 =	vld [tilespmem:s9+$0x2200]  }
0xa8: {  	v6 =	vld [tilespmem:s9+$0x2280]  }
0xa9: {  	s15 =	simm.s32 $0x20;
	s16 =	simm.s32 $0x100;
	v7 =	vadd.f32 v8, v7  }
.LBB2_10:
0xaa: {  	s17 =	sand.u32 $0x70, s15  }
0xab: {  	s18 =	sand.u32 $0x1C00, s16;
	[tilespmem:s13+$0x9400] =	vst v7;
	s13 =	smov.u32 s9;
	p0 =	sne.s32 s15, $0x3F0  }
.Ltmp4:
0xac: {  	s15 =	sadd.s32 $0x10, s15;
	s9 =	sor.u32 s17, s18;
	(pc) =	sbr.rel @p0 .LBB2_10-.Ltmp4, $4  }
0xad: {  	v7 =	vmul.f32 v5, v3;
	v5 =	vld [tilespmem:s9+$0x2200];
	v8 =	vmul.f32 v6, v4  }
0xae: {  	v6 =	vld [tilespmem:s9+$0x2280]  }
0xaf: {  	v7 =	vadd.f32 v8, v7  }
0xb0: {  	s16 =	sadd.s32 $0x80, s16  }
0xb1: {  	_ =	sdelay $0x1  }
0xb2: {  	v3 =	vmul.f32 v5, v3;
	v4 =	vmul.f32 v6, v4;
	_ =	sdelay $0x1  }
0xb3: {  	v3 =	vadd.f32 v4, v3  }
0xb4: {  	[tilespmem:s13+$0x9400] =	vst v7  }
0xb5: {  	s17 =	simm.s32 $0x0;
	[tilespmem:s9+$0x9400] =	vst v3  }
0xb6: {  	s18 =	sand.u32 $0x70, s17;
	s9 =	sand.u32 $0x1C00, s17;
	v3 =	vld [tilespmem:$0x8700]  }
0xb7: {  	v4 =	vld [tilespmem:$0x8780];
	s13 =	sor.u32 s18, s9  }
0xb8: {  	v5 =	vld [tilespmem:s13+$0x2300]  }
0xb9: {  	v6 =	vld [tilespmem:s13+$0x2380];
	_ =	sdelay $0x1  }
0xba: {  	s19 =	simm.s32 $0x10;
	s15 =	simm.s32 $0x80  }
0xbb: {  	s15 =	sand.u32 $0x1C00, s15;
	s9 =	sand.u32 $0x70, s19  }
0xbc: {  	s9 =	sor.u32 s9, s15  }
0xbd: {  	v7 =	vmul.f32 v5, v3;
	v8 =	vmul.f32 v6, v4;
	v5 =	vld [tilespmem:s9+$0x2300]  }
0xbe: {  	v6 =	vld [tilespmem:s9+$0x2380]  }
0xbf: {  	s16 =	simm.s32 $0x100;
	s15 =	simm.s32 $0x20;
	v7 =	vadd.f32 v8, v7  }
.LBB2_12:
0xc0: {  	s17 =	sand.u32 $0x70, s15  }
0xc1: {  	s18 =	sand.u32 $0x1C00, s16;
	[tilespmem:s13+$0x9480] =	vst v7;
	s13 =	smov.u32 s9;
	p0 =	sne.s32 s15, $0x3F0  }
.Ltmp5:
0xc2: {  	s15 =	sadd.s32 $0x10, s15;
	s9 =	sor.u32 s17, s18;
	(pc) =	sbr.rel @p0 .LBB2_12-.Ltmp5, $4  }
0xc3: {  	v7 =	vmul.f32 v5, v3;
	v5 =	vld [tilespmem:s9+$0x2300];
	v8 =	vmul.f32 v6, v4  }
0xc4: {  	v6 =	vld [tilespmem:s9+$0x2380]  }
0xc5: {  	v7 =	vadd.f32 v8, v7  }
0xc6: {  	s16 =	sadd.s32 $0x80, s16  }
0xc7: {  	_ =	sdelay $0x1  }
0xc8: {  	v3 =	vmul.f32 v5, v3;
	v4 =	vmul.f32 v6, v4;
	_ =	sdelay $0x1  }
0xc9: {  	v3 =	vadd.f32 v4, v3  }
0xca: {  	[tilespmem:s13+$0x9480] =	vst v7  }
0xcb: {  	s17 =	simm.s32 $0x0;
	[tilespmem:s9+$0x9480] =	vst v3  }
0xcc: {  	s18 =	sand.u32 $0x70, s17;
	s9 =	sand.u32 $0x1C00, s17;
	v3 =	vld [tilespmem:$0x8800]  }
0xcd: {  	v4 =	vld [tilespmem:$0x8880];
	s13 =	sor.u32 s18, s9  }
0xce: {  	v5 =	vld [tilespmem:s13+$0x2400]  }
0xcf: {  	v6 =	vld [tilespmem:s13+$0x2480];
	_ =	sdelay $0x1  }
0xd0: {  	s19 =	simm.s32 $0x10;
	s15 =	simm.s32 $0x80  }
0xd1: {  	s15 =	sand.u32 $0x1C00, s15;
	s9 =	sand.u32 $0x70, s19  }
0xd2: {  	s9 =	sor.u32 s9, s15  }
0xd3: {  	v7 =	vmul.f32 v5, v3;
	v8 =	vmul.f32 v6, v4;
	v5 =	vld [tilespmem:s9+$0x2400]  }
0xd4: {  	v6 =	vld [tilespmem:s9+$0x2480]  }
0xd5: {  	s16 =	simm.s32 $0x100;
	s15 =	simm.s32 $0x20;
	v7 =	vadd.f32 v8, v7  }
.LBB2_14:
0xd6: {  	s17 =	sand.u32 $0x70, s15  }
0xd7: {  	s18 =	sand.u32 $0x1C00, s16;
	[tilespmem:s13+$0x9500] =	vst v7;
	s13 =	smov.u32 s9;
	p0 =	sne.s32 s15, $0x3F0  }
.Ltmp6:
0xd8: {  	s15 =	sadd.s32 $0x10, s15;
	s9 =	sor.u32 s17, s18;
	(pc) =	sbr.rel @p0 .LBB2_14-.Ltmp6, $4  }
0xd9: {  	v7 =	vmul.f32 v5, v3;
	v5 =	vld [tilespmem:s9+$0x2400];
	v8 =	vmul.f32 v6, v4  }
0xda: {  	v6 =	vld [tilespmem:s9+$0x2480]  }
0xdb: {  	v7 =	vadd.f32 v8, v7  }
0xdc: {  	s16 =	sadd.s32 $0x80, s16  }
0xdd: {  	_ =	sdelay $0x1  }
0xde: {  	v3 =	vmul.f32 v5, v3;
	v4 =	vmul.f32 v6, v4;
	_ =	sdelay $0x1  }
0xdf: {  	v3 =	vadd.f32 v4, v3  }
0xe0: {  	[tilespmem:s13+$0x9500] =	vst v7  }
0xe1: {  	s13 =	simm.s32 $0x0;
	[tilespmem:s9+$0x9500] =	vst v3  }
0xe2: {  	s19 =	sand.u32 $0x70, s13;
	s15 =	sand.u32 $0x1C00, s13;
	v3 =	vld [tilespmem:$0x8900]  }
0xe3: {  	s16 =	sor.u32 s19, s15;
	s15 =	simm.s32 $0x10;
	s9 =	simm.s32 $0x0;
	v4 =	vld [tilespmem:$0x8980]  }
.LBB2_16:
0xe4: {  	p0 =	sne.s32 s15, $0x3F0;
	v5 =	vld [tilespmem:s16+$0x2500]  }
0xe5: {  	v6 =	vld [tilespmem:s16+$0x2580];
	_ =	sdelay $0x4  }
.Ltmp7:
0xe6: {  	v5 =	vmul.f32 v5, v3;
	v6 =	vmul.f32 v6, v4;
	(pc) =	sbr.rel @p0 .LBB2_16-.Ltmp7, $4  }
0xe7: {  	_ = 	snop  }
0xe8: {  	s16 =	sor.u32 s9, s13;
	s9 =	sadd.s32 $0x80, s9;
	s13 =	smov.u32 s15;
	v5 =	vadd.f32 v6, v5  }
0xe9: {  	s17 =	sand.u32 $0x70, s15;
	s18 =	sand.u32 $0x1C00, s9;
	s19 =	sor.u32 $0x380, s16  }
0xea: {  	s15 =	sadd.s32 $0x10, s15;
	s16 =	sor.u32 s17, s18;
	[tilespmem:s19+$0x9200] =	vst v5  }
0xeb: {  	v5 =	vld [tilespmem:s16+$0x2500]  }
0xec: {  	v6 =	vld [tilespmem:s16+$0x2580];
	_ =	sdelay $0x4  }
0xed: {  	v3 =	vmul.f32 v5, v3;
	v4 =	vmul.f32 v6, v4;
	_ =	sdelay $0x1  }
0xee: {  	s9 =	sor.u32 s9, s13;
	v3 =	vadd.f32 v4, v3  }
0xef: {  	s9 =	sor.u32 $0x380, s9  }
0xf0: {  	s17 =	simm.s32 $0x0;
	[tilespmem:s9+$0x9200] =	vst v3  }
0xf1: {  	s18 =	sand.u32 $0x70, s17;
	s9 =	sand.u32 $0x1C00, s17;
	v3 =	vld [tilespmem:$0x8A00]  }
0xf2: {  	v4 =	vld [tilespmem:$0x8A80];
	s13 =	sor.u32 s18, s9  }
0xf3: {  	v5 =	vld [tilespmem:s13+$0x4200]  }
0xf4: {  	v6 =	vld [tilespmem:s13+$0x4280];
	_ =	sdelay $0x1  }
0xf5: {  	s19 =	simm.s32 $0x10;
	s15 =	simm.s32 $0x80  }
0xf6: {  	s15 =	sand.u32 $0x1C00, s15;
	s9 =	sand.u32 $0x70, s19  }
0xf7: {  	s9 =	sor.u32 s9, s15  }
0xf8: {  	v7 =	vmul.f32 v5, v3;
	v8 =	vmul.f32 v6, v4;
	v5 =	vld [tilespmem:s9+$0x4200]  }
0xf9: {  	v6 =	vld [tilespmem:s9+$0x4280]  }
0xfa: {  	s16 =	simm.s32 $0x100;
	s15 =	simm.s32 $0x20;
	v7 =	vadd.f32 v8, v7  }
.LBB2_18:
0xfb: {  	s17 =	sand.u32 $0x70, s15  }
0xfc: {  	s18 =	sand.u32 $0x1C00, s16;
	[tilespmem:s13+$0xB200] =	vst v7;
	s13 =	smov.u32 s9;
	p0 =	sne.s32 s15, $0x3F0  }
.Ltmp8:
0xfd: {  	s15 =	sadd.s32 $0x10, s15;
	s9 =	sor.u32 s17, s18;
	(pc) =	sbr.rel @p0 .LBB2_18-.Ltmp8, $4  }
0xfe: {  	v7 =	vmul.f32 v5, v3;
	v5 =	vld [tilespmem:s9+$0x4200];
	v8 =	vmul.f32 v6, v4  }
0xff: {  	v6 =	vld [tilespmem:s9+$0x4280]  }
0x100: {  	v7 =	vadd.f32 v8, v7  }
0x101: {  	s16 =	sadd.s32 $0x80, s16  }
0x102: {  	_ =	sdelay $0x1  }
0x103: {  	v3 =	vmul.f32 v5, v3;
	v4 =	vmul.f32 v6, v4;
	_ =	sdelay $0x1  }
0x104: {  	v3 =	vadd.f32 v4, v3  }
0x105: {  	[tilespmem:s13+$0xB200] =	vst v7  }
0x106: {  	s17 =	simm.s32 $0x0;
	[tilespmem:s9+$0xB200] =	vst v3  }
0x107: {  	s18 =	sand.u32 $0x70, s17;
	s9 =	sand.u32 $0x1C00, s17;
	v3 =	vld [tilespmem:$0x8B00]  }
0x108: {  	v4 =	vld [tilespmem:$0x8B80];
	s13 =	sor.u32 s18, s9  }
0x109: {  	v5 =	vld [tilespmem:s13+$0x4300]  }
0x10a: {  	v6 =	vld [tilespmem:s13+$0x4380];
	_ =	sdelay $0x1  }
0x10b: {  	s19 =	simm.s32 $0x10;
	s15 =	simm.s32 $0x80  }
0x10c: {  	s15 =	sand.u32 $0x1C00, s15;
	s9 =	sand.u32 $0x70, s19  }
0x10d: {  	s9 =	sor.u32 s9, s15  }
0x10e: {  	v7 =	vmul.f32 v5, v3;
	v8 =	vmul.f32 v6, v4;
	v5 =	vld [tilespmem:s9+$0x4300]  }
0x10f: {  	v6 =	vld [tilespmem:s9+$0x4380]  }
0x110: {  	s16 =	simm.s32 $0x100;
	s15 =	simm.s32 $0x20;
	v7 =	vadd.f32 v8, v7  }
.LBB2_20:
0x111: {  	s17 =	sand.u32 $0x70, s15  }
0x112: {  	s18 =	sand.u32 $0x1C00, s16;
	[tilespmem:s13+$0xB280] =	vst v7;
	s13 =	smov.u32 s9;
	p0 =	sne.s32 s15, $0x3F0  }
.Ltmp9:
0x113: {  	s15 =	sadd.s32 $0x10, s15;
	s9 =	sor.u32 s17, s18;
	(pc) =	sbr.rel @p0 .LBB2_20-.Ltmp9, $4  }
0x114: {  	v7 =	vmul.f32 v5, v3;
	v5 =	vld [tilespmem:s9+$0x4300];
	v8 =	vmul.f32 v6, v4  }
0x115: {  	v6 =	vld [tilespmem:s9+$0x4380]  }
0x116: {  	v7 =	vadd.f32 v8, v7  }
0x117: {  	s16 =	sadd.s32 $0x80, s16  }
0x118: {  	_ =	sdelay $0x1  }
0x119: {  	v3 =	vmul.f32 v5, v3;
	v4 =	vmul.f32 v6, v4;
	_ =	sdelay $0x1  }
0x11a: {  	v3 =	vadd.f32 v4, v3  }
0x11b: {  	[tilespmem:s13+$0xB280] =	vst v7  }
0x11c: {  	s17 =	simm.s32 $0x0;
	[tilespmem:s9+$0xB280] =	vst v3  }
0x11d: {  	s18 =	sand.u32 $0x70, s17;
	s9 =	sand.u32 $0x1C00, s17;
	v3 =	vld [tilespmem:$0x8C00]  }
0x11e: {  	v4 =	vld [tilespmem:$0x8C80];
	s13 =	sor.u32 s18, s9  }
0x11f: {  	v5 =	vld [tilespmem:s13+$0x4400]  }
0x120: {  	v6 =	vld [tilespmem:s13+$0x4480];
	_ =	sdelay $0x1  }
0x121: {  	s19 =	simm.s32 $0x10;
	s15 =	simm.s32 $0x80  }
0x122: {  	s15 =	sand.u32 $0x1C00, s15;
	s9 =	sand.u32 $0x70, s19  }
0x123: {  	s9 =	sor.u32 s9, s15  }
0x124: {  	v7 =	vmul.f32 v5, v3;
	v8 =	vmul.f32 v6, v4;
	v5 =	vld [tilespmem:s9+$0x4400]  }
0x125: {  	v6 =	vld [tilespmem:s9+$0x4480]  }
0x126: {  	s16 =	simm.s32 $0x100;
	s15 =	simm.s32 $0x20;
	v7 =	vadd.f32 v8, v7  }
.LBB2_22:
0x127: {  	s17 =	sand.u32 $0x70, s15  }
0x128: {  	s18 =	sand.u32 $0x1C00, s16;
	[tilespmem:s13+$0xB300] =	vst v7;
	s13 =	smov.u32 s9;
	p0 =	sne.s32 s15, $0x3F0  }
.Ltmp10:
0x129: {  	s15 =	sadd.s32 $0x10, s15;
	s9 =	sor.u32 s17, s18;
	(pc) =	sbr.rel @p0 .LBB2_22-.Ltmp10, $4  }
0x12a: {  	v7 =	vmul.f32 v5, v3;
	v5 =	vld [tilespmem:s9+$0x4400];
	v8 =	vmul.f32 v6, v4  }
0x12b: {  	v6 =	vld [tilespmem:s9+$0x4480]  }
0x12c: {  	v7 =	vadd.f32 v8, v7  }
0x12d: {  	s16 =	sadd.s32 $0x80, s16  }
0x12e: {  	_ =	sdelay $0x1  }
0x12f: {  	v3 =	vmul.f32 v5, v3;
	v4 =	vmul.f32 v6, v4;
	_ =	sdelay $0x1  }
0x130: {  	v3 =	vadd.f32 v4, v3  }
0x131: {  	[tilespmem:s13+$0xB300] =	vst v7  }
0x132: {  	s17 =	simm.s32 $0x0;
	[tilespmem:s9+$0xB300] =	vst v3  }
0x133: {  	s18 =	sand.u32 $0x70, s17;
	s9 =	sand.u32 $0x1C00, s17;
	v3 =	vld [tilespmem:$0x8D00]  }
0x134: {  	v4 =	vld [tilespmem:$0x8D80];
	s13 =	sor.u32 s18, s9  }
0x135: {  	v5 =	vld [tilespmem:s13+$0x4500]  }
0x136: {  	v6 =	vld [tilespmem:s13+$0x4580];
	_ =	sdelay $0x1  }
0x137: {  	s19 =	simm.s32 $0x10;
	s15 =	simm.s32 $0x80  }
0x138: {  	s15 =	sand.u32 $0x1C00, s15;
	s9 =	sand.u32 $0x70, s19  }
0x139: {  	s9 =	sor.u32 s9, s15  }
0x13a: {  	v7 =	vmul.f32 v5, v3;
	v8 =	vmul.f32 v6, v4;
	v5 =	vld [tilespmem:s9+$0x4500]  }
0x13b: {  	v6 =	vld [tilespmem:s9+$0x4580]  }
0x13c: {  	s16 =	simm.s32 $0x100;
	s15 =	simm.s32 $0x20;
	v7 =	vadd.f32 v8, v7  }
.LBB2_24:
0x13d: {  	s17 =	sand.u32 $0x70, s15  }
0x13e: {  	s18 =	sand.u32 $0x1C00, s16;
	[tilespmem:s13+$0xB380] =	vst v7;
	s13 =	smov.u32 s9;
	p0 =	sne.s32 s15, $0x3F0  }
.Ltmp11:
0x13f: {  	s15 =	sadd.s32 $0x10, s15;
	s9 =	sor.u32 s17, s18;
	(pc) =	sbr.rel @p0 .LBB2_24-.Ltmp11, $4  }
0x140: {  	v7 =	vmul.f32 v5, v3;
	v5 =	vld [tilespmem:s9+$0x4500];
	v8 =	vmul.f32 v6, v4  }
0x141: {  	v6 =	vld [tilespmem:s9+$0x4580]  }
0x142: {  	v7 =	vadd.f32 v8, v7  }
0x143: {  	s16 =	sadd.s32 $0x80, s16  }
0x144: {  	_ =	sdelay $0x1  }
0x145: {  	v3 =	vmul.f32 v5, v3;
	v4 =	vmul.f32 v6, v4;
	_ =	sdelay $0x1  }
0x146: {  	v3 =	vadd.f32 v4, v3  }
0x147: {  	[tilespmem:s13+$0xB380] =	vst v7  }
0x148: {  	s17 =	simm.s32 $0x0;
	[tilespmem:s9+$0xB380] =	vst v3  }
0x149: {  	s18 =	sand.u32 $0x70, s17;
	s9 =	sand.u32 $0x1C00, s17;
	v3 =	vld [tilespmem:$0x8E00]  }
0x14a: {  	v4 =	vld [tilespmem:$0x8E80];
	s13 =	sor.u32 s18, s9  }
0x14b: {  	v5 =	vld [tilespmem:s13+$0x6200]  }
0x14c: {  	v6 =	vld [tilespmem:s13+$0x6280];
	_ =	sdelay $0x1  }
0x14d: {  	s19 =	simm.s32 $0x10;
	s15 =	simm.s32 $0x80  }
0x14e: {  	s15 =	sand.u32 $0x1C00, s15;
	s9 =	sand.u32 $0x70, s19  }
0x14f: {  	s9 =	sor.u32 s9, s15  }
0x150: {  	v7 =	vmul.f32 v5, v3;
	v8 =	vmul.f32 v6, v4;
	v5 =	vld [tilespmem:s9+$0x6200]  }
0x151: {  	v6 =	vld [tilespmem:s9+$0x6280]  }
0x152: {  	s16 =	simm.s32 $0x100;
	s15 =	simm.s32 $0x20;
	v7 =	vadd.f32 v8, v7  }
.LBB2_26:
0x153: {  	s17 =	sand.u32 $0x70, s15  }
0x154: {  	s18 =	sand.u32 $0x1C00, s16;
	[tilespmem:s13+$0xB400] =	vst v7;
	s13 =	smov.u32 s9;
	p0 =	sne.s32 s15, $0x3F0  }
.Ltmp12:
0x155: {  	s15 =	sadd.s32 $0x10, s15;
	s9 =	sor.u32 s17, s18;
	(pc) =	sbr.rel @p0 .LBB2_26-.Ltmp12, $4  }
0x156: {  	v7 =	vmul.f32 v5, v3;
	v5 =	vld [tilespmem:s9+$0x6200];
	v8 =	vmul.f32 v6, v4  }
0x157: {  	v6 =	vld [tilespmem:s9+$0x6280]  }
0x158: {  	v7 =	vadd.f32 v8, v7  }
0x159: {  	s16 =	sadd.s32 $0x80, s16  }
0x15a: {  	_ =	sdelay $0x1  }
0x15b: {  	v3 =	vmul.f32 v5, v3;
	v4 =	vmul.f32 v6, v4;
	_ =	sdelay $0x1  }
0x15c: {  	v3 =	vadd.f32 v4, v3  }
0x15d: {  	[tilespmem:s13+$0xB400] =	vst v7  }
0x15e: {  	s17 =	simm.s32 $0x0;
	[tilespmem:s9+$0xB400] =	vst v3  }
0x15f: {  	s18 =	sand.u32 $0x70, s17;
	s9 =	sand.u32 $0x1C00, s17;
	v3 =	vld [tilespmem:$0x8F00]  }
0x160: {  	v4 =	vld [tilespmem:$0x8F80];
	s13 =	sor.u32 s18, s9  }
0x161: {  	v5 =	vld [tilespmem:s13+$0x6300]  }
0x162: {  	v6 =	vld [tilespmem:s13+$0x6380];
	_ =	sdelay $0x1  }
0x163: {  	s19 =	simm.s32 $0x10;
	s15 =	simm.s32 $0x80  }
0x164: {  	s15 =	sand.u32 $0x1C00, s15;
	s9 =	sand.u32 $0x70, s19  }
0x165: {  	s9 =	sor.u32 s9, s15  }
0x166: {  	v7 =	vmul.f32 v5, v3;
	v8 =	vmul.f32 v6, v4;
	v5 =	vld [tilespmem:s9+$0x6300]  }
0x167: {  	v6 =	vld [tilespmem:s9+$0x6380]  }
0x168: {  	s16 =	simm.s32 $0x100;
	s15 =	simm.s32 $0x20;
	v7 =	vadd.f32 v8, v7  }
.LBB2_28:
0x169: {  	s17 =	sand.u32 $0x70, s15  }
0x16a: {  	s18 =	sand.u32 $0x1C00, s16;
	[tilespmem:s13+$0xB480] =	vst v7;
	s13 =	smov.u32 s9;
	p0 =	sne.s32 s15, $0x3F0  }
.Ltmp13:
0x16b: {  	s15 =	sadd.s32 $0x10, s15;
	s9 =	sor.u32 s17, s18;
	(pc) =	sbr.rel @p0 .LBB2_28-.Ltmp13, $4  }
0x16c: {  	v7 =	vmul.f32 v5, v3;
	v5 =	vld [tilespmem:s9+$0x6300];
	v8 =	vmul.f32 v6, v4  }
0x16d: {  	v6 =	vld [tilespmem:s9+$0x6380]  }
0x16e: {  	v7 =	vadd.f32 v8, v7  }
0x16f: {  	s16 =	sadd.s32 $0x80, s16  }
0x170: {  	_ =	sdelay $0x1  }
0x171: {  	v3 =	vmul.f32 v5, v3;
	v4 =	vmul.f32 v6, v4;
	_ =	sdelay $0x1  }
0x172: {  	v3 =	vadd.f32 v4, v3  }
0x173: {  	[tilespmem:s13+$0xB480] =	vst v7  }
0x174: {  	s17 =	simm.s32 $0x0;
	[tilespmem:s9+$0xB480] =	vst v3  }
0x175: {  	s18 =	sand.u32 $0x70, s17;
	s9 =	sand.u32 $0x1C00, s17;
	v3 =	vld [tilespmem:$0x9000]  }
0x176: {  	v4 =	vld [tilespmem:$0x9080];
	s13 =	sor.u32 s18, s9  }
0x177: {  	v5 =	vld [tilespmem:s13+$0x6400]  }
0x178: {  	v6 =	vld [tilespmem:s13+$0x6480];
	_ =	sdelay $0x1  }
0x179: {  	s19 =	simm.s32 $0x10;
	s15 =	simm.s32 $0x80  }
0x17a: {  	s15 =	sand.u32 $0x1C00, s15;
	s9 =	sand.u32 $0x70, s19  }
0x17b: {  	s9 =	sor.u32 s9, s15  }
0x17c: {  	v7 =	vmul.f32 v5, v3;
	v8 =	vmul.f32 v6, v4;
	v5 =	vld [tilespmem:s9+$0x6400]  }
0x17d: {  	v6 =	vld [tilespmem:s9+$0x6480]  }
0x17e: {  	s16 =	simm.s32 $0x100;
	s15 =	simm.s32 $0x20;
	v7 =	vadd.f32 v8, v7  }
.LBB2_30:
0x17f: {  	s17 =	sand.u32 $0x70, s15  }
0x180: {  	s18 =	sand.u32 $0x1C00, s16;
	[tilespmem:s13+$0xB500] =	vst v7;
	s13 =	smov.u32 s9;
	p0 =	sne.s32 s15, $0x3F0  }
.Ltmp14:
0x181: {  	s15 =	sadd.s32 $0x10, s15;
	s9 =	sor.u32 s17, s18;
	(pc) =	sbr.rel @p0 .LBB2_30-.Ltmp14, $4  }
0x182: {  	v7 =	vmul.f32 v5, v3;
	v5 =	vld [tilespmem:s9+$0x6400];
	v8 =	vmul.f32 v6, v4  }
0x183: {  	v6 =	vld [tilespmem:s9+$0x6480]  }
0x184: {  	v7 =	vadd.f32 v8, v7  }
0x185: {  	s16 =	sadd.s32 $0x80, s16  }
0x186: {  	_ =	sdelay $0x1  }
0x187: {  	v3 =	vmul.f32 v5, v3;
	v4 =	vmul.f32 v6, v4;
	_ =	sdelay $0x1  }
0x188: {  	v3 =	vadd.f32 v4, v3  }
0x189: {  	[tilespmem:s13+$0xB500] =	vst v7  }
0x18a: {  	s17 =	simm.s32 $0x0;
	[tilespmem:s9+$0xB500] =	vst v3  }
0x18b: {  	s18 =	sand.u32 $0x70, s17;
	s9 =	sand.u32 $0x1C00, s17;
	v3 =	vld [tilespmem:$0x9100]  }
0x18c: {  	v4 =	vld [tilespmem:$0x9180];
	s13 =	sor.u32 s18, s9  }
0x18d: {  	v5 =	vld [tilespmem:s13+$0x6500]  }
0x18e: {  	v6 =	vld [tilespmem:s13+$0x6580];
	_ =	sdelay $0x1  }
0x18f: {  	s19 =	simm.s32 $0x10;
	s15 =	simm.s32 $0x80  }
0x190: {  	s15 =	sand.u32 $0x1C00, s15;
	s9 =	sand.u32 $0x70, s19  }
0x191: {  	s9 =	sor.u32 s9, s15  }
0x192: {  	v7 =	vmul.f32 v5, v3;
	v8 =	vmul.f32 v6, v4;
	v5 =	vld [tilespmem:s9+$0x6500]  }
0x193: {  	v6 =	vld [tilespmem:s9+$0x6580]  }
0x194: {  	s16 =	simm.s32 $0x100;
	s15 =	simm.s32 $0x20;
	v7 =	vadd.f32 v8, v7  }
.LBB2_32:
0x195: {  	s17 =	sand.u32 $0x70, s15  }
0x196: {  	s18 =	sand.u32 $0x1C00, s16;
	[tilespmem:s13+$0xB580] =	vst v7;
	s13 =	smov.u32 s9;
	p0 =	sne.s32 s15, $0x3F0  }
.Ltmp15:
0x197: {  	s15 =	sadd.s32 $0x10, s15;
	s9 =	sor.u32 s17, s18;
	(pc) =	sbr.rel @p0 .LBB2_32-.Ltmp15, $4  }
0x198: {  	v7 =	vmul.f32 v5, v3;
	v5 =	vld [tilespmem:s9+$0x6500];
	v8 =	vmul.f32 v6, v4  }
0x199: {  	v6 =	vld [tilespmem:s9+$0x6580]  }
0x19a: {  	v7 =	vadd.f32 v8, v7  }
0x19b: {  	s16 =	sadd.s32 $0x80, s16  }
0x19c: {  	_ =	sdelay $0x1  }
0x19d: {  	v3 =	vmul.f32 v5, v3;
	v4 =	vmul.f32 v6, v4;
	_ =	sdelay $0x1  }
0x19e: {  	v3 =	vadd.f32 v4, v3  }
0x19f: {  	[tilespmem:s13+$0xB580] =	vst v7  }
0x1a0: {  	s17 =	rddreg [dreg:$0x4];
	[tilespmem:s9+$0xB580] =	vst v3;
	s9 =	simm.s32 $0x0  }
0x1a1: {  	[hbm4b:s17+s9] =	stream.linear.scatter [tilespmem:s11], [sflag:$0x3], $0x4000, $0x38;
	[tilespmem:$0xD200] =	vst v63  }
0x1a2: {  	_ =	swait.ge [sflag:s14], $0x4000  }
0x1a3: {  	s18 =	simm.s32 $0x20;
	[sflag:s14] =	ssyncset.done $0x0  }
0x1a4: {  	s15 =	simm.s32 $0x8200;
	s16 =	simm.s32 $0x80;
	[sflag:s14] =	ssyncadd.s32 $0xFFFFC000  }
0x1a5: {  	[tilespmem:s15], [sflag:$0x2] =	stream.indirect.gather [hbm4b:s4+s18], $0x80, s16, s18, $0xb8;
	[tilespmem:$0xD200] =	vst v63  }
0x1a6: {  	v3 =	vld [tilespmem:$0x80];
	_ =	sdelay $0x4  }
0x1a7: {  	v4 =	vshll.u32 v3, $0x3  }
0x1a8: {  	v3 =	vand.u32 $0x7, v3;
	v4 =	vand.u32 $0xFFFFFFC0, v4  }
0x1a9: {  	v3 =	vor.u32 v3, v4  }
0x1aa: {  	v4 =	vperm.xlane v3, v0;
	_ =	sdelay $0x1  }
0x1ab: {  	v4 =	vadd.s32 v1, v4;
	_ =	sdelay $0x3  }
0x1ac: {  	s19 =	simm.s32 $0x200  }
0x1ad: {  	[tilespmem:s19], [sflag:$0x1] =	stream.indirect_vreg.gather [hbm4b:s3+s9], $0x80, v4, vm0, $0xb8;
	[tilespmem:$0xD200] =	vst v63  }
0x1ae: {  	s15 =	simm.s32 $0xA00;
	v3 =	vperm.xlane v3, v2  }
0x1af: {  	[tilespmem:s15], [sflag:$0x1] =	stream.indirect_vreg.gather [hbm4b:s6+s9], $0x80, v4, vm0, $0xb8;
	[tilespmem:$0xD200] =	vst v63  }
0x1b0: {  	s16 =	simm.s32 $0x1200;
	v3 =	vadd.s32 v1, v3  }
0x1b1: {  	[tilespmem:s16], [sflag:$0x1] =	stream.indirect_vreg.gather [hbm4b:s7+s9], $0x80, v4, vm0, $0xb8;
	[tilespmem:$0xD200] =	vst v63  }
0x1b2: {  	_ = 	snop  }
0x1b3: {  	[tilespmem:s20], [sflag:$0x1] =	stream.indirect_vreg.gather [hbm4b:s8+s9], $0x80, v4, vm0, $0xb8;
	[tilespmem:$0xD200] =	vst v63  }
0x1b4: {  	_ = 	snop  }
0x1b5: {  	[tilespmem:s21], [sflag:$0x1] =	stream.indirect_vreg.gather [hbm4b:s3+s9], $0x80, v3, vm0, $0xb8;
	[tilespmem:$0xD200] =	vst v63  }
0x1b6: {  	_ = 	snop  }
0x1b7: {  	[tilespmem:s22], [sflag:$0x1] =	stream.indirect_vreg.gather [hbm4b:s6+s9], $0x80, v3, vm0, $0xb8;
	[tilespmem:$0xD200] =	vst v63  }
0x1b8: {  	_ = 	snop  }
0x1b9: {  	[tilespmem:s23], [sflag:$0x1] =	stream.indirect_vreg.gather [hbm4b:s7+s9], $0x80, v3, vm0, $0xb8;
	[tilespmem:$0xD200] =	vst v63  }
0x1ba: {  	_ = 	snop  }
0x1bb: {  	[tilespmem:s24], [sflag:$0x1] =	stream.indirect_vreg.gather [hbm4b:s8+s9], $0x80, v3, vm0, $0xb8;
	[tilespmem:$0xD200] =	vst v63  }
0x1bc: {  	v3 =	vld [tilespmem:$0x90];
	_ =	sdelay $0x4  }
0x1bd: {  	v4 =	vshll.u32 v3, $0x3  }
0x1be: {  	v3 =	vand.u32 $0x7, v3;
	v4 =	vand.u32 $0xFFFFFFC0, v4  }
0x1bf: {  	v3 =	vor.u32 v3, v4  }
0x1c0: {  	v4 =	vperm.xlane v3, v0;
	_ =	sdelay $0x1  }
0x1c1: {  	v4 =	vadd.s32 v1, v4;
	_ =	sdelay $0x4  }
0x1c2: {  	[tilespmem:s25], [sflag:$0x1] =	stream.indirect_vreg.gather [hbm4b:s3+s9], $0x80, v4, vm0, $0xb8;
	[tilespmem:$0xD200] =	vst v63  }
0x1c3: {  	v3 =	vperm.xlane v3, v2  }
0x1c4: {  	[tilespmem:s26], [sflag:$0x1] =	stream.indirect_vreg.gather [hbm4b:s6+s9], $0x80, v4, vm0, $0xb8;
	[tilespmem:$0xD200] =	vst v63  }
0x1c5: {  	v3 =	vadd.s32 v1, v3  }
0x1c6: {  	[tilespmem:s28], [sflag:$0x1] =	stream.indirect_vreg.gather [hbm4b:s7+s9], $0x80, v4, vm0, $0xb8;
	[tilespmem:$0xD200] =	vst v63  }
0x1c7: {  	_ = 	snop  }
0x1c8: {  	[tilespmem:s29], [sflag:$0x1] =	stream.indirect_vreg.gather [hbm4b:s8+s9], $0x80, v4, vm0, $0xb8;
	[tilespmem:$0xD200] =	vst v63  }
0x1c9: {  	_ = 	snop  }
0x1ca: {  	[tilespmem:s30], [sflag:$0x1] =	stream.indirect_vreg.gather [hbm4b:s3+s9], $0x80, v3, vm0, $0xb8;
	[tilespmem:$0xD200] =	vst v63  }
0x1cb: {  	_ = 	snop  }
0x1cc: {  	[tilespmem:s31], [sflag:$0x1] =	stream.indirect_vreg.gather [hbm4b:s6+s9], $0x80, v3, vm0, $0xb8;
	[tilespmem:$0xD200] =	vst v63  }
0x1cd: {  	_ = 	snop  }
0x1ce: {  	[tilespmem:s0], [sflag:$0x1] =	stream.indirect_vreg.gather [hbm4b:s7+s9], $0x80, v3, vm0, $0xb8;
	[tilespmem:$0xD200] =	vst v63  }
0x1cf: {  	_ = 	snop  }
0x1d0: {  	[tilespmem:s1], [sflag:$0x1] =	stream.indirect_vreg.gather [hbm4b:s8+s9], $0x80, v3, vm0, $0xb8;
	[tilespmem:$0xD200] =	vst v63  }
0x1d1: {  	_ =	swait.ge [sflag:s5], $0x8000  }
0x1d2: {  	[sflag:s5] =	ssyncset.done $0x0  }
0x1d3: {  	[sflag:s5] =	ssyncadd.s32 $0xFFFF8000  }
0x1d4: {  	_ =	swait.ge [sflag:s10], $0x1000  }
0x1d5: {  	[sflag:s10] =	ssyncset.done $0x0  }
0x1d6: {  	[sflag:s10] =	ssyncadd.s32 $0xFFFFF000  }
0x1d7: {  	s17 =	sand.u32 $0x70, s9;
	s9 =	sand.u32 $0x1C00, s9;
	v3 =	vld [tilespmem:$0x8200]  }
0x1d8: {  	s13 =	sor.u32 s17, s9;
	v4 =	vld [tilespmem:$0x8280]  }
0x1d9: {  	v5 =	vld [tilespmem:s13+$0x200]  }
0x1da: {  	v6 =	vld [tilespmem:s13+$0x280];
	_ =	sdelay $0x1  }
0x1db: {  	s18 =	simm.s32 $0x10;
	s19 =	simm.s32 $0x80  }
0x1dc: {  	s15 =	sand.u32 $0x1C00, s19;
	s9 =	sand.u32 $0x70, s18  }
0x1dd: {  	s9 =	sor.u32 s9, s15  }
0x1de: {  	v7 =	vmul.f32 v5, v3;
	v8 =	vmul.f32 v6, v4;
	v5 =	vld [tilespmem:s9+$0x200]  }
0x1df: {  	v6 =	vld [tilespmem:s9+$0x280]  }
0x1e0: {  	s16 =	simm.s32 $0x100;
	s15 =	simm.s32 $0x20;
	v7 =	vadd.f32 v8, v7  }
.LBB2_34:
0x1e1: {  	s17 =	sand.u32 $0x70, s15  }
0x1e2: {  	s18 =	sand.u32 $0x1C00, s16;
	[tilespmem:s13+$0x9200] =	vst v7;
	s13 =	smov.u32 s9;
	p0 =	sne.s32 s15, $0x3F0  }
.Ltmp16:
0x1e3: {  	s15 =	sadd.s32 $0x10, s15;
	s9 =	sor.u32 s17, s18;
	(pc) =	sbr.rel @p0 .LBB2_34-.Ltmp16, $4  }
0x1e4: {  	v7 =	vmul.f32 v5, v3;
	v5 =	vld [tilespmem:s9+$0x200];
	v8 =	vmul.f32 v6, v4  }
0x1e5: {  	v6 =	vld [tilespmem:s9+$0x280]  }
0x1e6: {  	v7 =	vadd.f32 v8, v7  }
0x1e7: {  	s16 =	sadd.s32 $0x80, s16  }
0x1e8: {  	_ =	sdelay $0x1  }
0x1e9: {  	v3 =	vmul.f32 v5, v3;
	v4 =	vmul.f32 v6, v4;
	_ =	sdelay $0x1  }
0x1ea: {  	v3 =	vadd.f32 v4, v3  }
0x1eb: {  	[tilespmem:s13+$0x9200] =	vst v7  }
0x1ec: {  	s17 =	simm.s32 $0x0;
	[tilespmem:s9+$0x9200] =	vst v3  }
0x1ed: {  	s18 =	sand.u32 $0x70, s17;
	s9 =	sand.u32 $0x1C00, s17;
	v3 =	vld [tilespmem:$0x8300]  }
0x1ee: {  	v4 =	vld [tilespmem:$0x8380];
	s13 =	sor.u32 s18, s9  }
0x1ef: {  	v5 =	vld [tilespmem:s13+$0x300]  }
0x1f0: {  	v6 =	vld [tilespmem:s13+$0x380];
	_ =	sdelay $0x1  }
0x1f1: {  	s19 =	simm.s32 $0x10;
	s15 =	simm.s32 $0x80  }
0x1f2: {  	s15 =	sand.u32 $0x1C00, s15;
	s9 =	sand.u32 $0x70, s19  }
0x1f3: {  	s9 =	sor.u32 s9, s15  }
0x1f4: {  	v7 =	vmul.f32 v5, v3;
	v8 =	vmul.f32 v6, v4;
	v5 =	vld [tilespmem:s9+$0x300]  }
0x1f5: {  	v6 =	vld [tilespmem:s9+$0x380]  }
0x1f6: {  	s16 =	simm.s32 $0x100;
	s15 =	simm.s32 $0x20;
	v7 =	vadd.f32 v8, v7  }
.LBB2_36:
0x1f7: {  	s17 =	sand.u32 $0x70, s15  }
0x1f8: {  	s18 =	sand.u32 $0x1C00, s16;
	[tilespmem:s13+$0x9280] =	vst v7;
	s13 =	smov.u32 s9;
	p0 =	sne.s32 s15, $0x3F0  }
.Ltmp17:
0x1f9: {  	s15 =	sadd.s32 $0x10, s15;
	s9 =	sor.u32 s17, s18;
	(pc) =	sbr.rel @p0 .LBB2_36-.Ltmp17, $4  }
0x1fa: {  	v7 =	vmul.f32 v5, v3;
	v5 =	vld [tilespmem:s9+$0x300];
	v8 =	vmul.f32 v6, v4  }
0x1fb: {  	v6 =	vld [tilespmem:s9+$0x380]  }
0x1fc: {  	v7 =	vadd.f32 v8, v7  }
0x1fd: {  	s16 =	sadd.s32 $0x80, s16  }
0x1fe: {  	_ =	sdelay $0x1  }
0x1ff: {  	v3 =	vmul.f32 v5, v3;
	v4 =	vmul.f32 v6, v4;
	_ =	sdelay $0x1  }
0x200: {  	v3 =	vadd.f32 v4, v3  }
0x201: {  	[tilespmem:s13+$0x9280] =	vst v7  }
0x202: {  	s17 =	simm.s32 $0x0;
	[tilespmem:s9+$0x9280] =	vst v3  }
0x203: {  	s18 =	sand.u32 $0x70, s17;
	s9 =	sand.u32 $0x1C00, s17;
	v3 =	vld [tilespmem:$0x8400]  }
0x204: {  	v4 =	vld [tilespmem:$0x8480];
	s13 =	sor.u32 s18, s9  }
0x205: {  	v5 =	vld [tilespmem:s13+$0x400]  }
0x206: {  	v6 =	vld [tilespmem:s13+$0x480];
	_ =	sdelay $0x1  }
0x207: {  	s19 =	simm.s32 $0x10;
	s15 =	simm.s32 $0x80  }
0x208: {  	s15 =	sand.u32 $0x1C00, s15;
	s9 =	sand.u32 $0x70, s19  }
0x209: {  	s9 =	sor.u32 s9, s15  }
0x20a: {  	v7 =	vmul.f32 v5, v3;
	v8 =	vmul.f32 v6, v4;
	v5 =	vld [tilespmem:s9+$0x400]  }
0x20b: {  	v6 =	vld [tilespmem:s9+$0x480]  }
0x20c: {  	s16 =	simm.s32 $0x100;
	s15 =	simm.s32 $0x20;
	v7 =	vadd.f32 v8, v7  }
.LBB2_38:
0x20d: {  	s17 =	sand.u32 $0x70, s15  }
0x20e: {  	s18 =	sand.u32 $0x1C00, s16;
	[tilespmem:s13+$0x9300] =	vst v7;
	s13 =	smov.u32 s9;
	p0 =	sne.s32 s15, $0x3F0  }
.Ltmp18:
0x20f: {  	s15 =	sadd.s32 $0x10, s15;
	s9 =	sor.u32 s17, s18;
	(pc) =	sbr.rel @p0 .LBB2_38-.Ltmp18, $4  }
0x210: {  	v7 =	vmul.f32 v5, v3;
	v5 =	vld [tilespmem:s9+$0x400];
	v8 =	vmul.f32 v6, v4  }
0x211: {  	v6 =	vld [tilespmem:s9+$0x480]  }
0x212: {  	v7 =	vadd.f32 v8, v7  }
0x213: {  	s16 =	sadd.s32 $0x80, s16  }
0x214: {  	_ =	sdelay $0x1  }
0x215: {  	v3 =	vmul.f32 v5, v3;
	v4 =	vmul.f32 v6, v4;
	_ =	sdelay $0x1  }
0x216: {  	v3 =	vadd.f32 v4, v3  }
0x217: {  	[tilespmem:s13+$0x9300] =	vst v7  }
0x218: {  	s17 =	simm.s32 $0x0;
	[tilespmem:s9+$0x9300] =	vst v3  }
0x219: {  	s18 =	sand.u32 $0x70, s17;
	s15 =	sand.u32 $0x1C00, s17;
	v3 =	vld [tilespmem:$0x8500]  }
0x21a: {  	s13 =	sor.u32 s18, s15;
	s9 =	sor.u32 s17, s17;
	v4 =	vld [tilespmem:$0x8580]  }
0x21b: {  	v5 =	vld [tilespmem:s13+$0x500];
	s9 =	sor.u32 $0x380, s9  }
0x21c: {  	v6 =	vld [tilespmem:s9+$0x200];
	_ =	sdelay $0x4  }
0x21d: {  	v5 =	vmul.f32 v5, v3;
	v6 =	vmul.f32 v6, v4  }
0x21e: {  	s19 =	simm.s32 $0x10;
	s9 =	simm.s32 $0x80  }
0x21f: {  	s16 =	sand.u32 $0x70, s19;
	s17 =	sand.u32 $0x1C00, s9;
	v5 =	vadd.f32 v6, v5  }
0x220: {  	s15 =	simm.s32 $0x20;
	s16 =	sor.u32 s16, s17;
	s17 =	sor.u32 s9, s19  }
.LBB2_40:
0x221: {  	p0 =	sne.s32 s15, $0x3F0;
	v6 =	vld [tilespmem:s16+$0x500];
	s17 =	sor.u32 $0x380, s17;
	[tilespmem:s13+$0x9380] =	vst v5;
	s13 =	smov.u32 s16  }
0x222: {  	v5 =	vld [tilespmem:s17+$0x200];
	_ =	sdelay $0x3  }
.Ltmp19:
0x223: {  	(pc) =	sbr.rel @p0 .LBB2_40-.Ltmp19, $4  }
0x224: {  	v6 =	vmul.f32 v6, v3;
	v5 =	vmul.f32 v5, v4  }
0x225: {  	s9 =	sadd.s32 $0x80, s9  }
0x226: {  	s16 =	sand.u32 $0x70, s15;
	s17 =	sand.u32 $0x1C00, s9;
	v5 =	vadd.f32 v5, v6  }
0x227: {  	s16 =	sor.u32 s16, s17;
	s17 =	sor.u32 s9, s15;
	s15 =	sadd.s32 $0x10, s15  }
0x228: {  	v6 =	vld [tilespmem:s16+$0x500];
	s9 =	sor.u32 $0x380, s17;
	[tilespmem:s13+$0x9380] =	vst v5  }
0x229: {  	v5 =	vld [tilespmem:s9+$0x200];
	_ =	sdelay $0x4  }
0x22a: {  	v3 =	vmul.f32 v6, v3;
	v4 =	vmul.f32 v5, v4;
	_ =	sdelay $0x1  }
0x22b: {  	v3 =	vadd.f32 v4, v3;
	_ =	sdelay $0x1  }
0x22c: {  	s17 =	simm.s32 $0x0;
	[tilespmem:s16+$0x9380] =	vst v3  }
0x22d: {  	s18 =	sand.u32 $0x70, s17;
	s9 =	sand.u32 $0x1C00, s17;
	v3 =	vld [tilespmem:$0x8600]  }
0x22e: {  	s13 =	sor.u32 s18, s9;
	v4 =	vld [tilespmem:$0x8680]  }
0x22f: {  	v5 =	vld [tilespmem:s13+$0x2200]  }
0x230: {  	v6 =	vld [tilespmem:s13+$0x2280];
	_ =	sdelay $0x1  }
0x231: {  	s19 =	simm.s32 $0x10;
	s15 =	simm.s32 $0x80  }
0x232: {  	s15 =	sand.u32 $0x1C00, s15;
	s9 =	sand.u32 $0x70, s19  }
0x233: {  	s9 =	sor.u32 s9, s15  }
0x234: {  	v7 =	vmul.f32 v5, v3;
	v8 =	vmul.f32 v6, v4;
	v5 =	vld [tilespmem:s9+$0x2200]  }
0x235: {  	v6 =	vld [tilespmem:s9+$0x2280]  }
0x236: {  	s15 =	simm.s32 $0x20;
	s16 =	simm.s32 $0x100;
	v7 =	vadd.f32 v8, v7  }
.LBB2_42:
0x237: {  	s17 =	sand.u32 $0x70, s15  }
0x238: {  	s18 =	sand.u32 $0x1C00, s16;
	[tilespmem:s13+$0x9400] =	vst v7;
	s13 =	smov.u32 s9;
	p0 =	sne.s32 s15, $0x3F0  }
.Ltmp20:
0x239: {  	s15 =	sadd.s32 $0x10, s15;
	s9 =	sor.u32 s17, s18;
	(pc) =	sbr.rel @p0 .LBB2_42-.Ltmp20, $4  }
0x23a: {  	v7 =	vmul.f32 v5, v3;
	v5 =	vld [tilespmem:s9+$0x2200];
	v8 =	vmul.f32 v6, v4  }
0x23b: {  	v6 =	vld [tilespmem:s9+$0x2280]  }
0x23c: {  	v7 =	vadd.f32 v8, v7  }
0x23d: {  	s16 =	sadd.s32 $0x80, s16  }
0x23e: {  	_ =	sdelay $0x1  }
0x23f: {  	v3 =	vmul.f32 v5, v3;
	v4 =	vmul.f32 v6, v4;
	_ =	sdelay $0x1  }
0x240: {  	v3 =	vadd.f32 v4, v3  }
0x241: {  	[tilespmem:s13+$0x9400] =	vst v7  }
0x242: {  	s17 =	simm.s32 $0x0;
	[tilespmem:s9+$0x9400] =	vst v3  }
0x243: {  	s18 =	sand.u32 $0x70, s17;
	s9 =	sand.u32 $0x1C00, s17;
	v3 =	vld [tilespmem:$0x8700]  }
0x244: {  	v4 =	vld [tilespmem:$0x8780];
	s13 =	sor.u32 s18, s9  }
0x245: {  	v5 =	vld [tilespmem:s13+$0x2300]  }
0x246: {  	v6 =	vld [tilespmem:s13+$0x2380];
	_ =	sdelay $0x1  }
0x247: {  	s19 =	simm.s32 $0x10;
	s15 =	simm.s32 $0x80  }
0x248: {  	s15 =	sand.u32 $0x1C00, s15;
	s9 =	sand.u32 $0x70, s19  }
0x249: {  	s9 =	sor.u32 s9, s15  }
0x24a: {  	v7 =	vmul.f32 v5, v3;
	v8 =	vmul.f32 v6, v4;
	v5 =	vld [tilespmem:s9+$0x2300]  }
0x24b: {  	v6 =	vld [tilespmem:s9+$0x2380]  }
0x24c: {  	s16 =	simm.s32 $0x100;
	s15 =	simm.s32 $0x20;
	v7 =	vadd.f32 v8, v7  }
.LBB2_44:
0x24d: {  	s17 =	sand.u32 $0x70, s15  }
0x24e: {  	s18 =	sand.u32 $0x1C00, s16;
	[tilespmem:s13+$0x9480] =	vst v7;
	s13 =	smov.u32 s9;
	p0 =	sne.s32 s15, $0x3F0  }
.Ltmp21:
0x24f: {  	s15 =	sadd.s32 $0x10, s15;
	s9 =	sor.u32 s17, s18;
	(pc) =	sbr.rel @p0 .LBB2_44-.Ltmp21, $4  }
0x250: {  	v7 =	vmul.f32 v5, v3;
	v5 =	vld [tilespmem:s9+$0x2300];
	v8 =	vmul.f32 v6, v4  }
0x251: {  	v6 =	vld [tilespmem:s9+$0x2380]  }
0x252: {  	v7 =	vadd.f32 v8, v7  }
0x253: {  	s16 =	sadd.s32 $0x80, s16  }
0x254: {  	_ =	sdelay $0x1  }
0x255: {  	v3 =	vmul.f32 v5, v3;
	v4 =	vmul.f32 v6, v4;
	_ =	sdelay $0x1  }
0x256: {  	v3 =	vadd.f32 v4, v3  }
0x257: {  	[tilespmem:s13+$0x9480] =	vst v7  }
0x258: {  	s17 =	simm.s32 $0x0;
	[tilespmem:s9+$0x9480] =	vst v3  }
0x259: {  	s18 =	sand.u32 $0x70, s17;
	s9 =	sand.u32 $0x1C00, s17;
	v3 =	vld [tilespmem:$0x8800]  }
0x25a: {  	v4 =	vld [tilespmem:$0x8880];
	s13 =	sor.u32 s18, s9  }
0x25b: {  	v5 =	vld [tilespmem:s13+$0x2400]  }
0x25c: {  	v6 =	vld [tilespmem:s13+$0x2480];
	_ =	sdelay $0x1  }
0x25d: {  	s19 =	simm.s32 $0x10;
	s15 =	simm.s32 $0x80  }
0x25e: {  	s15 =	sand.u32 $0x1C00, s15;
	s9 =	sand.u32 $0x70, s19  }
0x25f: {  	s9 =	sor.u32 s9, s15  }
0x260: {  	v7 =	vmul.f32 v5, v3;
	v8 =	vmul.f32 v6, v4;
	v5 =	vld [tilespmem:s9+$0x2400]  }
0x261: {  	v6 =	vld [tilespmem:s9+$0x2480]  }
0x262: {  	s16 =	simm.s32 $0x100;
	s15 =	simm.s32 $0x20;
	v7 =	vadd.f32 v8, v7  }
.LBB2_46:
0x263: {  	s17 =	sand.u32 $0x70, s15  }
0x264: {  	s18 =	sand.u32 $0x1C00, s16;
	[tilespmem:s13+$0x9500] =	vst v7;
	s13 =	smov.u32 s9;
	p0 =	sne.s32 s15, $0x3F0  }
.Ltmp22:
0x265: {  	s15 =	sadd.s32 $0x10, s15;
	s9 =	sor.u32 s17, s18;
	(pc) =	sbr.rel @p0 .LBB2_46-.Ltmp22, $4  }
0x266: {  	v7 =	vmul.f32 v5, v3;
	v5 =	vld [tilespmem:s9+$0x2400];
	v8 =	vmul.f32 v6, v4  }
0x267: {  	v6 =	vld [tilespmem:s9+$0x2480]  }
0x268: {  	v7 =	vadd.f32 v8, v7  }
0x269: {  	s16 =	sadd.s32 $0x80, s16  }
0x26a: {  	_ =	sdelay $0x1  }
0x26b: {  	v3 =	vmul.f32 v5, v3;
	v4 =	vmul.f32 v6, v4;
	_ =	sdelay $0x1  }
0x26c: {  	v3 =	vadd.f32 v4, v3  }
0x26d: {  	[tilespmem:s13+$0x9500] =	vst v7  }
0x26e: {  	s13 =	simm.s32 $0x0;
	[tilespmem:s9+$0x9500] =	vst v3  }
0x26f: {  	s19 =	sand.u32 $0x70, s13;
	s15 =	sand.u32 $0x1C00, s13;
	v3 =	vld [tilespmem:$0x8900]  }
0x270: {  	s16 =	sor.u32 s19, s15;
	s15 =	simm.s32 $0x10;
	s9 =	simm.s32 $0x0;
	v4 =	vld [tilespmem:$0x8980]  }
.LBB2_48:
0x271: {  	p0 =	sne.s32 s15, $0x3F0;
	v5 =	vld [tilespmem:s16+$0x2500]  }
0x272: {  	v6 =	vld [tilespmem:s16+$0x2580];
	_ =	sdelay $0x4  }
.Ltmp23:
0x273: {  	v5 =	vmul.f32 v5, v3;
	v6 =	vmul.f32 v6, v4;
	(pc) =	sbr.rel @p0 .LBB2_48-.Ltmp23, $4  }
0x274: {  	_ = 	snop  }
0x275: {  	s16 =	sor.u32 s9, s13;
	s9 =	sadd.s32 $0x80, s9;
	s13 =	smov.u32 s15;
	v5 =	vadd.f32 v6, v5  }
0x276: {  	s17 =	sand.u32 $0x70, s15;
	s18 =	sand.u32 $0x1C00, s9;
	s19 =	sor.u32 $0x380, s16  }
0x277: {  	s15 =	sadd.s32 $0x10, s15;
	s16 =	sor.u32 s17, s18;
	[tilespmem:s19+$0x9200] =	vst v5  }
0x278: {  	v5 =	vld [tilespmem:s16+$0x2500]  }
0x279: {  	v6 =	vld [tilespmem:s16+$0x2580];
	_ =	sdelay $0x4  }
0x27a: {  	v3 =	vmul.f32 v5, v3;
	v4 =	vmul.f32 v6, v4;
	_ =	sdelay $0x1  }
0x27b: {  	s9 =	sor.u32 s9, s13;
	v3 =	vadd.f32 v4, v3  }
0x27c: {  	s9 =	sor.u32 $0x380, s9  }
0x27d: {  	s17 =	simm.s32 $0x0;
	[tilespmem:s9+$0x9200] =	vst v3  }
0x27e: {  	s18 =	sand.u32 $0x70, s17;
	s9 =	sand.u32 $0x1C00, s17;
	v3 =	vld [tilespmem:$0x8A00]  }
0x27f: {  	v4 =	vld [tilespmem:$0x8A80];
	s13 =	sor.u32 s18, s9  }
0x280: {  	v5 =	vld [tilespmem:s13+$0x4200]  }
0x281: {  	v6 =	vld [tilespmem:s13+$0x4280];
	_ =	sdelay $0x1  }
0x282: {  	s19 =	simm.s32 $0x10;
	s15 =	simm.s32 $0x80  }
0x283: {  	s15 =	sand.u32 $0x1C00, s15;
	s9 =	sand.u32 $0x70, s19  }
0x284: {  	s9 =	sor.u32 s9, s15  }
0x285: {  	v7 =	vmul.f32 v5, v3;
	v8 =	vmul.f32 v6, v4;
	v5 =	vld [tilespmem:s9+$0x4200]  }
0x286: {  	v6 =	vld [tilespmem:s9+$0x4280]  }
0x287: {  	s16 =	simm.s32 $0x100;
	s15 =	simm.s32 $0x20;
	v7 =	vadd.f32 v8, v7  }
.LBB2_50:
0x288: {  	s17 =	sand.u32 $0x70, s15  }
0x289: {  	s18 =	sand.u32 $0x1C00, s16;
	[tilespmem:s13+$0xB200] =	vst v7;
	s13 =	smov.u32 s9;
	p0 =	sne.s32 s15, $0x3F0  }
.Ltmp24:
0x28a: {  	s15 =	sadd.s32 $0x10, s15;
	s9 =	sor.u32 s17, s18;
	(pc) =	sbr.rel @p0 .LBB2_50-.Ltmp24, $4  }
0x28b: {  	v7 =	vmul.f32 v5, v3;
	v5 =	vld [tilespmem:s9+$0x4200];
	v8 =	vmul.f32 v6, v4  }
0x28c: {  	v6 =	vld [tilespmem:s9+$0x4280]  }
0x28d: {  	v7 =	vadd.f32 v8, v7  }
0x28e: {  	s16 =	sadd.s32 $0x80, s16  }
0x28f: {  	_ =	sdelay $0x1  }
0x290: {  	v3 =	vmul.f32 v5, v3;
	v4 =	vmul.f32 v6, v4;
	_ =	sdelay $0x1  }
0x291: {  	v3 =	vadd.f32 v4, v3  }
0x292: {  	[tilespmem:s13+$0xB200] =	vst v7  }
0x293: {  	s17 =	simm.s32 $0x0;
	[tilespmem:s9+$0xB200] =	vst v3  }
0x294: {  	s18 =	sand.u32 $0x70, s17;
	s9 =	sand.u32 $0x1C00, s17;
	v3 =	vld [tilespmem:$0x8B00]  }
0x295: {  	v4 =	vld [tilespmem:$0x8B80];
	s13 =	sor.u32 s18, s9  }
0x296: {  	v5 =	vld [tilespmem:s13+$0x4300]  }
0x297: {  	v6 =	vld [tilespmem:s13+$0x4380];
	_ =	sdelay $0x1  }
0x298: {  	s19 =	simm.s32 $0x10;
	s15 =	simm.s32 $0x80  }
0x299: {  	s15 =	sand.u32 $0x1C00, s15;
	s9 =	sand.u32 $0x70, s19  }
0x29a: {  	s9 =	sor.u32 s9, s15  }
0x29b: {  	v7 =	vmul.f32 v5, v3;
	v8 =	vmul.f32 v6, v4;
	v5 =	vld [tilespmem:s9+$0x4300]  }
0x29c: {  	v6 =	vld [tilespmem:s9+$0x4380]  }
0x29d: {  	s16 =	simm.s32 $0x100;
	s15 =	simm.s32 $0x20;
	v7 =	vadd.f32 v8, v7  }
.LBB2_52:
0x29e: {  	s17 =	sand.u32 $0x70, s15  }
0x29f: {  	s18 =	sand.u32 $0x1C00, s16;
	[tilespmem:s13+$0xB280] =	vst v7;
	s13 =	smov.u32 s9;
	p0 =	sne.s32 s15, $0x3F0  }
.Ltmp25:
0x2a0: {  	s15 =	sadd.s32 $0x10, s15;
	s9 =	sor.u32 s17, s18;
	(pc) =	sbr.rel @p0 .LBB2_52-.Ltmp25, $4  }
0x2a1: {  	v7 =	vmul.f32 v5, v3;
	v5 =	vld [tilespmem:s9+$0x4300];
	v8 =	vmul.f32 v6, v4  }
0x2a2: {  	v6 =	vld [tilespmem:s9+$0x4380]  }
0x2a3: {  	v7 =	vadd.f32 v8, v7  }
0x2a4: {  	s16 =	sadd.s32 $0x80, s16  }
0x2a5: {  	_ =	sdelay $0x1  }
0x2a6: {  	v3 =	vmul.f32 v5, v3;
	v4 =	vmul.f32 v6, v4;
	_ =	sdelay $0x1  }
0x2a7: {  	v3 =	vadd.f32 v4, v3  }
0x2a8: {  	[tilespmem:s13+$0xB280] =	vst v7  }
0x2a9: {  	s17 =	simm.s32 $0x0;
	[tilespmem:s9+$0xB280] =	vst v3  }
0x2aa: {  	s18 =	sand.u32 $0x70, s17;
	s9 =	sand.u32 $0x1C00, s17;
	v3 =	vld [tilespmem:$0x8C00]  }
0x2ab: {  	v4 =	vld [tilespmem:$0x8C80];
	s13 =	sor.u32 s18, s9  }
0x2ac: {  	v5 =	vld [tilespmem:s13+$0x4400]  }
0x2ad: {  	v6 =	vld [tilespmem:s13+$0x4480];
	_ =	sdelay $0x1  }
0x2ae: {  	s19 =	simm.s32 $0x10;
	s15 =	simm.s32 $0x80  }
0x2af: {  	s15 =	sand.u32 $0x1C00, s15;
	s9 =	sand.u32 $0x70, s19  }
0x2b0: {  	s9 =	sor.u32 s9, s15  }
0x2b1: {  	v7 =	vmul.f32 v5, v3;
	v8 =	vmul.f32 v6, v4;
	v5 =	vld [tilespmem:s9+$0x4400]  }
0x2b2: {  	v6 =	vld [tilespmem:s9+$0x4480]  }
0x2b3: {  	s16 =	simm.s32 $0x100;
	s15 =	simm.s32 $0x20;
	v7 =	vadd.f32 v8, v7  }
.LBB2_54:
0x2b4: {  	s17 =	sand.u32 $0x70, s15  }
0x2b5: {  	s18 =	sand.u32 $0x1C00, s16;
	[tilespmem:s13+$0xB300] =	vst v7;
	s13 =	smov.u32 s9;
	p0 =	sne.s32 s15, $0x3F0  }
.Ltmp26:
0x2b6: {  	s15 =	sadd.s32 $0x10, s15;
	s9 =	sor.u32 s17, s18;
	(pc) =	sbr.rel @p0 .LBB2_54-.Ltmp26, $4  }
0x2b7: {  	v7 =	vmul.f32 v5, v3;
	v5 =	vld [tilespmem:s9+$0x4400];
	v8 =	vmul.f32 v6, v4  }
0x2b8: {  	v6 =	vld [tilespmem:s9+$0x4480]  }
0x2b9: {  	v7 =	vadd.f32 v8, v7  }
0x2ba: {  	s16 =	sadd.s32 $0x80, s16  }
0x2bb: {  	_ =	sdelay $0x1  }
0x2bc: {  	v3 =	vmul.f32 v5, v3;
	v4 =	vmul.f32 v6, v4;
	_ =	sdelay $0x1  }
0x2bd: {  	v3 =	vadd.f32 v4, v3  }
0x2be: {  	[tilespmem:s13+$0xB300] =	vst v7  }
0x2bf: {  	s17 =	simm.s32 $0x0;
	[tilespmem:s9+$0xB300] =	vst v3  }
0x2c0: {  	s18 =	sand.u32 $0x70, s17;
	s9 =	sand.u32 $0x1C00, s17;
	v3 =	vld [tilespmem:$0x8D00]  }
0x2c1: {  	v4 =	vld [tilespmem:$0x8D80];
	s13 =	sor.u32 s18, s9  }
0x2c2: {  	v5 =	vld [tilespmem:s13+$0x4500]  }
0x2c3: {  	v6 =	vld [tilespmem:s13+$0x4580];
	_ =	sdelay $0x1  }
0x2c4: {  	s19 =	simm.s32 $0x10;
	s15 =	simm.s32 $0x80  }
0x2c5: {  	s15 =	sand.u32 $0x1C00, s15;
	s9 =	sand.u32 $0x70, s19  }
0x2c6: {  	s9 =	sor.u32 s9, s15  }
0x2c7: {  	v7 =	vmul.f32 v5, v3;
	v8 =	vmul.f32 v6, v4;
	v5 =	vld [tilespmem:s9+$0x4500]  }
0x2c8: {  	v6 =	vld [tilespmem:s9+$0x4580]  }
0x2c9: {  	s16 =	simm.s32 $0x100;
	s15 =	simm.s32 $0x20;
	v7 =	vadd.f32 v8, v7  }
.LBB2_56:
0x2ca: {  	s17 =	sand.u32 $0x70, s15  }
0x2cb: {  	s18 =	sand.u32 $0x1C00, s16;
	[tilespmem:s13+$0xB380] =	vst v7;
	s13 =	smov.u32 s9;
	p0 =	sne.s32 s15, $0x3F0  }
.Ltmp27:
0x2cc: {  	s15 =	sadd.s32 $0x10, s15;
	s9 =	sor.u32 s17, s18;
	(pc) =	sbr.rel @p0 .LBB2_56-.Ltmp27, $4  }
0x2cd: {  	v7 =	vmul.f32 v5, v3;
	v5 =	vld [tilespmem:s9+$0x4500];
	v8 =	vmul.f32 v6, v4  }
0x2ce: {  	v6 =	vld [tilespmem:s9+$0x4580]  }
0x2cf: {  	v7 =	vadd.f32 v8, v7  }
0x2d0: {  	s16 =	sadd.s32 $0x80, s16  }
0x2d1: {  	_ =	sdelay $0x1  }
0x2d2: {  	v3 =	vmul.f32 v5, v3;
	v4 =	vmul.f32 v6, v4;
	_ =	sdelay $0x1  }
0x2d3: {  	v3 =	vadd.f32 v4, v3  }
0x2d4: {  	[tilespmem:s13+$0xB380] =	vst v7  }
0x2d5: {  	s17 =	simm.s32 $0x0;
	[tilespmem:s9+$0xB380] =	vst v3  }
0x2d6: {  	s18 =	sand.u32 $0x70, s17;
	s9 =	sand.u32 $0x1C00, s17;
	v3 =	vld [tilespmem:$0x8E00]  }
0x2d7: {  	v4 =	vld [tilespmem:$0x8E80];
	s13 =	sor.u32 s18, s9  }
0x2d8: {  	v5 =	vld [tilespmem:s13+$0x6200]  }
0x2d9: {  	v6 =	vld [tilespmem:s13+$0x6280];
	_ =	sdelay $0x1  }
0x2da: {  	s19 =	simm.s32 $0x10;
	s15 =	simm.s32 $0x80  }
0x2db: {  	s15 =	sand.u32 $0x1C00, s15;
	s9 =	sand.u32 $0x70, s19  }
0x2dc: {  	s9 =	sor.u32 s9, s15  }
0x2dd: {  	v7 =	vmul.f32 v5, v3;
	v8 =	vmul.f32 v6, v4;
	v5 =	vld [tilespmem:s9+$0x6200]  }
0x2de: {  	v6 =	vld [tilespmem:s9+$0x6280]  }
0x2df: {  	s16 =	simm.s32 $0x100;
	s15 =	simm.s32 $0x20;
	v7 =	vadd.f32 v8, v7  }
.LBB2_58:
0x2e0: {  	s17 =	sand.u32 $0x70, s15  }
0x2e1: {  	s18 =	sand.u32 $0x1C00, s16;
	[tilespmem:s13+$0xB400] =	vst v7;
	s13 =	smov.u32 s9;
	p0 =	sne.s32 s15, $0x3F0  }
.Ltmp28:
0x2e2: {  	s15 =	sadd.s32 $0x10, s15;
	s9 =	sor.u32 s17, s18;
	(pc) =	sbr.rel @p0 .LBB2_58-.Ltmp28, $4  }
0x2e3: {  	v7 =	vmul.f32 v5, v3;
	v5 =	vld [tilespmem:s9+$0x6200];
	v8 =	vmul.f32 v6, v4  }
0x2e4: {  	v6 =	vld [tilespmem:s9+$0x6280]  }
0x2e5: {  	v7 =	vadd.f32 v8, v7  }
0x2e6: {  	s16 =	sadd.s32 $0x80, s16  }
0x2e7: {  	_ =	sdelay $0x1  }
0x2e8: {  	v3 =	vmul.f32 v5, v3;
	v4 =	vmul.f32 v6, v4;
	_ =	sdelay $0x1  }
0x2e9: {  	v3 =	vadd.f32 v4, v3  }
0x2ea: {  	[tilespmem:s13+$0xB400] =	vst v7  }
0x2eb: {  	s17 =	simm.s32 $0x0;
	[tilespmem:s9+$0xB400] =	vst v3  }
0x2ec: {  	s18 =	sand.u32 $0x70, s17;
	s9 =	sand.u32 $0x1C00, s17;
	v3 =	vld [tilespmem:$0x8F00]  }
0x2ed: {  	v4 =	vld [tilespmem:$0x8F80];
	s13 =	sor.u32 s18, s9  }
0x2ee: {  	v5 =	vld [tilespmem:s13+$0x6300]  }
0x2ef: {  	v6 =	vld [tilespmem:s13+$0x6380];
	_ =	sdelay $0x1  }
0x2f0: {  	s19 =	simm.s32 $0x10;
	s15 =	simm.s32 $0x80  }
0x2f1: {  	s15 =	sand.u32 $0x1C00, s15;
	s9 =	sand.u32 $0x70, s19  }
0x2f2: {  	s9 =	sor.u32 s9, s15  }
0x2f3: {  	v7 =	vmul.f32 v5, v3;
	v8 =	vmul.f32 v6, v4;
	v5 =	vld [tilespmem:s9+$0x6300]  }
0x2f4: {  	v6 =	vld [tilespmem:s9+$0x6380]  }
0x2f5: {  	s16 =	simm.s32 $0x100;
	s15 =	simm.s32 $0x20;
	v7 =	vadd.f32 v8, v7  }
.LBB2_60:
0x2f6: {  	s17 =	sand.u32 $0x70, s15  }
0x2f7: {  	s18 =	sand.u32 $0x1C00, s16;
	[tilespmem:s13+$0xB480] =	vst v7;
	s13 =	smov.u32 s9;
	p0 =	sne.s32 s15, $0x3F0  }
.Ltmp29:
0x2f8: {  	s15 =	sadd.s32 $0x10, s15;
	s9 =	sor.u32 s17, s18;
	(pc) =	sbr.rel @p0 .LBB2_60-.Ltmp29, $4  }
0x2f9: {  	v7 =	vmul.f32 v5, v3;
	v5 =	vld [tilespmem:s9+$0x6300];
	v8 =	vmul.f32 v6, v4  }
0x2fa: {  	v6 =	vld [tilespmem:s9+$0x6380]  }
0x2fb: {  	v7 =	vadd.f32 v8, v7  }
0x2fc: {  	s16 =	sadd.s32 $0x80, s16  }
0x2fd: {  	_ =	sdelay $0x1  }
0x2fe: {  	v3 =	vmul.f32 v5, v3;
	v4 =	vmul.f32 v6, v4;
	_ =	sdelay $0x1  }
0x2ff: {  	v3 =	vadd.f32 v4, v3  }
0x300: {  	[tilespmem:s13+$0xB480] =	vst v7  }
0x301: {  	s17 =	simm.s32 $0x0;
	[tilespmem:s9+$0xB480] =	vst v3  }
0x302: {  	s18 =	sand.u32 $0x70, s17;
	s9 =	sand.u32 $0x1C00, s17;
	v3 =	vld [tilespmem:$0x9000]  }
0x303: {  	v4 =	vld [tilespmem:$0x9080];
	s13 =	sor.u32 s18, s9  }
0x304: {  	v5 =	vld [tilespmem:s13+$0x6400]  }
0x305: {  	v6 =	vld [tilespmem:s13+$0x6480];
	_ =	sdelay $0x1  }
0x306: {  	s19 =	simm.s32 $0x10;
	s15 =	simm.s32 $0x80  }
0x307: {  	s15 =	sand.u32 $0x1C00, s15;
	s9 =	sand.u32 $0x70, s19  }
0x308: {  	s9 =	sor.u32 s9, s15  }
0x309: {  	v7 =	vmul.f32 v5, v3;
	v8 =	vmul.f32 v6, v4;
	v5 =	vld [tilespmem:s9+$0x6400]  }
0x30a: {  	v6 =	vld [tilespmem:s9+$0x6480]  }
0x30b: {  	s16 =	simm.s32 $0x100;
	s15 =	simm.s32 $0x20;
	v7 =	vadd.f32 v8, v7  }
.LBB2_62:
0x30c: {  	s17 =	sand.u32 $0x70, s15  }
0x30d: {  	s18 =	sand.u32 $0x1C00, s16;
	[tilespmem:s13+$0xB500] =	vst v7;
	s13 =	smov.u32 s9;
	p0 =	sne.s32 s15, $0x3F0  }
.Ltmp30:
0x30e: {  	s15 =	sadd.s32 $0x10, s15;
	s9 =	sor.u32 s17, s18;
	(pc) =	sbr.rel @p0 .LBB2_62-.Ltmp30, $4  }
0x30f: {  	v7 =	vmul.f32 v5, v3;
	v5 =	vld [tilespmem:s9+$0x6400];
	v8 =	vmul.f32 v6, v4  }
0x310: {  	v6 =	vld [tilespmem:s9+$0x6480]  }
0x311: {  	v7 =	vadd.f32 v8, v7  }
0x312: {  	s16 =	sadd.s32 $0x80, s16  }
0x313: {  	_ =	sdelay $0x1  }
0x314: {  	v3 =	vmul.f32 v5, v3;
	v4 =	vmul.f32 v6, v4;
	_ =	sdelay $0x1  }
0x315: {  	v3 =	vadd.f32 v4, v3  }
0x316: {  	[tilespmem:s13+$0xB500] =	vst v7  }
0x317: {  	s17 =	simm.s32 $0x0;
	[tilespmem:s9+$0xB500] =	vst v3  }
0x318: {  	s18 =	sand.u32 $0x70, s17;
	s9 =	sand.u32 $0x1C00, s17;
	v3 =	vld [tilespmem:$0x9100]  }
0x319: {  	v4 =	vld [tilespmem:$0x9180];
	s13 =	sor.u32 s18, s9  }
0x31a: {  	v5 =	vld [tilespmem:s13+$0x6500]  }
0x31b: {  	v6 =	vld [tilespmem:s13+$0x6580];
	_ =	sdelay $0x1  }
0x31c: {  	s19 =	simm.s32 $0x10;
	s15 =	simm.s32 $0x80  }
0x31d: {  	s15 =	sand.u32 $0x1C00, s15;
	s9 =	sand.u32 $0x70, s19  }
0x31e: {  	s9 =	sor.u32 s9, s15  }
0x31f: {  	v7 =	vmul.f32 v5, v3;
	v8 =	vmul.f32 v6, v4;
	v5 =	vld [tilespmem:s9+$0x6500]  }
0x320: {  	v6 =	vld [tilespmem:s9+$0x6580]  }
0x321: {  	s16 =	simm.s32 $0x100;
	s15 =	simm.s32 $0x20;
	v7 =	vadd.f32 v8, v7  }
.LBB2_64:
0x322: {  	s17 =	sand.u32 $0x70, s15  }
0x323: {  	s18 =	sand.u32 $0x1C00, s16;
	[tilespmem:s13+$0xB580] =	vst v7;
	s13 =	smov.u32 s9;
	p0 =	sne.s32 s15, $0x3F0  }
.Ltmp31:
0x324: {  	s15 =	sadd.s32 $0x10, s15;
	s9 =	sor.u32 s17, s18;
	(pc) =	sbr.rel @p0 .LBB2_64-.Ltmp31, $4  }
0x325: {  	v7 =	vmul.f32 v5, v3;
	v5 =	vld [tilespmem:s9+$0x6500];
	v8 =	vmul.f32 v6, v4  }
0x326: {  	v6 =	vld [tilespmem:s9+$0x6580]  }
0x327: {  	v7 =	vadd.f32 v8, v7  }
0x328: {  	s16 =	sadd.s32 $0x80, s16  }
0x329: {  	_ =	sdelay $0x1  }
0x32a: {  	v3 =	vmul.f32 v5, v3;
	v4 =	vmul.f32 v6, v4;
	_ =	sdelay $0x1  }
0x32b: {  	v3 =	vadd.f32 v4, v3  }
0x32c: {  	[tilespmem:s13+$0xB580] =	vst v7  }
0x32d: {  	s17 =	rddreg [dreg:$0x5];
	[tilespmem:s9+$0xB580] =	vst v3;
	s9 =	simm.s32 $0x0  }
0x32e: {  	[hbm4b:s17+s9] =	stream.linear.scatter [tilespmem:s11], [sflag:$0x3], $0x4000, $0x38;
	[tilespmem:$0xD200] =	vst v63  }
0x32f: {  	_ =	swait.ge [sflag:s14], $0x4000  }
0x330: {  	s18 =	simm.s32 $0x20;
	[sflag:s14] =	ssyncset.done $0x0  }
0x331: {  	s15 =	simm.s32 $0x8200;
	s16 =	simm.s32 $0x100;
	[sflag:s14] =	ssyncadd.s32 $0xFFFFC000  }
0x332: {  	[tilespmem:s15], [sflag:$0x2] =	stream.indirect.gather [hbm4b:s4+s18], $0x80, s16, s18, $0xb8;
	[tilespmem:$0xD200] =	vst v63  }
0x333: {  	v3 =	vld [tilespmem:$0x100];
	_ =	sdelay $0x4  }
0x334: {  	v4 =	vshll.u32 v3, $0x3  }
0x335: {  	v3 =	vand.u32 $0x7, v3;
	v4 =	vand.u32 $0xFFFFFFC0, v4  }
0x336: {  	v3 =	vor.u32 v3, v4  }
0x337: {  	v4 =	vperm.xlane v3, v0;
	_ =	sdelay $0x1  }
0x338: {  	v4 =	vadd.s32 v1, v4;
	_ =	sdelay $0x3  }
0x339: {  	s19 =	simm.s32 $0x200  }
0x33a: {  	[tilespmem:s19], [sflag:$0x1] =	stream.indirect_vreg.gather [hbm4b:s3+s9], $0x80, v4, vm0, $0xb8;
	[tilespmem:$0xD200] =	vst v63  }
0x33b: {  	s15 =	simm.s32 $0xA00;
	v3 =	vperm.xlane v3, v2  }
0x33c: {  	[tilespmem:s15], [sflag:$0x1] =	stream.indirect_vreg.gather [hbm4b:s6+s9], $0x80, v4, vm0, $0xb8;
	[tilespmem:$0xD200] =	vst v63  }
0x33d: {  	s16 =	simm.s32 $0x1200;
	v3 =	vadd.s32 v1, v3  }
0x33e: {  	[tilespmem:s16], [sflag:$0x1] =	stream.indirect_vreg.gather [hbm4b:s7+s9], $0x80, v4, vm0, $0xb8;
	[tilespmem:$0xD200] =	vst v63  }
0x33f: {  	_ = 	snop  }
0x340: {  	[tilespmem:s20], [sflag:$0x1] =	stream.indirect_vreg.gather [hbm4b:s8+s9], $0x80, v4, vm0, $0xb8;
	[tilespmem:$0xD200] =	vst v63  }
0x341: {  	_ = 	snop  }
0x342: {  	[tilespmem:s21], [sflag:$0x1] =	stream.indirect_vreg.gather [hbm4b:s3+s9], $0x80, v3, vm0, $0xb8;
	[tilespmem:$0xD200] =	vst v63  }
0x343: {  	_ = 	snop  }
0x344: {  	[tilespmem:s22], [sflag:$0x1] =	stream.indirect_vreg.gather [hbm4b:s6+s9], $0x80, v3, vm0, $0xb8;
	[tilespmem:$0xD200] =	vst v63  }
0x345: {  	_ = 	snop  }
0x346: {  	[tilespmem:s23], [sflag:$0x1] =	stream.indirect_vreg.gather [hbm4b:s7+s9], $0x80, v3, vm0, $0xb8;
	[tilespmem:$0xD200] =	vst v63  }
0x347: {  	_ = 	snop  }
0x348: {  	[tilespmem:s24], [sflag:$0x1] =	stream.indirect_vreg.gather [hbm4b:s8+s9], $0x80, v3, vm0, $0xb8;
	[tilespmem:$0xD200] =	vst v63  }
0x349: {  	v3 =	vld [tilespmem:$0x110];
	_ =	sdelay $0x4  }
0x34a: {  	v4 =	vshll.u32 v3, $0x3  }
0x34b: {  	v3 =	vand.u32 $0x7, v3;
	v4 =	vand.u32 $0xFFFFFFC0, v4  }
0x34c: {  	v3 =	vor.u32 v3, v4  }
0x34d: {  	v4 =	vperm.xlane v3, v0;
	_ =	sdelay $0x1  }
0x34e: {  	v4 =	vadd.s32 v1, v4;
	_ =	sdelay $0x4  }
0x34f: {  	[tilespmem:s25], [sflag:$0x1] =	stream.indirect_vreg.gather [hbm4b:s3+s9], $0x80, v4, vm0, $0xb8;
	[tilespmem:$0xD200] =	vst v63  }
0x350: {  	v3 =	vperm.xlane v3, v2  }
0x351: {  	[tilespmem:s26], [sflag:$0x1] =	stream.indirect_vreg.gather [hbm4b:s6+s9], $0x80, v4, vm0, $0xb8;
	[tilespmem:$0xD200] =	vst v63  }
0x352: {  	v3 =	vadd.s32 v1, v3  }
0x353: {  	[tilespmem:s28], [sflag:$0x1] =	stream.indirect_vreg.gather [hbm4b:s7+s9], $0x80, v4, vm0, $0xb8;
	[tilespmem:$0xD200] =	vst v63  }
0x354: {  	_ = 	snop  }
0x355: {  	[tilespmem:s29], [sflag:$0x1] =	stream.indirect_vreg.gather [hbm4b:s8+s9], $0x80, v4, vm0, $0xb8;
	[tilespmem:$0xD200] =	vst v63  }
0x356: {  	_ = 	snop  }
0x357: {  	[tilespmem:s30], [sflag:$0x1] =	stream.indirect_vreg.gather [hbm4b:s3+s9], $0x80, v3, vm0, $0xb8;
	[tilespmem:$0xD200] =	vst v63  }
0x358: {  	_ = 	snop  }
0x359: {  	[tilespmem:s31], [sflag:$0x1] =	stream.indirect_vreg.gather [hbm4b:s6+s9], $0x80, v3, vm0, $0xb8;
	[tilespmem:$0xD200] =	vst v63  }
0x35a: {  	_ = 	snop  }
0x35b: {  	[tilespmem:s0], [sflag:$0x1] =	stream.indirect_vreg.gather [hbm4b:s7+s9], $0x80, v3, vm0, $0xb8;
	[tilespmem:$0xD200] =	vst v63  }
0x35c: {  	_ = 	snop  }
0x35d: {  	[tilespmem:s1], [sflag:$0x1] =	stream.indirect_vreg.gather [hbm4b:s8+s9], $0x80, v3, vm0, $0xb8;
	[tilespmem:$0xD200] =	vst v63  }
0x35e: {  	_ =	swait.ge [sflag:s5], $0x8000  }
0x35f: {  	[sflag:s5] =	ssyncset.done $0x0  }
0x360: {  	[sflag:s5] =	ssyncadd.s32 $0xFFFF8000  }
0x361: {  	_ =	swait.ge [sflag:s10], $0x1000  }
0x362: {  	[sflag:s10] =	ssyncset.done $0x0  }
0x363: {  	[sflag:s10] =	ssyncadd.s32 $0xFFFFF000  }
0x364: {  	s17 =	sand.u32 $0x70, s9;
	s9 =	sand.u32 $0x1C00, s9;
	v3 =	vld [tilespmem:$0x8200]  }
0x365: {  	s13 =	sor.u32 s17, s9;
	v4 =	vld [tilespmem:$0x8280]  }
0x366: {  	v5 =	vld [tilespmem:s13+$0x200]  }
0x367: {  	v6 =	vld [tilespmem:s13+$0x280];
	_ =	sdelay $0x1  }
0x368: {  	s18 =	simm.s32 $0x10;
	s19 =	simm.s32 $0x80  }
0x369: {  	s15 =	sand.u32 $0x1C00, s19;
	s9 =	sand.u32 $0x70, s18  }
0x36a: {  	s9 =	sor.u32 s9, s15  }
0x36b: {  	v7 =	vmul.f32 v5, v3;
	v8 =	vmul.f32 v6, v4;
	v5 =	vld [tilespmem:s9+$0x200]  }
0x36c: {  	v6 =	vld [tilespmem:s9+$0x280]  }
0x36d: {  	s16 =	simm.s32 $0x100;
	s15 =	simm.s32 $0x20;
	v7 =	vadd.f32 v8, v7  }
.LBB2_66:
0x36e: {  	s17 =	sand.u32 $0x70, s15  }
0x36f: {  	s18 =	sand.u32 $0x1C00, s16;
	[tilespmem:s13+$0x9200] =	vst v7;
	s13 =	smov.u32 s9;
	p0 =	sne.s32 s15, $0x3F0  }
.Ltmp32:
0x370: {  	s15 =	sadd.s32 $0x10, s15;
	s9 =	sor.u32 s17, s18;
	(pc) =	sbr.rel @p0 .LBB2_66-.Ltmp32, $4  }
0x371: {  	v7 =	vmul.f32 v5, v3;
	v5 =	vld [tilespmem:s9+$0x200];
	v8 =	vmul.f32 v6, v4  }
0x372: {  	v6 =	vld [tilespmem:s9+$0x280]  }
0x373: {  	v7 =	vadd.f32 v8, v7  }
0x374: {  	s16 =	sadd.s32 $0x80, s16  }
0x375: {  	_ =	sdelay $0x1  }
0x376: {  	v3 =	vmul.f32 v5, v3;
	v4 =	vmul.f32 v6, v4;
	_ =	sdelay $0x1  }
0x377: {  	v3 =	vadd.f32 v4, v3  }
0x378: {  	[tilespmem:s13+$0x9200] =	vst v7  }
0x379: {  	s17 =	simm.s32 $0x0;
	[tilespmem:s9+$0x9200] =	vst v3  }
0x37a: {  	s18 =	sand.u32 $0x70, s17;
	s9 =	sand.u32 $0x1C00, s17;
	v3 =	vld [tilespmem:$0x8300]  }
0x37b: {  	v4 =	vld [tilespmem:$0x8380];
	s13 =	sor.u32 s18, s9  }
0x37c: {  	v5 =	vld [tilespmem:s13+$0x300]  }
0x37d: {  	v6 =	vld [tilespmem:s13+$0x380];
	_ =	sdelay $0x1  }
0x37e: {  	s19 =	simm.s32 $0x10;
	s15 =	simm.s32 $0x80  }
0x37f: {  	s15 =	sand.u32 $0x1C00, s15;
	s9 =	sand.u32 $0x70, s19  }
0x380: {  	s9 =	sor.u32 s9, s15  }
0x381: {  	v7 =	vmul.f32 v5, v3;
	v8 =	vmul.f32 v6, v4;
	v5 =	vld [tilespmem:s9+$0x300]  }
0x382: {  	v6 =	vld [tilespmem:s9+$0x380]  }
0x383: {  	s16 =	simm.s32 $0x100;
	s15 =	simm.s32 $0x20;
	v7 =	vadd.f32 v8, v7  }
.LBB2_68:
0x384: {  	s17 =	sand.u32 $0x70, s15  }
0x385: {  	s18 =	sand.u32 $0x1C00, s16;
	[tilespmem:s13+$0x9280] =	vst v7;
	s13 =	smov.u32 s9;
	p0 =	sne.s32 s15, $0x3F0  }
.Ltmp33:
0x386: {  	s15 =	sadd.s32 $0x10, s15;
	s9 =	sor.u32 s17, s18;
	(pc) =	sbr.rel @p0 .LBB2_68-.Ltmp33, $4  }
0x387: {  	v7 =	vmul.f32 v5, v3;
	v5 =	vld [tilespmem:s9+$0x300];
	v8 =	vmul.f32 v6, v4  }
0x388: {  	v6 =	vld [tilespmem:s9+$0x380]  }
0x389: {  	v7 =	vadd.f32 v8, v7  }
0x38a: {  	s16 =	sadd.s32 $0x80, s16  }
0x38b: {  	_ =	sdelay $0x1  }
0x38c: {  	v3 =	vmul.f32 v5, v3;
	v4 =	vmul.f32 v6, v4;
	_ =	sdelay $0x1  }
0x38d: {  	v3 =	vadd.f32 v4, v3  }
0x38e: {  	[tilespmem:s13+$0x9280] =	vst v7  }
0x38f: {  	s17 =	simm.s32 $0x0;
	[tilespmem:s9+$0x9280] =	vst v3  }
0x390: {  	s18 =	sand.u32 $0x70, s17;
	s9 =	sand.u32 $0x1C00, s17;
	v3 =	vld [tilespmem:$0x8400]  }
0x391: {  	v4 =	vld [tilespmem:$0x8480];
	s13 =	sor.u32 s18, s9  }
0x392: {  	v5 =	vld [tilespmem:s13+$0x400]  }
0x393: {  	v6 =	vld [tilespmem:s13+$0x480];
	_ =	sdelay $0x1  }
0x394: {  	s19 =	simm.s32 $0x10;
	s15 =	simm.s32 $0x80  }
0x395: {  	s15 =	sand.u32 $0x1C00, s15;
	s9 =	sand.u32 $0x70, s19  }
0x396: {  	s9 =	sor.u32 s9, s15  }
0x397: {  	v7 =	vmul.f32 v5, v3;
	v8 =	vmul.f32 v6, v4;
	v5 =	vld [tilespmem:s9+$0x400]  }
0x398: {  	v6 =	vld [tilespmem:s9+$0x480]  }
0x399: {  	s16 =	simm.s32 $0x100;
	s15 =	simm.s32 $0x20;
	v7 =	vadd.f32 v8, v7  }
.LBB2_70:
0x39a: {  	s17 =	sand.u32 $0x70, s15  }
0x39b: {  	s18 =	sand.u32 $0x1C00, s16;
	[tilespmem:s13+$0x9300] =	vst v7;
	s13 =	smov.u32 s9;
	p0 =	sne.s32 s15, $0x3F0  }
.Ltmp34:
0x39c: {  	s15 =	sadd.s32 $0x10, s15;
	s9 =	sor.u32 s17, s18;
	(pc) =	sbr.rel @p0 .LBB2_70-.Ltmp34, $4  }
0x39d: {  	v7 =	vmul.f32 v5, v3;
	v5 =	vld [tilespmem:s9+$0x400];
	v8 =	vmul.f32 v6, v4  }
0x39e: {  	v6 =	vld [tilespmem:s9+$0x480]  }
0x39f: {  	v7 =	vadd.f32 v8, v7  }
0x3a0: {  	s16 =	sadd.s32 $0x80, s16  }
0x3a1: {  	_ =	sdelay $0x1  }
0x3a2: {  	v3 =	vmul.f32 v5, v3;
	v4 =	vmul.f32 v6, v4;
	_ =	sdelay $0x1  }
0x3a3: {  	v3 =	vadd.f32 v4, v3  }
0x3a4: {  	[tilespmem:s13+$0x9300] =	vst v7  }
0x3a5: {  	s17 =	simm.s32 $0x0;
	[tilespmem:s9+$0x9300] =	vst v3  }
0x3a6: {  	s18 =	sand.u32 $0x70, s17;
	s15 =	sand.u32 $0x1C00, s17;
	v3 =	vld [tilespmem:$0x8500]  }
0x3a7: {  	s13 =	sor.u32 s18, s15;
	s9 =	sor.u32 s17, s17;
	v4 =	vld [tilespmem:$0x8580]  }
0x3a8: {  	v5 =	vld [tilespmem:s13+$0x500];
	s9 =	sor.u32 $0x380, s9  }
0x3a9: {  	v6 =	vld [tilespmem:s9+$0x200];
	_ =	sdelay $0x4  }
0x3aa: {  	v5 =	vmul.f32 v5, v3;
	v6 =	vmul.f32 v6, v4  }
0x3ab: {  	s19 =	simm.s32 $0x10;
	s9 =	simm.s32 $0x80  }
0x3ac: {  	s16 =	sand.u32 $0x70, s19;
	s17 =	sand.u32 $0x1C00, s9;
	v5 =	vadd.f32 v6, v5  }
0x3ad: {  	s15 =	simm.s32 $0x20;
	s16 =	sor.u32 s16, s17;
	s17 =	sor.u32 s9, s19  }
.LBB2_72:
0x3ae: {  	p0 =	sne.s32 s15, $0x3F0;
	v6 =	vld [tilespmem:s16+$0x500];
	s17 =	sor.u32 $0x380, s17;
	[tilespmem:s13+$0x9380] =	vst v5;
	s13 =	smov.u32 s16  }
0x3af: {  	v5 =	vld [tilespmem:s17+$0x200];
	_ =	sdelay $0x3  }
.Ltmp35:
0x3b0: {  	(pc) =	sbr.rel @p0 .LBB2_72-.Ltmp35, $4  }
0x3b1: {  	v6 =	vmul.f32 v6, v3;
	v5 =	vmul.f32 v5, v4  }
0x3b2: {  	s9 =	sadd.s32 $0x80, s9  }
0x3b3: {  	s16 =	sand.u32 $0x70, s15;
	s17 =	sand.u32 $0x1C00, s9;
	v5 =	vadd.f32 v5, v6  }
0x3b4: {  	s16 =	sor.u32 s16, s17;
	s17 =	sor.u32 s9, s15;
	s15 =	sadd.s32 $0x10, s15  }
0x3b5: {  	v6 =	vld [tilespmem:s16+$0x500];
	s9 =	sor.u32 $0x380, s17;
	[tilespmem:s13+$0x9380] =	vst v5  }
0x3b6: {  	v5 =	vld [tilespmem:s9+$0x200];
	_ =	sdelay $0x4  }
0x3b7: {  	v3 =	vmul.f32 v6, v3;
	v4 =	vmul.f32 v5, v4;
	_ =	sdelay $0x1  }
0x3b8: {  	v3 =	vadd.f32 v4, v3;
	_ =	sdelay $0x1  }
0x3b9: {  	s17 =	simm.s32 $0x0;
	[tilespmem:s16+$0x9380] =	vst v3  }
0x3ba: {  	s18 =	sand.u32 $0x70, s17;
	s9 =	sand.u32 $0x1C00, s17;
	v3 =	vld [tilespmem:$0x8600]  }
0x3bb: {  	s13 =	sor.u32 s18, s9;
	v4 =	vld [tilespmem:$0x8680]  }
0x3bc: {  	v5 =	vld [tilespmem:s13+$0x2200]  }
0x3bd: {  	v6 =	vld [tilespmem:s13+$0x2280];
	_ =	sdelay $0x1  }
0x3be: {  	s19 =	simm.s32 $0x10;
	s15 =	simm.s32 $0x80  }
0x3bf: {  	s15 =	sand.u32 $0x1C00, s15;
	s9 =	sand.u32 $0x70, s19  }
0x3c0: {  	s9 =	sor.u32 s9, s15  }
0x3c1: {  	v7 =	vmul.f32 v5, v3;
	v8 =	vmul.f32 v6, v4;
	v5 =	vld [tilespmem:s9+$0x2200]  }
0x3c2: {  	v6 =	vld [tilespmem:s9+$0x2280]  }
0x3c3: {  	s15 =	simm.s32 $0x20;
	s16 =	simm.s32 $0x100;
	v7 =	vadd.f32 v8, v7  }
.LBB2_74:
0x3c4: {  	s17 =	sand.u32 $0x70, s15  }
0x3c5: {  	s18 =	sand.u32 $0x1C00, s16;
	[tilespmem:s13+$0x9400] =	vst v7;
	s13 =	smov.u32 s9;
	p0 =	sne.s32 s15, $0x3F0  }
.Ltmp36:
0x3c6: {  	s15 =	sadd.s32 $0x10, s15;
	s9 =	sor.u32 s17, s18;
	(pc) =	sbr.rel @p0 .LBB2_74-.Ltmp36, $4  }
0x3c7: {  	v7 =	vmul.f32 v5, v3;
	v5 =	vld [tilespmem:s9+$0x2200];
	v8 =	vmul.f32 v6, v4  }
0x3c8: {  	v6 =	vld [tilespmem:s9+$0x2280]  }
0x3c9: {  	v7 =	vadd.f32 v8, v7  }
0x3ca: {  	s16 =	sadd.s32 $0x80, s16  }
0x3cb: {  	_ =	sdelay $0x1  }
0x3cc: {  	v3 =	vmul.f32 v5, v3;
	v4 =	vmul.f32 v6, v4;
	_ =	sdelay $0x1  }
0x3cd: {  	v3 =	vadd.f32 v4, v3  }
0x3ce: {  	[tilespmem:s13+$0x9400] =	vst v7  }
0x3cf: {  	s17 =	simm.s32 $0x0;
	[tilespmem:s9+$0x9400] =	vst v3  }
0x3d0: {  	s18 =	sand.u32 $0x70, s17;
	s9 =	sand.u32 $0x1C00, s17;
	v3 =	vld [tilespmem:$0x8700]  }
0x3d1: {  	v4 =	vld [tilespmem:$0x8780];
	s13 =	sor.u32 s18, s9  }
0x3d2: {  	v5 =	vld [tilespmem:s13+$0x2300]  }
0x3d3: {  	v6 =	vld [tilespmem:s13+$0x2380];
	_ =	sdelay $0x1  }
0x3d4: {  	s19 =	simm.s32 $0x10;
	s15 =	simm.s32 $0x80  }
0x3d5: {  	s15 =	sand.u32 $0x1C00, s15;
	s9 =	sand.u32 $0x70, s19  }
0x3d6: {  	s9 =	sor.u32 s9, s15  }
0x3d7: {  	v7 =	vmul.f32 v5, v3;
	v8 =	vmul.f32 v6, v4;
	v5 =	vld [tilespmem:s9+$0x2300]  }
0x3d8: {  	v6 =	vld [tilespmem:s9+$0x2380]  }
0x3d9: {  	s16 =	simm.s32 $0x100;
	s15 =	simm.s32 $0x20;
	v7 =	vadd.f32 v8, v7  }
.LBB2_76:
0x3da: {  	s17 =	sand.u32 $0x70, s15  }
0x3db: {  	s18 =	sand.u32 $0x1C00, s16;
	[tilespmem:s13+$0x9480] =	vst v7;
	s13 =	smov.u32 s9;
	p0 =	sne.s32 s15, $0x3F0  }
.Ltmp37:
0x3dc: {  	s15 =	sadd.s32 $0x10, s15;
	s9 =	sor.u32 s17, s18;
	(pc) =	sbr.rel @p0 .LBB2_76-.Ltmp37, $4  }
0x3dd: {  	v7 =	vmul.f32 v5, v3;
	v5 =	vld [tilespmem:s9+$0x2300];
	v8 =	vmul.f32 v6, v4  }
0x3de: {  	v6 =	vld [tilespmem:s9+$0x2380]  }
0x3df: {  	v7 =	vadd.f32 v8, v7  }
0x3e0: {  	s16 =	sadd.s32 $0x80, s16  }
0x3e1: {  	_ =	sdelay $0x1  }
0x3e2: {  	v3 =	vmul.f32 v5, v3;
	v4 =	vmul.f32 v6, v4;
	_ =	sdelay $0x1  }
0x3e3: {  	v3 =	vadd.f32 v4, v3  }
0x3e4: {  	[tilespmem:s13+$0x9480] =	vst v7  }
0x3e5: {  	s17 =	simm.s32 $0x0;
	[tilespmem:s9+$0x9480] =	vst v3  }
0x3e6: {  	s18 =	sand.u32 $0x70, s17;
	s9 =	sand.u32 $0x1C00, s17;
	v3 =	vld [tilespmem:$0x8800]  }
0x3e7: {  	v4 =	vld [tilespmem:$0x8880];
	s13 =	sor.u32 s18, s9  }
0x3e8: {  	v5 =	vld [tilespmem:s13+$0x2400]  }
0x3e9: {  	v6 =	vld [tilespmem:s13+$0x2480];
	_ =	sdelay $0x1  }
0x3ea: {  	s19 =	simm.s32 $0x10;
	s15 =	simm.s32 $0x80  }
0x3eb: {  	s15 =	sand.u32 $0x1C00, s15;
	s9 =	sand.u32 $0x70, s19  }
0x3ec: {  	s9 =	sor.u32 s9, s15  }
0x3ed: {  	v7 =	vmul.f32 v5, v3;
	v8 =	vmul.f32 v6, v4;
	v5 =	vld [tilespmem:s9+$0x2400]  }
0x3ee: {  	v6 =	vld [tilespmem:s9+$0x2480]  }
0x3ef: {  	s16 =	simm.s32 $0x100;
	s15 =	simm.s32 $0x20;
	v7 =	vadd.f32 v8, v7  }
.LBB2_78:
0x3f0: {  	s17 =	sand.u32 $0x70, s15  }
0x3f1: {  	s18 =	sand.u32 $0x1C00, s16;
	[tilespmem:s13+$0x9500] =	vst v7;
	s13 =	smov.u32 s9;
	p0 =	sne.s32 s15, $0x3F0  }
.Ltmp38:
0x3f2: {  	s15 =	sadd.s32 $0x10, s15;
	s9 =	sor.u32 s17, s18;
	(pc) =	sbr.rel @p0 .LBB2_78-.Ltmp38, $4  }
0x3f3: {  	v7 =	vmul.f32 v5, v3;
	v5 =	vld [tilespmem:s9+$0x2400];
	v8 =	vmul.f32 v6, v4  }
0x3f4: {  	v6 =	vld [tilespmem:s9+$0x2480]  }
0x3f5: {  	v7 =	vadd.f32 v8, v7  }
0x3f6: {  	s16 =	sadd.s32 $0x80, s16  }
0x3f7: {  	_ =	sdelay $0x1  }
0x3f8: {  	v3 =	vmul.f32 v5, v3;
	v4 =	vmul.f32 v6, v4;
	_ =	sdelay $0x1  }
0x3f9: {  	v3 =	vadd.f32 v4, v3  }
0x3fa: {  	[tilespmem:s13+$0x9500] =	vst v7  }
0x3fb: {  	s13 =	simm.s32 $0x0;
	[tilespmem:s9+$0x9500] =	vst v3  }
0x3fc: {  	s19 =	sand.u32 $0x70, s13;
	s15 =	sand.u32 $0x1C00, s13;
	v3 =	vld [tilespmem:$0x8900]  }
0x3fd: {  	s16 =	sor.u32 s19, s15;
	s15 =	simm.s32 $0x10;
	s9 =	simm.s32 $0x0;
	v4 =	vld [tilespmem:$0x8980]  }
.LBB2_80:
0x3fe: {  	p0 =	sne.s32 s15, $0x3F0;
	v5 =	vld [tilespmem:s16+$0x2500]  }
0x3ff: {  	v6 =	vld [tilespmem:s16+$0x2580];
	_ =	sdelay $0x4  }
.Ltmp39:
0x400: {  	v5 =	vmul.f32 v5, v3;
	v6 =	vmul.f32 v6, v4;
	(pc) =	sbr.rel @p0 .LBB2_80-.Ltmp39, $4  }
0x401: {  	_ = 	snop  }
0x402: {  	s16 =	sor.u32 s9, s13;
	s9 =	sadd.s32 $0x80, s9;
	s13 =	smov.u32 s15;
	v5 =	vadd.f32 v6, v5  }
0x403: {  	s17 =	sand.u32 $0x70, s15;
	s18 =	sand.u32 $0x1C00, s9;
	s19 =	sor.u32 $0x380, s16  }
0x404: {  	s15 =	sadd.s32 $0x10, s15;
	s16 =	sor.u32 s17, s18;
	[tilespmem:s19+$0x9200] =	vst v5  }
0x405: {  	v5 =	vld [tilespmem:s16+$0x2500]  }
0x406: {  	v6 =	vld [tilespmem:s16+$0x2580];
	_ =	sdelay $0x4  }
0x407: {  	v3 =	vmul.f32 v5, v3;
	v4 =	vmul.f32 v6, v4;
	_ =	sdelay $0x1  }
0x408: {  	s9 =	sor.u32 s9, s13;
	v3 =	vadd.f32 v4, v3  }
0x409: {  	s9 =	sor.u32 $0x380, s9  }
0x40a: {  	s17 =	simm.s32 $0x0;
	[tilespmem:s9+$0x9200] =	vst v3  }
0x40b: {  	s18 =	sand.u32 $0x70, s17;
	s9 =	sand.u32 $0x1C00, s17;
	v3 =	vld [tilespmem:$0x8A00]  }
0x40c: {  	v4 =	vld [tilespmem:$0x8A80];
	s13 =	sor.u32 s18, s9  }
0x40d: {  	v5 =	vld [tilespmem:s13+$0x4200]  }
0x40e: {  	v6 =	vld [tilespmem:s13+$0x4280];
	_ =	sdelay $0x1  }
0x40f: {  	s19 =	simm.s32 $0x10;
	s15 =	simm.s32 $0x80  }
0x410: {  	s15 =	sand.u32 $0x1C00, s15;
	s9 =	sand.u32 $0x70, s19  }
0x411: {  	s9 =	sor.u32 s9, s15  }
0x412: {  	v7 =	vmul.f32 v5, v3;
	v8 =	vmul.f32 v6, v4;
	v5 =	vld [tilespmem:s9+$0x4200]  }
0x413: {  	v6 =	vld [tilespmem:s9+$0x4280]  }
0x414: {  	s16 =	simm.s32 $0x100;
	s15 =	simm.s32 $0x20;
	v7 =	vadd.f32 v8, v7  }
.LBB2_82:
0x415: {  	s17 =	sand.u32 $0x70, s15  }
0x416: {  	s18 =	sand.u32 $0x1C00, s16;
	[tilespmem:s13+$0xB200] =	vst v7;
	s13 =	smov.u32 s9;
	p0 =	sne.s32 s15, $0x3F0  }
.Ltmp40:
0x417: {  	s15 =	sadd.s32 $0x10, s15;
	s9 =	sor.u32 s17, s18;
	(pc) =	sbr.rel @p0 .LBB2_82-.Ltmp40, $4  }
0x418: {  	v7 =	vmul.f32 v5, v3;
	v5 =	vld [tilespmem:s9+$0x4200];
	v8 =	vmul.f32 v6, v4  }
0x419: {  	v6 =	vld [tilespmem:s9+$0x4280]  }
0x41a: {  	v7 =	vadd.f32 v8, v7  }
0x41b: {  	s16 =	sadd.s32 $0x80, s16  }
0x41c: {  	_ =	sdelay $0x1  }
0x41d: {  	v3 =	vmul.f32 v5, v3;
	v4 =	vmul.f32 v6, v4;
	_ =	sdelay $0x1  }
0x41e: {  	v3 =	vadd.f32 v4, v3  }
0x41f: {  	[tilespmem:s13+$0xB200] =	vst v7  }
0x420: {  	s17 =	simm.s32 $0x0;
	[tilespmem:s9+$0xB200] =	vst v3  }
0x421: {  	s18 =	sand.u32 $0x70, s17;
	s9 =	sand.u32 $0x1C00, s17;
	v3 =	vld [tilespmem:$0x8B00]  }
0x422: {  	v4 =	vld [tilespmem:$0x8B80];
	s13 =	sor.u32 s18, s9  }
0x423: {  	v5 =	vld [tilespmem:s13+$0x4300]  }
0x424: {  	v6 =	vld [tilespmem:s13+$0x4380];
	_ =	sdelay $0x1  }
0x425: {  	s19 =	simm.s32 $0x10;
	s15 =	simm.s32 $0x80  }
0x426: {  	s15 =	sand.u32 $0x1C00, s15;
	s9 =	sand.u32 $0x70, s19  }
0x427: {  	s9 =	sor.u32 s9, s15  }
0x428: {  	v7 =	vmul.f32 v5, v3;
	v8 =	vmul.f32 v6, v4;
	v5 =	vld [tilespmem:s9+$0x4300]  }
0x429: {  	v6 =	vld [tilespmem:s9+$0x4380]  }
0x42a: {  	s16 =	simm.s32 $0x100;
	s15 =	simm.s32 $0x20;
	v7 =	vadd.f32 v8, v7  }
.LBB2_84:
0x42b: {  	s17 =	sand.u32 $0x70, s15  }
0x42c: {  	s18 =	sand.u32 $0x1C00, s16;
	[tilespmem:s13+$0xB280] =	vst v7;
	s13 =	smov.u32 s9;
	p0 =	sne.s32 s15, $0x3F0  }
.Ltmp41:
0x42d: {  	s15 =	sadd.s32 $0x10, s15;
	s9 =	sor.u32 s17, s18;
	(pc) =	sbr.rel @p0 .LBB2_84-.Ltmp41, $4  }
0x42e: {  	v7 =	vmul.f32 v5, v3;
	v5 =	vld [tilespmem:s9+$0x4300];
	v8 =	vmul.f32 v6, v4  }
0x42f: {  	v6 =	vld [tilespmem:s9+$0x4380]  }
0x430: {  	v7 =	vadd.f32 v8, v7  }
0x431: {  	s16 =	sadd.s32 $0x80, s16  }
0x432: {  	_ =	sdelay $0x1  }
0x433: {  	v3 =	vmul.f32 v5, v3;
	v4 =	vmul.f32 v6, v4;
	_ =	sdelay $0x1  }
0x434: {  	v3 =	vadd.f32 v4, v3  }
0x435: {  	[tilespmem:s13+$0xB280] =	vst v7  }
0x436: {  	s17 =	simm.s32 $0x0;
	[tilespmem:s9+$0xB280] =	vst v3  }
0x437: {  	s18 =	sand.u32 $0x70, s17;
	s9 =	sand.u32 $0x1C00, s17;
	v3 =	vld [tilespmem:$0x8C00]  }
0x438: {  	v4 =	vld [tilespmem:$0x8C80];
	s13 =	sor.u32 s18, s9  }
0x439: {  	v5 =	vld [tilespmem:s13+$0x4400]  }
0x43a: {  	v6 =	vld [tilespmem:s13+$0x4480];
	_ =	sdelay $0x1  }
0x43b: {  	s19 =	simm.s32 $0x10;
	s15 =	simm.s32 $0x80  }
0x43c: {  	s15 =	sand.u32 $0x1C00, s15;
	s9 =	sand.u32 $0x70, s19  }
0x43d: {  	s9 =	sor.u32 s9, s15  }
0x43e: {  	v7 =	vmul.f32 v5, v3;
	v8 =	vmul.f32 v6, v4;
	v5 =	vld [tilespmem:s9+$0x4400]  }
0x43f: {  	v6 =	vld [tilespmem:s9+$0x4480]  }
0x440: {  	s16 =	simm.s32 $0x100;
	s15 =	simm.s32 $0x20;
	v7 =	vadd.f32 v8, v7  }
.LBB2_86:
0x441: {  	s17 =	sand.u32 $0x70, s15  }
0x442: {  	s18 =	sand.u32 $0x1C00, s16;
	[tilespmem:s13+$0xB300] =	vst v7;
	s13 =	smov.u32 s9;
	p0 =	sne.s32 s15, $0x3F0  }
.Ltmp42:
0x443: {  	s15 =	sadd.s32 $0x10, s15;
	s9 =	sor.u32 s17, s18;
	(pc) =	sbr.rel @p0 .LBB2_86-.Ltmp42, $4  }
0x444: {  	v7 =	vmul.f32 v5, v3;
	v5 =	vld [tilespmem:s9+$0x4400];
	v8 =	vmul.f32 v6, v4  }
0x445: {  	v6 =	vld [tilespmem:s9+$0x4480]  }
0x446: {  	v7 =	vadd.f32 v8, v7  }
0x447: {  	s16 =	sadd.s32 $0x80, s16  }
0x448: {  	_ =	sdelay $0x1  }
0x449: {  	v3 =	vmul.f32 v5, v3;
	v4 =	vmul.f32 v6, v4;
	_ =	sdelay $0x1  }
0x44a: {  	v3 =	vadd.f32 v4, v3  }
0x44b: {  	[tilespmem:s13+$0xB300] =	vst v7  }
0x44c: {  	s17 =	simm.s32 $0x0;
	[tilespmem:s9+$0xB300] =	vst v3  }
0x44d: {  	s18 =	sand.u32 $0x70, s17;
	s9 =	sand.u32 $0x1C00, s17;
	v3 =	vld [tilespmem:$0x8D00]  }
0x44e: {  	v4 =	vld [tilespmem:$0x8D80];
	s13 =	sor.u32 s18, s9  }
0x44f: {  	v5 =	vld [tilespmem:s13+$0x4500]  }
0x450: {  	v6 =	vld [tilespmem:s13+$0x4580];
	_ =	sdelay $0x1  }
0x451: {  	s19 =	simm.s32 $0x10;
	s15 =	simm.s32 $0x80  }
0x452: {  	s15 =	sand.u32 $0x1C00, s15;
	s9 =	sand.u32 $0x70, s19  }
0x453: {  	s9 =	sor.u32 s9, s15  }
0x454: {  	v7 =	vmul.f32 v5, v3;
	v8 =	vmul.f32 v6, v4;
	v5 =	vld [tilespmem:s9+$0x4500]  }
0x455: {  	v6 =	vld [tilespmem:s9+$0x4580]  }
0x456: {  	s16 =	simm.s32 $0x100;
	s15 =	simm.s32 $0x20;
	v7 =	vadd.f32 v8, v7  }
.LBB2_88:
0x457: {  	s17 =	sand.u32 $0x70, s15  }
0x458: {  	s18 =	sand.u32 $0x1C00, s16;
	[tilespmem:s13+$0xB380] =	vst v7;
	s13 =	smov.u32 s9;
	p0 =	sne.s32 s15, $0x3F0  }
.Ltmp43:
0x459: {  	s15 =	sadd.s32 $0x10, s15;
	s9 =	sor.u32 s17, s18;
	(pc) =	sbr.rel @p0 .LBB2_88-.Ltmp43, $4  }
0x45a: {  	v7 =	vmul.f32 v5, v3;
	v5 =	vld [tilespmem:s9+$0x4500];
	v8 =	vmul.f32 v6, v4  }
0x45b: {  	v6 =	vld [tilespmem:s9+$0x4580]  }
0x45c: {  	v7 =	vadd.f32 v8, v7  }
0x45d: {  	s16 =	sadd.s32 $0x80, s16  }
0x45e: {  	_ =	sdelay $0x1  }
0x45f: {  	v3 =	vmul.f32 v5, v3;
	v4 =	vmul.f32 v6, v4;
	_ =	sdelay $0x1  }
0x460: {  	v3 =	vadd.f32 v4, v3  }
0x461: {  	[tilespmem:s13+$0xB380] =	vst v7  }
0x462: {  	s17 =	simm.s32 $0x0;
	[tilespmem:s9+$0xB380] =	vst v3  }
0x463: {  	s18 =	sand.u32 $0x70, s17;
	s9 =	sand.u32 $0x1C00, s17;
	v3 =	vld [tilespmem:$0x8E00]  }
0x464: {  	v4 =	vld [tilespmem:$0x8E80];
	s13 =	sor.u32 s18, s9  }
0x465: {  	v5 =	vld [tilespmem:s13+$0x6200]  }
0x466: {  	v6 =	vld [tilespmem:s13+$0x6280];
	_ =	sdelay $0x1  }
0x467: {  	s19 =	simm.s32 $0x10;
	s15 =	simm.s32 $0x80  }
0x468: {  	s15 =	sand.u32 $0x1C00, s15;
	s9 =	sand.u32 $0x70, s19  }
0x469: {  	s9 =	sor.u32 s9, s15  }
0x46a: {  	v7 =	vmul.f32 v5, v3;
	v8 =	vmul.f32 v6, v4;
	v5 =	vld [tilespmem:s9+$0x6200]  }
0x46b: {  	v6 =	vld [tilespmem:s9+$0x6280]  }
0x46c: {  	s16 =	simm.s32 $0x100;
	s15 =	simm.s32 $0x20;
	v7 =	vadd.f32 v8, v7  }
.LBB2_90:
0x46d: {  	s17 =	sand.u32 $0x70, s15  }
0x46e: {  	s18 =	sand.u32 $0x1C00, s16;
	[tilespmem:s13+$0xB400] =	vst v7;
	s13 =	smov.u32 s9;
	p0 =	sne.s32 s15, $0x3F0  }
.Ltmp44:
0x46f: {  	s15 =	sadd.s32 $0x10, s15;
	s9 =	sor.u32 s17, s18;
	(pc) =	sbr.rel @p0 .LBB2_90-.Ltmp44, $4  }
0x470: {  	v7 =	vmul.f32 v5, v3;
	v5 =	vld [tilespmem:s9+$0x6200];
	v8 =	vmul.f32 v6, v4  }
0x471: {  	v6 =	vld [tilespmem:s9+$0x6280]  }
0x472: {  	v7 =	vadd.f32 v8, v7  }
0x473: {  	s16 =	sadd.s32 $0x80, s16  }
0x474: {  	_ =	sdelay $0x1  }
0x475: {  	v3 =	vmul.f32 v5, v3;
	v4 =	vmul.f32 v6, v4;
	_ =	sdelay $0x1  }
0x476: {  	v3 =	vadd.f32 v4, v3  }
0x477: {  	[tilespmem:s13+$0xB400] =	vst v7  }
0x478: {  	s17 =	simm.s32 $0x0;
	[tilespmem:s9+$0xB400] =	vst v3  }
0x479: {  	s18 =	sand.u32 $0x70, s17;
	s9 =	sand.u32 $0x1C00, s17;
	v3 =	vld [tilespmem:$0x8F00]  }
0x47a: {  	v4 =	vld [tilespmem:$0x8F80];
	s13 =	sor.u32 s18, s9  }
0x47b: {  	v5 =	vld [tilespmem:s13+$0x6300]  }
0x47c: {  	v6 =	vld [tilespmem:s13+$0x6380];
	_ =	sdelay $0x1  }
0x47d: {  	s19 =	simm.s32 $0x10;
	s15 =	simm.s32 $0x80  }
0x47e: {  	s15 =	sand.u32 $0x1C00, s15;
	s9 =	sand.u32 $0x70, s19  }
0x47f: {  	s9 =	sor.u32 s9, s15  }
0x480: {  	v7 =	vmul.f32 v5, v3;
	v8 =	vmul.f32 v6, v4;
	v5 =	vld [tilespmem:s9+$0x6300]  }
0x481: {  	v6 =	vld [tilespmem:s9+$0x6380]  }
0x482: {  	s16 =	simm.s32 $0x100;
	s15 =	simm.s32 $0x20;
	v7 =	vadd.f32 v8, v7  }
.LBB2_92:
0x483: {  	s17 =	sand.u32 $0x70, s15  }
0x484: {  	s18 =	sand.u32 $0x1C00, s16;
	[tilespmem:s13+$0xB480] =	vst v7;
	s13 =	smov.u32 s9;
	p0 =	sne.s32 s15, $0x3F0  }
.Ltmp45:
0x485: {  	s15 =	sadd.s32 $0x10, s15;
	s9 =	sor.u32 s17, s18;
	(pc) =	sbr.rel @p0 .LBB2_92-.Ltmp45, $4  }
0x486: {  	v7 =	vmul.f32 v5, v3;
	v5 =	vld [tilespmem:s9+$0x6300];
	v8 =	vmul.f32 v6, v4  }
0x487: {  	v6 =	vld [tilespmem:s9+$0x6380]  }
0x488: {  	v7 =	vadd.f32 v8, v7  }
0x489: {  	s16 =	sadd.s32 $0x80, s16  }
0x48a: {  	_ =	sdelay $0x1  }
0x48b: {  	v3 =	vmul.f32 v5, v3;
	v4 =	vmul.f32 v6, v4;
	_ =	sdelay $0x1  }
0x48c: {  	v3 =	vadd.f32 v4, v3  }
0x48d: {  	[tilespmem:s13+$0xB480] =	vst v7  }
0x48e: {  	s17 =	simm.s32 $0x0;
	[tilespmem:s9+$0xB480] =	vst v3  }
0x48f: {  	s18 =	sand.u32 $0x70, s17;
	s9 =	sand.u32 $0x1C00, s17;
	v3 =	vld [tilespmem:$0x9000]  }
0x490: {  	v4 =	vld [tilespmem:$0x9080];
	s13 =	sor.u32 s18, s9  }
0x491: {  	v5 =	vld [tilespmem:s13+$0x6400]  }
0x492: {  	v6 =	vld [tilespmem:s13+$0x6480];
	_ =	sdelay $0x1  }
0x493: {  	s19 =	simm.s32 $0x10;
	s15 =	simm.s32 $0x80  }
0x494: {  	s15 =	sand.u32 $0x1C00, s15;
	s9 =	sand.u32 $0x70, s19  }
0x495: {  	s9 =	sor.u32 s9, s15  }
0x496: {  	v7 =	vmul.f32 v5, v3;
	v8 =	vmul.f32 v6, v4;
	v5 =	vld [tilespmem:s9+$0x6400]  }
0x497: {  	v6 =	vld [tilespmem:s9+$0x6480]  }
0x498: {  	s16 =	simm.s32 $0x100;
	s15 =	simm.s32 $0x20;
	v7 =	vadd.f32 v8, v7  }
.LBB2_94:
0x499: {  	s17 =	sand.u32 $0x70, s15  }
0x49a: {  	s18 =	sand.u32 $0x1C00, s16;
	[tilespmem:s13+$0xB500] =	vst v7;
	s13 =	smov.u32 s9;
	p0 =	sne.s32 s15, $0x3F0  }
.Ltmp46:
0x49b: {  	s15 =	sadd.s32 $0x10, s15;
	s9 =	sor.u32 s17, s18;
	(pc) =	sbr.rel @p0 .LBB2_94-.Ltmp46, $4  }
0x49c: {  	v7 =	vmul.f32 v5, v3;
	v5 =	vld [tilespmem:s9+$0x6400];
	v8 =	vmul.f32 v6, v4  }
0x49d: {  	v6 =	vld [tilespmem:s9+$0x6480]  }
0x49e: {  	v7 =	vadd.f32 v8, v7  }
0x49f: {  	s16 =	sadd.s32 $0x80, s16  }
0x4a0: {  	_ =	sdelay $0x1  }
0x4a1: {  	v3 =	vmul.f32 v5, v3;
	v4 =	vmul.f32 v6, v4;
	_ =	sdelay $0x1  }
0x4a2: {  	v3 =	vadd.f32 v4, v3  }
0x4a3: {  	[tilespmem:s13+$0xB500] =	vst v7  }
0x4a4: {  	s17 =	simm.s32 $0x0;
	[tilespmem:s9+$0xB500] =	vst v3  }
0x4a5: {  	s18 =	sand.u32 $0x70, s17;
	s9 =	sand.u32 $0x1C00, s17;
	v3 =	vld [tilespmem:$0x9100]  }
0x4a6: {  	v4 =	vld [tilespmem:$0x9180];
	s13 =	sor.u32 s18, s9  }
0x4a7: {  	v5 =	vld [tilespmem:s13+$0x6500]  }
0x4a8: {  	v6 =	vld [tilespmem:s13+$0x6580];
	_ =	sdelay $0x1  }
0x4a9: {  	s19 =	simm.s32 $0x10;
	s15 =	simm.s32 $0x80  }
0x4aa: {  	s15 =	sand.u32 $0x1C00, s15;
	s9 =	sand.u32 $0x70, s19  }
0x4ab: {  	s9 =	sor.u32 s9, s15  }
0x4ac: {  	v7 =	vmul.f32 v5, v3;
	v8 =	vmul.f32 v6, v4;
	v5 =	vld [tilespmem:s9+$0x6500]  }
0x4ad: {  	v6 =	vld [tilespmem:s9+$0x6580]  }
0x4ae: {  	s16 =	simm.s32 $0x100;
	s15 =	simm.s32 $0x20;
	v7 =	vadd.f32 v8, v7  }
.LBB2_96:
0x4af: {  	s17 =	sand.u32 $0x70, s15  }
0x4b0: {  	s18 =	sand.u32 $0x1C00, s16;
	[tilespmem:s13+$0xB580] =	vst v7;
	s13 =	smov.u32 s9;
	p0 =	sne.s32 s15, $0x3F0  }
.Ltmp47:
0x4b1: {  	s15 =	sadd.s32 $0x10, s15;
	s9 =	sor.u32 s17, s18;
	(pc) =	sbr.rel @p0 .LBB2_96-.Ltmp47, $4  }
0x4b2: {  	v7 =	vmul.f32 v5, v3;
	v5 =	vld [tilespmem:s9+$0x6500];
	v8 =	vmul.f32 v6, v4  }
0x4b3: {  	v6 =	vld [tilespmem:s9+$0x6580]  }
0x4b4: {  	v7 =	vadd.f32 v8, v7  }
0x4b5: {  	s16 =	sadd.s32 $0x80, s16  }
0x4b6: {  	_ =	sdelay $0x1  }
0x4b7: {  	v3 =	vmul.f32 v5, v3;
	v4 =	vmul.f32 v6, v4;
	_ =	sdelay $0x1  }
0x4b8: {  	v3 =	vadd.f32 v4, v3  }
0x4b9: {  	[tilespmem:s13+$0xB580] =	vst v7  }
0x4ba: {  	s17 =	rddreg [dreg:$0x6];
	[tilespmem:s9+$0xB580] =	vst v3;
	s9 =	simm.s32 $0x0  }
0x4bb: {  	[hbm4b:s17+s9] =	stream.linear.scatter [tilespmem:s11], [sflag:$0x3], $0x4000, $0x38;
	[tilespmem:$0xD200] =	vst v63  }
0x4bc: {  	_ =	swait.ge [sflag:s14], $0x4000  }
0x4bd: {  	s18 =	simm.s32 $0x20;
	[sflag:s14] =	ssyncset.done $0x0  }
0x4be: {  	s15 =	simm.s32 $0x8200;
	s16 =	simm.s32 $0x180;
	[sflag:s14] =	ssyncadd.s32 $0xFFFFC000  }
0x4bf: {  	[tilespmem:s15], [sflag:$0x2] =	stream.indirect.gather [hbm4b:s4+s18], $0x80, s16, s18, $0xb8;
	[tilespmem:$0xD200] =	vst v63  }
0x4c0: {  	v3 =	vld [tilespmem:$0x180];
	_ =	sdelay $0x4  }
0x4c1: {  	v4 =	vshll.u32 v3, $0x3  }
0x4c2: {  	v3 =	vand.u32 $0x7, v3;
	v4 =	vand.u32 $0xFFFFFFC0, v4  }
0x4c3: {  	v3 =	vor.u32 v3, v4  }
0x4c4: {  	v4 =	vperm.xlane v3, v0;
	_ =	sdelay $0x1  }
0x4c5: {  	v4 =	vadd.s32 v1, v4;
	_ =	sdelay $0x3  }
0x4c6: {  	s19 =	simm.s32 $0x200  }
0x4c7: {  	[tilespmem:s19], [sflag:$0x1] =	stream.indirect_vreg.gather [hbm4b:s3+s9], $0x80, v4, vm0, $0xb8;
	[tilespmem:$0xD200] =	vst v63  }
0x4c8: {  	s15 =	simm.s32 $0xA00;
	v3 =	vperm.xlane v3, v2  }
0x4c9: {  	[tilespmem:s15], [sflag:$0x1] =	stream.indirect_vreg.gather [hbm4b:s6+s9], $0x80, v4, vm0, $0xb8;
	[tilespmem:$0xD200] =	vst v63  }
0x4ca: {  	s16 =	simm.s32 $0x1200;
	v3 =	vadd.s32 v1, v3  }
0x4cb: {  	[tilespmem:s16], [sflag:$0x1] =	stream.indirect_vreg.gather [hbm4b:s7+s9], $0x80, v4, vm0, $0xb8;
	[tilespmem:$0xD200] =	vst v63  }
0x4cc: {  	_ = 	snop  }
0x4cd: {  	[tilespmem:s20], [sflag:$0x1] =	stream.indirect_vreg.gather [hbm4b:s8+s9], $0x80, v4, vm0, $0xb8;
	[tilespmem:$0xD200] =	vst v63  }
0x4ce: {  	_ = 	snop  }
0x4cf: {  	[tilespmem:s21], [sflag:$0x1] =	stream.indirect_vreg.gather [hbm4b:s3+s9], $0x80, v3, vm0, $0xb8;
	[tilespmem:$0xD200] =	vst v63  }
0x4d0: {  	_ = 	snop  }
0x4d1: {  	[tilespmem:s22], [sflag:$0x1] =	stream.indirect_vreg.gather [hbm4b:s6+s9], $0x80, v3, vm0, $0xb8;
	[tilespmem:$0xD200] =	vst v63  }
0x4d2: {  	_ = 	snop  }
0x4d3: {  	[tilespmem:s23], [sflag:$0x1] =	stream.indirect_vreg.gather [hbm4b:s7+s9], $0x80, v3, vm0, $0xb8;
	[tilespmem:$0xD200] =	vst v63  }
0x4d4: {  	_ = 	snop  }
0x4d5: {  	[tilespmem:s24], [sflag:$0x1] =	stream.indirect_vreg.gather [hbm4b:s8+s9], $0x80, v3, vm0, $0xb8;
	[tilespmem:$0xD200] =	vst v63  }
0x4d6: {  	v3 =	vld [tilespmem:$0x190];
	_ =	sdelay $0x4  }
0x4d7: {  	v4 =	vshll.u32 v3, $0x3  }
0x4d8: {  	v3 =	vand.u32 $0x7, v3;
	v4 =	vand.u32 $0xFFFFFFC0, v4  }
0x4d9: {  	v3 =	vor.u32 v3, v4  }
0x4da: {  	v4 =	vperm.xlane v3, v0;
	_ =	sdelay $0x1  }
0x4db: {  	v4 =	vadd.s32 v1, v4;
	_ =	sdelay $0x4  }
0x4dc: {  	[tilespmem:s25], [sflag:$0x1] =	stream.indirect_vreg.gather [hbm4b:s3+s9], $0x80, v4, vm0, $0xb8;
	[tilespmem:$0xD200] =	vst v63  }
0x4dd: {  	v3 =	vperm.xlane v3, v2  }
0x4de: {  	[tilespmem:s26], [sflag:$0x1] =	stream.indirect_vreg.gather [hbm4b:s6+s9], $0x80, v4, vm0, $0xb8;
	[tilespmem:$0xD200] =	vst v63  }
0x4df: {  	v3 =	vadd.s32 v1, v3  }
0x4e0: {  	[tilespmem:s28], [sflag:$0x1] =	stream.indirect_vreg.gather [hbm4b:s7+s9], $0x80, v4, vm0, $0xb8;
	[tilespmem:$0xD200] =	vst v63  }
0x4e1: {  	_ = 	snop  }
0x4e2: {  	[tilespmem:s29], [sflag:$0x1] =	stream.indirect_vreg.gather [hbm4b:s8+s9], $0x80, v4, vm0, $0xb8;
	[tilespmem:$0xD200] =	vst v63  }
0x4e3: {  	_ = 	snop  }
0x4e4: {  	[tilespmem:s30], [sflag:$0x1] =	stream.indirect_vreg.gather [hbm4b:s3+s9], $0x80, v3, vm0, $0xb8;
	[tilespmem:$0xD200] =	vst v63  }
0x4e5: {  	_ = 	snop  }
0x4e6: {  	[tilespmem:s31], [sflag:$0x1] =	stream.indirect_vreg.gather [hbm4b:s6+s9], $0x80, v3, vm0, $0xb8;
	[tilespmem:$0xD200] =	vst v63  }
0x4e7: {  	_ = 	snop  }
0x4e8: {  	[tilespmem:s0], [sflag:$0x1] =	stream.indirect_vreg.gather [hbm4b:s7+s9], $0x80, v3, vm0, $0xb8;
	[tilespmem:$0xD200] =	vst v63  }
0x4e9: {  	_ = 	snop  }
0x4ea: {  	[tilespmem:s1], [sflag:$0x1] =	stream.indirect_vreg.gather [hbm4b:s8+s9], $0x80, v3, vm0, $0xb8;
	[tilespmem:$0xD200] =	vst v63  }
0x4eb: {  	_ =	swait.ge [sflag:s5], $0x8000  }
0x4ec: {  	[sflag:s5] =	ssyncset.done $0x0  }
0x4ed: {  	[sflag:s5] =	ssyncadd.s32 $0xFFFF8000  }
0x4ee: {  	_ =	swait.ge [sflag:s10], $0x1000  }
0x4ef: {  	[sflag:s10] =	ssyncset.done $0x0  }
0x4f0: {  	[sflag:s10] =	ssyncadd.s32 $0xFFFFF000  }
0x4f1: {  	s17 =	sand.u32 $0x70, s9;
	s9 =	sand.u32 $0x1C00, s9;
	v3 =	vld [tilespmem:$0x8200]  }
0x4f2: {  	s13 =	sor.u32 s17, s9;
	v4 =	vld [tilespmem:$0x8280]  }
0x4f3: {  	v5 =	vld [tilespmem:s13+$0x200]  }
0x4f4: {  	v6 =	vld [tilespmem:s13+$0x280];
	_ =	sdelay $0x1  }
0x4f5: {  	s18 =	simm.s32 $0x10;
	s19 =	simm.s32 $0x80  }
0x4f6: {  	s15 =	sand.u32 $0x1C00, s19;
	s9 =	sand.u32 $0x70, s18  }
0x4f7: {  	s9 =	sor.u32 s9, s15  }
0x4f8: {  	v7 =	vmul.f32 v5, v3;
	v8 =	vmul.f32 v6, v4;
	v5 =	vld [tilespmem:s9+$0x200]  }
0x4f9: {  	v6 =	vld [tilespmem:s9+$0x280]  }
0x4fa: {  	s16 =	simm.s32 $0x100;
	s15 =	simm.s32 $0x20;
	v7 =	vadd.f32 v8, v7  }
.LBB2_98:
0x4fb: {  	s17 =	sand.u32 $0x70, s15  }
0x4fc: {  	s18 =	sand.u32 $0x1C00, s16;
	[tilespmem:s13+$0x9200] =	vst v7;
	s13 =	smov.u32 s9;
	p0 =	sne.s32 s15, $0x3F0  }
.Ltmp48:
0x4fd: {  	s15 =	sadd.s32 $0x10, s15;
	s9 =	sor.u32 s17, s18;
	(pc) =	sbr.rel @p0 .LBB2_98-.Ltmp48, $4  }
0x4fe: {  	v7 =	vmul.f32 v5, v3;
	v5 =	vld [tilespmem:s9+$0x200];
	v8 =	vmul.f32 v6, v4  }
0x4ff: {  	v6 =	vld [tilespmem:s9+$0x280]  }
0x500: {  	v7 =	vadd.f32 v8, v7  }
0x501: {  	s16 =	sadd.s32 $0x80, s16  }
0x502: {  	_ =	sdelay $0x1  }
0x503: {  	v3 =	vmul.f32 v5, v3;
	v4 =	vmul.f32 v6, v4;
	_ =	sdelay $0x1  }
0x504: {  	v3 =	vadd.f32 v4, v3  }
0x505: {  	[tilespmem:s13+$0x9200] =	vst v7  }
0x506: {  	s17 =	simm.s32 $0x0;
	[tilespmem:s9+$0x9200] =	vst v3  }
0x507: {  	s18 =	sand.u32 $0x70, s17;
	s9 =	sand.u32 $0x1C00, s17;
	v3 =	vld [tilespmem:$0x8300]  }
0x508: {  	v4 =	vld [tilespmem:$0x8380];
	s13 =	sor.u32 s18, s9  }
0x509: {  	v5 =	vld [tilespmem:s13+$0x300]  }
0x50a: {  	v6 =	vld [tilespmem:s13+$0x380];
	_ =	sdelay $0x1  }
0x50b: {  	s19 =	simm.s32 $0x10;
	s15 =	simm.s32 $0x80  }
0x50c: {  	s15 =	sand.u32 $0x1C00, s15;
	s9 =	sand.u32 $0x70, s19  }
0x50d: {  	s9 =	sor.u32 s9, s15  }
0x50e: {  	v7 =	vmul.f32 v5, v3;
	v8 =	vmul.f32 v6, v4;
	v5 =	vld [tilespmem:s9+$0x300]  }
0x50f: {  	v6 =	vld [tilespmem:s9+$0x380]  }
0x510: {  	s16 =	simm.s32 $0x100;
	s15 =	simm.s32 $0x20;
	v7 =	vadd.f32 v8, v7  }
.LBB2_100:
0x511: {  	s17 =	sand.u32 $0x70, s15  }
0x512: {  	s18 =	sand.u32 $0x1C00, s16;
	[tilespmem:s13+$0x9280] =	vst v7;
	s13 =	smov.u32 s9;
	p0 =	sne.s32 s15, $0x3F0  }
.Ltmp49:
0x513: {  	s15 =	sadd.s32 $0x10, s15;
	s9 =	sor.u32 s17, s18;
	(pc) =	sbr.rel @p0 .LBB2_100-.Ltmp49, $4  }
0x514: {  	v7 =	vmul.f32 v5, v3;
	v5 =	vld [tilespmem:s9+$0x300];
	v8 =	vmul.f32 v6, v4  }
0x515: {  	v6 =	vld [tilespmem:s9+$0x380]  }
0x516: {  	v7 =	vadd.f32 v8, v7  }
0x517: {  	s16 =	sadd.s32 $0x80, s16  }
0x518: {  	_ =	sdelay $0x1  }
0x519: {  	v3 =	vmul.f32 v5, v3;
	v4 =	vmul.f32 v6, v4;
	_ =	sdelay $0x1  }
0x51a: {  	v3 =	vadd.f32 v4, v3  }
0x51b: {  	[tilespmem:s13+$0x9280] =	vst v7  }
0x51c: {  	s17 =	simm.s32 $0x0;
	[tilespmem:s9+$0x9280] =	vst v3  }
0x51d: {  	s18 =	sand.u32 $0x70, s17;
	s9 =	sand.u32 $0x1C00, s17;
	v3 =	vld [tilespmem:$0x8400]  }
0x51e: {  	v4 =	vld [tilespmem:$0x8480];
	s13 =	sor.u32 s18, s9  }
0x51f: {  	v5 =	vld [tilespmem:s13+$0x400]  }
0x520: {  	v6 =	vld [tilespmem:s13+$0x480];
	_ =	sdelay $0x1  }
0x521: {  	s19 =	simm.s32 $0x10;
	s15 =	simm.s32 $0x80  }
0x522: {  	s15 =	sand.u32 $0x1C00, s15;
	s9 =	sand.u32 $0x70, s19  }
0x523: {  	s9 =	sor.u32 s9, s15  }
0x524: {  	v7 =	vmul.f32 v5, v3;
	v8 =	vmul.f32 v6, v4;
	v5 =	vld [tilespmem:s9+$0x400]  }
0x525: {  	v6 =	vld [tilespmem:s9+$0x480]  }
0x526: {  	s16 =	simm.s32 $0x100;
	s15 =	simm.s32 $0x20;
	v7 =	vadd.f32 v8, v7  }
.LBB2_102:
0x527: {  	s17 =	sand.u32 $0x70, s15  }
0x528: {  	s18 =	sand.u32 $0x1C00, s16;
	[tilespmem:s13+$0x9300] =	vst v7;
	s13 =	smov.u32 s9;
	p0 =	sne.s32 s15, $0x3F0  }
.Ltmp50:
0x529: {  	s15 =	sadd.s32 $0x10, s15;
	s9 =	sor.u32 s17, s18;
	(pc) =	sbr.rel @p0 .LBB2_102-.Ltmp50, $4  }
0x52a: {  	v7 =	vmul.f32 v5, v3;
	v5 =	vld [tilespmem:s9+$0x400];
	v8 =	vmul.f32 v6, v4  }
0x52b: {  	v6 =	vld [tilespmem:s9+$0x480]  }
0x52c: {  	v7 =	vadd.f32 v8, v7  }
0x52d: {  	s16 =	sadd.s32 $0x80, s16  }
0x52e: {  	_ =	sdelay $0x1  }
0x52f: {  	v3 =	vmul.f32 v5, v3;
	v4 =	vmul.f32 v6, v4;
	_ =	sdelay $0x1  }
0x530: {  	v3 =	vadd.f32 v4, v3  }
0x531: {  	[tilespmem:s13+$0x9300] =	vst v7  }
0x532: {  	s17 =	simm.s32 $0x0;
	[tilespmem:s9+$0x9300] =	vst v3  }
0x533: {  	s18 =	sand.u32 $0x70, s17;
	s15 =	sand.u32 $0x1C00, s17;
	v3 =	vld [tilespmem:$0x8500]  }
0x534: {  	s13 =	sor.u32 s18, s15;
	s9 =	sor.u32 s17, s17;
	v4 =	vld [tilespmem:$0x8580]  }
0x535: {  	v5 =	vld [tilespmem:s13+$0x500];
	s9 =	sor.u32 $0x380, s9  }
0x536: {  	v6 =	vld [tilespmem:s9+$0x200];
	_ =	sdelay $0x4  }
0x537: {  	v5 =	vmul.f32 v5, v3;
	v6 =	vmul.f32 v6, v4  }
0x538: {  	s19 =	simm.s32 $0x10;
	s9 =	simm.s32 $0x80  }
0x539: {  	s16 =	sand.u32 $0x70, s19;
	s17 =	sand.u32 $0x1C00, s9;
	v5 =	vadd.f32 v6, v5  }
0x53a: {  	s15 =	simm.s32 $0x20;
	s16 =	sor.u32 s16, s17;
	s17 =	sor.u32 s9, s19  }
.LBB2_104:
0x53b: {  	p0 =	sne.s32 s15, $0x3F0;
	v6 =	vld [tilespmem:s16+$0x500];
	s17 =	sor.u32 $0x380, s17;
	[tilespmem:s13+$0x9380] =	vst v5;
	s13 =	smov.u32 s16  }
0x53c: {  	v5 =	vld [tilespmem:s17+$0x200];
	_ =	sdelay $0x3  }
.Ltmp51:
0x53d: {  	(pc) =	sbr.rel @p0 .LBB2_104-.Ltmp51, $4  }
0x53e: {  	v6 =	vmul.f32 v6, v3;
	v5 =	vmul.f32 v5, v4  }
0x53f: {  	s9 =	sadd.s32 $0x80, s9  }
0x540: {  	s16 =	sand.u32 $0x70, s15;
	s17 =	sand.u32 $0x1C00, s9;
	v5 =	vadd.f32 v5, v6  }
0x541: {  	s16 =	sor.u32 s16, s17;
	s17 =	sor.u32 s9, s15;
	s15 =	sadd.s32 $0x10, s15  }
0x542: {  	v6 =	vld [tilespmem:s16+$0x500];
	s9 =	sor.u32 $0x380, s17;
	[tilespmem:s13+$0x9380] =	vst v5  }
0x543: {  	v5 =	vld [tilespmem:s9+$0x200];
	_ =	sdelay $0x4  }
0x544: {  	v3 =	vmul.f32 v6, v3;
	v4 =	vmul.f32 v5, v4;
	_ =	sdelay $0x1  }
0x545: {  	v3 =	vadd.f32 v4, v3;
	_ =	sdelay $0x1  }
0x546: {  	s17 =	simm.s32 $0x0;
	[tilespmem:s16+$0x9380] =	vst v3  }
0x547: {  	s18 =	sand.u32 $0x70, s17;
	s9 =	sand.u32 $0x1C00, s17;
	v3 =	vld [tilespmem:$0x8600]  }
0x548: {  	s13 =	sor.u32 s18, s9;
	v4 =	vld [tilespmem:$0x8680]  }
0x549: {  	v5 =	vld [tilespmem:s13+$0x2200]  }
0x54a: {  	v6 =	vld [tilespmem:s13+$0x2280];
	_ =	sdelay $0x1  }
0x54b: {  	s19 =	simm.s32 $0x10;
	s15 =	simm.s32 $0x80  }
0x54c: {  	s15 =	sand.u32 $0x1C00, s15;
	s9 =	sand.u32 $0x70, s19  }
0x54d: {  	s9 =	sor.u32 s9, s15  }
0x54e: {  	v7 =	vmul.f32 v5, v3;
	v8 =	vmul.f32 v6, v4;
	v5 =	vld [tilespmem:s9+$0x2200]  }
0x54f: {  	v6 =	vld [tilespmem:s9+$0x2280]  }
0x550: {  	s15 =	simm.s32 $0x20;
	s16 =	simm.s32 $0x100;
	v7 =	vadd.f32 v8, v7  }
.LBB2_106:
0x551: {  	s17 =	sand.u32 $0x70, s15  }
0x552: {  	s18 =	sand.u32 $0x1C00, s16;
	[tilespmem:s13+$0x9400] =	vst v7;
	s13 =	smov.u32 s9;
	p0 =	sne.s32 s15, $0x3F0  }
.Ltmp52:
0x553: {  	s15 =	sadd.s32 $0x10, s15;
	s9 =	sor.u32 s17, s18;
	(pc) =	sbr.rel @p0 .LBB2_106-.Ltmp52, $4  }
0x554: {  	v7 =	vmul.f32 v5, v3;
	v5 =	vld [tilespmem:s9+$0x2200];
	v8 =	vmul.f32 v6, v4  }
0x555: {  	v6 =	vld [tilespmem:s9+$0x2280]  }
0x556: {  	v7 =	vadd.f32 v8, v7  }
0x557: {  	s16 =	sadd.s32 $0x80, s16  }
0x558: {  	_ =	sdelay $0x1  }
0x559: {  	v3 =	vmul.f32 v5, v3;
	v4 =	vmul.f32 v6, v4;
	_ =	sdelay $0x1  }
0x55a: {  	v3 =	vadd.f32 v4, v3  }
0x55b: {  	[tilespmem:s13+$0x9400] =	vst v7  }
0x55c: {  	s17 =	simm.s32 $0x0;
	[tilespmem:s9+$0x9400] =	vst v3  }
0x55d: {  	s18 =	sand.u32 $0x70, s17;
	s9 =	sand.u32 $0x1C00, s17;
	v3 =	vld [tilespmem:$0x8700]  }
0x55e: {  	v4 =	vld [tilespmem:$0x8780];
	s13 =	sor.u32 s18, s9  }
0x55f: {  	v5 =	vld [tilespmem:s13+$0x2300]  }
0x560: {  	v6 =	vld [tilespmem:s13+$0x2380];
	_ =	sdelay $0x1  }
0x561: {  	s19 =	simm.s32 $0x10;
	s15 =	simm.s32 $0x80  }
0x562: {  	s15 =	sand.u32 $0x1C00, s15;
	s9 =	sand.u32 $0x70, s19  }
0x563: {  	s9 =	sor.u32 s9, s15  }
0x564: {  	v7 =	vmul.f32 v5, v3;
	v8 =	vmul.f32 v6, v4;
	v5 =	vld [tilespmem:s9+$0x2300]  }
0x565: {  	v6 =	vld [tilespmem:s9+$0x2380]  }
0x566: {  	s16 =	simm.s32 $0x100;
	s15 =	simm.s32 $0x20;
	v7 =	vadd.f32 v8, v7  }
.LBB2_108:
0x567: {  	s17 =	sand.u32 $0x70, s15  }
0x568: {  	s18 =	sand.u32 $0x1C00, s16;
	[tilespmem:s13+$0x9480] =	vst v7;
	s13 =	smov.u32 s9;
	p0 =	sne.s32 s15, $0x3F0  }
.Ltmp53:
0x569: {  	s15 =	sadd.s32 $0x10, s15;
	s9 =	sor.u32 s17, s18;
	(pc) =	sbr.rel @p0 .LBB2_108-.Ltmp53, $4  }
0x56a: {  	v7 =	vmul.f32 v5, v3;
	v5 =	vld [tilespmem:s9+$0x2300];
	v8 =	vmul.f32 v6, v4  }
0x56b: {  	v6 =	vld [tilespmem:s9+$0x2380]  }
0x56c: {  	v7 =	vadd.f32 v8, v7  }
0x56d: {  	s16 =	sadd.s32 $0x80, s16  }
0x56e: {  	_ =	sdelay $0x1  }
0x56f: {  	v3 =	vmul.f32 v5, v3;
	v4 =	vmul.f32 v6, v4;
	_ =	sdelay $0x1  }
0x570: {  	v3 =	vadd.f32 v4, v3  }
0x571: {  	[tilespmem:s13+$0x9480] =	vst v7  }
0x572: {  	s17 =	simm.s32 $0x0;
	[tilespmem:s9+$0x9480] =	vst v3  }
0x573: {  	s18 =	sand.u32 $0x70, s17;
	s9 =	sand.u32 $0x1C00, s17;
	v3 =	vld [tilespmem:$0x8800]  }
0x574: {  	v4 =	vld [tilespmem:$0x8880];
	s13 =	sor.u32 s18, s9  }
0x575: {  	v5 =	vld [tilespmem:s13+$0x2400]  }
0x576: {  	v6 =	vld [tilespmem:s13+$0x2480];
	_ =	sdelay $0x1  }
0x577: {  	s19 =	simm.s32 $0x10;
	s15 =	simm.s32 $0x80  }
0x578: {  	s15 =	sand.u32 $0x1C00, s15;
	s9 =	sand.u32 $0x70, s19  }
0x579: {  	s9 =	sor.u32 s9, s15  }
0x57a: {  	v7 =	vmul.f32 v5, v3;
	v8 =	vmul.f32 v6, v4;
	v5 =	vld [tilespmem:s9+$0x2400]  }
0x57b: {  	v6 =	vld [tilespmem:s9+$0x2480]  }
0x57c: {  	s16 =	simm.s32 $0x100;
	s15 =	simm.s32 $0x20;
	v7 =	vadd.f32 v8, v7  }
.LBB2_110:
0x57d: {  	s17 =	sand.u32 $0x70, s15  }
0x57e: {  	s18 =	sand.u32 $0x1C00, s16;
	[tilespmem:s13+$0x9500] =	vst v7;
	s13 =	smov.u32 s9;
	p0 =	sne.s32 s15, $0x3F0  }
.Ltmp54:
0x57f: {  	s15 =	sadd.s32 $0x10, s15;
	s9 =	sor.u32 s17, s18;
	(pc) =	sbr.rel @p0 .LBB2_110-.Ltmp54, $4  }
0x580: {  	v7 =	vmul.f32 v5, v3;
	v5 =	vld [tilespmem:s9+$0x2400];
	v8 =	vmul.f32 v6, v4  }
0x581: {  	v6 =	vld [tilespmem:s9+$0x2480]  }
0x582: {  	v7 =	vadd.f32 v8, v7  }
0x583: {  	s16 =	sadd.s32 $0x80, s16  }
0x584: {  	_ =	sdelay $0x1  }
0x585: {  	v3 =	vmul.f32 v5, v3;
	v4 =	vmul.f32 v6, v4;
	_ =	sdelay $0x1  }
0x586: {  	v3 =	vadd.f32 v4, v3  }
0x587: {  	[tilespmem:s13+$0x9500] =	vst v7  }
0x588: {  	s13 =	simm.s32 $0x0;
	[tilespmem:s9+$0x9500] =	vst v3  }
0x589: {  	s19 =	sand.u32 $0x70, s13;
	s15 =	sand.u32 $0x1C00, s13;
	v3 =	vld [tilespmem:$0x8900]  }
0x58a: {  	s16 =	sor.u32 s19, s15;
	s15 =	simm.s32 $0x10;
	s9 =	simm.s32 $0x0;
	v4 =	vld [tilespmem:$0x8980]  }
.LBB2_112:
0x58b: {  	p0 =	sne.s32 s15, $0x3F0;
	v5 =	vld [tilespmem:s16+$0x2500]  }
0x58c: {  	v6 =	vld [tilespmem:s16+$0x2580];
	_ =	sdelay $0x4  }
.Ltmp55:
0x58d: {  	v5 =	vmul.f32 v5, v3;
	v6 =	vmul.f32 v6, v4;
	(pc) =	sbr.rel @p0 .LBB2_112-.Ltmp55, $4  }
0x58e: {  	_ = 	snop  }
0x58f: {  	s16 =	sor.u32 s9, s13;
	s9 =	sadd.s32 $0x80, s9;
	s13 =	smov.u32 s15;
	v5 =	vadd.f32 v6, v5  }
0x590: {  	s17 =	sand.u32 $0x70, s15;
	s18 =	sand.u32 $0x1C00, s9;
	s19 =	sor.u32 $0x380, s16  }
0x591: {  	s15 =	sadd.s32 $0x10, s15;
	s16 =	sor.u32 s17, s18;
	[tilespmem:s19+$0x9200] =	vst v5  }
0x592: {  	v5 =	vld [tilespmem:s16+$0x2500]  }
0x593: {  	v6 =	vld [tilespmem:s16+$0x2580];
	_ =	sdelay $0x4  }
0x594: {  	v3 =	vmul.f32 v5, v3;
	v4 =	vmul.f32 v6, v4;
	_ =	sdelay $0x1  }
0x595: {  	s9 =	sor.u32 s9, s13;
	v3 =	vadd.f32 v4, v3  }
0x596: {  	s9 =	sor.u32 $0x380, s9  }
0x597: {  	s17 =	simm.s32 $0x0;
	[tilespmem:s9+$0x9200] =	vst v3  }
0x598: {  	s18 =	sand.u32 $0x70, s17;
	s9 =	sand.u32 $0x1C00, s17;
	v3 =	vld [tilespmem:$0x8A00]  }
0x599: {  	v4 =	vld [tilespmem:$0x8A80];
	s13 =	sor.u32 s18, s9  }
0x59a: {  	v5 =	vld [tilespmem:s13+$0x4200]  }
0x59b: {  	v6 =	vld [tilespmem:s13+$0x4280];
	_ =	sdelay $0x1  }
0x59c: {  	s19 =	simm.s32 $0x10;
	s15 =	simm.s32 $0x80  }
0x59d: {  	s15 =	sand.u32 $0x1C00, s15;
	s9 =	sand.u32 $0x70, s19  }
0x59e: {  	s9 =	sor.u32 s9, s15  }
0x59f: {  	v7 =	vmul.f32 v5, v3;
	v8 =	vmul.f32 v6, v4;
	v5 =	vld [tilespmem:s9+$0x4200]  }
0x5a0: {  	v6 =	vld [tilespmem:s9+$0x4280]  }
0x5a1: {  	s16 =	simm.s32 $0x100;
	s15 =	simm.s32 $0x20;
	v7 =	vadd.f32 v8, v7  }
.LBB2_114:
0x5a2: {  	s17 =	sand.u32 $0x70, s15  }
0x5a3: {  	s18 =	sand.u32 $0x1C00, s16;
	[tilespmem:s13+$0xB200] =	vst v7;
	s13 =	smov.u32 s9;
	p0 =	sne.s32 s15, $0x3F0  }
.Ltmp56:
0x5a4: {  	s15 =	sadd.s32 $0x10, s15;
	s9 =	sor.u32 s17, s18;
	(pc) =	sbr.rel @p0 .LBB2_114-.Ltmp56, $4  }
0x5a5: {  	v7 =	vmul.f32 v5, v3;
	v5 =	vld [tilespmem:s9+$0x4200];
	v8 =	vmul.f32 v6, v4  }
0x5a6: {  	v6 =	vld [tilespmem:s9+$0x4280]  }
0x5a7: {  	v7 =	vadd.f32 v8, v7  }
0x5a8: {  	s16 =	sadd.s32 $0x80, s16  }
0x5a9: {  	_ =	sdelay $0x1  }
0x5aa: {  	v3 =	vmul.f32 v5, v3;
	v4 =	vmul.f32 v6, v4;
	_ =	sdelay $0x1  }
0x5ab: {  	v3 =	vadd.f32 v4, v3  }
0x5ac: {  	[tilespmem:s13+$0xB200] =	vst v7  }
0x5ad: {  	s17 =	simm.s32 $0x0;
	[tilespmem:s9+$0xB200] =	vst v3  }
0x5ae: {  	s18 =	sand.u32 $0x70, s17;
	s9 =	sand.u32 $0x1C00, s17;
	v3 =	vld [tilespmem:$0x8B00]  }
0x5af: {  	v4 =	vld [tilespmem:$0x8B80];
	s13 =	sor.u32 s18, s9  }
0x5b0: {  	v5 =	vld [tilespmem:s13+$0x4300]  }
0x5b1: {  	v6 =	vld [tilespmem:s13+$0x4380];
	_ =	sdelay $0x1  }
0x5b2: {  	s19 =	simm.s32 $0x10;
	s15 =	simm.s32 $0x80  }
0x5b3: {  	s15 =	sand.u32 $0x1C00, s15;
	s9 =	sand.u32 $0x70, s19  }
0x5b4: {  	s9 =	sor.u32 s9, s15  }
0x5b5: {  	v7 =	vmul.f32 v5, v3;
	v8 =	vmul.f32 v6, v4;
	v5 =	vld [tilespmem:s9+$0x4300]  }
0x5b6: {  	v6 =	vld [tilespmem:s9+$0x4380]  }
0x5b7: {  	s16 =	simm.s32 $0x100;
	s15 =	simm.s32 $0x20;
	v7 =	vadd.f32 v8, v7  }
.LBB2_116:
0x5b8: {  	s17 =	sand.u32 $0x70, s15  }
0x5b9: {  	s18 =	sand.u32 $0x1C00, s16;
	[tilespmem:s13+$0xB280] =	vst v7;
	s13 =	smov.u32 s9;
	p0 =	sne.s32 s15, $0x3F0  }
.Ltmp57:
0x5ba: {  	s15 =	sadd.s32 $0x10, s15;
	s9 =	sor.u32 s17, s18;
	(pc) =	sbr.rel @p0 .LBB2_116-.Ltmp57, $4  }
0x5bb: {  	v7 =	vmul.f32 v5, v3;
	v5 =	vld [tilespmem:s9+$0x4300];
	v8 =	vmul.f32 v6, v4  }
0x5bc: {  	v6 =	vld [tilespmem:s9+$0x4380]  }
0x5bd: {  	v7 =	vadd.f32 v8, v7  }
0x5be: {  	s16 =	sadd.s32 $0x80, s16  }
0x5bf: {  	_ =	sdelay $0x1  }
0x5c0: {  	v3 =	vmul.f32 v5, v3;
	v4 =	vmul.f32 v6, v4;
	_ =	sdelay $0x1  }
0x5c1: {  	v3 =	vadd.f32 v4, v3  }
0x5c2: {  	[tilespmem:s13+$0xB280] =	vst v7  }
0x5c3: {  	s17 =	simm.s32 $0x0;
	[tilespmem:s9+$0xB280] =	vst v3  }
0x5c4: {  	s18 =	sand.u32 $0x70, s17;
	s9 =	sand.u32 $0x1C00, s17;
	v3 =	vld [tilespmem:$0x8C00]  }
0x5c5: {  	v4 =	vld [tilespmem:$0x8C80];
	s13 =	sor.u32 s18, s9  }
0x5c6: {  	v5 =	vld [tilespmem:s13+$0x4400]  }
0x5c7: {  	v6 =	vld [tilespmem:s13+$0x4480];
	_ =	sdelay $0x1  }
0x5c8: {  	s19 =	simm.s32 $0x10;
	s15 =	simm.s32 $0x80  }
0x5c9: {  	s15 =	sand.u32 $0x1C00, s15;
	s9 =	sand.u32 $0x70, s19  }
0x5ca: {  	s9 =	sor.u32 s9, s15  }
0x5cb: {  	v7 =	vmul.f32 v5, v3;
	v8 =	vmul.f32 v6, v4;
	v5 =	vld [tilespmem:s9+$0x4400]  }
0x5cc: {  	v6 =	vld [tilespmem:s9+$0x4480]  }
0x5cd: {  	s16 =	simm.s32 $0x100;
	s15 =	simm.s32 $0x20;
	v7 =	vadd.f32 v8, v7  }
.LBB2_118:
0x5ce: {  	s17 =	sand.u32 $0x70, s15  }
0x5cf: {  	s18 =	sand.u32 $0x1C00, s16;
	[tilespmem:s13+$0xB300] =	vst v7;
	s13 =	smov.u32 s9;
	p0 =	sne.s32 s15, $0x3F0  }
.Ltmp58:
0x5d0: {  	s15 =	sadd.s32 $0x10, s15;
	s9 =	sor.u32 s17, s18;
	(pc) =	sbr.rel @p0 .LBB2_118-.Ltmp58, $4  }
0x5d1: {  	v7 =	vmul.f32 v5, v3;
	v5 =	vld [tilespmem:s9+$0x4400];
	v8 =	vmul.f32 v6, v4  }
0x5d2: {  	v6 =	vld [tilespmem:s9+$0x4480]  }
0x5d3: {  	v7 =	vadd.f32 v8, v7  }
0x5d4: {  	s16 =	sadd.s32 $0x80, s16  }
0x5d5: {  	_ =	sdelay $0x1  }
0x5d6: {  	v3 =	vmul.f32 v5, v3;
	v4 =	vmul.f32 v6, v4;
	_ =	sdelay $0x1  }
0x5d7: {  	v3 =	vadd.f32 v4, v3  }
0x5d8: {  	[tilespmem:s13+$0xB300] =	vst v7  }
0x5d9: {  	s17 =	simm.s32 $0x0;
	[tilespmem:s9+$0xB300] =	vst v3  }
0x5da: {  	s18 =	sand.u32 $0x70, s17;
	s9 =	sand.u32 $0x1C00, s17;
	v3 =	vld [tilespmem:$0x8D00]  }
0x5db: {  	v4 =	vld [tilespmem:$0x8D80];
	s13 =	sor.u32 s18, s9  }
0x5dc: {  	v5 =	vld [tilespmem:s13+$0x4500]  }
0x5dd: {  	v6 =	vld [tilespmem:s13+$0x4580];
	_ =	sdelay $0x1  }
0x5de: {  	s19 =	simm.s32 $0x10;
	s15 =	simm.s32 $0x80  }
0x5df: {  	s15 =	sand.u32 $0x1C00, s15;
	s9 =	sand.u32 $0x70, s19  }
0x5e0: {  	s9 =	sor.u32 s9, s15  }
0x5e1: {  	v7 =	vmul.f32 v5, v3;
	v8 =	vmul.f32 v6, v4;
	v5 =	vld [tilespmem:s9+$0x4500]  }
0x5e2: {  	v6 =	vld [tilespmem:s9+$0x4580]  }
0x5e3: {  	s16 =	simm.s32 $0x100;
	s15 =	simm.s32 $0x20;
	v7 =	vadd.f32 v8, v7  }
.LBB2_120:
0x5e4: {  	s17 =	sand.u32 $0x70, s15  }
0x5e5: {  	s18 =	sand.u32 $0x1C00, s16;
	[tilespmem:s13+$0xB380] =	vst v7;
	s13 =	smov.u32 s9;
	p0 =	sne.s32 s15, $0x3F0  }
.Ltmp59:
0x5e6: {  	s15 =	sadd.s32 $0x10, s15;
	s9 =	sor.u32 s17, s18;
	(pc) =	sbr.rel @p0 .LBB2_120-.Ltmp59, $4  }
0x5e7: {  	v7 =	vmul.f32 v5, v3;
	v5 =	vld [tilespmem:s9+$0x4500];
	v8 =	vmul.f32 v6, v4  }
0x5e8: {  	v6 =	vld [tilespmem:s9+$0x4580]  }
0x5e9: {  	v7 =	vadd.f32 v8, v7  }
0x5ea: {  	s16 =	sadd.s32 $0x80, s16  }
0x5eb: {  	_ =	sdelay $0x1  }
0x5ec: {  	v3 =	vmul.f32 v5, v3;
	v4 =	vmul.f32 v6, v4;
	_ =	sdelay $0x1  }
0x5ed: {  	v3 =	vadd.f32 v4, v3  }
0x5ee: {  	[tilespmem:s13+$0xB380] =	vst v7  }
0x5ef: {  	s17 =	simm.s32 $0x0;
	[tilespmem:s9+$0xB380] =	vst v3  }
0x5f0: {  	s18 =	sand.u32 $0x70, s17;
	s9 =	sand.u32 $0x1C00, s17;
	v3 =	vld [tilespmem:$0x8E00]  }
0x5f1: {  	v4 =	vld [tilespmem:$0x8E80];
	s13 =	sor.u32 s18, s9  }
0x5f2: {  	v5 =	vld [tilespmem:s13+$0x6200]  }
0x5f3: {  	v6 =	vld [tilespmem:s13+$0x6280];
	_ =	sdelay $0x1  }
0x5f4: {  	s19 =	simm.s32 $0x10;
	s15 =	simm.s32 $0x80  }
0x5f5: {  	s15 =	sand.u32 $0x1C00, s15;
	s9 =	sand.u32 $0x70, s19  }
0x5f6: {  	s9 =	sor.u32 s9, s15  }
0x5f7: {  	v7 =	vmul.f32 v5, v3;
	v8 =	vmul.f32 v6, v4;
	v5 =	vld [tilespmem:s9+$0x6200]  }
0x5f8: {  	v6 =	vld [tilespmem:s9+$0x6280]  }
0x5f9: {  	s16 =	simm.s32 $0x100;
	s15 =	simm.s32 $0x20;
	v7 =	vadd.f32 v8, v7  }
.LBB2_122:
0x5fa: {  	s17 =	sand.u32 $0x70, s15  }
0x5fb: {  	s18 =	sand.u32 $0x1C00, s16;
	[tilespmem:s13+$0xB400] =	vst v7;
	s13 =	smov.u32 s9;
	p0 =	sne.s32 s15, $0x3F0  }
.Ltmp60:
0x5fc: {  	s15 =	sadd.s32 $0x10, s15;
	s9 =	sor.u32 s17, s18;
	(pc) =	sbr.rel @p0 .LBB2_122-.Ltmp60, $4  }
0x5fd: {  	v7 =	vmul.f32 v5, v3;
	v5 =	vld [tilespmem:s9+$0x6200];
	v8 =	vmul.f32 v6, v4  }
0x5fe: {  	v6 =	vld [tilespmem:s9+$0x6280]  }
0x5ff: {  	v7 =	vadd.f32 v8, v7  }
0x600: {  	s16 =	sadd.s32 $0x80, s16  }
0x601: {  	_ =	sdelay $0x1  }
0x602: {  	v3 =	vmul.f32 v5, v3;
	v4 =	vmul.f32 v6, v4;
	_ =	sdelay $0x1  }
0x603: {  	v3 =	vadd.f32 v4, v3  }
0x604: {  	[tilespmem:s13+$0xB400] =	vst v7  }
0x605: {  	s17 =	simm.s32 $0x0;
	[tilespmem:s9+$0xB400] =	vst v3  }
0x606: {  	s18 =	sand.u32 $0x70, s17;
	s9 =	sand.u32 $0x1C00, s17;
	v3 =	vld [tilespmem:$0x8F00]  }
0x607: {  	v4 =	vld [tilespmem:$0x8F80];
	s13 =	sor.u32 s18, s9  }
0x608: {  	v5 =	vld [tilespmem:s13+$0x6300]  }
0x609: {  	v6 =	vld [tilespmem:s13+$0x6380];
	_ =	sdelay $0x1  }
0x60a: {  	s19 =	simm.s32 $0x10;
	s15 =	simm.s32 $0x80  }
0x60b: {  	s15 =	sand.u32 $0x1C00, s15;
	s9 =	sand.u32 $0x70, s19  }
0x60c: {  	s9 =	sor.u32 s9, s15  }
0x60d: {  	v7 =	vmul.f32 v5, v3;
	v8 =	vmul.f32 v6, v4;
	v5 =	vld [tilespmem:s9+$0x6300]  }
0x60e: {  	v6 =	vld [tilespmem:s9+$0x6380]  }
0x60f: {  	s16 =	simm.s32 $0x100;
	s15 =	simm.s32 $0x20;
	v7 =	vadd.f32 v8, v7  }
.LBB2_124:
0x610: {  	s17 =	sand.u32 $0x70, s15  }
0x611: {  	s18 =	sand.u32 $0x1C00, s16;
	[tilespmem:s13+$0xB480] =	vst v7;
	s13 =	smov.u32 s9;
	p0 =	sne.s32 s15, $0x3F0  }
.Ltmp61:
0x612: {  	s15 =	sadd.s32 $0x10, s15;
	s9 =	sor.u32 s17, s18;
	(pc) =	sbr.rel @p0 .LBB2_124-.Ltmp61, $4  }
0x613: {  	v7 =	vmul.f32 v5, v3;
	v5 =	vld [tilespmem:s9+$0x6300];
	v8 =	vmul.f32 v6, v4  }
0x614: {  	v6 =	vld [tilespmem:s9+$0x6380]  }
0x615: {  	v7 =	vadd.f32 v8, v7  }
0x616: {  	s16 =	sadd.s32 $0x80, s16  }
0x617: {  	_ =	sdelay $0x1  }
0x618: {  	v3 =	vmul.f32 v5, v3;
	v4 =	vmul.f32 v6, v4;
	_ =	sdelay $0x1  }
0x619: {  	v3 =	vadd.f32 v4, v3  }
0x61a: {  	[tilespmem:s13+$0xB480] =	vst v7  }
0x61b: {  	s17 =	simm.s32 $0x0;
	[tilespmem:s9+$0xB480] =	vst v3  }
0x61c: {  	s18 =	sand.u32 $0x70, s17;
	s9 =	sand.u32 $0x1C00, s17;
	v3 =	vld [tilespmem:$0x9000]  }
0x61d: {  	v4 =	vld [tilespmem:$0x9080];
	s13 =	sor.u32 s18, s9  }
0x61e: {  	v5 =	vld [tilespmem:s13+$0x6400]  }
0x61f: {  	v6 =	vld [tilespmem:s13+$0x6480];
	_ =	sdelay $0x1  }
0x620: {  	s19 =	simm.s32 $0x10;
	s15 =	simm.s32 $0x80  }
0x621: {  	s15 =	sand.u32 $0x1C00, s15;
	s9 =	sand.u32 $0x70, s19  }
0x622: {  	s9 =	sor.u32 s9, s15  }
0x623: {  	v7 =	vmul.f32 v5, v3;
	v8 =	vmul.f32 v6, v4;
	v5 =	vld [tilespmem:s9+$0x6400]  }
0x624: {  	v6 =	vld [tilespmem:s9+$0x6480]  }
0x625: {  	s16 =	simm.s32 $0x100;
	s15 =	simm.s32 $0x20;
	v7 =	vadd.f32 v8, v7  }
.LBB2_126:
0x626: {  	s17 =	sand.u32 $0x70, s15  }
0x627: {  	s18 =	sand.u32 $0x1C00, s16;
	[tilespmem:s13+$0xB500] =	vst v7;
	s13 =	smov.u32 s9;
	p0 =	sne.s32 s15, $0x3F0  }
.Ltmp62:
0x628: {  	s15 =	sadd.s32 $0x10, s15;
	s9 =	sor.u32 s17, s18;
	(pc) =	sbr.rel @p0 .LBB2_126-.Ltmp62, $4  }
0x629: {  	v7 =	vmul.f32 v5, v3;
	v5 =	vld [tilespmem:s9+$0x6400];
	v8 =	vmul.f32 v6, v4  }
0x62a: {  	v6 =	vld [tilespmem:s9+$0x6480]  }
0x62b: {  	v7 =	vadd.f32 v8, v7  }
0x62c: {  	s16 =	sadd.s32 $0x80, s16  }
0x62d: {  	_ =	sdelay $0x1  }
0x62e: {  	v3 =	vmul.f32 v5, v3;
	v4 =	vmul.f32 v6, v4;
	_ =	sdelay $0x1  }
0x62f: {  	v3 =	vadd.f32 v4, v3  }
0x630: {  	[tilespmem:s13+$0xB500] =	vst v7  }
0x631: {  	s17 =	simm.s32 $0x0;
	[tilespmem:s9+$0xB500] =	vst v3  }
0x632: {  	s18 =	sand.u32 $0x70, s17;
	s9 =	sand.u32 $0x1C00, s17;
	v3 =	vld [tilespmem:$0x9100]  }
0x633: {  	v4 =	vld [tilespmem:$0x9180];
	s13 =	sor.u32 s18, s9  }
0x634: {  	v5 =	vld [tilespmem:s13+$0x6500]  }
0x635: {  	v6 =	vld [tilespmem:s13+$0x6580];
	_ =	sdelay $0x1  }
0x636: {  	s19 =	simm.s32 $0x10;
	s15 =	simm.s32 $0x80  }
0x637: {  	s15 =	sand.u32 $0x1C00, s15;
	s9 =	sand.u32 $0x70, s19  }
0x638: {  	s9 =	sor.u32 s9, s15  }
0x639: {  	v7 =	vmul.f32 v5, v3;
	v8 =	vmul.f32 v6, v4;
	v5 =	vld [tilespmem:s9+$0x6500]  }
0x63a: {  	v6 =	vld [tilespmem:s9+$0x6580]  }
0x63b: {  	s16 =	simm.s32 $0x100;
	s15 =	simm.s32 $0x20;
	v7 =	vadd.f32 v8, v7  }
.LBB2_128:
0x63c: {  	s17 =	sand.u32 $0x70, s15  }
0x63d: {  	s18 =	sand.u32 $0x1C00, s16;
	[tilespmem:s13+$0xB580] =	vst v7;
	s13 =	smov.u32 s9;
	p0 =	sne.s32 s15, $0x3F0  }
.Ltmp63:
0x63e: {  	s15 =	sadd.s32 $0x10, s15;
	s9 =	sor.u32 s17, s18;
	(pc) =	sbr.rel @p0 .LBB2_128-.Ltmp63, $4  }
0x63f: {  	v7 =	vmul.f32 v5, v3;
	v5 =	vld [tilespmem:s9+$0x6500];
	v8 =	vmul.f32 v6, v4  }
0x640: {  	v6 =	vld [tilespmem:s9+$0x6580]  }
0x641: {  	v7 =	vadd.f32 v8, v7  }
0x642: {  	s16 =	sadd.s32 $0x80, s16  }
0x643: {  	_ =	sdelay $0x1  }
0x644: {  	v3 =	vmul.f32 v5, v3;
	v4 =	vmul.f32 v6, v4;
	_ =	sdelay $0x1  }
0x645: {  	v3 =	vadd.f32 v4, v3  }
0x646: {  	[tilespmem:s13+$0xB580] =	vst v7  }
0x647: {  	s18 =	rddreg [dreg:$0x7];
	[tilespmem:s9+$0xB580] =	vst v3  }
0x648: {  	[hbm4b:s18+s2] =	stream.linear.scatter [tilespmem:s11], [sflag:$0x3], $0x4000, $0x38;
	[tilespmem:$0xD200] =	vst v63  }
0x649: {  	_ =	swait.ge [sflag:s14], $0x4000  }
0x64a: {  	s12 =	sadd.s32 $0x1, s12;
	s19 =	rddreg [dreg:$0x8]  }
0x64b: {  	p0 =	sne.s32 s12, s19  }
.Ltmp64:
0x64c: {  	_ = 	snop;
	(pc) =	sbr.rel @p0 .LBB2_1-.Ltmp64, $3  }
0x64d: {  	_ =	sdelay $0x1  }
0x64e: {  	[sflag:s14] =	ssyncset.done $0x0  }
0x64f: {  	[sflag:s14] =	ssyncadd.s32 $0xFFFFC000  }
0x650: {  	_ =	sfence.sel $0x180000  }
0x651: {  	[bflag:$0x0] =	sbarrier.arrive $0xFFFF  }
0x652: {  	_ =	strace $0x9000004A  }
0x653: {  	s0 =	stileid.u32;
	[bflag:$0x2] =	sbarrier.arrive $0xFFFF  }
0x654: {  	p0 =	sne.s32 s0, $0x0;
	s0 =	rddreg [dreg:$0x2]  }
0x655: {  	s0 =	sadd.s32 @!p0 $0x100000, s0  }
0x656: {  	[sflag:s0] =	ssyncadd.tile.s32 @!p0 $0x1;
	_ =	shalt  }
.Lfunc_end2:
_tile_overlayer_lowered:
.L_overlay_start_2:
0x657: {  	(tag) =	ssettag $0x2  }
0x658: {  	s0 =	rddreg [dreg:$0x0];
	s2 =	stileid.u32  }
0x659: {  	s1 =	rddreg [dreg:$0x1];
	p0 =	sne.s32 s2, $0x0  }
0x65a: {  	s3 =	rddreg [dreg:$0x2];
	[bflag:$0x3] =	sbarrier.arrive $0xFFFF;
	s2 =	simm.s32 @!p0 $0x1C03  }
0x65b: {  	[timem:s3], [sflag:s2] =	dma.local @!p0 [hbm:s0], s1  }
0x65c: {  	s0 =	simm.s32 @!p0 $0x3  }
0x65d: {  	_ =	swait.ge @!p0 [sflag:s0], s1  }
0x65e: {  	s1 =	ssub.s32 @!p0 $0x0, s1;
	[sflag:s0] =	ssyncset.done @!p0 $0x0  }
0x65f: {  	[sflag:s0] =	ssyncadd.s32 @!p0 s1  }
0x660: {  	[bflag:$0x3] =	sbarrier.arrive $0xFFFF  }
0x661: {  	_ =	shalt  }

</sc_bundles>
